<compile_context>
chip_gen: v7x
topology: tpu7x:2x2x1
jax: 0.10.2.dev20260603
libtpu: 0.0.44.dev20260713+nightly
codegen_flags: <defaults>
</compile_context>

<pallas_src>
import functools

import jax
import jax.numpy as jnp
from jax import lax
from jax.experimental import pallas as pl
from jax.experimental.pallas import tpu as pltpu
from jax.experimental.pallas import tpu_sc as plsc

NC = 2
NS = 16
NW = NC * NS
L = 16
CHUNK = 128
NBUF = 10
G = 8
W128 = G * L


@functools.lru_cache(maxsize=None)
def _make_sc_agg(n_pad, k):
    zr = n_pad // NS
    mesh = plsc.VectorSubcoreMesh(
        core_axis_name="c", subcore_axis_name="s",
        num_cores=NC, num_subcores=NS)

    @functools.partial(
        pl.kernel,
        out_type=jax.ShapeDtypeStruct((NC, n_pad, L), jnp.float32),
        mesh=mesh,
        compiler_params=pltpu.CompilerParams(use_tc_tiling_on_sc=False),
        scratch_types=[
            pltpu.VMEM((k, CHUNK), jnp.int32),
            pltpu.VMEM((k, CHUNK), jnp.int32),
            pltpu.VMEM((NBUF, CHUNK, L), jnp.float32),
            pltpu.VMEM((zr, L), jnp.float32),
            pltpu.VMEM_SHARED((n_pad, L), jnp.float32),
            pltpu.SemaphoreType.DMA((NBUF,)),
            pltpu.SemaphoreType.DMA((NBUF,)),
        ],
    )
    def agg(y_hbm, ei_hbm, zeros_hbm, out_hbm,
            src_v, dst_v, rows_v, stage_v, acc_sh, gsem, ssem):
        c = lax.axis_index("c")
        s = lax.axis_index("s")
        w = c * NS + s

        pltpu.sync_copy(zeros_hbm.at[pl.ds(s * zr, zr)], stage_v)
        pltpu.sync_copy(stage_v, acc_sh.at[pl.ds(s * zr, zr)])
        pltpu.sync_copy(ei_hbm.at[0].at[w], src_v)
        pltpu.sync_copy(ei_hbm.at[1].at[w], dst_v)
        plsc.subcore_barrier()

        def wait_gather(b):
            pltpu.make_async_copy(
                y_hbm.at[src_v.at[0]], rows_v.at[b], gsem.at[b]).wait()

        def wait_scatter(b):
            pltpu.make_async_copy(
                rows_v.at[b], acc_sh.at[dst_v.at[0]], ssem.at[b]).wait()

        for b in range(NBUF):
            pltpu.async_copy(y_hbm.at[src_v.at[b]], rows_v.at[b], gsem.at[b])

        @pl.loop(0, k - NBUF, step=NBUF)
        def _(j):
            for b in range(NBUF):
                wait_gather(b)
                pltpu.async_copy(rows_v.at[b], acc_sh.at[dst_v.at[j + b]],
                                 ssem.at[b], add=True)
            for b in range(NBUF):
                wait_scatter(b)
                pltpu.async_copy(y_hbm.at[src_v.at[j + NBUF + b]],
                                 rows_v.at[b], gsem.at[b])

        for b in range(NBUF):
            wait_gather(b)
            pltpu.async_copy(rows_v.at[b], acc_sh.at[dst_v.at[(k - NBUF) + b]],
                             ssem.at[b], add=True)
        for b in range(NBUF):
            wait_scatter(b)

        plsc.subcore_barrier()
        pltpu.sync_copy(acc_sh.at[pl.ds(s * zr, zr)], stage_v)
        pltpu.sync_copy(stage_v, out_hbm.at[c].at[pl.ds(s * zr, zr)])

    return agg


def _kron(w):
    a, b = w.shape
    t = jnp.tile(w, (G, G))
    ii = lax.broadcasted_iota(jnp.int32, (G * a, G * b), 0) // a
    jj = lax.broadcasted_iota(jnp.int32, (G * a, G * b), 1) // b
    return jnp.where(ii == jj, t, 0.0)


def _group_max(h):
    pos = lax.broadcasted_iota(jnp.int32, h.shape, 1) % L
    neg = jnp.full(h.shape, -1e30, h.dtype)
    m = h
    for s in (1, 2, 4, 8):
        ml = jnp.where(pos <= L - 1 - s, pltpu.roll(m, W128 - s, 1), neg)
        mr = jnp.where(pos >= s, pltpu.roll(m, s, 1), neg)
        m = jnp.maximum(m, jnp.maximum(ml, mr))
    return m


def _proj_body(xg_ref, w_ref, y_ref):
    y_ref[...] = jnp.dot(xg_ref[...], _kron(w_ref[...]),
                         preferred_element_type=jnp.float32)


def _mid_body(eps_ref, y_ref, pp_ref, b1_ref, w2_ref, b2_ref, w3_ref, z_ref):
    agg = pp_ref[0] + pp_ref[1]
    t = jax.nn.relu((1.0 + eps_ref[...]) * y_ref[...] + agg + b1_ref[...])
    h = jnp.dot(t, _kron(w2_ref[...]), preferred_element_type=jnp.float32)
    x1 = jax.nn.relu(h + b2_ref[...])
    z_ref[...] = jnp.dot(x1, _kron(w3_ref[...]),
                         preferred_element_type=jnp.float32)


def _out_body(eps_ref, z_ref, pp_ref, b3_ref, w4_ref, b4_ref, o_ref):
    agg = pp_ref[0] + pp_ref[1]
    t = jax.nn.relu((1.0 + eps_ref[...]) * z_ref[...] + agg + b3_ref[...])
    h = jnp.dot(t, _kron(w4_ref[...]), preferred_element_type=jnp.float32)
    h = h + b4_ref[...]
    m = _group_max(h)
    ex = jnp.exp(h - m)
    ones = jnp.ones((L, L), h.dtype)
    gsum = jnp.dot(ex, _kron(ones), preferred_element_type=jnp.float32)
    o_ref[...] = h - m - jnp.log(gsum)


def kernel(x, edge_index, eps1, W1, b1, W2, b2, eps2, W3, b3, W4, b4):
    n, f_in = x.shape
    e = edge_index.shape[1]
    h = W1.shape[1]
    cdim = W3.shape[1]
    assert h == L and cdim == L

    n_pad = -(-n // (NS * 8)) * (NS * 8)
    n_g = n_pad // G
    k = -(-e // (NW * CHUNK * NBUF)) * NBUF
    e_pad = NW * k * CHUNK
    if e_pad > e:
        pad_ar = jnp.arange(e_pad - e, dtype=jnp.int32)
        pad_blk = jnp.stack([pad_ar % n, n + pad_ar % (n_pad - n)])
        ei = jnp.concatenate([edge_index, pad_blk], axis=1)
    else:
        ei = edge_index
    ei = ei.reshape(2, NW, k, CHUNK)
    zeros = jnp.zeros((n_pad, L), jnp.float32)
    sc_agg = _make_sc_agg(n_pad, k)

    gblk = n_g // 2
    grow_spec = pl.BlockSpec((gblk, W128), lambda i: (i, 0))
    gpp_spec = pl.BlockSpec((NC, gblk, W128), lambda i: (0, i, 0))
    full = lambda shape: pl.BlockSpec(shape, lambda i: tuple(0 for _ in shape))

    eps1g = jnp.broadcast_to(eps1, (1, W128))
    eps2g = jnp.broadcast_to(eps2, (1, W128))
    b1g = jnp.tile(b1, G).reshape(1, W128)
    b2g = jnp.tile(b2, G).reshape(1, W128)
    b3g = jnp.tile(b3, G).reshape(1, W128)
    b4g = jnp.tile(b4, G).reshape(1, W128)

    xg = x.reshape(n // G, G * f_in)
    y_g = pl.pallas_call(
        _proj_body,
        grid=(2,),
        in_specs=[pl.BlockSpec((gblk, G * f_in), lambda i: (i, 0)),
                  full((f_in, L))],
        out_specs=grow_spec,
        out_shape=jax.ShapeDtypeStruct((n_g, W128), jnp.float32),
    )(xg, W1)

    pp1 = sc_agg(y_g.reshape(n_pad, L), ei, zeros)

    z_g = pl.pallas_call(
        _mid_body,
        grid=(2,),
        in_specs=[full((1, W128)), grow_spec, gpp_spec, full((1, W128)),
                  full((L, L)), full((1, W128)), full((L, L))],
        out_specs=grow_spec,
        out_shape=jax.ShapeDtypeStruct((n_g, W128), jnp.float32),
    )(eps1g, y_g, pp1.reshape(NC, n_g, W128), b1g, W2, b2g, W3)

    pp2 = sc_agg(z_g.reshape(n_pad, L), ei, zeros)

    o_g = pl.pallas_call(
        _out_body,
        grid=(2,),
        in_specs=[full((1, W128)), grow_spec, gpp_spec,
                  full((1, W128)), full((L, L)), full((1, W128))],
        out_specs=grow_spec,
        out_shape=jax.ShapeDtypeStruct((n_g, W128), jnp.float32),
    )(eps2g, z_g, pp2.reshape(NC, n_g, W128), b3g, W4, b4g)

    return o_g.reshape(n_pad, L)[:n]

# --- scband reference (transcript-rebuilt; emitter-appended) ---
"""Pipeline reference for scband-gin-31112743092746 (READ-ONLY COPY).

The authoritative reference and input builder live on the scoring server;
editing this copy changes nothing except your own understanding.
"""

import jax, jax.numpy as jnp
import numpy as np

N = 10000
E = 320000
F_IN = 128
H = 16
C = 16


def setup_inputs(seed: int = 0) -> dict:
    key = jax.random.key(seed)
    ks = jax.random.split(key, 12)
    x = jax.random.normal(ks[0], (N, F_IN), dtype=jnp.float32)
    edge_index = jax.random.randint(ks[1], (2, E), 0, N, dtype=jnp.int32)
    # conv1 MLP: Linear(F_IN, H) -> ReLU -> Linear(H, H)
    W1 = jax.random.normal(ks[2], (F_IN, H), dtype=jnp.float32) / np.sqrt(F_IN)
    b1 = jnp.zeros((H,), dtype=jnp.float32)
    W2 = jax.random.normal(ks[3], (H, H), dtype=jnp.float32) / np.sqrt(H)
    b2 = jnp.zeros((H,), dtype=jnp.float32)
    eps1 = jnp.zeros((), dtype=jnp.float32)
    # conv2 MLP: Linear(H, C) -> ReLU -> Linear(C, C)
    W3 = jax.random.normal(ks[4], (H, C), dtype=jnp.float32) / np.sqrt(H)
    b3 = jnp.zeros((C,), dtype=jnp.float32)
    W4 = jax.random.normal(ks[5], (C, C), dtype=jnp.float32) / np.sqrt(C)
    b4 = jnp.zeros((C,), dtype=jnp.float32)
    eps2 = jnp.zeros((), dtype=jnp.float32)
    return {"x": x, "edge_index": edge_index, "eps1": eps1, "W1": W1, "b1": b1,
            "W2": W2, "b2": b2, "eps2": eps2, "W3": W3, "b3": b3, "W4": W4, "b4": b4}


def reference(x, edge_index, eps1, W1, b1, W2, b2, eps2, W3, b3, W4, b4):
    n = x.shape[0]
    src = edge_index[0]
    dst = edge_index[1]
    # GINConv 1: out = MLP((1+eps)*x + sum_{j in N(i)} x_j)
    agg1 = jnp.zeros((n, x.shape[1]), dtype=x.dtype).at[dst].add(x[src])
    h = (1.0 + eps1) * x + agg1
    h = jax.nn.relu(h @ W1 + b1) @ W2 + b2
    x1 = jax.nn.relu(h)
    # dropout is identity in eval mode
    # GINConv 2
    agg2 = jnp.zeros((n, x1.shape[1]), dtype=x1.dtype).at[dst].add(x1[src])
    h2 = (1.0 + eps2) * x1 + agg2
    h2 = jax.nn.relu(h2 @ W3 + b3) @ W4 + b4
    return jax.nn.log_softmax(h2, axis=1)

if __name__ == "__main__":
    import jax
    _d = setup_inputs()
    print(jax.jit(kernel)(*tuple(_d.values())))

</pallas_src>

<mosaic_0001>
#map = affine_map<(d0, d1) -> (0, 0)>
#map1 = affine_map<(d0, d1) -> (0, 0, 0, 0)>
#map2 = affine_map<(d0, d1) -> (0, 0, 0)>
module attributes {stable_mosaic.version = 14 : i64} {
  func.func @agg(%arg0: i32, %arg1: i32, %arg2: memref<10112x16xf32, #tpu.memory_space<hbm>>, %arg3: memref<2x32x80x128xi32, #tpu.memory_space<hbm>>, %arg4: memref<10112x16xf32, #tpu.memory_space<hbm>>, %arg5: memref<2x10112x16xf32, #tpu.memory_space<hbm>>, %arg6: memref<80x128xi32, #tpu.memory_space<vmem>>, %arg7: memref<80x128xi32, #tpu.memory_space<vmem>>, %arg8: memref<10x128x16xf32, #tpu.memory_space<vmem>>, %arg9: memref<632x16xf32, #tpu.memory_space<vmem>>, %arg10: memref<10112x16xf32, #tpu.memory_space<vmem_shared>>, %arg11: memref<10x!tpu.dma_semaphore, #tpu.memory_space<semaphore_mem>>, %arg12: memref<10x!tpu.dma_semaphore, #tpu.memory_space<semaphore_mem>>) attributes {dimension_semantics = [#tpu.dimension_semantics<core_parallel>, #tpu.dimension_semantics<subcore_parallel>], iteration_bounds = array<i64: 2, 16>, scalar_prefetch = 0 : i64, scratch_operands = 7 : i64, tpu.core_type = #tpu.core_type<sc_vector_subcore>, window_params = [{transform_indices = #map}, {transform_indices = #map1}, {transform_indices = #map}, {transform_indices = #map2}]} {
    %mul3A = arith.constant 16 : i32
    %mul3A_0 = arith.muli %arg0, %mul3A : i32
    %add3A = arith.addi %mul3A_0, %arg1 : i32
    %mul3A_1 = arith.constant 632 : i32
    %mul3A_2 = arith.muli %arg1, %mul3A_1 : i32
    "tpu.region"() ({
      %run_scoped3A_613 = tpu.sem_alloc : memref<!tpu.dma_semaphore, #tpu.memory_space<semaphore_mem>>
      %dma_start3A_614 = arith.constant 0 : i32
      %dma_start3A_615 = tpu.memref_slice %arg4[%mul3A_2, %dma_start3A_614] : memref<10112x16xf32, #tpu.memory_space<hbm>> -> memref<632x16xf32, #tpu.memory_space<hbm>>
      %dma_start3A_616 = arith.constant 0 : i32
      %dma_start3A_617 = tpu.memref_slice %arg4[%mul3A_2, %dma_start3A_616] : memref<10112x16xf32, #tpu.memory_space<hbm>> -> memref<632x16xf32, #tpu.memory_space<hbm>>
      tpu.enqueue_dma source(%dma_start3A_617 : memref<632x16xf32, #tpu.memory_space<hbm>>) target(%arg9 : memref<632x16xf32, #tpu.memory_space<vmem>>) target_semaphore(%run_scoped3A_613 : memref<!tpu.dma_semaphore, #tpu.memory_space<semaphore_mem>>)
      %dma_wait3A_618 = arith.constant 0 : i32
      %dma_wait3A_619 = tpu.memref_slice %arg4[%mul3A_2, %dma_wait3A_618] : memref<10112x16xf32, #tpu.memory_space<hbm>> -> memref<632x16xf32, #tpu.memory_space<hbm>>
      %dma_wait3A_620 = arith.constant 0 : i32
      %dma_wait3A_621 = tpu.memref_slice %arg4[%mul3A_2, %dma_wait3A_620] : memref<10112x16xf32, #tpu.memory_space<hbm>> -> memref<632x16xf32, #tpu.memory_space<hbm>>
      tpu.wait_dma2 semaphore(%run_scoped3A_613 : memref<!tpu.dma_semaphore, #tpu.memory_space<semaphore_mem>>) src(%dma_wait3A_621 : memref<632x16xf32, #tpu.memory_space<hbm>>) dst(%arg9 : memref<632x16xf32, #tpu.memory_space<vmem>>)
      tpu.yield
    }) : () -> ()
    %mul3A_3 = arith.constant 632 : i32
    %mul3A_4 = arith.muli %arg1, %mul3A_3 : i32
    "tpu.region"() ({
      %run_scoped3A_613 = tpu.sem_alloc : memref<!tpu.dma_semaphore, #tpu.memory_space<semaphore_mem>>
      %dma_start3A_614 = arith.constant 0 : i32
      %dma_start3A_615 = tpu.memref_slice %arg10[%mul3A_4, %dma_start3A_614] : memref<10112x16xf32, #tpu.memory_space<vmem_shared>> -> memref<632x16xf32, #tpu.memory_space<vmem_shared>>
      %dma_start3A_616 = arith.constant 0 : i32
      %dma_start3A_617 = tpu.memref_slice %arg10[%mul3A_4, %dma_start3A_616] : memref<10112x16xf32, #tpu.memory_space<vmem_shared>> -> memref<632x16xf32, #tpu.memory_space<vmem_shared>>
      tpu.enqueue_dma source(%arg9 : memref<632x16xf32, #tpu.memory_space<vmem>>) target(%dma_start3A_617 : memref<632x16xf32, #tpu.memory_space<vmem_shared>>) target_semaphore(%run_scoped3A_613 : memref<!tpu.dma_semaphore, #tpu.memory_space<semaphore_mem>>)
      %dma_wait3A_618 = arith.constant 0 : i32
      %dma_wait3A_619 = tpu.memref_slice %arg10[%mul3A_4, %dma_wait3A_618] : memref<10112x16xf32, #tpu.memory_space<vmem_shared>> -> memref<632x16xf32, #tpu.memory_space<vmem_shared>>
      %dma_wait3A_620 = arith.constant 0 : i32
      %dma_wait3A_621 = tpu.memref_slice %arg10[%mul3A_4, %dma_wait3A_620] : memref<10112x16xf32, #tpu.memory_space<vmem_shared>> -> memref<632x16xf32, #tpu.memory_space<vmem_shared>>
      tpu.wait_dma2 semaphore(%run_scoped3A_613 : memref<!tpu.dma_semaphore, #tpu.memory_space<semaphore_mem>>) src(%arg9 : memref<632x16xf32, #tpu.memory_space<vmem>>) dst(%dma_wait3A_621 : memref<632x16xf32, #tpu.memory_space<vmem_shared>>)
      tpu.yield
    }) : () -> ()
    %run_scoped3A = arith.constant 0 : i32
    "tpu.region"() ({
      %run_scoped3A_613 = tpu.sem_alloc : memref<!tpu.dma_semaphore, #tpu.memory_space<semaphore_mem>>
      %dma_start3A_614 = arith.constant 0 : i32
      %dma_start3A_615 = arith.constant 0 : i32
      %dma_start3A_616 = arith.constant 0 : i32
      %dma_start3A_617 = tpu.memref_slice %arg3[%run_scoped3A, %dma_start3A_614, %dma_start3A_615, %dma_start3A_616] : memref<2x32x80x128xi32, #tpu.memory_space<hbm>> -> memref<1x32x80x128xi32, #tpu.memory_space<hbm>>
      %dma_start3A_618 = tpu.memref_squeeze %dma_start3A_617 : memref<1x32x80x128xi32, #tpu.memory_space<hbm>> -> memref<32x80x128xi32, #tpu.memory_space<hbm>>
      %dma_start3A_619 = arith.constant 0 : i32
      %dma_start3A_620 = arith.constant 0 : i32
      %dma_start3A_621 = tpu.memref_slice %dma_start3A_618[%add3A, %dma_start3A_619, %dma_start3A_620] : memref<32x80x128xi32, #tpu.memory_space<hbm>> -> memref<1x80x128xi32, #tpu.memory_space<hbm>>
      %dma_start3A_622 = tpu.memref_squeeze %dma_start3A_621 : memref<1x80x128xi32, #tpu.memory_space<hbm>> -> memref<80x128xi32, #tpu.memory_space<hbm>>
      %dma_start3A_623 = arith.constant 0 : i32
      %dma_start3A_624 = arith.constant 0 : i32
      %dma_start3A_625 = arith.constant 0 : i32
      %dma_start3A_626 = tpu.memref_slice %arg3[%run_scoped3A, %dma_start3A_623, %dma_start3A_624, %dma_start3A_625] : memref<2x32x80x128xi32, #tpu.memory_space<hbm>> -> memref<1x32x80x128xi32, #tpu.memory_space<hbm>>
      %dma_start3A_627 = tpu.memref_squeeze %dma_start3A_626 : memref<1x32x80x128xi32, #tpu.memory_space<hbm>> -> memref<32x80x128xi32, #tpu.memory_space<hbm>>
      %dma_start3A_628 = arith.constant 0 : i32
      %dma_start3A_629 = arith.constant 0 : i32
      %dma_start3A_630 = tpu.memref_slice %dma_start3A_627[%add3A, %dma_start3A_628, %dma_start3A_629] : memref<32x80x128xi32, #tpu.memory_space<hbm>> -> memref<1x80x128xi32, #tpu.memory_space<hbm>>
      %dma_start3A_631 = tpu.memref_squeeze %dma_start3A_630 : memref<1x80x128xi32, #tpu.memory_space<hbm>> -> memref<80x128xi32, #tpu.memory_space<hbm>>
      tpu.enqueue_dma source(%dma_start3A_631 : memref<80x128xi32, #tpu.memory_space<hbm>>) target(%arg6 : memref<80x128xi32, #tpu.memory_space<vmem>>) target_semaphore(%run_scoped3A_613 : memref<!tpu.dma_semaphore, #tpu.memory_space<semaphore_mem>>)
      %dma_wait3A_632 = arith.constant 0 : i32
      %dma_wait3A_633 = arith.constant 0 : i32
      %dma_wait3A_634 = arith.constant 0 : i32
      %dma_wait3A_635 = tpu.memref_slice %arg3[%run_scoped3A, %dma_wait3A_632, %dma_wait3A_633, %dma_wait3A_634] : memref<2x32x80x128xi32, #tpu.memory_space<hbm>> -> memref<1x32x80x128xi32, #tpu.memory_space<hbm>>
      %dma_wait3A_636 = tpu.memref_squeeze %dma_wait3A_635 : memref<1x32x80x128xi32, #tpu.memory_space<hbm>> -> memref<32x80x128xi32, #tpu.memory_space<hbm>>
      %dma_wait3A_637 = arith.constant 0 : i32
      %dma_wait3A_638 = arith.constant 0 : i32
      %dma_wait3A_639 = tpu.memref_slice %dma_wait3A_636[%add3A, %dma_wait3A_637, %dma_wait3A_638] : memref<32x80x128xi32, #tpu.memory_space<hbm>> -> memref<1x80x128xi32, #tpu.memory_space<hbm>>
      %dma_wait3A_640 = tpu.memref_squeeze %dma_wait3A_639 : memref<1x80x128xi32, #tpu.memory_space<hbm>> -> memref<80x128xi32, #tpu.memory_space<hbm>>
      %dma_wait3A_641 = arith.constant 0 : i32
      %dma_wait3A_642 = arith.constant 0 : i32
      %dma_wait3A_643 = arith.constant 0 : i32
      %dma_wait3A_644 = tpu.memref_slice %arg3[%run_scoped3A, %dma_wait3A_641, %dma_wait3A_642, %dma_wait3A_643] : memref<2x32x80x128xi32, #tpu.memory_space<hbm>> -> memref<1x32x80x128xi32, #tpu.memory_space<hbm>>
      %dma_wait3A_645 = tpu.memref_squeeze %dma_wait3A_644 : memref<1x32x80x128xi32, #tpu.memory_space<hbm>> -> memref<32x80x128xi32, #tpu.memory_space<hbm>>
      %dma_wait3A_646 = arith.constant 0 : i32
      %dma_wait3A_647 = arith.constant 0 : i32
      %dma_wait3A_648 = tpu.memref_slice %dma_wait3A_645[%add3A, %dma_wait3A_646, %dma_wait3A_647] : memref<32x80x128xi32, #tpu.memory_space<hbm>> -> memref<1x80x128xi32, #tpu.memory_space<hbm>>
      %dma_wait3A_649 = tpu.memref_squeeze %dma_wait3A_648 : memref<1x80x128xi32, #tpu.memory_space<hbm>> -> memref<80x128xi32, #tpu.memory_space<hbm>>
      tpu.wait_dma2 semaphore(%run_scoped3A_613 : memref<!tpu.dma_semaphore, #tpu.memory_space<semaphore_mem>>) src(%dma_wait3A_649 : memref<80x128xi32, #tpu.memory_space<hbm>>) dst(%arg6 : memref<80x128xi32, #tpu.memory_space<vmem>>)
      tpu.yield
    }) : () -> ()
    %run_scoped3A_5 = arith.constant 1 : i32
    "tpu.region"() ({
      %run_scoped3A_613 = tpu.sem_alloc : memref<!tpu.dma_semaphore, #tpu.memory_space<semaphore_mem>>
      %dma_start3A_614 = arith.constant 0 : i32
      %dma_start3A_615 = arith.constant 0 : i32
      %dma_start3A_616 = arith.constant 0 : i32
      %dma_start3A_617 = tpu.memref_slice %arg3[%run_scoped3A_5, %dma_start3A_614, %dma_start3A_615, %dma_start3A_616] : memref<2x32x80x128xi32, #tpu.memory_space<hbm>> -> memref<1x32x80x128xi32, #tpu.memory_space<hbm>>
      %dma_start3A_618 = tpu.memref_squeeze %dma_start3A_617 : memref<1x32x80x128xi32, #tpu.memory_space<hbm>> -> memref<32x80x128xi32, #tpu.memory_space<hbm>>
      %dma_start3A_619 = arith.constant 0 : i32
      %dma_start3A_620 = arith.constant 0 : i32
      %dma_start3A_621 = tpu.memref_slice %dma_start3A_618[%add3A, %dma_start3A_619, %dma_start3A_620] : memref<32x80x128xi32, #tpu.memory_space<hbm>> -> memref<1x80x128xi32, #tpu.memory_space<hbm>>
      %dma_start3A_622 = tpu.memref_squeeze %dma_start3A_621 : memref<1x80x128xi32, #tpu.memory_space<hbm>> -> memref<80x128xi32, #tpu.memory_space<hbm>>
      %dma_start3A_623 = arith.constant 0 : i32
      %dma_start3A_624 = arith.constant 0 : i32
      %dma_start3A_625 = arith.constant 0 : i32
      %dma_start3A_626 = tpu.memref_slice %arg3[%run_scoped3A_5, %dma_start3A_623, %dma_start3A_624, %dma_start3A_625] : memref<2x32x80x128xi32, #tpu.memory_space<hbm>> -> memref<1x32x80x128xi32, #tpu.memory_space<hbm>>
      %dma_start3A_627 = tpu.memref_squeeze %dma_start3A_626 : memref<1x32x80x128xi32, #tpu.memory_space<hbm>> -> memref<32x80x128xi32, #tpu.memory_space<hbm>>
      %dma_start3A_628 = arith.constant 0 : i32
      %dma_start3A_629 = arith.constant 0 : i32
      %dma_start3A_630 = tpu.memref_slice %dma_start3A_627[%add3A, %dma_start3A_628, %dma_start3A_629] : memref<32x80x128xi32, #tpu.memory_space<hbm>> -> memref<1x80x128xi32, #tpu.memory_space<hbm>>
      %dma_start3A_631 = tpu.memref_squeeze %dma_start3A_630 : memref<1x80x128xi32, #tpu.memory_space<hbm>> -> memref<80x128xi32, #tpu.memory_space<hbm>>
      tpu.enqueue_dma source(%dma_start3A_631 : memref<80x128xi32, #tpu.memory_space<hbm>>) target(%arg7 : memref<80x128xi32, #tpu.memory_space<vmem>>) target_semaphore(%run_scoped3A_613 : memref<!tpu.dma_semaphore, #tpu.memory_space<semaphore_mem>>)
      %dma_wait3A_632 = arith.constant 0 : i32
      %dma_wait3A_633 = arith.constant 0 : i32
      %dma_wait3A_634 = arith.constant 0 : i32
      %dma_wait3A_635 = tpu.memref_slice %arg3[%run_scoped3A_5, %dma_wait3A_632, %dma_wait3A_633, %dma_wait3A_634] : memref<2x32x80x128xi32, #tpu.memory_space<hbm>> -> memref<1x32x80x128xi32, #tpu.memory_space<hbm>>
      %dma_wait3A_636 = tpu.memref_squeeze %dma_wait3A_635 : memref<1x32x80x128xi32, #tpu.memory_space<hbm>> -> memref<32x80x128xi32, #tpu.memory_space<hbm>>
      %dma_wait3A_637 = arith.constant 0 : i32
      %dma_wait3A_638 = arith.constant 0 : i32
      %dma_wait3A_639 = tpu.memref_slice %dma_wait3A_636[%add3A, %dma_wait3A_637, %dma_wait3A_638] : memref<32x80x128xi32, #tpu.memory_space<hbm>> -> memref<1x80x128xi32, #tpu.memory_space<hbm>>
      %dma_wait3A_640 = tpu.memref_squeeze %dma_wait3A_639 : memref<1x80x128xi32, #tpu.memory_space<hbm>> -> memref<80x128xi32, #tpu.memory_space<hbm>>
      %dma_wait3A_641 = arith.constant 0 : i32
      %dma_wait3A_642 = arith.constant 0 : i32
      %dma_wait3A_643 = arith.constant 0 : i32
      %dma_wait3A_644 = tpu.memref_slice %arg3[%run_scoped3A_5, %dma_wait3A_641, %dma_wait3A_642, %dma_wait3A_643] : memref<2x32x80x128xi32, #tpu.memory_space<hbm>> -> memref<1x32x80x128xi32, #tpu.memory_space<hbm>>
      %dma_wait3A_645 = tpu.memref_squeeze %dma_wait3A_644 : memref<1x32x80x128xi32, #tpu.memory_space<hbm>> -> memref<32x80x128xi32, #tpu.memory_space<hbm>>
      %dma_wait3A_646 = arith.constant 0 : i32
      %dma_wait3A_647 = arith.constant 0 : i32
      %dma_wait3A_648 = tpu.memref_slice %dma_wait3A_645[%add3A, %dma_wait3A_646, %dma_wait3A_647] : memref<32x80x128xi32, #tpu.memory_space<hbm>> -> memref<1x80x128xi32, #tpu.memory_space<hbm>>
      %dma_wait3A_649 = tpu.memref_squeeze %dma_wait3A_648 : memref<1x80x128xi32, #tpu.memory_space<hbm>> -> memref<80x128xi32, #tpu.memory_space<hbm>>
      tpu.wait_dma2 semaphore(%run_scoped3A_613 : memref<!tpu.dma_semaphore, #tpu.memory_space<semaphore_mem>>) src(%dma_wait3A_649 : memref<80x128xi32, #tpu.memory_space<hbm>>) dst(%arg7 : memref<80x128xi32, #tpu.memory_space<vmem>>)
      tpu.yield
    }) : () -> ()
    %barrier3A = arith.constant 0 : index
    tpu.barrier barrier_id(%barrier3A)
    %dma_start3A = arith.constant 0 : i32
    %dma_start3A_6 = arith.constant 0 : i32
    %dma_start3A_7 = arith.constant 0 : i32
    %dma_start3A_8 = arith.constant 0 : i32
    %dma_start3A_9 = arith.constant 0 : i32
    %dma_start3A_10 = tpu.memref_slice %arg8[%dma_start3A_6, %dma_start3A_8, %dma_start3A_9] : memref<10x128x16xf32, #tpu.memory_space<vmem>> -> memref<1x128x16xf32, #tpu.memory_space<vmem>>
    %dma_start3A_11 = tpu.memref_squeeze %dma_start3A_10 : memref<1x128x16xf32, #tpu.memory_space<vmem>> -> memref<128x16xf32, #tpu.memory_space<vmem>>
    %dma_start3A_12 = arith.constant 0 : i32
    %dma_start3A_13 = tpu.memref_slice %arg6[%dma_start3A, %dma_start3A_12] : memref<80x128xi32, #tpu.memory_space<vmem>> -> memref<1x128xi32, #tpu.memory_space<vmem>>
    %dma_start3A_14 = tpu.memref_squeeze %dma_start3A_13 : memref<1x128xi32, #tpu.memory_space<vmem>> -> memref<128xi32, #tpu.memory_space<vmem>>
    %dma_start3A_15 = arith.constant 0 : i32
    %dma_start3A_16 = arith.constant 0 : i32
    %dma_start3A_17 = tpu.memref_slice %arg2[%dma_start3A_15, %dma_start3A_16] : memref<10112x16xf32, #tpu.memory_space<hbm>> -> memref<10112x16xf32, #tpu.memory_space<hbm>>
    %dma_start3A_18 = tpu.memref_slice %arg11[%dma_start3A_7] : memref<10x!tpu.dma_semaphore, #tpu.memory_space<semaphore_mem>> -> memref<1x!tpu.dma_semaphore, #tpu.memory_space<semaphore_mem>>
    %dma_start3A_19 = tpu.memref_squeeze %dma_start3A_18 : memref<1x!tpu.dma_semaphore, #tpu.memory_space<semaphore_mem>> -> memref<!tpu.dma_semaphore, #tpu.memory_space<semaphore_mem>>
    tpu.enqueue_indirect_dma source(%dma_start3A_17 : memref<10112x16xf32, #tpu.memory_space<hbm>>) target(%dma_start3A_11 : memref<128x16xf32, #tpu.memory_space<vmem>>) offsets(%dma_start3A_14 : memref<128xi32, #tpu.memory_space<vmem>>) semaphore(%dma_start3A_19 : memref<!tpu.dma_semaphore, #tpu.memory_space<semaphore_mem>>)
    %dma_start3A_20 = arith.constant 1 : i32
    %dma_start3A_21 = arith.constant 1 : i32
    %dma_start3A_22 = arith.constant 1 : i32
    %dma_start3A_23 = arith.constant 0 : i32
    %dma_start3A_24 = arith.constant 0 : i32
    %dma_start3A_25 = tpu.memref_slice %arg8[%dma_start3A_21, %dma_start3A_23, %dma_start3A_24] : memref<10x128x16xf32, #tpu.memory_space<vmem>> -> memref<1x128x16xf32, #tpu.memory_space<vmem>>
    %dma_start3A_26 = tpu.memref_squeeze %dma_start3A_25 : memref<1x128x16xf32, #tpu.memory_space<vmem>> -> memref<128x16xf32, #tpu.memory_space<vmem>>
    %dma_start3A_27 = arith.constant 0 : i32
    %dma_start3A_28 = tpu.memref_slice %arg6[%dma_start3A_20, %dma_start3A_27] : memref<80x128xi32, #tpu.memory_space<vmem>> -> memref<1x128xi32, #tpu.memory_space<vmem>>
    %dma_start3A_29 = tpu.memref_squeeze %dma_start3A_28 : memref<1x128xi32, #tpu.memory_space<vmem>> -> memref<128xi32, #tpu.memory_space<vmem>>
    %dma_start3A_30 = arith.constant 0 : i32
    %dma_start3A_31 = arith.constant 0 : i32
    %dma_start3A_32 = tpu.memref_slice %arg2[%dma_start3A_30, %dma_start3A_31] : memref<10112x16xf32, #tpu.memory_space<hbm>> -> memref<10112x16xf32, #tpu.memory_space<hbm>>
    %dma_start3A_33 = tpu.memref_slice %arg11[%dma_start3A_22] : memref<10x!tpu.dma_semaphore, #tpu.memory_space<semaphore_mem>> -> memref<1x!tpu.dma_semaphore, #tpu.memory_space<semaphore_mem>>
    %dma_start3A_34 = tpu.memref_squeeze %dma_start3A_33 : memref<1x!tpu.dma_semaphore, #tpu.memory_space<semaphore_mem>> -> memref<!tpu.dma_semaphore, #tpu.memory_space<semaphore_mem>>
    tpu.enqueue_indirect_dma source(%dma_start3A_32 : memref<10112x16xf32, #tpu.memory_space<hbm>>) target(%dma_start3A_26 : memref<128x16xf32, #tpu.memory_space<vmem>>) offsets(%dma_start3A_29 : memref<128xi32, #tpu.memory_space<vmem>>) semaphore(%dma_start3A_34 : memref<!tpu.dma_semaphore, #tpu.memory_space<semaphore_mem>>)
    %dma_start3A_35 = arith.constant 2 : i32
    %dma_start3A_36 = arith.constant 2 : i32
    %dma_start3A_37 = arith.constant 2 : i32
    %dma_start3A_38 = arith.constant 0 : i32
    %dma_start3A_39 = arith.constant 0 : i32
    %dma_start3A_40 = tpu.memref_slice %arg8[%dma_start3A_36, %dma_start3A_38, %dma_start3A_39] : memref<10x128x16xf32, #tpu.memory_space<vmem>> -> memref<1x128x16xf32, #tpu.memory_space<vmem>>
    %dma_start3A_41 = tpu.memref_squeeze %dma_start3A_40 : memref<1x128x16xf32, #tpu.memory_space<vmem>> -> memref<128x16xf32, #tpu.memory_space<vmem>>
    %dma_start3A_42 = arith.constant 0 : i32
    %dma_start3A_43 = tpu.memref_slice %arg6[%dma_start3A_35, %dma_start3A_42] : memref<80x128xi32, #tpu.memory_space<vmem>> -> memref<1x128xi32, #tpu.memory_space<vmem>>
    %dma_start3A_44 = tpu.memref_squeeze %dma_start3A_43 : memref<1x128xi32, #tpu.memory_space<vmem>> -> memref<128xi32, #tpu.memory_space<vmem>>
    %dma_start3A_45 = arith.constant 0 : i32
    %dma_start3A_46 = arith.constant 0 : i32
    %dma_start3A_47 = tpu.memref_slice %arg2[%dma_start3A_45, %dma_start3A_46] : memref<10112x16xf32, #tpu.memory_space<hbm>> -> memref<10112x16xf32, #tpu.memory_space<hbm>>
    %dma_start3A_48 = tpu.memref_slice %arg11[%dma_start3A_37] : memref<10x!tpu.dma_semaphore, #tpu.memory_space<semaphore_mem>> -> memref<1x!tpu.dma_semaphore, #tpu.memory_space<semaphore_mem>>
    %dma_start3A_49 = tpu.memref_squeeze %dma_start3A_48 : memref<1x!tpu.dma_semaphore, #tpu.memory_space<semaphore_mem>> -> memref<!tpu.dma_semaphore, #tpu.memory_space<semaphore_mem>>
    tpu.enqueue_indirect_dma source(%dma_start3A_47 : memref<10112x16xf32, #tpu.memory_space<hbm>>) target(%dma_start3A_41 : memref<128x16xf32, #tpu.memory_space<vmem>>) offsets(%dma_start3A_44 : memref<128xi32, #tpu.memory_space<vmem>>) semaphore(%dma_start3A_49 : memref<!tpu.dma_semaphore, #tpu.memory_space<semaphore_mem>>)
    %dma_start3A_50 = arith.constant 3 : i32
    %dma_start3A_51 = arith.constant 3 : i32
    %dma_start3A_52 = arith.constant 3 : i32
    %dma_start3A_53 = arith.constant 0 : i32
    %dma_start3A_54 = arith.constant 0 : i32
    %dma_start3A_55 = tpu.memref_slice %arg8[%dma_start3A_51, %dma_start3A_53, %dma_start3A_54] : memref<10x128x16xf32, #tpu.memory_space<vmem>> -> memref<1x128x16xf32, #tpu.memory_space<vmem>>
    %dma_start3A_56 = tpu.memref_squeeze %dma_start3A_55 : memref<1x128x16xf32, #tpu.memory_space<vmem>> -> memref<128x16xf32, #tpu.memory_space<vmem>>
    %dma_start3A_57 = arith.constant 0 : i32
    %dma_start3A_58 = tpu.memref_slice %arg6[%dma_start3A_50, %dma_start3A_57] : memref<80x128xi32, #tpu.memory_space<vmem>> -> memref<1x128xi32, #tpu.memory_space<vmem>>
    %dma_start3A_59 = tpu.memref_squeeze %dma_start3A_58 : memref<1x128xi32, #tpu.memory_space<vmem>> -> memref<128xi32, #tpu.memory_space<vmem>>
    %dma_start3A_60 = arith.constant 0 : i32
    %dma_start3A_61 = arith.constant 0 : i32
    %dma_start3A_62 = tpu.memref_slice %arg2[%dma_start3A_60, %dma_start3A_61] : memref<10112x16xf32, #tpu.memory_space<hbm>> -> memref<10112x16xf32, #tpu.memory_space<hbm>>
    %dma_start3A_63 = tpu.memref_slice %arg11[%dma_start3A_52] : memref<10x!tpu.dma_semaphore, #tpu.memory_space<semaphore_mem>> -> memref<1x!tpu.dma_semaphore, #tpu.memory_space<semaphore_mem>>
    %dma_start3A_64 = tpu.memref_squeeze %dma_start3A_63 : memref<1x!tpu.dma_semaphore, #tpu.memory_space<semaphore_mem>> -> memref<!tpu.dma_semaphore, #tpu.memory_space<semaphore_mem>>
    tpu.enqueue_indirect_dma source(%dma_start3A_62 : memref<10112x16xf32, #tpu.memory_space<hbm>>) target(%dma_start3A_56 : memref<128x16xf32, #tpu.memory_space<vmem>>) offsets(%dma_start3A_59 : memref<128xi32, #tpu.memory_space<vmem>>) semaphore(%dma_start3A_64 : memref<!tpu.dma_semaphore, #tpu.memory_space<semaphore_mem>>)
    %dma_start3A_65 = arith.constant 4 : i32
    %dma_start3A_66 = arith.constant 4 : i32
    %dma_start3A_67 = arith.constant 4 : i32
    %dma_start3A_68 = arith.constant 0 : i32
    %dma_start3A_69 = arith.constant 0 : i32
    %dma_start3A_70 = tpu.memref_slice %arg8[%dma_start3A_66, %dma_start3A_68, %dma_start3A_69] : memref<10x128x16xf32, #tpu.memory_space<vmem>> -> memref<1x128x16xf32, #tpu.memory_space<vmem>>
    %dma_start3A_71 = tpu.memref_squeeze %dma_start3A_70 : memref<1x128x16xf32, #tpu.memory_space<vmem>> -> memref<128x16xf32, #tpu.memory_space<vmem>>
    %dma_start3A_72 = arith.constant 0 : i32
    %dma_start3A_73 = tpu.memref_slice %arg6[%dma_start3A_65, %dma_start3A_72] : memref<80x128xi32, #tpu.memory_space<vmem>> -> memref<1x128xi32, #tpu.memory_space<vmem>>
    %dma_start3A_74 = tpu.memref_squeeze %dma_start3A_73 : memref<1x128xi32, #tpu.memory_space<vmem>> -> memref<128xi32, #tpu.memory_space<vmem>>
    %dma_start3A_75 = arith.constant 0 : i32
    %dma_start3A_76 = arith.constant 0 : i32
    %dma_start3A_77 = tpu.memref_slice %arg2[%dma_start3A_75, %dma_start3A_76] : memref<10112x16xf32, #tpu.memory_space<hbm>> -> memref<10112x16xf32, #tpu.memory_space<hbm>>
    %dma_start3A_78 = tpu.memref_slice %arg11[%dma_start3A_67] : memref<10x!tpu.dma_semaphore, #tpu.memory_space<semaphore_mem>> -> memref<1x!tpu.dma_semaphore, #tpu.memory_space<semaphore_mem>>
    %dma_start3A_79 = tpu.memref_squeeze %dma_start3A_78 : memref<1x!tpu.dma_semaphore, #tpu.memory_space<semaphore_mem>> -> memref<!tpu.dma_semaphore, #tpu.memory_space<semaphore_mem>>
    tpu.enqueue_indirect_dma source(%dma_start3A_77 : memref<10112x16xf32, #tpu.memory_space<hbm>>) target(%dma_start3A_71 : memref<128x16xf32, #tpu.memory_space<vmem>>) offsets(%dma_start3A_74 : memref<128xi32, #tpu.memory_space<vmem>>) semaphore(%dma_start3A_79 : memref<!tpu.dma_semaphore, #tpu.memory_space<semaphore_mem>>)
    %dma_start3A_80 = arith.constant 5 : i32
    %dma_start3A_81 = arith.constant 5 : i32
    %dma_start3A_82 = arith.constant 5 : i32
    %dma_start3A_83 = arith.constant 0 : i32
    %dma_start3A_84 = arith.constant 0 : i32
    %dma_start3A_85 = tpu.memref_slice %arg8[%dma_start3A_81, %dma_start3A_83, %dma_start3A_84] : memref<10x128x16xf32, #tpu.memory_space<vmem>> -> memref<1x128x16xf32, #tpu.memory_space<vmem>>
    %dma_start3A_86 = tpu.memref_squeeze %dma_start3A_85 : memref<1x128x16xf32, #tpu.memory_space<vmem>> -> memref<128x16xf32, #tpu.memory_space<vmem>>
    %dma_start3A_87 = arith.constant 0 : i32
    %dma_start3A_88 = tpu.memref_slice %arg6[%dma_start3A_80, %dma_start3A_87] : memref<80x128xi32, #tpu.memory_space<vmem>> -> memref<1x128xi32, #tpu.memory_space<vmem>>
    %dma_start3A_89 = tpu.memref_squeeze %dma_start3A_88 : memref<1x128xi32, #tpu.memory_space<vmem>> -> memref<128xi32, #tpu.memory_space<vmem>>
    %dma_start3A_90 = arith.constant 0 : i32
    %dma_start3A_91 = arith.constant 0 : i32
    %dma_start3A_92 = tpu.memref_slice %arg2[%dma_start3A_90, %dma_start3A_91] : memref<10112x16xf32, #tpu.memory_space<hbm>> -> memref<10112x16xf32, #tpu.memory_space<hbm>>
    %dma_start3A_93 = tpu.memref_slice %arg11[%dma_start3A_82] : memref<10x!tpu.dma_semaphore, #tpu.memory_space<semaphore_mem>> -> memref<1x!tpu.dma_semaphore, #tpu.memory_space<semaphore_mem>>
    %dma_start3A_94 = tpu.memref_squeeze %dma_start3A_93 : memref<1x!tpu.dma_semaphore, #tpu.memory_space<semaphore_mem>> -> memref<!tpu.dma_semaphore, #tpu.memory_space<semaphore_mem>>
    tpu.enqueue_indirect_dma source(%dma_start3A_92 : memref<10112x16xf32, #tpu.memory_space<hbm>>) target(%dma_start3A_86 : memref<128x16xf32, #tpu.memory_space<vmem>>) offsets(%dma_start3A_89 : memref<128xi32, #tpu.memory_space<vmem>>) semaphore(%dma_start3A_94 : memref<!tpu.dma_semaphore, #tpu.memory_space<semaphore_mem>>)
    %dma_start3A_95 = arith.constant 6 : i32
    %dma_start3A_96 = arith.constant 6 : i32
    %dma_start3A_97 = arith.constant 6 : i32
    %dma_start3A_98 = arith.constant 0 : i32
    %dma_start3A_99 = arith.constant 0 : i32
    %dma_start3A_100 = tpu.memref_slice %arg8[%dma_start3A_96, %dma_start3A_98, %dma_start3A_99] : memref<10x128x16xf32, #tpu.memory_space<vmem>> -> memref<1x128x16xf32, #tpu.memory_space<vmem>>
    %dma_start3A_101 = tpu.memref_squeeze %dma_start3A_100 : memref<1x128x16xf32, #tpu.memory_space<vmem>> -> memref<128x16xf32, #tpu.memory_space<vmem>>
    %dma_start3A_102 = arith.constant 0 : i32
    %dma_start3A_103 = tpu.memref_slice %arg6[%dma_start3A_95, %dma_start3A_102] : memref<80x128xi32, #tpu.memory_space<vmem>> -> memref<1x128xi32, #tpu.memory_space<vmem>>
    %dma_start3A_104 = tpu.memref_squeeze %dma_start3A_103 : memref<1x128xi32, #tpu.memory_space<vmem>> -> memref<128xi32, #tpu.memory_space<vmem>>
    %dma_start3A_105 = arith.constant 0 : i32
    %dma_start3A_106 = arith.constant 0 : i32
    %dma_start3A_107 = tpu.memref_slice %arg2[%dma_start3A_105, %dma_start3A_106] : memref<10112x16xf32, #tpu.memory_space<hbm>> -> memref<10112x16xf32, #tpu.memory_space<hbm>>
    %dma_start3A_108 = tpu.memref_slice %arg11[%dma_start3A_97] : memref<10x!tpu.dma_semaphore, #tpu.memory_space<semaphore_mem>> -> memref<1x!tpu.dma_semaphore, #tpu.memory_space<semaphore_mem>>
    %dma_start3A_109 = tpu.memref_squeeze %dma_start3A_108 : memref<1x!tpu.dma_semaphore, #tpu.memory_space<semaphore_mem>> -> memref<!tpu.dma_semaphore, #tpu.memory_space<semaphore_mem>>
    tpu.enqueue_indirect_dma source(%dma_start3A_107 : memref<10112x16xf32, #tpu.memory_space<hbm>>) target(%dma_start3A_101 : memref<128x16xf32, #tpu.memory_space<vmem>>) offsets(%dma_start3A_104 : memref<128xi32, #tpu.memory_space<vmem>>) semaphore(%dma_start3A_109 : memref<!tpu.dma_semaphore, #tpu.memory_space<semaphore_mem>>)
    %dma_start3A_110 = arith.constant 7 : i32
    %dma_start3A_111 = arith.constant 7 : i32
    %dma_start3A_112 = arith.constant 7 : i32
    %dma_start3A_113 = arith.constant 0 : i32
    %dma_start3A_114 = arith.constant 0 : i32
    %dma_start3A_115 = tpu.memref_slice %arg8[%dma_start3A_111, %dma_start3A_113, %dma_start3A_114] : memref<10x128x16xf32, #tpu.memory_space<vmem>> -> memref<1x128x16xf32, #tpu.memory_space<vmem>>
    %dma_start3A_116 = tpu.memref_squeeze %dma_start3A_115 : memref<1x128x16xf32, #tpu.memory_space<vmem>> -> memref<128x16xf32, #tpu.memory_space<vmem>>
    %dma_start3A_117 = arith.constant 0 : i32
    %dma_start3A_118 = tpu.memref_slice %arg6[%dma_start3A_110, %dma_start3A_117] : memref<80x128xi32, #tpu.memory_space<vmem>> -> memref<1x128xi32, #tpu.memory_space<vmem>>
    %dma_start3A_119 = tpu.memref_squeeze %dma_start3A_118 : memref<1x128xi32, #tpu.memory_space<vmem>> -> memref<128xi32, #tpu.memory_space<vmem>>
    %dma_start3A_120 = arith.constant 0 : i32
    %dma_start3A_121 = arith.constant 0 : i32
    %dma_start3A_122 = tpu.memref_slice %arg2[%dma_start3A_120, %dma_start3A_121] : memref<10112x16xf32, #tpu.memory_space<hbm>> -> memref<10112x16xf32, #tpu.memory_space<hbm>>
    %dma_start3A_123 = tpu.memref_slice %arg11[%dma_start3A_112] : memref<10x!tpu.dma_semaphore, #tpu.memory_space<semaphore_mem>> -> memref<1x!tpu.dma_semaphore, #tpu.memory_space<semaphore_mem>>
    %dma_start3A_124 = tpu.memref_squeeze %dma_start3A_123 : memref<1x!tpu.dma_semaphore, #tpu.memory_space<semaphore_mem>> -> memref<!tpu.dma_semaphore, #tpu.memory_space<semaphore_mem>>
    tpu.enqueue_indirect_dma source(%dma_start3A_122 : memref<10112x16xf32, #tpu.memory_space<hbm>>) target(%dma_start3A_116 : memref<128x16xf32, #tpu.memory_space<vmem>>) offsets(%dma_start3A_119 : memref<128xi32, #tpu.memory_space<vmem>>) semaphore(%dma_start3A_124 : memref<!tpu.dma_semaphore, #tpu.memory_space<semaphore_mem>>)
    %dma_start3A_125 = arith.constant 8 : i32
    %dma_start3A_126 = arith.constant 8 : i32
    %dma_start3A_127 = arith.constant 8 : i32
    %dma_start3A_128 = arith.constant 0 : i32
    %dma_start3A_129 = arith.constant 0 : i32
    %dma_start3A_130 = tpu.memref_slice %arg8[%dma_start3A_126, %dma_start3A_128, %dma_start3A_129] : memref<10x128x16xf32, #tpu.memory_space<vmem>> -> memref<1x128x16xf32, #tpu.memory_space<vmem>>
    %dma_start3A_131 = tpu.memref_squeeze %dma_start3A_130 : memref<1x128x16xf32, #tpu.memory_space<vmem>> -> memref<128x16xf32, #tpu.memory_space<vmem>>
    %dma_start3A_132 = arith.constant 0 : i32
    %dma_start3A_133 = tpu.memref_slice %arg6[%dma_start3A_125, %dma_start3A_132] : memref<80x128xi32, #tpu.memory_space<vmem>> -> memref<1x128xi32, #tpu.memory_space<vmem>>
    %dma_start3A_134 = tpu.memref_squeeze %dma_start3A_133 : memref<1x128xi32, #tpu.memory_space<vmem>> -> memref<128xi32, #tpu.memory_space<vmem>>
    %dma_start3A_135 = arith.constant 0 : i32
    %dma_start3A_136 = arith.constant 0 : i32
    %dma_start3A_137 = tpu.memref_slice %arg2[%dma_start3A_135, %dma_start3A_136] : memref<10112x16xf32, #tpu.memory_space<hbm>> -> memref<10112x16xf32, #tpu.memory_space<hbm>>
    %dma_start3A_138 = tpu.memref_slice %arg11[%dma_start3A_127] : memref<10x!tpu.dma_semaphore, #tpu.memory_space<semaphore_mem>> -> memref<1x!tpu.dma_semaphore, #tpu.memory_space<semaphore_mem>>
    %dma_start3A_139 = tpu.memref_squeeze %dma_start3A_138 : memref<1x!tpu.dma_semaphore, #tpu.memory_space<semaphore_mem>> -> memref<!tpu.dma_semaphore, #tpu.memory_space<semaphore_mem>>
    tpu.enqueue_indirect_dma source(%dma_start3A_137 : memref<10112x16xf32, #tpu.memory_space<hbm>>) target(%dma_start3A_131 : memref<128x16xf32, #tpu.memory_space<vmem>>) offsets(%dma_start3A_134 : memref<128xi32, #tpu.memory_space<vmem>>) semaphore(%dma_start3A_139 : memref<!tpu.dma_semaphore, #tpu.memory_space<semaphore_mem>>)
    %dma_start3A_140 = arith.constant 9 : i32
    %dma_start3A_141 = arith.constant 9 : i32
    %dma_start3A_142 = arith.constant 9 : i32
    %dma_start3A_143 = arith.constant 0 : i32
    %dma_start3A_144 = arith.constant 0 : i32
    %dma_start3A_145 = tpu.memref_slice %arg8[%dma_start3A_141, %dma_start3A_143, %dma_start3A_144] : memref<10x128x16xf32, #tpu.memory_space<vmem>> -> memref<1x128x16xf32, #tpu.memory_space<vmem>>
    %dma_start3A_146 = tpu.memref_squeeze %dma_start3A_145 : memref<1x128x16xf32, #tpu.memory_space<vmem>> -> memref<128x16xf32, #tpu.memory_space<vmem>>
    %dma_start3A_147 = arith.constant 0 : i32
    %dma_start3A_148 = tpu.memref_slice %arg6[%dma_start3A_140, %dma_start3A_147] : memref<80x128xi32, #tpu.memory_space<vmem>> -> memref<1x128xi32, #tpu.memory_space<vmem>>
    %dma_start3A_149 = tpu.memref_squeeze %dma_start3A_148 : memref<1x128xi32, #tpu.memory_space<vmem>> -> memref<128xi32, #tpu.memory_space<vmem>>
    %dma_start3A_150 = arith.constant 0 : i32
    %dma_start3A_151 = arith.constant 0 : i32
    %dma_start3A_152 = tpu.memref_slice %arg2[%dma_start3A_150, %dma_start3A_151] : memref<10112x16xf32, #tpu.memory_space<hbm>> -> memref<10112x16xf32, #tpu.memory_space<hbm>>
    %dma_start3A_153 = tpu.memref_slice %arg11[%dma_start3A_142] : memref<10x!tpu.dma_semaphore, #tpu.memory_space<semaphore_mem>> -> memref<1x!tpu.dma_semaphore, #tpu.memory_space<semaphore_mem>>
    %dma_start3A_154 = tpu.memref_squeeze %dma_start3A_153 : memref<1x!tpu.dma_semaphore, #tpu.memory_space<semaphore_mem>> -> memref<!tpu.dma_semaphore, #tpu.memory_space<semaphore_mem>>
    tpu.enqueue_indirect_dma source(%dma_start3A_152 : memref<10112x16xf32, #tpu.memory_space<hbm>>) target(%dma_start3A_146 : memref<128x16xf32, #tpu.memory_space<vmem>>) offsets(%dma_start3A_149 : memref<128xi32, #tpu.memory_space<vmem>>) semaphore(%dma_start3A_154 : memref<!tpu.dma_semaphore, #tpu.memory_space<semaphore_mem>>)
    %scan3A = arith.constant 0 : i32
    %scan3A_155 = arith.constant 7 : i32
    %scan3A_156 = arith.addi %scan3A, %scan3A_155 : i32
    %scan3A_157 = arith.constant 1 : i32
    scf.for %scan3A_613 = %scan3A to %scan3A_156 step %scan3A_157  : i32 {
      %mul3A_614 = arith.constant 10 : i32
      %mul3A_615 = arith.muli %scan3A_613, %mul3A_614 : i32
      %add3A_616 = arith.constant 0 : i32
      %add3A_617 = arith.addi %add3A_616, %mul3A_615 : i32
      %dma_wait3A_618 = arith.constant 0 : i32
      %dma_wait3A_619 = arith.constant 0 : i32
      %dma_wait3A_620 = arith.constant 0 : i32
      %dma_wait3A_621 = arith.constant 0 : i32
      %dma_wait3A_622 = arith.constant 0 : i32
      %dma_wait3A_623 = tpu.memref_slice %arg8[%dma_wait3A_619, %dma_wait3A_621, %dma_wait3A_622] : memref<10x128x16xf32, #tpu.memory_space<vmem>> -> memref<1x128x16xf32, #tpu.memory_space<vmem>>
      %dma_wait3A_624 = tpu.memref_squeeze %dma_wait3A_623 : memref<1x128x16xf32, #tpu.memory_space<vmem>> -> memref<128x16xf32, #tpu.memory_space<vmem>>
      %dma_wait3A_625 = arith.constant 0 : i32
      %dma_wait3A_626 = tpu.memref_slice %arg6[%dma_wait3A_618, %dma_wait3A_625] : memref<80x128xi32, #tpu.memory_space<vmem>> -> memref<1x128xi32, #tpu.memory_space<vmem>>
      %dma_wait3A_627 = tpu.memref_squeeze %dma_wait3A_626 : memref<1x128xi32, #tpu.memory_space<vmem>> -> memref<128xi32, #tpu.memory_space<vmem>>
      %dma_wait3A_628 = arith.constant 0 : i32
      %dma_wait3A_629 = arith.constant 0 : i32
      %dma_wait3A_630 = tpu.memref_slice %arg2[%dma_wait3A_628, %dma_wait3A_629] : memref<10112x16xf32, #tpu.memory_space<hbm>> -> memref<10112x16xf32, #tpu.memory_space<hbm>>
      %dma_wait3A_631 = tpu.memref_slice %arg11[%dma_wait3A_620] : memref<10x!tpu.dma_semaphore, #tpu.memory_space<semaphore_mem>> -> memref<1x!tpu.dma_semaphore, #tpu.memory_space<semaphore_mem>>
      %dma_wait3A_632 = tpu.memref_squeeze %dma_wait3A_631 : memref<1x!tpu.dma_semaphore, #tpu.memory_space<semaphore_mem>> -> memref<!tpu.dma_semaphore, #tpu.memory_space<semaphore_mem>>
      tpu.wait_indirect_dma semaphore(%dma_wait3A_632 : memref<!tpu.dma_semaphore, #tpu.memory_space<semaphore_mem>>) src(%dma_wait3A_630 : memref<10112x16xf32, #tpu.memory_space<hbm>>) dst(%dma_wait3A_624 : memref<128x16xf32, #tpu.memory_space<vmem>>)
      %add3A_633 = arith.constant 0 : i32
      %add3A_634 = arith.addi %add3A_617, %add3A_633 : i32
      %dma_start3A_635 = arith.constant 0 : i32
      %dma_start3A_636 = arith.constant 0 : i32
      %dma_start3A_637 = arith.constant 0 : i32
      %dma_start3A_638 = arith.constant 0 : i32
      %dma_start3A_639 = tpu.memref_slice %arg8[%dma_start3A_635, %dma_start3A_637, %dma_start3A_638] : memref<10x128x16xf32, #tpu.memory_space<vmem>> -> memref<1x128x16xf32, #tpu.memory_space<vmem>>
      %dma_start3A_640 = tpu.memref_squeeze %dma_start3A_639 : memref<1x128x16xf32, #tpu.memory_space<vmem>> -> memref<128x16xf32, #tpu.memory_space<vmem>>
      %dma_start3A_641 = arith.constant 0 : i32
      %dma_start3A_642 = tpu.memref_slice %arg7[%add3A_634, %dma_start3A_641] : memref<80x128xi32, #tpu.memory_space<vmem>> -> memref<1x128xi32, #tpu.memory_space<vmem>>
      %dma_start3A_643 = tpu.memref_squeeze %dma_start3A_642 : memref<1x128xi32, #tpu.memory_space<vmem>> -> memref<128xi32, #tpu.memory_space<vmem>>
      %dma_start3A_644 = arith.constant 0 : i32
      %dma_start3A_645 = arith.constant 0 : i32
      %dma_start3A_646 = tpu.memref_slice %arg10[%dma_start3A_644, %dma_start3A_645] : memref<10112x16xf32, #tpu.memory_space<vmem_shared>> -> memref<10112x16xf32, #tpu.memory_space<vmem_shared>>
      %dma_start3A_647 = tpu.memref_slice %arg12[%dma_start3A_636] : memref<10x!tpu.dma_semaphore, #tpu.memory_space<semaphore_mem>> -> memref<1x!tpu.dma_semaphore, #tpu.memory_space<semaphore_mem>>
      %dma_start3A_648 = tpu.memref_squeeze %dma_start3A_647 : memref<1x!tpu.dma_semaphore, #tpu.memory_space<semaphore_mem>> -> memref<!tpu.dma_semaphore, #tpu.memory_space<semaphore_mem>>
      tpu.enqueue_indirect_dma source(%dma_start3A_640 : memref<128x16xf32, #tpu.memory_space<vmem>>) target(%dma_start3A_646 : memref<10112x16xf32, #tpu.memory_space<vmem_shared>>) offsets(%dma_start3A_643 : memref<128xi32, #tpu.memory_space<vmem>>) semaphore(%dma_start3A_648 : memref<!tpu.dma_semaphore, #tpu.memory_space<semaphore_mem>>) {add = true}
      %dma_wait3A_649 = arith.constant 0 : i32
      %dma_wait3A_650 = arith.constant 1 : i32
      %dma_wait3A_651 = arith.constant 1 : i32
      %dma_wait3A_652 = arith.constant 0 : i32
      %dma_wait3A_653 = arith.constant 0 : i32
      %dma_wait3A_654 = tpu.memref_slice %arg8[%dma_wait3A_650, %dma_wait3A_652, %dma_wait3A_653] : memref<10x128x16xf32, #tpu.memory_space<vmem>> -> memref<1x128x16xf32, #tpu.memory_space<vmem>>
      %dma_wait3A_655 = tpu.memref_squeeze %dma_wait3A_654 : memref<1x128x16xf32, #tpu.memory_space<vmem>> -> memref<128x16xf32, #tpu.memory_space<vmem>>
      %dma_wait3A_656 = arith.constant 0 : i32
      %dma_wait3A_657 = tpu.memref_slice %arg6[%dma_wait3A_649, %dma_wait3A_656] : memref<80x128xi32, #tpu.memory_space<vmem>> -> memref<1x128xi32, #tpu.memory_space<vmem>>
      %dma_wait3A_658 = tpu.memref_squeeze %dma_wait3A_657 : memref<1x128xi32, #tpu.memory_space<vmem>> -> memref<128xi32, #tpu.memory_space<vmem>>
      %dma_wait3A_659 = arith.constant 0 : i32
      %dma_wait3A_660 = arith.constant 0 : i32
      %dma_wait3A_661 = tpu.memref_slice %arg2[%dma_wait3A_659, %dma_wait3A_660] : memref<10112x16xf32, #tpu.memory_space<hbm>> -> memref<10112x16xf32, #tpu.memory_space<hbm>>
      %dma_wait3A_662 = tpu.memref_slice %arg11[%dma_wait3A_651] : memref<10x!tpu.dma_semaphore, #tpu.memory_space<semaphore_mem>> -> memref<1x!tpu.dma_semaphore, #tpu.memory_space<semaphore_mem>>
      %dma_wait3A_663 = tpu.memref_squeeze %dma_wait3A_662 : memref<1x!tpu.dma_semaphore, #tpu.memory_space<semaphore_mem>> -> memref<!tpu.dma_semaphore, #tpu.memory_space<semaphore_mem>>
      tpu.wait_indirect_dma semaphore(%dma_wait3A_663 : memref<!tpu.dma_semaphore, #tpu.memory_space<semaphore_mem>>) src(%dma_wait3A_661 : memref<10112x16xf32, #tpu.memory_space<hbm>>) dst(%dma_wait3A_655 : memref<128x16xf32, #tpu.memory_space<vmem>>)
      %add3A_664 = arith.constant 1 : i32
      %add3A_665 = arith.addi %add3A_617, %add3A_664 : i32
      %dma_start3A_666 = arith.constant 1 : i32
      %dma_start3A_667 = arith.constant 1 : i32
      %dma_start3A_668 = arith.constant 0 : i32
      %dma_start3A_669 = arith.constant 0 : i32
      %dma_start3A_670 = tpu.memref_slice %arg8[%dma_start3A_666, %dma_start3A_668, %dma_start3A_669] : memref<10x128x16xf32, #tpu.memory_space<vmem>> -> memref<1x128x16xf32, #tpu.memory_space<vmem>>
      %dma_start3A_671 = tpu.memref_squeeze %dma_start3A_670 : memref<1x128x16xf32, #tpu.memory_space<vmem>> -> memref<128x16xf32, #tpu.memory_space<vmem>>
      %dma_start3A_672 = arith.constant 0 : i32
      %dma_start3A_673 = tpu.memref_slice %arg7[%add3A_665, %dma_start3A_672] : memref<80x128xi32, #tpu.memory_space<vmem>> -> memref<1x128xi32, #tpu.memory_space<vmem>>
      %dma_start3A_674 = tpu.memref_squeeze %dma_start3A_673 : memref<1x128xi32, #tpu.memory_space<vmem>> -> memref<128xi32, #tpu.memory_space<vmem>>
      %dma_start3A_675 = arith.constant 0 : i32
      %dma_start3A_676 = arith.constant 0 : i32
      %dma_start3A_677 = tpu.memref_slice %arg10[%dma_start3A_675, %dma_start3A_676] : memref<10112x16xf32, #tpu.memory_space<vmem_shared>> -> memref<10112x16xf32, #tpu.memory_space<vmem_shared>>
      %dma_start3A_678 = tpu.memref_slice %arg12[%dma_start3A_667] : memref<10x!tpu.dma_semaphore, #tpu.memory_space<semaphore_mem>> -> memref<1x!tpu.dma_semaphore, #tpu.memory_space<semaphore_mem>>
      %dma_start3A_679 = tpu.memref_squeeze %dma_start3A_678 : memref<1x!tpu.dma_semaphore, #tpu.memory_space<semaphore_mem>> -> memref<!tpu.dma_semaphore, #tpu.memory_space<semaphore_mem>>
      tpu.enqueue_indirect_dma source(%dma_start3A_671 : memref<128x16xf32, #tpu.memory_space<vmem>>) target(%dma_start3A_677 : memref<10112x16xf32, #tpu.memory_space<vmem_shared>>) offsets(%dma_start3A_674 : memref<128xi32, #tpu.memory_space<vmem>>) semaphore(%dma_start3A_679 : memref<!tpu.dma_semaphore, #tpu.memory_space<semaphore_mem>>) {add = true}
      %dma_wait3A_680 = arith.constant 0 : i32
      %dma_wait3A_681 = arith.constant 2 : i32
      %dma_wait3A_682 = arith.constant 2 : i32
      %dma_wait3A_683 = arith.constant 0 : i32
      %dma_wait3A_684 = arith.constant 0 : i32
      %dma_wait3A_685 = tpu.memref_slice %arg8[%dma_wait3A_681, %dma_wait3A_683, %dma_wait3A_684] : memref<10x128x16xf32, #tpu.memory_space<vmem>> -> memref<1x128x16xf32, #tpu.memory_space<vmem>>
      %dma_wait3A_686 = tpu.memref_squeeze %dma_wait3A_685 : memref<1x128x16xf32, #tpu.memory_space<vmem>> -> memref<128x16xf32, #tpu.memory_space<vmem>>
      %dma_wait3A_687 = arith.constant 0 : i32
      %dma_wait3A_688 = tpu.memref_slice %arg6[%dma_wait3A_680, %dma_wait3A_687] : memref<80x128xi32, #tpu.memory_space<vmem>> -> memref<1x128xi32, #tpu.memory_space<vmem>>
      %dma_wait3A_689 = tpu.memref_squeeze %dma_wait3A_688 : memref<1x128xi32, #tpu.memory_space<vmem>> -> memref<128xi32, #tpu.memory_space<vmem>>
      %dma_wait3A_690 = arith.constant 0 : i32
      %dma_wait3A_691 = arith.constant 0 : i32
      %dma_wait3A_692 = tpu.memref_slice %arg2[%dma_wait3A_690, %dma_wait3A_691] : memref<10112x16xf32, #tpu.memory_space<hbm>> -> memref<10112x16xf32, #tpu.memory_space<hbm>>
      %dma_wait3A_693 = tpu.memref_slice %arg11[%dma_wait3A_682] : memref<10x!tpu.dma_semaphore, #tpu.memory_space<semaphore_mem>> -> memref<1x!tpu.dma_semaphore, #tpu.memory_space<semaphore_mem>>
      %dma_wait3A_694 = tpu.memref_squeeze %dma_wait3A_693 : memref<1x!tpu.dma_semaphore, #tpu.memory_space<semaphore_mem>> -> memref<!tpu.dma_semaphore, #tpu.memory_space<semaphore_mem>>
      tpu.wait_indirect_dma semaphore(%dma_wait3A_694 : memref<!tpu.dma_semaphore, #tpu.memory_space<semaphore_mem>>) src(%dma_wait3A_692 : memref<10112x16xf32, #tpu.memory_space<hbm>>) dst(%dma_wait3A_686 : memref<128x16xf32, #tpu.memory_space<vmem>>)
      %add3A_695 = arith.constant 2 : i32
      %add3A_696 = arith.addi %add3A_617, %add3A_695 : i32
      %dma_start3A_697 = arith.constant 2 : i32
      %dma_start3A_698 = arith.constant 2 : i32
      %dma_start3A_699 = arith.constant 0 : i32
      %dma_start3A_700 = arith.constant 0 : i32
      %dma_start3A_701 = tpu.memref_slice %arg8[%dma_start3A_697, %dma_start3A_699, %dma_start3A_700] : memref<10x128x16xf32, #tpu.memory_space<vmem>> -> memref<1x128x16xf32, #tpu.memory_space<vmem>>
      %dma_start3A_702 = tpu.memref_squeeze %dma_start3A_701 : memref<1x128x16xf32, #tpu.memory_space<vmem>> -> memref<128x16xf32, #tpu.memory_space<vmem>>
      %dma_start3A_703 = arith.constant 0 : i32
      %dma_start3A_704 = tpu.memref_slice %arg7[%add3A_696, %dma_start3A_703] : memref<80x128xi32, #tpu.memory_space<vmem>> -> memref<1x128xi32, #tpu.memory_space<vmem>>
      %dma_start3A_705 = tpu.memref_squeeze %dma_start3A_704 : memref<1x128xi32, #tpu.memory_space<vmem>> -> memref<128xi32, #tpu.memory_space<vmem>>
      %dma_start3A_706 = arith.constant 0 : i32
      %dma_start3A_707 = arith.constant 0 : i32
      %dma_start3A_708 = tpu.memref_slice %arg10[%dma_start3A_706, %dma_start3A_707] : memref<10112x16xf32, #tpu.memory_space<vmem_shared>> -> memref<10112x16xf32, #tpu.memory_space<vmem_shared>>
      %dma_start3A_709 = tpu.memref_slice %arg12[%dma_start3A_698] : memref<10x!tpu.dma_semaphore, #tpu.memory_space<semaphore_mem>> -> memref<1x!tpu.dma_semaphore, #tpu.memory_space<semaphore_mem>>
      %dma_start3A_710 = tpu.memref_squeeze %dma_start3A_709 : memref<1x!tpu.dma_semaphore, #tpu.memory_space<semaphore_mem>> -> memref<!tpu.dma_semaphore, #tpu.memory_space<semaphore_mem>>
      tpu.enqueue_indirect_dma source(%dma_start3A_702 : memref<128x16xf32, #tpu.memory_space<vmem>>) target(%dma_start3A_708 : memref<10112x16xf32, #tpu.memory_space<vmem_shared>>) offsets(%dma_start3A_705 : memref<128xi32, #tpu.memory_space<vmem>>) semaphore(%dma_start3A_710 : memref<!tpu.dma_semaphore, #tpu.memory_space<semaphore_mem>>) {add = true}
      %dma_wait3A_711 = arith.constant 0 : i32
      %dma_wait3A_712 = arith.constant 3 : i32
      %dma_wait3A_713 = arith.constant 3 : i32
      %dma_wait3A_714 = arith.constant 0 : i32
      %dma_wait3A_715 = arith.constant 0 : i32
      %dma_wait3A_716 = tpu.memref_slice %arg8[%dma_wait3A_712, %dma_wait3A_714, %dma_wait3A_715] : memref<10x128x16xf32, #tpu.memory_space<vmem>> -> memref<1x128x16xf32, #tpu.memory_space<vmem>>
      %dma_wait3A_717 = tpu.memref_squeeze %dma_wait3A_716 : memref<1x128x16xf32, #tpu.memory_space<vmem>> -> memref<128x16xf32, #tpu.memory_space<vmem>>
      %dma_wait3A_718 = arith.constant 0 : i32
      %dma_wait3A_719 = tpu.memref_slice %arg6[%dma_wait3A_711, %dma_wait3A_718] : memref<80x128xi32, #tpu.memory_space<vmem>> -> memref<1x128xi32, #tpu.memory_space<vmem>>
      %dma_wait3A_720 = tpu.memref_squeeze %dma_wait3A_719 : memref<1x128xi32, #tpu.memory_space<vmem>> -> memref<128xi32, #tpu.memory_space<vmem>>
      %dma_wait3A_721 = arith.constant 0 : i32
      %dma_wait3A_722 = arith.constant 0 : i32
      %dma_wait3A_723 = tpu.memref_slice %arg2[%dma_wait3A_721, %dma_wait3A_722] : memref<10112x16xf32, #tpu.memory_space<hbm>> -> memref<10112x16xf32, #tpu.memory_space<hbm>>
      %dma_wait3A_724 = tpu.memref_slice %arg11[%dma_wait3A_713] : memref<10x!tpu.dma_semaphore, #tpu.memory_space<semaphore_mem>> -> memref<1x!tpu.dma_semaphore, #tpu.memory_space<semaphore_mem>>
      %dma_wait3A_725 = tpu.memref_squeeze %dma_wait3A_724 : memref<1x!tpu.dma_semaphore, #tpu.memory_space<semaphore_mem>> -> memref<!tpu.dma_semaphore, #tpu.memory_space<semaphore_mem>>
      tpu.wait_indirect_dma semaphore(%dma_wait3A_725 : memref<!tpu.dma_semaphore, #tpu.memory_space<semaphore_mem>>) src(%dma_wait3A_723 : memref<10112x16xf32, #tpu.memory_space<hbm>>) dst(%dma_wait3A_717 : memref<128x16xf32, #tpu.memory_space<vmem>>)
      %add3A_726 = arith.constant 3 : i32
      %add3A_727 = arith.addi %add3A_617, %add3A_726 : i32
      %dma_start3A_728 = arith.constant 3 : i32
      %dma_start3A_729 = arith.constant 3 : i32
      %dma_start3A_730 = arith.constant 0 : i32
      %dma_start3A_731 = arith.constant 0 : i32
      %dma_start3A_732 = tpu.memref_slice %arg8[%dma_start3A_728, %dma_start3A_730, %dma_start3A_731] : memref<10x128x16xf32, #tpu.memory_space<vmem>> -> memref<1x128x16xf32, #tpu.memory_space<vmem>>
      %dma_start3A_733 = tpu.memref_squeeze %dma_start3A_732 : memref<1x128x16xf32, #tpu.memory_space<vmem>> -> memref<128x16xf32, #tpu.memory_space<vmem>>
      %dma_start3A_734 = arith.constant 0 : i32
      %dma_start3A_735 = tpu.memref_slice %arg7[%add3A_727, %dma_start3A_734] : memref<80x128xi32, #tpu.memory_space<vmem>> -> memref<1x128xi32, #tpu.memory_space<vmem>>
      %dma_start3A_736 = tpu.memref_squeeze %dma_start3A_735 : memref<1x128xi32, #tpu.memory_space<vmem>> -> memref<128xi32, #tpu.memory_space<vmem>>
      %dma_start3A_737 = arith.constant 0 : i32
      %dma_start3A_738 = arith.constant 0 : i32
      %dma_start3A_739 = tpu.memref_slice %arg10[%dma_start3A_737, %dma_start3A_738] : memref<10112x16xf32, #tpu.memory_space<vmem_shared>> -> memref<10112x16xf32, #tpu.memory_space<vmem_shared>>
      %dma_start3A_740 = tpu.memref_slice %arg12[%dma_start3A_729] : memref<10x!tpu.dma_semaphore, #tpu.memory_space<semaphore_mem>> -> memref<1x!tpu.dma_semaphore, #tpu.memory_space<semaphore_mem>>
      %dma_start3A_741 = tpu.memref_squeeze %dma_start3A_740 : memref<1x!tpu.dma_semaphore, #tpu.memory_space<semaphore_mem>> -> memref<!tpu.dma_semaphore, #tpu.memory_space<semaphore_mem>>
      tpu.enqueue_indirect_dma source(%dma_start3A_733 : memref<128x16xf32, #tpu.memory_space<vmem>>) target(%dma_start3A_739 : memref<10112x16xf32, #tpu.memory_space<vmem_shared>>) offsets(%dma_start3A_736 : memref<128xi32, #tpu.memory_space<vmem>>) semaphore(%dma_start3A_741 : memref<!tpu.dma_semaphore, #tpu.memory_space<semaphore_mem>>) {add = true}
      %dma_wait3A_742 = arith.constant 0 : i32
      %dma_wait3A_743 = arith.constant 4 : i32
      %dma_wait3A_744 = arith.constant 4 : i32
      %dma_wait3A_745 = arith.constant 0 : i32
      %dma_wait3A_746 = arith.constant 0 : i32
      %dma_wait3A_747 = tpu.memref_slice %arg8[%dma_wait3A_743, %dma_wait3A_745, %dma_wait3A_746] : memref<10x128x16xf32, #tpu.memory_space<vmem>> -> memref<1x128x16xf32, #tpu.memory_space<vmem>>
      %dma_wait3A_748 = tpu.memref_squeeze %dma_wait3A_747 : memref<1x128x16xf32, #tpu.memory_space<vmem>> -> memref<128x16xf32, #tpu.memory_space<vmem>>
      %dma_wait3A_749 = arith.constant 0 : i32
      %dma_wait3A_750 = tpu.memref_slice %arg6[%dma_wait3A_742, %dma_wait3A_749] : memref<80x128xi32, #tpu.memory_space<vmem>> -> memref<1x128xi32, #tpu.memory_space<vmem>>
      %dma_wait3A_751 = tpu.memref_squeeze %dma_wait3A_750 : memref<1x128xi32, #tpu.memory_space<vmem>> -> memref<128xi32, #tpu.memory_space<vmem>>
      %dma_wait3A_752 = arith.constant 0 : i32
      %dma_wait3A_753 = arith.constant 0 : i32
      %dma_wait3A_754 = tpu.memref_slice %arg2[%dma_wait3A_752, %dma_wait3A_753] : memref<10112x16xf32, #tpu.memory_space<hbm>> -> memref<10112x16xf32, #tpu.memory_space<hbm>>
      %dma_wait3A_755 = tpu.memref_slice %arg11[%dma_wait3A_744] : memref<10x!tpu.dma_semaphore, #tpu.memory_space<semaphore_mem>> -> memref<1x!tpu.dma_semaphore, #tpu.memory_space<semaphore_mem>>
      %dma_wait3A_756 = tpu.memref_squeeze %dma_wait3A_755 : memref<1x!tpu.dma_semaphore, #tpu.memory_space<semaphore_mem>> -> memref<!tpu.dma_semaphore, #tpu.memory_space<semaphore_mem>>
      tpu.wait_indirect_dma semaphore(%dma_wait3A_756 : memref<!tpu.dma_semaphore, #tpu.memory_space<semaphore_mem>>) src(%dma_wait3A_754 : memref<10112x16xf32, #tpu.memory_space<hbm>>) dst(%dma_wait3A_748 : memref<128x16xf32, #tpu.memory_space<vmem>>)
      %add3A_757 = arith.constant 4 : i32
      %add3A_758 = arith.addi %add3A_617, %add3A_757 : i32
      %dma_start3A_759 = arith.constant 4 : i32
      %dma_start3A_760 = arith.constant 4 : i32
      %dma_start3A_761 = arith.constant 0 : i32
      %dma_start3A_762 = arith.constant 0 : i32
      %dma_start3A_763 = tpu.memref_slice %arg8[%dma_start3A_759, %dma_start3A_761, %dma_start3A_762] : memref<10x128x16xf32, #tpu.memory_space<vmem>> -> memref<1x128x16xf32, #tpu.memory_space<vmem>>
      %dma_start3A_764 = tpu.memref_squeeze %dma_start3A_763 : memref<1x128x16xf32, #tpu.memory_space<vmem>> -> memref<128x16xf32, #tpu.memory_space<vmem>>
      %dma_start3A_765 = arith.constant 0 : i32
      %dma_start3A_766 = tpu.memref_slice %arg7[%add3A_758, %dma_start3A_765] : memref<80x128xi32, #tpu.memory_space<vmem>> -> memref<1x128xi32, #tpu.memory_space<vmem>>
      %dma_start3A_767 = tpu.memref_squeeze %dma_start3A_766 : memref<1x128xi32, #tpu.memory_space<vmem>> -> memref<128xi32, #tpu.memory_space<vmem>>
      %dma_start3A_768 = arith.constant 0 : i32
      %dma_start3A_769 = arith.constant 0 : i32
      %dma_start3A_770 = tpu.memref_slice %arg10[%dma_start3A_768, %dma_start3A_769] : memref<10112x16xf32, #tpu.memory_space<vmem_shared>> -> memref<10112x16xf32, #tpu.memory_space<vmem_shared>>
      %dma_start3A_771 = tpu.memref_slice %arg12[%dma_start3A_760] : memref<10x!tpu.dma_semaphore, #tpu.memory_space<semaphore_mem>> -> memref<1x!tpu.dma_semaphore, #tpu.memory_space<semaphore_mem>>
      %dma_start3A_772 = tpu.memref_squeeze %dma_start3A_771 : memref<1x!tpu.dma_semaphore, #tpu.memory_space<semaphore_mem>> -> memref<!tpu.dma_semaphore, #tpu.memory_space<semaphore_mem>>
      tpu.enqueue_indirect_dma source(%dma_start3A_764 : memref<128x16xf32, #tpu.memory_space<vmem>>) target(%dma_start3A_770 : memref<10112x16xf32, #tpu.memory_space<vmem_shared>>) offsets(%dma_start3A_767 : memref<128xi32, #tpu.memory_space<vmem>>) semaphore(%dma_start3A_772 : memref<!tpu.dma_semaphore, #tpu.memory_space<semaphore_mem>>) {add = true}
      %dma_wait3A_773 = arith.constant 0 : i32
      %dma_wait3A_774 = arith.constant 5 : i32
      %dma_wait3A_775 = arith.constant 5 : i32
      %dma_wait3A_776 = arith.constant 0 : i32
      %dma_wait3A_777 = arith.constant 0 : i32
      %dma_wait3A_778 = tpu.memref_slice %arg8[%dma_wait3A_774, %dma_wait3A_776, %dma_wait3A_777] : memref<10x128x16xf32, #tpu.memory_space<vmem>> -> memref<1x128x16xf32, #tpu.memory_space<vmem>>
      %dma_wait3A_779 = tpu.memref_squeeze %dma_wait3A_778 : memref<1x128x16xf32, #tpu.memory_space<vmem>> -> memref<128x16xf32, #tpu.memory_space<vmem>>
      %dma_wait3A_780 = arith.constant 0 : i32
      %dma_wait3A_781 = tpu.memref_slice %arg6[%dma_wait3A_773, %dma_wait3A_780] : memref<80x128xi32, #tpu.memory_space<vmem>> -> memref<1x128xi32, #tpu.memory_space<vmem>>
      %dma_wait3A_782 = tpu.memref_squeeze %dma_wait3A_781 : memref<1x128xi32, #tpu.memory_space<vmem>> -> memref<128xi32, #tpu.memory_space<vmem>>
      %dma_wait3A_783 = arith.constant 0 : i32
      %dma_wait3A_784 = arith.constant 0 : i32
      %dma_wait3A_785 = tpu.memref_slice %arg2[%dma_wait3A_783, %dma_wait3A_784] : memref<10112x16xf32, #tpu.memory_space<hbm>> -> memref<10112x16xf32, #tpu.memory_space<hbm>>
      %dma_wait3A_786 = tpu.memref_slice %arg11[%dma_wait3A_775] : memref<10x!tpu.dma_semaphore, #tpu.memory_space<semaphore_mem>> -> memref<1x!tpu.dma_semaphore, #tpu.memory_space<semaphore_mem>>
      %dma_wait3A_787 = tpu.memref_squeeze %dma_wait3A_786 : memref<1x!tpu.dma_semaphore, #tpu.memory_space<semaphore_mem>> -> memref<!tpu.dma_semaphore, #tpu.memory_space<semaphore_mem>>
      tpu.wait_indirect_dma semaphore(%dma_wait3A_787 : memref<!tpu.dma_semaphore, #tpu.memory_space<semaphore_mem>>) src(%dma_wait3A_785 : memref<10112x16xf32, #tpu.memory_space<hbm>>) dst(%dma_wait3A_779 : memref<128x16xf32, #tpu.memory_space<vmem>>)
      %add3A_788 = arith.constant 5 : i32
      %add3A_789 = arith.addi %add3A_617, %add3A_788 : i32
      %dma_start3A_790 = arith.constant 5 : i32
      %dma_start3A_791 = arith.constant 5 : i32
      %dma_start3A_792 = arith.constant 0 : i32
      %dma_start3A_793 = arith.constant 0 : i32
      %dma_start3A_794 = tpu.memref_slice %arg8[%dma_start3A_790, %dma_start3A_792, %dma_start3A_793] : memref<10x128x16xf32, #tpu.memory_space<vmem>> -> memref<1x128x16xf32, #tpu.memory_space<vmem>>
      %dma_start3A_795 = tpu.memref_squeeze %dma_start3A_794 : memref<1x128x16xf32, #tpu.memory_space<vmem>> -> memref<128x16xf32, #tpu.memory_space<vmem>>
      %dma_start3A_796 = arith.constant 0 : i32
      %dma_start3A_797 = tpu.memref_slice %arg7[%add3A_789, %dma_start3A_796] : memref<80x128xi32, #tpu.memory_space<vmem>> -> memref<1x128xi32, #tpu.memory_space<vmem>>
      %dma_start3A_798 = tpu.memref_squeeze %dma_start3A_797 : memref<1x128xi32, #tpu.memory_space<vmem>> -> memref<128xi32, #tpu.memory_space<vmem>>
      %dma_start3A_799 = arith.constant 0 : i32
      %dma_start3A_800 = arith.constant 0 : i32
      %dma_start3A_801 = tpu.memref_slice %arg10[%dma_start3A_799, %dma_start3A_800] : memref<10112x16xf32, #tpu.memory_space<vmem_shared>> -> memref<10112x16xf32, #tpu.memory_space<vmem_shared>>
      %dma_start3A_802 = tpu.memref_slice %arg12[%dma_start3A_791] : memref<10x!tpu.dma_semaphore, #tpu.memory_space<semaphore_mem>> -> memref<1x!tpu.dma_semaphore, #tpu.memory_space<semaphore_mem>>
      %dma_start3A_803 = tpu.memref_squeeze %dma_start3A_802 : memref<1x!tpu.dma_semaphore, #tpu.memory_space<semaphore_mem>> -> memref<!tpu.dma_semaphore, #tpu.memory_space<semaphore_mem>>
      tpu.enqueue_indirect_dma source(%dma_start3A_795 : memref<128x16xf32, #tpu.memory_space<vmem>>) target(%dma_start3A_801 : memref<10112x16xf32, #tpu.memory_space<vmem_shared>>) offsets(%dma_start3A_798 : memref<128xi32, #tpu.memory_space<vmem>>) semaphore(%dma_start3A_803 : memref<!tpu.dma_semaphore, #tpu.memory_space<semaphore_mem>>) {add = true}
      %dma_wait3A_804 = arith.constant 0 : i32
      %dma_wait3A_805 = arith.constant 6 : i32
      %dma_wait3A_806 = arith.constant 6 : i32
      %dma_wait3A_807 = arith.constant 0 : i32
      %dma_wait3A_808 = arith.constant 0 : i32
      %dma_wait3A_809 = tpu.memref_slice %arg8[%dma_wait3A_805, %dma_wait3A_807, %dma_wait3A_808] : memref<10x128x16xf32, #tpu.memory_space<vmem>> -> memref<1x128x16xf32, #tpu.memory_space<vmem>>
      %dma_wait3A_810 = tpu.memref_squeeze %dma_wait3A_809 : memref<1x128x16xf32, #tpu.memory_space<vmem>> -> memref<128x16xf32, #tpu.memory_space<vmem>>
      %dma_wait3A_811 = arith.constant 0 : i32
      %dma_wait3A_812 = tpu.memref_slice %arg6[%dma_wait3A_804, %dma_wait3A_811] : memref<80x128xi32, #tpu.memory_space<vmem>> -> memref<1x128xi32, #tpu.memory_space<vmem>>
      %dma_wait3A_813 = tpu.memref_squeeze %dma_wait3A_812 : memref<1x128xi32, #tpu.memory_space<vmem>> -> memref<128xi32, #tpu.memory_space<vmem>>
      %dma_wait3A_814 = arith.constant 0 : i32
      %dma_wait3A_815 = arith.constant 0 : i32
      %dma_wait3A_816 = tpu.memref_slice %arg2[%dma_wait3A_814, %dma_wait3A_815] : memref<10112x16xf32, #tpu.memory_space<hbm>> -> memref<10112x16xf32, #tpu.memory_space<hbm>>
      %dma_wait3A_817 = tpu.memref_slice %arg11[%dma_wait3A_806] : memref<10x!tpu.dma_semaphore, #tpu.memory_space<semaphore_mem>> -> memref<1x!tpu.dma_semaphore, #tpu.memory_space<semaphore_mem>>
      %dma_wait3A_818 = tpu.memref_squeeze %dma_wait3A_817 : memref<1x!tpu.dma_semaphore, #tpu.memory_space<semaphore_mem>> -> memref<!tpu.dma_semaphore, #tpu.memory_space<semaphore_mem>>
      tpu.wait_indirect_dma semaphore(%dma_wait3A_818 : memref<!tpu.dma_semaphore, #tpu.memory_space<semaphore_mem>>) src(%dma_wait3A_816 : memref<10112x16xf32, #tpu.memory_space<hbm>>) dst(%dma_wait3A_810 : memref<128x16xf32, #tpu.memory_space<vmem>>)
      %add3A_819 = arith.constant 6 : i32
      %add3A_820 = arith.addi %add3A_617, %add3A_819 : i32
      %dma_start3A_821 = arith.constant 6 : i32
      %dma_start3A_822 = arith.constant 6 : i32
      %dma_start3A_823 = arith.constant 0 : i32
      %dma_start3A_824 = arith.constant 0 : i32
      %dma_start3A_825 = tpu.memref_slice %arg8[%dma_start3A_821, %dma_start3A_823, %dma_start3A_824] : memref<10x128x16xf32, #tpu.memory_space<vmem>> -> memref<1x128x16xf32, #tpu.memory_space<vmem>>
      %dma_start3A_826 = tpu.memref_squeeze %dma_start3A_825 : memref<1x128x16xf32, #tpu.memory_space<vmem>> -> memref<128x16xf32, #tpu.memory_space<vmem>>
      %dma_start3A_827 = arith.constant 0 : i32
      %dma_start3A_828 = tpu.memref_slice %arg7[%add3A_820, %dma_start3A_827] : memref<80x128xi32, #tpu.memory_space<vmem>> -> memref<1x128xi32, #tpu.memory_space<vmem>>
      %dma_start3A_829 = tpu.memref_squeeze %dma_start3A_828 : memref<1x128xi32, #tpu.memory_space<vmem>> -> memref<128xi32, #tpu.memory_space<vmem>>
      %dma_start3A_830 = arith.constant 0 : i32
      %dma_start3A_831 = arith.constant 0 : i32
      %dma_start3A_832 = tpu.memref_slice %arg10[%dma_start3A_830, %dma_start3A_831] : memref<10112x16xf32, #tpu.memory_space<vmem_shared>> -> memref<10112x16xf32, #tpu.memory_space<vmem_shared>>
      %dma_start3A_833 = tpu.memref_slice %arg12[%dma_start3A_822] : memref<10x!tpu.dma_semaphore, #tpu.memory_space<semaphore_mem>> -> memref<1x!tpu.dma_semaphore, #tpu.memory_space<semaphore_mem>>
      %dma_start3A_834 = tpu.memref_squeeze %dma_start3A_833 : memref<1x!tpu.dma_semaphore, #tpu.memory_space<semaphore_mem>> -> memref<!tpu.dma_semaphore, #tpu.memory_space<semaphore_mem>>
      tpu.enqueue_indirect_dma source(%dma_start3A_826 : memref<128x16xf32, #tpu.memory_space<vmem>>) target(%dma_start3A_832 : memref<10112x16xf32, #tpu.memory_space<vmem_shared>>) offsets(%dma_start3A_829 : memref<128xi32, #tpu.memory_space<vmem>>) semaphore(%dma_start3A_834 : memref<!tpu.dma_semaphore, #tpu.memory_space<semaphore_mem>>) {add = true}
      %dma_wait3A_835 = arith.constant 0 : i32
      %dma_wait3A_836 = arith.constant 7 : i32
      %dma_wait3A_837 = arith.constant 7 : i32
      %dma_wait3A_838 = arith.constant 0 : i32
      %dma_wait3A_839 = arith.constant 0 : i32
      %dma_wait3A_840 = tpu.memref_slice %arg8[%dma_wait3A_836, %dma_wait3A_838, %dma_wait3A_839] : memref<10x128x16xf32, #tpu.memory_space<vmem>> -> memref<1x128x16xf32, #tpu.memory_space<vmem>>
      %dma_wait3A_841 = tpu.memref_squeeze %dma_wait3A_840 : memref<1x128x16xf32, #tpu.memory_space<vmem>> -> memref<128x16xf32, #tpu.memory_space<vmem>>
      %dma_wait3A_842 = arith.constant 0 : i32
      %dma_wait3A_843 = tpu.memref_slice %arg6[%dma_wait3A_835, %dma_wait3A_842] : memref<80x128xi32, #tpu.memory_space<vmem>> -> memref<1x128xi32, #tpu.memory_space<vmem>>
      %dma_wait3A_844 = tpu.memref_squeeze %dma_wait3A_843 : memref<1x128xi32, #tpu.memory_space<vmem>> -> memref<128xi32, #tpu.memory_space<vmem>>
      %dma_wait3A_845 = arith.constant 0 : i32
      %dma_wait3A_846 = arith.constant 0 : i32
      %dma_wait3A_847 = tpu.memref_slice %arg2[%dma_wait3A_845, %dma_wait3A_846] : memref<10112x16xf32, #tpu.memory_space<hbm>> -> memref<10112x16xf32, #tpu.memory_space<hbm>>
      %dma_wait3A_848 = tpu.memref_slice %arg11[%dma_wait3A_837] : memref<10x!tpu.dma_semaphore, #tpu.memory_space<semaphore_mem>> -> memref<1x!tpu.dma_semaphore, #tpu.memory_space<semaphore_mem>>
      %dma_wait3A_849 = tpu.memref_squeeze %dma_wait3A_848 : memref<1x!tpu.dma_semaphore, #tpu.memory_space<semaphore_mem>> -> memref<!tpu.dma_semaphore, #tpu.memory_space<semaphore_mem>>
      tpu.wait_indirect_dma semaphore(%dma_wait3A_849 : memref<!tpu.dma_semaphore, #tpu.memory_space<semaphore_mem>>) src(%dma_wait3A_847 : memref<10112x16xf32, #tpu.memory_space<hbm>>) dst(%dma_wait3A_841 : memref<128x16xf32, #tpu.memory_space<vmem>>)
      %add3A_850 = arith.constant 7 : i32
      %add3A_851 = arith.addi %add3A_617, %add3A_850 : i32
      %dma_start3A_852 = arith.constant 7 : i32
      %dma_start3A_853 = arith.constant 7 : i32
      %dma_start3A_854 = arith.constant 0 : i32
      %dma_start3A_855 = arith.constant 0 : i32
      %dma_start3A_856 = tpu.memref_slice %arg8[%dma_start3A_852, %dma_start3A_854, %dma_start3A_855] : memref<10x128x16xf32, #tpu.memory_space<vmem>> -> memref<1x128x16xf32, #tpu.memory_space<vmem>>
      %dma_start3A_857 = tpu.memref_squeeze %dma_start3A_856 : memref<1x128x16xf32, #tpu.memory_space<vmem>> -> memref<128x16xf32, #tpu.memory_space<vmem>>
      %dma_start3A_858 = arith.constant 0 : i32
      %dma_start3A_859 = tpu.memref_slice %arg7[%add3A_851, %dma_start3A_858] : memref<80x128xi32, #tpu.memory_space<vmem>> -> memref<1x128xi32, #tpu.memory_space<vmem>>
      %dma_start3A_860 = tpu.memref_squeeze %dma_start3A_859 : memref<1x128xi32, #tpu.memory_space<vmem>> -> memref<128xi32, #tpu.memory_space<vmem>>
      %dma_start3A_861 = arith.constant 0 : i32
      %dma_start3A_862 = arith.constant 0 : i32
      %dma_start3A_863 = tpu.memref_slice %arg10[%dma_start3A_861, %dma_start3A_862] : memref<10112x16xf32, #tpu.memory_space<vmem_shared>> -> memref<10112x16xf32, #tpu.memory_space<vmem_shared>>
      %dma_start3A_864 = tpu.memref_slice %arg12[%dma_start3A_853] : memref<10x!tpu.dma_semaphore, #tpu.memory_space<semaphore_mem>> -> memref<1x!tpu.dma_semaphore, #tpu.memory_space<semaphore_mem>>
      %dma_start3A_865 = tpu.memref_squeeze %dma_start3A_864 : memref<1x!tpu.dma_semaphore, #tpu.memory_space<semaphore_mem>> -> memref<!tpu.dma_semaphore, #tpu.memory_space<semaphore_mem>>
      tpu.enqueue_indirect_dma source(%dma_start3A_857 : memref<128x16xf32, #tpu.memory_space<vmem>>) target(%dma_start3A_863 : memref<10112x16xf32, #tpu.memory_space<vmem_shared>>) offsets(%dma_start3A_860 : memref<128xi32, #tpu.memory_space<vmem>>) semaphore(%dma_start3A_865 : memref<!tpu.dma_semaphore, #tpu.memory_space<semaphore_mem>>) {add = true}
      %dma_wait3A_866 = arith.constant 0 : i32
      %dma_wait3A_867 = arith.constant 8 : i32
      %dma_wait3A_868 = arith.constant 8 : i32
      %dma_wait3A_869 = arith.constant 0 : i32
      %dma_wait3A_870 = arith.constant 0 : i32
      %dma_wait3A_871 = tpu.memref_slice %arg8[%dma_wait3A_867, %dma_wait3A_869, %dma_wait3A_870] : memref<10x128x16xf32, #tpu.memory_space<vmem>> -> memref<1x128x16xf32, #tpu.memory_space<vmem>>
      %dma_wait3A_872 = tpu.memref_squeeze %dma_wait3A_871 : memref<1x128x16xf32, #tpu.memory_space<vmem>> -> memref<128x16xf32, #tpu.memory_space<vmem>>
      %dma_wait3A_873 = arith.constant 0 : i32
      %dma_wait3A_874 = tpu.memref_slice %arg6[%dma_wait3A_866, %dma_wait3A_873] : memref<80x128xi32, #tpu.memory_space<vmem>> -> memref<1x128xi32, #tpu.memory_space<vmem>>
      %dma_wait3A_875 = tpu.memref_squeeze %dma_wait3A_874 : memref<1x128xi32, #tpu.memory_space<vmem>> -> memref<128xi32, #tpu.memory_space<vmem>>
      %dma_wait3A_876 = arith.constant 0 : i32
      %dma_wait3A_877 = arith.constant 0 : i32
      %dma_wait3A_878 = tpu.memref_slice %arg2[%dma_wait3A_876, %dma_wait3A_877] : memref<10112x16xf32, #tpu.memory_space<hbm>> -> memref<10112x16xf32, #tpu.memory_space<hbm>>
      %dma_wait3A_879 = tpu.memref_slice %arg11[%dma_wait3A_868] : memref<10x!tpu.dma_semaphore, #tpu.memory_space<semaphore_mem>> -> memref<1x!tpu.dma_semaphore, #tpu.memory_space<semaphore_mem>>
      %dma_wait3A_880 = tpu.memref_squeeze %dma_wait3A_879 : memref<1x!tpu.dma_semaphore, #tpu.memory_space<semaphore_mem>> -> memref<!tpu.dma_semaphore, #tpu.memory_space<semaphore_mem>>
      tpu.wait_indirect_dma semaphore(%dma_wait3A_880 : memref<!tpu.dma_semaphore, #tpu.memory_space<semaphore_mem>>) src(%dma_wait3A_878 : memref<10112x16xf32, #tpu.memory_space<hbm>>) dst(%dma_wait3A_872 : memref<128x16xf32, #tpu.memory_space<vmem>>)
      %add3A_881 = arith.constant 8 : i32
      %add3A_882 = arith.addi %add3A_617, %add3A_881 : i32
      %dma_start3A_883 = arith.constant 8 : i32
      %dma_start3A_884 = arith.constant 8 : i32
      %dma_start3A_885 = arith.constant 0 : i32
      %dma_start3A_886 = arith.constant 0 : i32
      %dma_start3A_887 = tpu.memref_slice %arg8[%dma_start3A_883, %dma_start3A_885, %dma_start3A_886] : memref<10x128x16xf32, #tpu.memory_space<vmem>> -> memref<1x128x16xf32, #tpu.memory_space<vmem>>
      %dma_start3A_888 = tpu.memref_squeeze %dma_start3A_887 : memref<1x128x16xf32, #tpu.memory_space<vmem>> -> memref<128x16xf32, #tpu.memory_space<vmem>>
      %dma_start3A_889 = arith.constant 0 : i32
      %dma_start3A_890 = tpu.memref_slice %arg7[%add3A_882, %dma_start3A_889] : memref<80x128xi32, #tpu.memory_space<vmem>> -> memref<1x128xi32, #tpu.memory_space<vmem>>
      %dma_start3A_891 = tpu.memref_squeeze %dma_start3A_890 : memref<1x128xi32, #tpu.memory_space<vmem>> -> memref<128xi32, #tpu.memory_space<vmem>>
      %dma_start3A_892 = arith.constant 0 : i32
      %dma_start3A_893 = arith.constant 0 : i32
      %dma_start3A_894 = tpu.memref_slice %arg10[%dma_start3A_892, %dma_start3A_893] : memref<10112x16xf32, #tpu.memory_space<vmem_shared>> -> memref<10112x16xf32, #tpu.memory_space<vmem_shared>>
      %dma_start3A_895 = tpu.memref_slice %arg12[%dma_start3A_884] : memref<10x!tpu.dma_semaphore, #tpu.memory_space<semaphore_mem>> -> memref<1x!tpu.dma_semaphore, #tpu.memory_space<semaphore_mem>>
      %dma_start3A_896 = tpu.memref_squeeze %dma_start3A_895 : memref<1x!tpu.dma_semaphore, #tpu.memory_space<semaphore_mem>> -> memref<!tpu.dma_semaphore, #tpu.memory_space<semaphore_mem>>
      tpu.enqueue_indirect_dma source(%dma_start3A_888 : memref<128x16xf32, #tpu.memory_space<vmem>>) target(%dma_start3A_894 : memref<10112x16xf32, #tpu.memory_space<vmem_shared>>) offsets(%dma_start3A_891 : memref<128xi32, #tpu.memory_space<vmem>>) semaphore(%dma_start3A_896 : memref<!tpu.dma_semaphore, #tpu.memory_space<semaphore_mem>>) {add = true}
      %dma_wait3A_897 = arith.constant 0 : i32
      %dma_wait3A_898 = arith.constant 9 : i32
      %dma_wait3A_899 = arith.constant 9 : i32
      %dma_wait3A_900 = arith.constant 0 : i32
      %dma_wait3A_901 = arith.constant 0 : i32
      %dma_wait3A_902 = tpu.memref_slice %arg8[%dma_wait3A_898, %dma_wait3A_900, %dma_wait3A_901] : memref<10x128x16xf32, #tpu.memory_space<vmem>> -> memref<1x128x16xf32, #tpu.memory_space<vmem>>
      %dma_wait3A_903 = tpu.memref_squeeze %dma_wait3A_902 : memref<1x128x16xf32, #tpu.memory_space<vmem>> -> memref<128x16xf32, #tpu.memory_space<vmem>>
      %dma_wait3A_904 = arith.constant 0 : i32
      %dma_wait3A_905 = tpu.memref_slice %arg6[%dma_wait3A_897, %dma_wait3A_904] : memref<80x128xi32, #tpu.memory_space<vmem>> -> memref<1x128xi32, #tpu.memory_space<vmem>>
      %dma_wait3A_906 = tpu.memref_squeeze %dma_wait3A_905 : memref<1x128xi32, #tpu.memory_space<vmem>> -> memref<128xi32, #tpu.memory_space<vmem>>
      %dma_wait3A_907 = arith.constant 0 : i32
      %dma_wait3A_908 = arith.constant 0 : i32
      %dma_wait3A_909 = tpu.memref_slice %arg2[%dma_wait3A_907, %dma_wait3A_908] : memref<10112x16xf32, #tpu.memory_space<hbm>> -> memref<10112x16xf32, #tpu.memory_space<hbm>>
      %dma_wait3A_910 = tpu.memref_slice %arg11[%dma_wait3A_899] : memref<10x!tpu.dma_semaphore, #tpu.memory_space<semaphore_mem>> -> memref<1x!tpu.dma_semaphore, #tpu.memory_space<semaphore_mem>>
      %dma_wait3A_911 = tpu.memref_squeeze %dma_wait3A_910 : memref<1x!tpu.dma_semaphore, #tpu.memory_space<semaphore_mem>> -> memref<!tpu.dma_semaphore, #tpu.memory_space<semaphore_mem>>
      tpu.wait_indirect_dma semaphore(%dma_wait3A_911 : memref<!tpu.dma_semaphore, #tpu.memory_space<semaphore_mem>>) src(%dma_wait3A_909 : memref<10112x16xf32, #tpu.memory_space<hbm>>) dst(%dma_wait3A_903 : memref<128x16xf32, #tpu.memory_space<vmem>>)
      %add3A_912 = arith.constant 9 : i32
      %add3A_913 = arith.addi %add3A_617, %add3A_912 : i32
      %dma_start3A_914 = arith.constant 9 : i32
      %dma_start3A_915 = arith.constant 9 : i32
      %dma_start3A_916 = arith.constant 0 : i32
      %dma_start3A_917 = arith.constant 0 : i32
      %dma_start3A_918 = tpu.memref_slice %arg8[%dma_start3A_914, %dma_start3A_916, %dma_start3A_917] : memref<10x128x16xf32, #tpu.memory_space<vmem>> -> memref<1x128x16xf32, #tpu.memory_space<vmem>>
      %dma_start3A_919 = tpu.memref_squeeze %dma_start3A_918 : memref<1x128x16xf32, #tpu.memory_space<vmem>> -> memref<128x16xf32, #tpu.memory_space<vmem>>
      %dma_start3A_920 = arith.constant 0 : i32
      %dma_start3A_921 = tpu.memref_slice %arg7[%add3A_913, %dma_start3A_920] : memref<80x128xi32, #tpu.memory_space<vmem>> -> memref<1x128xi32, #tpu.memory_space<vmem>>
      %dma_start3A_922 = tpu.memref_squeeze %dma_start3A_921 : memref<1x128xi32, #tpu.memory_space<vmem>> -> memref<128xi32, #tpu.memory_space<vmem>>
      %dma_start3A_923 = arith.constant 0 : i32
      %dma_start3A_924 = arith.constant 0 : i32
      %dma_start3A_925 = tpu.memref_slice %arg10[%dma_start3A_923, %dma_start3A_924] : memref<10112x16xf32, #tpu.memory_space<vmem_shared>> -> memref<10112x16xf32, #tpu.memory_space<vmem_shared>>
      %dma_start3A_926 = tpu.memref_slice %arg12[%dma_start3A_915] : memref<10x!tpu.dma_semaphore, #tpu.memory_space<semaphore_mem>> -> memref<1x!tpu.dma_semaphore, #tpu.memory_space<semaphore_mem>>
      %dma_start3A_927 = tpu.memref_squeeze %dma_start3A_926 : memref<1x!tpu.dma_semaphore, #tpu.memory_space<semaphore_mem>> -> memref<!tpu.dma_semaphore, #tpu.memory_space<semaphore_mem>>
      tpu.enqueue_indirect_dma source(%dma_start3A_919 : memref<128x16xf32, #tpu.memory_space<vmem>>) target(%dma_start3A_925 : memref<10112x16xf32, #tpu.memory_space<vmem_shared>>) offsets(%dma_start3A_922 : memref<128xi32, #tpu.memory_space<vmem>>) semaphore(%dma_start3A_927 : memref<!tpu.dma_semaphore, #tpu.memory_space<semaphore_mem>>) {add = true}
      %dma_wait3A_928 = arith.constant 0 : i32
      %dma_wait3A_929 = arith.constant 0 : i32
      %dma_wait3A_930 = arith.constant 0 : i32
      %dma_wait3A_931 = arith.constant 0 : i32
      %dma_wait3A_932 = arith.constant 0 : i32
      %dma_wait3A_933 = tpu.memref_slice %arg8[%dma_wait3A_928, %dma_wait3A_931, %dma_wait3A_932] : memref<10x128x16xf32, #tpu.memory_space<vmem>> -> memref<1x128x16xf32, #tpu.memory_space<vmem>>
      %dma_wait3A_934 = tpu.memref_squeeze %dma_wait3A_933 : memref<1x128x16xf32, #tpu.memory_space<vmem>> -> memref<128x16xf32, #tpu.memory_space<vmem>>
      %dma_wait3A_935 = arith.constant 0 : i32
      %dma_wait3A_936 = tpu.memref_slice %arg7[%dma_wait3A_929, %dma_wait3A_935] : memref<80x128xi32, #tpu.memory_space<vmem>> -> memref<1x128xi32, #tpu.memory_space<vmem>>
      %dma_wait3A_937 = tpu.memref_squeeze %dma_wait3A_936 : memref<1x128xi32, #tpu.memory_space<vmem>> -> memref<128xi32, #tpu.memory_space<vmem>>
      %dma_wait3A_938 = arith.constant 0 : i32
      %dma_wait3A_939 = arith.constant 0 : i32
      %dma_wait3A_940 = tpu.memref_slice %arg10[%dma_wait3A_938, %dma_wait3A_939] : memref<10112x16xf32, #tpu.memory_space<vmem_shared>> -> memref<10112x16xf32, #tpu.memory_space<vmem_shared>>
      %dma_wait3A_941 = tpu.memref_slice %arg12[%dma_wait3A_930] : memref<10x!tpu.dma_semaphore, #tpu.memory_space<semaphore_mem>> -> memref<1x!tpu.dma_semaphore, #tpu.memory_space<semaphore_mem>>
      %dma_wait3A_942 = tpu.memref_squeeze %dma_wait3A_941 : memref<1x!tpu.dma_semaphore, #tpu.memory_space<semaphore_mem>> -> memref<!tpu.dma_semaphore, #tpu.memory_space<semaphore_mem>>
      tpu.wait_indirect_dma semaphore(%dma_wait3A_942 : memref<!tpu.dma_semaphore, #tpu.memory_space<semaphore_mem>>) src(%dma_wait3A_934 : memref<128x16xf32, #tpu.memory_space<vmem>>) dst(%dma_wait3A_940 : memref<10112x16xf32, #tpu.memory_space<vmem_shared>>)
      %add3A_943 = arith.constant 10 : i32
      %add3A_944 = arith.addi %add3A_617, %add3A_943 : i32
      %add3A_945 = arith.constant 0 : i32
      %add3A_946 = arith.addi %add3A_944, %add3A_945 : i32
      %dma_start3A_947 = arith.constant 0 : i32
      %dma_start3A_948 = arith.constant 0 : i32
      %dma_start3A_949 = arith.constant 0 : i32
      %dma_start3A_950 = arith.constant 0 : i32
      %dma_start3A_951 = tpu.memref_slice %arg8[%dma_start3A_947, %dma_start3A_949, %dma_start3A_950] : memref<10x128x16xf32, #tpu.memory_space<vmem>> -> memref<1x128x16xf32, #tpu.memory_space<vmem>>
      %dma_start3A_952 = tpu.memref_squeeze %dma_start3A_951 : memref<1x128x16xf32, #tpu.memory_space<vmem>> -> memref<128x16xf32, #tpu.memory_space<vmem>>
      %dma_start3A_953 = arith.constant 0 : i32
      %dma_start3A_954 = tpu.memref_slice %arg6[%add3A_946, %dma_start3A_953] : memref<80x128xi32, #tpu.memory_space<vmem>> -> memref<1x128xi32, #tpu.memory_space<vmem>>
      %dma_start3A_955 = tpu.memref_squeeze %dma_start3A_954 : memref<1x128xi32, #tpu.memory_space<vmem>> -> memref<128xi32, #tpu.memory_space<vmem>>
      %dma_start3A_956 = arith.constant 0 : i32
      %dma_start3A_957 = arith.constant 0 : i32
      %dma_start3A_958 = tpu.memref_slice %arg2[%dma_start3A_956, %dma_start3A_957] : memref<10112x16xf32, #tpu.memory_space<hbm>> -> memref<10112x16xf32, #tpu.memory_space<hbm>>
      %dma_start3A_959 = tpu.memref_slice %arg11[%dma_start3A_948] : memref<10x!tpu.dma_semaphore, #tpu.memory_space<semaphore_mem>> -> memref<1x!tpu.dma_semaphore, #tpu.memory_space<semaphore_mem>>
      %dma_start3A_960 = tpu.memref_squeeze %dma_start3A_959 : memref<1x!tpu.dma_semaphore, #tpu.memory_space<semaphore_mem>> -> memref<!tpu.dma_semaphore, #tpu.memory_space<semaphore_mem>>
      tpu.enqueue_indirect_dma source(%dma_start3A_958 : memref<10112x16xf32, #tpu.memory_space<hbm>>) target(%dma_start3A_952 : memref<128x16xf32, #tpu.memory_space<vmem>>) offsets(%dma_start3A_955 : memref<128xi32, #tpu.memory_space<vmem>>) semaphore(%dma_start3A_960 : memref<!tpu.dma_semaphore, #tpu.memory_space<semaphore_mem>>)
      %dma_wait3A_961 = arith.constant 1 : i32
      %dma_wait3A_962 = arith.constant 0 : i32
      %dma_wait3A_963 = arith.constant 1 : i32
      %dma_wait3A_964 = arith.constant 0 : i32
      %dma_wait3A_965 = arith.constant 0 : i32
      %dma_wait3A_966 = tpu.memref_slice %arg8[%dma_wait3A_961, %dma_wait3A_964, %dma_wait3A_965] : memref<10x128x16xf32, #tpu.memory_space<vmem>> -> memref<1x128x16xf32, #tpu.memory_space<vmem>>
      %dma_wait3A_967 = tpu.memref_squeeze %dma_wait3A_966 : memref<1x128x16xf32, #tpu.memory_space<vmem>> -> memref<128x16xf32, #tpu.memory_space<vmem>>
      %dma_wait3A_968 = arith.constant 0 : i32
      %dma_wait3A_969 = tpu.memref_slice %arg7[%dma_wait3A_962, %dma_wait3A_968] : memref<80x128xi32, #tpu.memory_space<vmem>> -> memref<1x128xi32, #tpu.memory_space<vmem>>
      %dma_wait3A_970 = tpu.memref_squeeze %dma_wait3A_969 : memref<1x128xi32, #tpu.memory_space<vmem>> -> memref<128xi32, #tpu.memory_space<vmem>>
      %dma_wait3A_971 = arith.constant 0 : i32
      %dma_wait3A_972 = arith.constant 0 : i32
      %dma_wait3A_973 = tpu.memref_slice %arg10[%dma_wait3A_971, %dma_wait3A_972] : memref<10112x16xf32, #tpu.memory_space<vmem_shared>> -> memref<10112x16xf32, #tpu.memory_space<vmem_shared>>
      %dma_wait3A_974 = tpu.memref_slice %arg12[%dma_wait3A_963] : memref<10x!tpu.dma_semaphore, #tpu.memory_space<semaphore_mem>> -> memref<1x!tpu.dma_semaphore, #tpu.memory_space<semaphore_mem>>
      %dma_wait3A_975 = tpu.memref_squeeze %dma_wait3A_974 : memref<1x!tpu.dma_semaphore, #tpu.memory_space<semaphore_mem>> -> memref<!tpu.dma_semaphore, #tpu.memory_space<semaphore_mem>>
      tpu.wait_indirect_dma semaphore(%dma_wait3A_975 : memref<!tpu.dma_semaphore, #tpu.memory_space<semaphore_mem>>) src(%dma_wait3A_967 : memref<128x16xf32, #tpu.memory_space<vmem>>) dst(%dma_wait3A_973 : memref<10112x16xf32, #tpu.memory_space<vmem_shared>>)
      %add3A_976 = arith.constant 10 : i32
      %add3A_977 = arith.addi %add3A_617, %add3A_976 : i32
      %add3A_978 = arith.constant 1 : i32
      %add3A_979 = arith.addi %add3A_977, %add3A_978 : i32
      %dma_start3A_980 = arith.constant 1 : i32
      %dma_start3A_981 = arith.constant 1 : i32
      %dma_start3A_982 = arith.constant 0 : i32
      %dma_start3A_983 = arith.constant 0 : i32
      %dma_start3A_984 = tpu.memref_slice %arg8[%dma_start3A_980, %dma_start3A_982, %dma_start3A_983] : memref<10x128x16xf32, #tpu.memory_space<vmem>> -> memref<1x128x16xf32, #tpu.memory_space<vmem>>
      %dma_start3A_985 = tpu.memref_squeeze %dma_start3A_984 : memref<1x128x16xf32, #tpu.memory_space<vmem>> -> memref<128x16xf32, #tpu.memory_space<vmem>>
      %dma_start3A_986 = arith.constant 0 : i32
      %dma_start3A_987 = tpu.memref_slice %arg6[%add3A_979, %dma_start3A_986] : memref<80x128xi32, #tpu.memory_space<vmem>> -> memref<1x128xi32, #tpu.memory_space<vmem>>
      %dma_start3A_988 = tpu.memref_squeeze %dma_start3A_987 : memref<1x128xi32, #tpu.memory_space<vmem>> -> memref<128xi32, #tpu.memory_space<vmem>>
      %dma_start3A_989 = arith.constant 0 : i32
      %dma_start3A_990 = arith.constant 0 : i32
      %dma_start3A_991 = tpu.memref_slice %arg2[%dma_start3A_989, %dma_start3A_990] : memref<10112x16xf32, #tpu.memory_space<hbm>> -> memref<10112x16xf32, #tpu.memory_space<hbm>>
      %dma_start3A_992 = tpu.memref_slice %arg11[%dma_start3A_981] : memref<10x!tpu.dma_semaphore, #tpu.memory_space<semaphore_mem>> -> memref<1x!tpu.dma_semaphore, #tpu.memory_space<semaphore_mem>>
      %dma_start3A_993 = tpu.memref_squeeze %dma_start3A_992 : memref<1x!tpu.dma_semaphore, #tpu.memory_space<semaphore_mem>> -> memref<!tpu.dma_semaphore, #tpu.memory_space<semaphore_mem>>
      tpu.enqueue_indirect_dma source(%dma_start3A_991 : memref<10112x16xf32, #tpu.memory_space<hbm>>) target(%dma_start3A_985 : memref<128x16xf32, #tpu.memory_space<vmem>>) offsets(%dma_start3A_988 : memref<128xi32, #tpu.memory_space<vmem>>) semaphore(%dma_start3A_993 : memref<!tpu.dma_semaphore, #tpu.memory_space<semaphore_mem>>)
      %dma_wait3A_994 = arith.constant 2 : i32
      %dma_wait3A_995 = arith.constant 0 : i32
      %dma_wait3A_996 = arith.constant 2 : i32
      %dma_wait3A_997 = arith.constant 0 : i32
      %dma_wait3A_998 = arith.constant 0 : i32
      %dma_wait3A_999 = tpu.memref_slice %arg8[%dma_wait3A_994, %dma_wait3A_997, %dma_wait3A_998] : memref<10x128x16xf32, #tpu.memory_space<vmem>> -> memref<1x128x16xf32, #tpu.memory_space<vmem>>
      %dma_wait3A_1000 = tpu.memref_squeeze %dma_wait3A_999 : memref<1x128x16xf32, #tpu.memory_space<vmem>> -> memref<128x16xf32, #tpu.memory_space<vmem>>
      %dma_wait3A_1001 = arith.constant 0 : i32
      %dma_wait3A_1002 = tpu.memref_slice %arg7[%dma_wait3A_995, %dma_wait3A_1001] : memref<80x128xi32, #tpu.memory_space<vmem>> -> memref<1x128xi32, #tpu.memory_space<vmem>>
      %dma_wait3A_1003 = tpu.memref_squeeze %dma_wait3A_1002 : memref<1x128xi32, #tpu.memory_space<vmem>> -> memref<128xi32, #tpu.memory_space<vmem>>
      %dma_wait3A_1004 = arith.constant 0 : i32
      %dma_wait3A_1005 = arith.constant 0 : i32
      %dma_wait3A_1006 = tpu.memref_slice %arg10[%dma_wait3A_1004, %dma_wait3A_1005] : memref<10112x16xf32, #tpu.memory_space<vmem_shared>> -> memref<10112x16xf32, #tpu.memory_space<vmem_shared>>
      %dma_wait3A_1007 = tpu.memref_slice %arg12[%dma_wait3A_996] : memref<10x!tpu.dma_semaphore, #tpu.memory_space<semaphore_mem>> -> memref<1x!tpu.dma_semaphore, #tpu.memory_space<semaphore_mem>>
      %dma_wait3A_1008 = tpu.memref_squeeze %dma_wait3A_1007 : memref<1x!tpu.dma_semaphore, #tpu.memory_space<semaphore_mem>> -> memref<!tpu.dma_semaphore, #tpu.memory_space<semaphore_mem>>
      tpu.wait_indirect_dma semaphore(%dma_wait3A_1008 : memref<!tpu.dma_semaphore, #tpu.memory_space<semaphore_mem>>) src(%dma_wait3A_1000 : memref<128x16xf32, #tpu.memory_space<vmem>>) dst(%dma_wait3A_1006 : memref<10112x16xf32, #tpu.memory_space<vmem_shared>>)
      %add3A_1009 = arith.constant 10 : i32
      %add3A_1010 = arith.addi %add3A_617, %add3A_1009 : i32
      %add3A_1011 = arith.constant 2 : i32
      %add3A_1012 = arith.addi %add3A_1010, %add3A_1011 : i32
      %dma_start3A_1013 = arith.constant 2 : i32
      %dma_start3A_1014 = arith.constant 2 : i32
      %dma_start3A_1015 = arith.constant 0 : i32
      %dma_start3A_1016 = arith.constant 0 : i32
      %dma_start3A_1017 = tpu.memref_slice %arg8[%dma_start3A_1013, %dma_start3A_1015, %dma_start3A_1016] : memref<10x128x16xf32, #tpu.memory_space<vmem>> -> memref<1x128x16xf32, #tpu.memory_space<vmem>>
      %dma_start3A_1018 = tpu.memref_squeeze %dma_start3A_1017 : memref<1x128x16xf32, #tpu.memory_space<vmem>> -> memref<128x16xf32, #tpu.memory_space<vmem>>
      %dma_start3A_1019 = arith.constant 0 : i32
      %dma_start3A_1020 = tpu.memref_slice %arg6[%add3A_1012, %dma_start3A_1019] : memref<80x128xi32, #tpu.memory_space<vmem>> -> memref<1x128xi32, #tpu.memory_space<vmem>>
      %dma_start3A_1021 = tpu.memref_squeeze %dma_start3A_1020 : memref<1x128xi32, #tpu.memory_space<vmem>> -> memref<128xi32, #tpu.memory_space<vmem>>
      %dma_start3A_1022 = arith.constant 0 : i32
      %dma_start3A_1023 = arith.constant 0 : i32
      %dma_start3A_1024 = tpu.memref_slice %arg2[%dma_start3A_1022, %dma_start3A_1023] : memref<10112x16xf32, #tpu.memory_space<hbm>> -> memref<10112x16xf32, #tpu.memory_space<hbm>>
      %dma_start3A_1025 = tpu.memref_slice %arg11[%dma_start3A_1014] : memref<10x!tpu.dma_semaphore, #tpu.memory_space<semaphore_mem>> -> memref<1x!tpu.dma_semaphore, #tpu.memory_space<semaphore_mem>>
      %dma_start3A_1026 = tpu.memref_squeeze %dma_start3A_1025 : memref<1x!tpu.dma_semaphore, #tpu.memory_space<semaphore_mem>> -> memref<!tpu.dma_semaphore, #tpu.memory_space<semaphore_mem>>
      tpu.enqueue_indirect_dma source(%dma_start3A_1024 : memref<10112x16xf32, #tpu.memory_space<hbm>>) target(%dma_start3A_1018 : memref<128x16xf32, #tpu.memory_space<vmem>>) offsets(%dma_start3A_1021 : memref<128xi32, #tpu.memory_space<vmem>>) semaphore(%dma_start3A_1026 : memref<!tpu.dma_semaphore, #tpu.memory_space<semaphore_mem>>)
      %dma_wait3A_1027 = arith.constant 3 : i32
      %dma_wait3A_1028 = arith.constant 0 : i32
      %dma_wait3A_1029 = arith.constant 3 : i32
      %dma_wait3A_1030 = arith.constant 0 : i32
      %dma_wait3A_1031 = arith.constant 0 : i32
      %dma_wait3A_1032 = tpu.memref_slice %arg8[%dma_wait3A_1027, %dma_wait3A_1030, %dma_wait3A_1031] : memref<10x128x16xf32, #tpu.memory_space<vmem>> -> memref<1x128x16xf32, #tpu.memory_space<vmem>>
      %dma_wait3A_1033 = tpu.memref_squeeze %dma_wait3A_1032 : memref<1x128x16xf32, #tpu.memory_space<vmem>> -> memref<128x16xf32, #tpu.memory_space<vmem>>
      %dma_wait3A_1034 = arith.constant 0 : i32
      %dma_wait3A_1035 = tpu.memref_slice %arg7[%dma_wait3A_1028, %dma_wait3A_1034] : memref<80x128xi32, #tpu.memory_space<vmem>> -> memref<1x128xi32, #tpu.memory_space<vmem>>
      %dma_wait3A_1036 = tpu.memref_squeeze %dma_wait3A_1035 : memref<1x128xi32, #tpu.memory_space<vmem>> -> memref<128xi32, #tpu.memory_space<vmem>>
      %dma_wait3A_1037 = arith.constant 0 : i32
      %dma_wait3A_1038 = arith.constant 0 : i32
      %dma_wait3A_1039 = tpu.memref_slice %arg10[%dma_wait3A_1037, %dma_wait3A_1038] : memref<10112x16xf32, #tpu.memory_space<vmem_shared>> -> memref<10112x16xf32, #tpu.memory_space<vmem_shared>>
      %dma_wait3A_1040 = tpu.memref_slice %arg12[%dma_wait3A_1029] : memref<10x!tpu.dma_semaphore, #tpu.memory_space<semaphore_mem>> -> memref<1x!tpu.dma_semaphore, #tpu.memory_space<semaphore_mem>>
      %dma_wait3A_1041 = tpu.memref_squeeze %dma_wait3A_1040 : memref<1x!tpu.dma_semaphore, #tpu.memory_space<semaphore_mem>> -> memref<!tpu.dma_semaphore, #tpu.memory_space<semaphore_mem>>
      tpu.wait_indirect_dma semaphore(%dma_wait3A_1041 : memref<!tpu.dma_semaphore, #tpu.memory_space<semaphore_mem>>) src(%dma_wait3A_1033 : memref<128x16xf32, #tpu.memory_space<vmem>>) dst(%dma_wait3A_1039 : memref<10112x16xf32, #tpu.memory_space<vmem_shared>>)
      %add3A_1042 = arith.constant 10 : i32
      %add3A_1043 = arith.addi %add3A_617, %add3A_1042 : i32
      %add3A_1044 = arith.constant 3 : i32
      %add3A_1045 = arith.addi %add3A_1043, %add3A_1044 : i32
      %dma_start3A_1046 = arith.constant 3 : i32
      %dma_start3A_1047 = arith.constant 3 : i32
      %dma_start3A_1048 = arith.constant 0 : i32
      %dma_start3A_1049 = arith.constant 0 : i32
      %dma_start3A_1050 = tpu.memref_slice %arg8[%dma_start3A_1046, %dma_start3A_1048, %dma_start3A_1049] : memref<10x128x16xf32, #tpu.memory_space<vmem>> -> memref<1x128x16xf32, #tpu.memory_space<vmem>>
      %dma_start3A_1051 = tpu.memref_squeeze %dma_start3A_1050 : memref<1x128x16xf32, #tpu.memory_space<vmem>> -> memref<128x16xf32, #tpu.memory_space<vmem>>
      %dma_start3A_1052 = arith.constant 0 : i32
      %dma_start3A_1053 = tpu.memref_slice %arg6[%add3A_1045, %dma_start3A_1052] : memref<80x128xi32, #tpu.memory_space<vmem>> -> memref<1x128xi32, #tpu.memory_space<vmem>>
      %dma_start3A_1054 = tpu.memref_squeeze %dma_start3A_1053 : memref<1x128xi32, #tpu.memory_space<vmem>> -> memref<128xi32, #tpu.memory_space<vmem>>
      %dma_start3A_1055 = arith.constant 0 : i32
      %dma_start3A_1056 = arith.constant 0 : i32
      %dma_start3A_1057 = tpu.memref_slice %arg2[%dma_start3A_1055, %dma_start3A_1056] : memref<10112x16xf32, #tpu.memory_space<hbm>> -> memref<10112x16xf32, #tpu.memory_space<hbm>>
      %dma_start3A_1058 = tpu.memref_slice %arg11[%dma_start3A_1047] : memref<10x!tpu.dma_semaphore, #tpu.memory_space<semaphore_mem>> -> memref<1x!tpu.dma_semaphore, #tpu.memory_space<semaphore_mem>>
      %dma_start3A_1059 = tpu.memref_squeeze %dma_start3A_1058 : memref<1x!tpu.dma_semaphore, #tpu.memory_space<semaphore_mem>> -> memref<!tpu.dma_semaphore, #tpu.memory_space<semaphore_mem>>
      tpu.enqueue_indirect_dma source(%dma_start3A_1057 : memref<10112x16xf32, #tpu.memory_space<hbm>>) target(%dma_start3A_1051 : memref<128x16xf32, #tpu.memory_space<vmem>>) offsets(%dma_start3A_1054 : memref<128xi32, #tpu.memory_space<vmem>>) semaphore(%dma_start3A_1059 : memref<!tpu.dma_semaphore, #tpu.memory_space<semaphore_mem>>)
      %dma_wait3A_1060 = arith.constant 4 : i32
      %dma_wait3A_1061 = arith.constant 0 : i32
      %dma_wait3A_1062 = arith.constant 4 : i32
      %dma_wait3A_1063 = arith.constant 0 : i32
      %dma_wait3A_1064 = arith.constant 0 : i32
      %dma_wait3A_1065 = tpu.memref_slice %arg8[%dma_wait3A_1060, %dma_wait3A_1063, %dma_wait3A_1064] : memref<10x128x16xf32, #tpu.memory_space<vmem>> -> memref<1x128x16xf32, #tpu.memory_space<vmem>>
      %dma_wait3A_1066 = tpu.memref_squeeze %dma_wait3A_1065 : memref<1x128x16xf32, #tpu.memory_space<vmem>> -> memref<128x16xf32, #tpu.memory_space<vmem>>
      %dma_wait3A_1067 = arith.constant 0 : i32
      %dma_wait3A_1068 = tpu.memref_slice %arg7[%dma_wait3A_1061, %dma_wait3A_1067] : memref<80x128xi32, #tpu.memory_space<vmem>> -> memref<1x128xi32, #tpu.memory_space<vmem>>
      %dma_wait3A_1069 = tpu.memref_squeeze %dma_wait3A_1068 : memref<1x128xi32, #tpu.memory_space<vmem>> -> memref<128xi32, #tpu.memory_space<vmem>>
      %dma_wait3A_1070 = arith.constant 0 : i32
      %dma_wait3A_1071 = arith.constant 0 : i32
      %dma_wait3A_1072 = tpu.memref_slice %arg10[%dma_wait3A_1070, %dma_wait3A_1071] : memref<10112x16xf32, #tpu.memory_space<vmem_shared>> -> memref<10112x16xf32, #tpu.memory_space<vmem_shared>>
      %dma_wait3A_1073 = tpu.memref_slice %arg12[%dma_wait3A_1062] : memref<10x!tpu.dma_semaphore, #tpu.memory_space<semaphore_mem>> -> memref<1x!tpu.dma_semaphore, #tpu.memory_space<semaphore_mem>>
      %dma_wait3A_1074 = tpu.memref_squeeze %dma_wait3A_1073 : memref<1x!tpu.dma_semaphore, #tpu.memory_space<semaphore_mem>> -> memref<!tpu.dma_semaphore, #tpu.memory_space<semaphore_mem>>
      tpu.wait_indirect_dma semaphore(%dma_wait3A_1074 : memref<!tpu.dma_semaphore, #tpu.memory_space<semaphore_mem>>) src(%dma_wait3A_1066 : memref<128x16xf32, #tpu.memory_space<vmem>>) dst(%dma_wait3A_1072 : memref<10112x16xf32, #tpu.memory_space<vmem_shared>>)
      %add3A_1075 = arith.constant 10 : i32
      %add3A_1076 = arith.addi %add3A_617, %add3A_1075 : i32
      %add3A_1077 = arith.constant 4 : i32
      %add3A_1078 = arith.addi %add3A_1076, %add3A_1077 : i32
      %dma_start3A_1079 = arith.constant 4 : i32
      %dma_start3A_1080 = arith.constant 4 : i32
      %dma_start3A_1081 = arith.constant 0 : i32
      %dma_start3A_1082 = arith.constant 0 : i32
      %dma_start3A_1083 = tpu.memref_slice %arg8[%dma_start3A_1079, %dma_start3A_1081, %dma_start3A_1082] : memref<10x128x16xf32, #tpu.memory_space<vmem>> -> memref<1x128x16xf32, #tpu.memory_space<vmem>>
      %dma_start3A_1084 = tpu.memref_squeeze %dma_start3A_1083 : memref<1x128x16xf32, #tpu.memory_space<vmem>> -> memref<128x16xf32, #tpu.memory_space<vmem>>
      %dma_start3A_1085 = arith.constant 0 : i32
      %dma_start3A_1086 = tpu.memref_slice %arg6[%add3A_1078, %dma_start3A_1085] : memref<80x128xi32, #tpu.memory_space<vmem>> -> memref<1x128xi32, #tpu.memory_space<vmem>>
      %dma_start3A_1087 = tpu.memref_squeeze %dma_start3A_1086 : memref<1x128xi32, #tpu.memory_space<vmem>> -> memref<128xi32, #tpu.memory_space<vmem>>
      %dma_start3A_1088 = arith.constant 0 : i32
      %dma_start3A_1089 = arith.constant 0 : i32
      %dma_start3A_1090 = tpu.memref_slice %arg2[%dma_start3A_1088, %dma_start3A_1089] : memref<10112x16xf32, #tpu.memory_space<hbm>> -> memref<10112x16xf32, #tpu.memory_space<hbm>>
      %dma_start3A_1091 = tpu.memref_slice %arg11[%dma_start3A_1080] : memref<10x!tpu.dma_semaphore, #tpu.memory_space<semaphore_mem>> -> memref<1x!tpu.dma_semaphore, #tpu.memory_space<semaphore_mem>>
      %dma_start3A_1092 = tpu.memref_squeeze %dma_start3A_1091 : memref<1x!tpu.dma_semaphore, #tpu.memory_space<semaphore_mem>> -> memref<!tpu.dma_semaphore, #tpu.memory_space<semaphore_mem>>
      tpu.enqueue_indirect_dma source(%dma_start3A_1090 : memref<10112x16xf32, #tpu.memory_space<hbm>>) target(%dma_start3A_1084 : memref<128x16xf32, #tpu.memory_space<vmem>>) offsets(%dma_start3A_1087 : memref<128xi32, #tpu.memory_space<vmem>>) semaphore(%dma_start3A_1092 : memref<!tpu.dma_semaphore, #tpu.memory_space<semaphore_mem>>)
      %dma_wait3A_1093 = arith.constant 5 : i32
      %dma_wait3A_1094 = arith.constant 0 : i32
      %dma_wait3A_1095 = arith.constant 5 : i32
      %dma_wait3A_1096 = arith.constant 0 : i32
      %dma_wait3A_1097 = arith.constant 0 : i32
      %dma_wait3A_1098 = tpu.memref_slice %arg8[%dma_wait3A_1093, %dma_wait3A_1096, %dma_wait3A_1097] : memref<10x128x16xf32, #tpu.memory_space<vmem>> -> memref<1x128x16xf32, #tpu.memory_space<vmem>>
      %dma_wait3A_1099 = tpu.memref_squeeze %dma_wait3A_1098 : memref<1x128x16xf32, #tpu.memory_space<vmem>> -> memref<128x16xf32, #tpu.memory_space<vmem>>
      %dma_wait3A_1100 = arith.constant 0 : i32
      %dma_wait3A_1101 = tpu.memref_slice %arg7[%dma_wait3A_1094, %dma_wait3A_1100] : memref<80x128xi32, #tpu.memory_space<vmem>> -> memref<1x128xi32, #tpu.memory_space<vmem>>
      %dma_wait3A_1102 = tpu.memref_squeeze %dma_wait3A_1101 : memref<1x128xi32, #tpu.memory_space<vmem>> -> memref<128xi32, #tpu.memory_space<vmem>>
      %dma_wait3A_1103 = arith.constant 0 : i32
      %dma_wait3A_1104 = arith.constant 0 : i32
      %dma_wait3A_1105 = tpu.memref_slice %arg10[%dma_wait3A_1103, %dma_wait3A_1104] : memref<10112x16xf32, #tpu.memory_space<vmem_shared>> -> memref<10112x16xf32, #tpu.memory_space<vmem_shared>>
      %dma_wait3A_1106 = tpu.memref_slice %arg12[%dma_wait3A_1095] : memref<10x!tpu.dma_semaphore, #tpu.memory_space<semaphore_mem>> -> memref<1x!tpu.dma_semaphore, #tpu.memory_space<semaphore_mem>>
      %dma_wait3A_1107 = tpu.memref_squeeze %dma_wait3A_1106 : memref<1x!tpu.dma_semaphore, #tpu.memory_space<semaphore_mem>> -> memref<!tpu.dma_semaphore, #tpu.memory_space<semaphore_mem>>
      tpu.wait_indirect_dma semaphore(%dma_wait3A_1107 : memref<!tpu.dma_semaphore, #tpu.memory_space<semaphore_mem>>) src(%dma_wait3A_1099 : memref<128x16xf32, #tpu.memory_space<vmem>>) dst(%dma_wait3A_1105 : memref<10112x16xf32, #tpu.memory_space<vmem_shared>>)
      %add3A_1108 = arith.constant 10 : i32
      %add3A_1109 = arith.addi %add3A_617, %add3A_1108 : i32
      %add3A_1110 = arith.constant 5 : i32
      %add3A_1111 = arith.addi %add3A_1109, %add3A_1110 : i32
      %dma_start3A_1112 = arith.constant 5 : i32
      %dma_start3A_1113 = arith.constant 5 : i32
      %dma_start3A_1114 = arith.constant 0 : i32
      %dma_start3A_1115 = arith.constant 0 : i32
      %dma_start3A_1116 = tpu.memref_slice %arg8[%dma_start3A_1112, %dma_start3A_1114, %dma_start3A_1115] : memref<10x128x16xf32, #tpu.memory_space<vmem>> -> memref<1x128x16xf32, #tpu.memory_space<vmem>>
      %dma_start3A_1117 = tpu.memref_squeeze %dma_start3A_1116 : memref<1x128x16xf32, #tpu.memory_space<vmem>> -> memref<128x16xf32, #tpu.memory_space<vmem>>
      %dma_start3A_1118 = arith.constant 0 : i32
      %dma_start3A_1119 = tpu.memref_slice %arg6[%add3A_1111, %dma_start3A_1118] : memref<80x128xi32, #tpu.memory_space<vmem>> -> memref<1x128xi32, #tpu.memory_space<vmem>>
      %dma_start3A_1120 = tpu.memref_squeeze %dma_start3A_1119 : memref<1x128xi32, #tpu.memory_space<vmem>> -> memref<128xi32, #tpu.memory_space<vmem>>
      %dma_start3A_1121 = arith.constant 0 : i32
      %dma_start3A_1122 = arith.constant 0 : i32
      %dma_start3A_1123 = tpu.memref_slice %arg2[%dma_start3A_1121, %dma_start3A_1122] : memref<10112x16xf32, #tpu.memory_space<hbm>> -> memref<10112x16xf32, #tpu.memory_space<hbm>>
      %dma_start3A_1124 = tpu.memref_slice %arg11[%dma_start3A_1113] : memref<10x!tpu.dma_semaphore, #tpu.memory_space<semaphore_mem>> -> memref<1x!tpu.dma_semaphore, #tpu.memory_space<semaphore_mem>>
      %dma_start3A_1125 = tpu.memref_squeeze %dma_start3A_1124 : memref<1x!tpu.dma_semaphore, #tpu.memory_space<semaphore_mem>> -> memref<!tpu.dma_semaphore, #tpu.memory_space<semaphore_mem>>
      tpu.enqueue_indirect_dma source(%dma_start3A_1123 : memref<10112x16xf32, #tpu.memory_space<hbm>>) target(%dma_start3A_1117 : memref<128x16xf32, #tpu.memory_space<vmem>>) offsets(%dma_start3A_1120 : memref<128xi32, #tpu.memory_space<vmem>>) semaphore(%dma_start3A_1125 : memref<!tpu.dma_semaphore, #tpu.memory_space<semaphore_mem>>)
      %dma_wait3A_1126 = arith.constant 6 : i32
      %dma_wait3A_1127 = arith.constant 0 : i32
      %dma_wait3A_1128 = arith.constant 6 : i32
      %dma_wait3A_1129 = arith.constant 0 : i32
      %dma_wait3A_1130 = arith.constant 0 : i32
      %dma_wait3A_1131 = tpu.memref_slice %arg8[%dma_wait3A_1126, %dma_wait3A_1129, %dma_wait3A_1130] : memref<10x128x16xf32, #tpu.memory_space<vmem>> -> memref<1x128x16xf32, #tpu.memory_space<vmem>>
      %dma_wait3A_1132 = tpu.memref_squeeze %dma_wait3A_1131 : memref<1x128x16xf32, #tpu.memory_space<vmem>> -> memref<128x16xf32, #tpu.memory_space<vmem>>
      %dma_wait3A_1133 = arith.constant 0 : i32
      %dma_wait3A_1134 = tpu.memref_slice %arg7[%dma_wait3A_1127, %dma_wait3A_1133] : memref<80x128xi32, #tpu.memory_space<vmem>> -> memref<1x128xi32, #tpu.memory_space<vmem>>
      %dma_wait3A_1135 = tpu.memref_squeeze %dma_wait3A_1134 : memref<1x128xi32, #tpu.memory_space<vmem>> -> memref<128xi32, #tpu.memory_space<vmem>>
      %dma_wait3A_1136 = arith.constant 0 : i32
      %dma_wait3A_1137 = arith.constant 0 : i32
      %dma_wait3A_1138 = tpu.memref_slice %arg10[%dma_wait3A_1136, %dma_wait3A_1137] : memref<10112x16xf32, #tpu.memory_space<vmem_shared>> -> memref<10112x16xf32, #tpu.memory_space<vmem_shared>>
      %dma_wait3A_1139 = tpu.memref_slice %arg12[%dma_wait3A_1128] : memref<10x!tpu.dma_semaphore, #tpu.memory_space<semaphore_mem>> -> memref<1x!tpu.dma_semaphore, #tpu.memory_space<semaphore_mem>>
      %dma_wait3A_1140 = tpu.memref_squeeze %dma_wait3A_1139 : memref<1x!tpu.dma_semaphore, #tpu.memory_space<semaphore_mem>> -> memref<!tpu.dma_semaphore, #tpu.memory_space<semaphore_mem>>
      tpu.wait_indirect_dma semaphore(%dma_wait3A_1140 : memref<!tpu.dma_semaphore, #tpu.memory_space<semaphore_mem>>) src(%dma_wait3A_1132 : memref<128x16xf32, #tpu.memory_space<vmem>>) dst(%dma_wait3A_1138 : memref<10112x16xf32, #tpu.memory_space<vmem_shared>>)
      %add3A_1141 = arith.constant 10 : i32
      %add3A_1142 = arith.addi %add3A_617, %add3A_1141 : i32
      %add3A_1143 = arith.constant 6 : i32
      %add3A_1144 = arith.addi %add3A_1142, %add3A_1143 : i32
      %dma_start3A_1145 = arith.constant 6 : i32
      %dma_start3A_1146 = arith.constant 6 : i32
      %dma_start3A_1147 = arith.constant 0 : i32
      %dma_start3A_1148 = arith.constant 0 : i32
      %dma_start3A_1149 = tpu.memref_slice %arg8[%dma_start3A_1145, %dma_start3A_1147, %dma_start3A_1148] : memref<10x128x16xf32, #tpu.memory_space<vmem>> -> memref<1x128x16xf32, #tpu.memory_space<vmem>>
      %dma_start3A_1150 = tpu.memref_squeeze %dma_start3A_1149 : memref<1x128x16xf32, #tpu.memory_space<vmem>> -> memref<128x16xf32, #tpu.memory_space<vmem>>
      %dma_start3A_1151 = arith.constant 0 : i32
      %dma_start3A_1152 = tpu.memref_slice %arg6[%add3A_1144, %dma_start3A_1151] : memref<80x128xi32, #tpu.memory_space<vmem>> -> memref<1x128xi32, #tpu.memory_space<vmem>>
      %dma_start3A_1153 = tpu.memref_squeeze %dma_start3A_1152 : memref<1x128xi32, #tpu.memory_space<vmem>> -> memref<128xi32, #tpu.memory_space<vmem>>
      %dma_start3A_1154 = arith.constant 0 : i32
      %dma_start3A_1155 = arith.constant 0 : i32
      %dma_start3A_1156 = tpu.memref_slice %arg2[%dma_start3A_1154, %dma_start3A_1155] : memref<10112x16xf32, #tpu.memory_space<hbm>> -> memref<10112x16xf32, #tpu.memory_space<hbm>>
      %dma_start3A_1157 = tpu.memref_slice %arg11[%dma_start3A_1146] : memref<10x!tpu.dma_semaphore, #tpu.memory_space<semaphore_mem>> -> memref<1x!tpu.dma_semaphore, #tpu.memory_space<semaphore_mem>>
      %dma_start3A_1158 = tpu.memref_squeeze %dma_start3A_1157 : memref<1x!tpu.dma_semaphore, #tpu.memory_space<semaphore_mem>> -> memref<!tpu.dma_semaphore, #tpu.memory_space<semaphore_mem>>
      tpu.enqueue_indirect_dma source(%dma_start3A_1156 : memref<10112x16xf32, #tpu.memory_space<hbm>>) target(%dma_start3A_1150 : memref<128x16xf32, #tpu.memory_space<vmem>>) offsets(%dma_start3A_1153 : memref<128xi32, #tpu.memory_space<vmem>>) semaphore(%dma_start3A_1158 : memref<!tpu.dma_semaphore, #tpu.memory_space<semaphore_mem>>)
      %dma_wait3A_1159 = arith.constant 7 : i32
      %dma_wait3A_1160 = arith.constant 0 : i32
      %dma_wait3A_1161 = arith.constant 7 : i32
      %dma_wait3A_1162 = arith.constant 0 : i32
      %dma_wait3A_1163 = arith.constant 0 : i32
      %dma_wait3A_1164 = tpu.memref_slice %arg8[%dma_wait3A_1159, %dma_wait3A_1162, %dma_wait3A_1163] : memref<10x128x16xf32, #tpu.memory_space<vmem>> -> memref<1x128x16xf32, #tpu.memory_space<vmem>>
      %dma_wait3A_1165 = tpu.memref_squeeze %dma_wait3A_1164 : memref<1x128x16xf32, #tpu.memory_space<vmem>> -> memref<128x16xf32, #tpu.memory_space<vmem>>
      %dma_wait3A_1166 = arith.constant 0 : i32
      %dma_wait3A_1167 = tpu.memref_slice %arg7[%dma_wait3A_1160, %dma_wait3A_1166] : memref<80x128xi32, #tpu.memory_space<vmem>> -> memref<1x128xi32, #tpu.memory_space<vmem>>
      %dma_wait3A_1168 = tpu.memref_squeeze %dma_wait3A_1167 : memref<1x128xi32, #tpu.memory_space<vmem>> -> memref<128xi32, #tpu.memory_space<vmem>>
      %dma_wait3A_1169 = arith.constant 0 : i32
      %dma_wait3A_1170 = arith.constant 0 : i32
      %dma_wait3A_1171 = tpu.memref_slice %arg10[%dma_wait3A_1169, %dma_wait3A_1170] : memref<10112x16xf32, #tpu.memory_space<vmem_shared>> -> memref<10112x16xf32, #tpu.memory_space<vmem_shared>>
      %dma_wait3A_1172 = tpu.memref_slice %arg12[%dma_wait3A_1161] : memref<10x!tpu.dma_semaphore, #tpu.memory_space<semaphore_mem>> -> memref<1x!tpu.dma_semaphore, #tpu.memory_space<semaphore_mem>>
      %dma_wait3A_1173 = tpu.memref_squeeze %dma_wait3A_1172 : memref<1x!tpu.dma_semaphore, #tpu.memory_space<semaphore_mem>> -> memref<!tpu.dma_semaphore, #tpu.memory_space<semaphore_mem>>
      tpu.wait_indirect_dma semaphore(%dma_wait3A_1173 : memref<!tpu.dma_semaphore, #tpu.memory_space<semaphore_mem>>) src(%dma_wait3A_1165 : memref<128x16xf32, #tpu.memory_space<vmem>>) dst(%dma_wait3A_1171 : memref<10112x16xf32, #tpu.memory_space<vmem_shared>>)
      %add3A_1174 = arith.constant 10 : i32
      %add3A_1175 = arith.addi %add3A_617, %add3A_1174 : i32
      %add3A_1176 = arith.constant 7 : i32
      %add3A_1177 = arith.addi %add3A_1175, %add3A_1176 : i32
      %dma_start3A_1178 = arith.constant 7 : i32
      %dma_start3A_1179 = arith.constant 7 : i32
      %dma_start3A_1180 = arith.constant 0 : i32
      %dma_start3A_1181 = arith.constant 0 : i32
      %dma_start3A_1182 = tpu.memref_slice %arg8[%dma_start3A_1178, %dma_start3A_1180, %dma_start3A_1181] : memref<10x128x16xf32, #tpu.memory_space<vmem>> -> memref<1x128x16xf32, #tpu.memory_space<vmem>>
      %dma_start3A_1183 = tpu.memref_squeeze %dma_start3A_1182 : memref<1x128x16xf32, #tpu.memory_space<vmem>> -> memref<128x16xf32, #tpu.memory_space<vmem>>
      %dma_start3A_1184 = arith.constant 0 : i32
      %dma_start3A_1185 = tpu.memref_slice %arg6[%add3A_1177, %dma_start3A_1184] : memref<80x128xi32, #tpu.memory_space<vmem>> -> memref<1x128xi32, #tpu.memory_space<vmem>>
      %dma_start3A_1186 = tpu.memref_squeeze %dma_start3A_1185 : memref<1x128xi32, #tpu.memory_space<vmem>> -> memref<128xi32, #tpu.memory_space<vmem>>
      %dma_start3A_1187 = arith.constant 0 : i32
      %dma_start3A_1188 = arith.constant 0 : i32
      %dma_start3A_1189 = tpu.memref_slice %arg2[%dma_start3A_1187, %dma_start3A_1188] : memref<10112x16xf32, #tpu.memory_space<hbm>> -> memref<10112x16xf32, #tpu.memory_space<hbm>>
      %dma_start3A_1190 = tpu.memref_slice %arg11[%dma_start3A_1179] : memref<10x!tpu.dma_semaphore, #tpu.memory_space<semaphore_mem>> -> memref<1x!tpu.dma_semaphore, #tpu.memory_space<semaphore_mem>>
      %dma_start3A_1191 = tpu.memref_squeeze %dma_start3A_1190 : memref<1x!tpu.dma_semaphore, #tpu.memory_space<semaphore_mem>> -> memref<!tpu.dma_semaphore, #tpu.memory_space<semaphore_mem>>
      tpu.enqueue_indirect_dma source(%dma_start3A_1189 : memref<10112x16xf32, #tpu.memory_space<hbm>>) target(%dma_start3A_1183 : memref<128x16xf32, #tpu.memory_space<vmem>>) offsets(%dma_start3A_1186 : memref<128xi32, #tpu.memory_space<vmem>>) semaphore(%dma_start3A_1191 : memref<!tpu.dma_semaphore, #tpu.memory_space<semaphore_mem>>)
      %dma_wait3A_1192 = arith.constant 8 : i32
      %dma_wait3A_1193 = arith.constant 0 : i32
      %dma_wait3A_1194 = arith.constant 8 : i32
      %dma_wait3A_1195 = arith.constant 0 : i32
      %dma_wait3A_1196 = arith.constant 0 : i32
      %dma_wait3A_1197 = tpu.memref_slice %arg8[%dma_wait3A_1192, %dma_wait3A_1195, %dma_wait3A_1196] : memref<10x128x16xf32, #tpu.memory_space<vmem>> -> memref<1x128x16xf32, #tpu.memory_space<vmem>>
      %dma_wait3A_1198 = tpu.memref_squeeze %dma_wait3A_1197 : memref<1x128x16xf32, #tpu.memory_space<vmem>> -> memref<128x16xf32, #tpu.memory_space<vmem>>
      %dma_wait3A_1199 = arith.constant 0 : i32
      %dma_wait3A_1200 = tpu.memref_slice %arg7[%dma_wait3A_1193, %dma_wait3A_1199] : memref<80x128xi32, #tpu.memory_space<vmem>> -> memref<1x128xi32, #tpu.memory_space<vmem>>
      %dma_wait3A_1201 = tpu.memref_squeeze %dma_wait3A_1200 : memref<1x128xi32, #tpu.memory_space<vmem>> -> memref<128xi32, #tpu.memory_space<vmem>>
      %dma_wait3A_1202 = arith.constant 0 : i32
      %dma_wait3A_1203 = arith.constant 0 : i32
      %dma_wait3A_1204 = tpu.memref_slice %arg10[%dma_wait3A_1202, %dma_wait3A_1203] : memref<10112x16xf32, #tpu.memory_space<vmem_shared>> -> memref<10112x16xf32, #tpu.memory_space<vmem_shared>>
      %dma_wait3A_1205 = tpu.memref_slice %arg12[%dma_wait3A_1194] : memref<10x!tpu.dma_semaphore, #tpu.memory_space<semaphore_mem>> -> memref<1x!tpu.dma_semaphore, #tpu.memory_space<semaphore_mem>>
      %dma_wait3A_1206 = tpu.memref_squeeze %dma_wait3A_1205 : memref<1x!tpu.dma_semaphore, #tpu.memory_space<semaphore_mem>> -> memref<!tpu.dma_semaphore, #tpu.memory_space<semaphore_mem>>
      tpu.wait_indirect_dma semaphore(%dma_wait3A_1206 : memref<!tpu.dma_semaphore, #tpu.memory_space<semaphore_mem>>) src(%dma_wait3A_1198 : memref<128x16xf32, #tpu.memory_space<vmem>>) dst(%dma_wait3A_1204 : memref<10112x16xf32, #tpu.memory_space<vmem_shared>>)
      %add3A_1207 = arith.constant 10 : i32
      %add3A_1208 = arith.addi %add3A_617, %add3A_1207 : i32
      %add3A_1209 = arith.constant 8 : i32
      %add3A_1210 = arith.addi %add3A_1208, %add3A_1209 : i32
      %dma_start3A_1211 = arith.constant 8 : i32
      %dma_start3A_1212 = arith.constant 8 : i32
      %dma_start3A_1213 = arith.constant 0 : i32
      %dma_start3A_1214 = arith.constant 0 : i32
      %dma_start3A_1215 = tpu.memref_slice %arg8[%dma_start3A_1211, %dma_start3A_1213, %dma_start3A_1214] : memref<10x128x16xf32, #tpu.memory_space<vmem>> -> memref<1x128x16xf32, #tpu.memory_space<vmem>>
      %dma_start3A_1216 = tpu.memref_squeeze %dma_start3A_1215 : memref<1x128x16xf32, #tpu.memory_space<vmem>> -> memref<128x16xf32, #tpu.memory_space<vmem>>
      %dma_start3A_1217 = arith.constant 0 : i32
      %dma_start3A_1218 = tpu.memref_slice %arg6[%add3A_1210, %dma_start3A_1217] : memref<80x128xi32, #tpu.memory_space<vmem>> -> memref<1x128xi32, #tpu.memory_space<vmem>>
      %dma_start3A_1219 = tpu.memref_squeeze %dma_start3A_1218 : memref<1x128xi32, #tpu.memory_space<vmem>> -> memref<128xi32, #tpu.memory_space<vmem>>
      %dma_start3A_1220 = arith.constant 0 : i32
      %dma_start3A_1221 = arith.constant 0 : i32
      %dma_start3A_1222 = tpu.memref_slice %arg2[%dma_start3A_1220, %dma_start3A_1221] : memref<10112x16xf32, #tpu.memory_space<hbm>> -> memref<10112x16xf32, #tpu.memory_space<hbm>>
      %dma_start3A_1223 = tpu.memref_slice %arg11[%dma_start3A_1212] : memref<10x!tpu.dma_semaphore, #tpu.memory_space<semaphore_mem>> -> memref<1x!tpu.dma_semaphore, #tpu.memory_space<semaphore_mem>>
      %dma_start3A_1224 = tpu.memref_squeeze %dma_start3A_1223 : memref<1x!tpu.dma_semaphore, #tpu.memory_space<semaphore_mem>> -> memref<!tpu.dma_semaphore, #tpu.memory_space<semaphore_mem>>
      tpu.enqueue_indirect_dma source(%dma_start3A_1222 : memref<10112x16xf32, #tpu.memory_space<hbm>>) target(%dma_start3A_1216 : memref<128x16xf32, #tpu.memory_space<vmem>>) offsets(%dma_start3A_1219 : memref<128xi32, #tpu.memory_space<vmem>>) semaphore(%dma_start3A_1224 : memref<!tpu.dma_semaphore, #tpu.memory_space<semaphore_mem>>)
      %dma_wait3A_1225 = arith.constant 9 : i32
      %dma_wait3A_1226 = arith.constant 0 : i32
      %dma_wait3A_1227 = arith.constant 9 : i32
      %dma_wait3A_1228 = arith.constant 0 : i32
      %dma_wait3A_1229 = arith.constant 0 : i32
      %dma_wait3A_1230 = tpu.memref_slice %arg8[%dma_wait3A_1225, %dma_wait3A_1228, %dma_wait3A_1229] : memref<10x128x16xf32, #tpu.memory_space<vmem>> -> memref<1x128x16xf32, #tpu.memory_space<vmem>>
      %dma_wait3A_1231 = tpu.memref_squeeze %dma_wait3A_1230 : memref<1x128x16xf32, #tpu.memory_space<vmem>> -> memref<128x16xf32, #tpu.memory_space<vmem>>
      %dma_wait3A_1232 = arith.constant 0 : i32
      %dma_wait3A_1233 = tpu.memref_slice %arg7[%dma_wait3A_1226, %dma_wait3A_1232] : memref<80x128xi32, #tpu.memory_space<vmem>> -> memref<1x128xi32, #tpu.memory_space<vmem>>
      %dma_wait3A_1234 = tpu.memref_squeeze %dma_wait3A_1233 : memref<1x128xi32, #tpu.memory_space<vmem>> -> memref<128xi32, #tpu.memory_space<vmem>>
      %dma_wait3A_1235 = arith.constant 0 : i32
      %dma_wait3A_1236 = arith.constant 0 : i32
      %dma_wait3A_1237 = tpu.memref_slice %arg10[%dma_wait3A_1235, %dma_wait3A_1236] : memref<10112x16xf32, #tpu.memory_space<vmem_shared>> -> memref<10112x16xf32, #tpu.memory_space<vmem_shared>>
      %dma_wait3A_1238 = tpu.memref_slice %arg12[%dma_wait3A_1227] : memref<10x!tpu.dma_semaphore, #tpu.memory_space<semaphore_mem>> -> memref<1x!tpu.dma_semaphore, #tpu.memory_space<semaphore_mem>>
      %dma_wait3A_1239 = tpu.memref_squeeze %dma_wait3A_1238 : memref<1x!tpu.dma_semaphore, #tpu.memory_space<semaphore_mem>> -> memref<!tpu.dma_semaphore, #tpu.memory_space<semaphore_mem>>
      tpu.wait_indirect_dma semaphore(%dma_wait3A_1239 : memref<!tpu.dma_semaphore, #tpu.memory_space<semaphore_mem>>) src(%dma_wait3A_1231 : memref<128x16xf32, #tpu.memory_space<vmem>>) dst(%dma_wait3A_1237 : memref<10112x16xf32, #tpu.memory_space<vmem_shared>>)
      %add3A_1240 = arith.constant 10 : i32
      %add3A_1241 = arith.addi %add3A_617, %add3A_1240 : i32
      %add3A_1242 = arith.constant 9 : i32
      %add3A_1243 = arith.addi %add3A_1241, %add3A_1242 : i32
      %dma_start3A_1244 = arith.constant 9 : i32
      %dma_start3A_1245 = arith.constant 9 : i32
      %dma_start3A_1246 = arith.constant 0 : i32
      %dma_start3A_1247 = arith.constant 0 : i32
      %dma_start3A_1248 = tpu.memref_slice %arg8[%dma_start3A_1244, %dma_start3A_1246, %dma_start3A_1247] : memref<10x128x16xf32, #tpu.memory_space<vmem>> -> memref<1x128x16xf32, #tpu.memory_space<vmem>>
      %dma_start3A_1249 = tpu.memref_squeeze %dma_start3A_1248 : memref<1x128x16xf32, #tpu.memory_space<vmem>> -> memref<128x16xf32, #tpu.memory_space<vmem>>
      %dma_start3A_1250 = arith.constant 0 : i32
      %dma_start3A_1251 = tpu.memref_slice %arg6[%add3A_1243, %dma_start3A_1250] : memref<80x128xi32, #tpu.memory_space<vmem>> -> memref<1x128xi32, #tpu.memory_space<vmem>>
      %dma_start3A_1252 = tpu.memref_squeeze %dma_start3A_1251 : memref<1x128xi32, #tpu.memory_space<vmem>> -> memref<128xi32, #tpu.memory_space<vmem>>
      %dma_start3A_1253 = arith.constant 0 : i32
      %dma_start3A_1254 = arith.constant 0 : i32
      %dma_start3A_1255 = tpu.memref_slice %arg2[%dma_start3A_1253, %dma_start3A_1254] : memref<10112x16xf32, #tpu.memory_space<hbm>> -> memref<10112x16xf32, #tpu.memory_space<hbm>>
      %dma_start3A_1256 = tpu.memref_slice %arg11[%dma_start3A_1245] : memref<10x!tpu.dma_semaphore, #tpu.memory_space<semaphore_mem>> -> memref<1x!tpu.dma_semaphore, #tpu.memory_space<semaphore_mem>>
      %dma_start3A_1257 = tpu.memref_squeeze %dma_start3A_1256 : memref<1x!tpu.dma_semaphore, #tpu.memory_space<semaphore_mem>> -> memref<!tpu.dma_semaphore, #tpu.memory_space<semaphore_mem>>
      tpu.enqueue_indirect_dma source(%dma_start3A_1255 : memref<10112x16xf32, #tpu.memory_space<hbm>>) target(%dma_start3A_1249 : memref<128x16xf32, #tpu.memory_space<vmem>>) offsets(%dma_start3A_1252 : memref<128xi32, #tpu.memory_space<vmem>>) semaphore(%dma_start3A_1257 : memref<!tpu.dma_semaphore, #tpu.memory_space<semaphore_mem>>)
    }
    %scan3A_158 = arith.constant 7 : i32
    %dma_wait3A = arith.constant 0 : i32
    %dma_wait3A_159 = arith.constant 0 : i32
    %dma_wait3A_160 = arith.constant 0 : i32
    %dma_wait3A_161 = arith.constant 0 : i32
    %dma_wait3A_162 = arith.constant 0 : i32
    %dma_wait3A_163 = tpu.memref_slice %arg8[%dma_wait3A_159, %dma_wait3A_161, %dma_wait3A_162] : memref<10x128x16xf32, #tpu.memory_space<vmem>> -> memref<1x128x16xf32, #tpu.memory_space<vmem>>
    %dma_wait3A_164 = tpu.memref_squeeze %dma_wait3A_163 : memref<1x128x16xf32, #tpu.memory_space<vmem>> -> memref<128x16xf32, #tpu.memory_space<vmem>>
    %dma_wait3A_165 = arith.constant 0 : i32
    %dma_wait3A_166 = tpu.memref_slice %arg6[%dma_wait3A, %dma_wait3A_165] : memref<80x128xi32, #tpu.memory_space<vmem>> -> memref<1x128xi32, #tpu.memory_space<vmem>>
    %dma_wait3A_167 = tpu.memref_squeeze %dma_wait3A_166 : memref<1x128xi32, #tpu.memory_space<vmem>> -> memref<128xi32, #tpu.memory_space<vmem>>
    %dma_wait3A_168 = arith.constant 0 : i32
    %dma_wait3A_169 = arith.constant 0 : i32
    %dma_wait3A_170 = tpu.memref_slice %arg2[%dma_wait3A_168, %dma_wait3A_169] : memref<10112x16xf32, #tpu.memory_space<hbm>> -> memref<10112x16xf32, #tpu.memory_space<hbm>>
    %dma_wait3A_171 = tpu.memref_slice %arg11[%dma_wait3A_160] : memref<10x!tpu.dma_semaphore, #tpu.memory_space<semaphore_mem>> -> memref<1x!tpu.dma_semaphore, #tpu.memory_space<semaphore_mem>>
    %dma_wait3A_172 = tpu.memref_squeeze %dma_wait3A_171 : memref<1x!tpu.dma_semaphore, #tpu.memory_space<semaphore_mem>> -> memref<!tpu.dma_semaphore, #tpu.memory_space<semaphore_mem>>
    tpu.wait_indirect_dma semaphore(%dma_wait3A_172 : memref<!tpu.dma_semaphore, #tpu.memory_space<semaphore_mem>>) src(%dma_wait3A_170 : memref<10112x16xf32, #tpu.memory_space<hbm>>) dst(%dma_wait3A_164 : memref<128x16xf32, #tpu.memory_space<vmem>>)
    %dma_start3A_173 = arith.constant 0 : i32
    %dma_start3A_174 = arith.constant 70 : i32
    %dma_start3A_175 = arith.constant 0 : i32
    %dma_start3A_176 = arith.constant 0 : i32
    %dma_start3A_177 = arith.constant 0 : i32
    %dma_start3A_178 = tpu.memref_slice %arg8[%dma_start3A_173, %dma_start3A_176, %dma_start3A_177] : memref<10x128x16xf32, #tpu.memory_space<vmem>> -> memref<1x128x16xf32, #tpu.memory_space<vmem>>
    %dma_start3A_179 = tpu.memref_squeeze %dma_start3A_178 : memref<1x128x16xf32, #tpu.memory_space<vmem>> -> memref<128x16xf32, #tpu.memory_space<vmem>>
    %dma_start3A_180 = arith.constant 0 : i32
    %dma_start3A_181 = tpu.memref_slice %arg7[%dma_start3A_174, %dma_start3A_180] : memref<80x128xi32, #tpu.memory_space<vmem>> -> memref<1x128xi32, #tpu.memory_space<vmem>>
    %dma_start3A_182 = tpu.memref_squeeze %dma_start3A_181 : memref<1x128xi32, #tpu.memory_space<vmem>> -> memref<128xi32, #tpu.memory_space<vmem>>
    %dma_start3A_183 = arith.constant 0 : i32
    %dma_start3A_184 = arith.constant 0 : i32
    %dma_start3A_185 = tpu.memref_slice %arg10[%dma_start3A_183, %dma_start3A_184] : memref<10112x16xf32, #tpu.memory_space<vmem_shared>> -> memref<10112x16xf32, #tpu.memory_space<vmem_shared>>
    %dma_start3A_186 = tpu.memref_slice %arg12[%dma_start3A_175] : memref<10x!tpu.dma_semaphore, #tpu.memory_space<semaphore_mem>> -> memref<1x!tpu.dma_semaphore, #tpu.memory_space<semaphore_mem>>
    %dma_start3A_187 = tpu.memref_squeeze %dma_start3A_186 : memref<1x!tpu.dma_semaphore, #tpu.memory_space<semaphore_mem>> -> memref<!tpu.dma_semaphore, #tpu.memory_space<semaphore_mem>>
    tpu.enqueue_indirect_dma source(%dma_start3A_179 : memref<128x16xf32, #tpu.memory_space<vmem>>) target(%dma_start3A_185 : memref<10112x16xf32, #tpu.memory_space<vmem_shared>>) offsets(%dma_start3A_182 : memref<128xi32, #tpu.memory_space<vmem>>) semaphore(%dma_start3A_187 : memref<!tpu.dma_semaphore, #tpu.memory_space<semaphore_mem>>) {add = true}
    %dma_wait3A_188 = arith.constant 0 : i32
    %dma_wait3A_189 = arith.constant 1 : i32
    %dma_wait3A_190 = arith.constant 1 : i32
    %dma_wait3A_191 = arith.constant 0 : i32
    %dma_wait3A_192 = arith.constant 0 : i32
    %dma_wait3A_193 = tpu.memref_slice %arg8[%dma_wait3A_189, %dma_wait3A_191, %dma_wait3A_192] : memref<10x128x16xf32, #tpu.memory_space<vmem>> -> memref<1x128x16xf32, #tpu.memory_space<vmem>>
    %dma_wait3A_194 = tpu.memref_squeeze %dma_wait3A_193 : memref<1x128x16xf32, #tpu.memory_space<vmem>> -> memref<128x16xf32, #tpu.memory_space<vmem>>
    %dma_wait3A_195 = arith.constant 0 : i32
    %dma_wait3A_196 = tpu.memref_slice %arg6[%dma_wait3A_188, %dma_wait3A_195] : memref<80x128xi32, #tpu.memory_space<vmem>> -> memref<1x128xi32, #tpu.memory_space<vmem>>
    %dma_wait3A_197 = tpu.memref_squeeze %dma_wait3A_196 : memref<1x128xi32, #tpu.memory_space<vmem>> -> memref<128xi32, #tpu.memory_space<vmem>>
    %dma_wait3A_198 = arith.constant 0 : i32
    %dma_wait3A_199 = arith.constant 0 : i32
    %dma_wait3A_200 = tpu.memref_slice %arg2[%dma_wait3A_198, %dma_wait3A_199] : memref<10112x16xf32, #tpu.memory_space<hbm>> -> memref<10112x16xf32, #tpu.memory_space<hbm>>
    %dma_wait3A_201 = tpu.memref_slice %arg11[%dma_wait3A_190] : memref<10x!tpu.dma_semaphore, #tpu.memory_space<semaphore_mem>> -> memref<1x!tpu.dma_semaphore, #tpu.memory_space<semaphore_mem>>
    %dma_wait3A_202 = tpu.memref_squeeze %dma_wait3A_201 : memref<1x!tpu.dma_semaphore, #tpu.memory_space<semaphore_mem>> -> memref<!tpu.dma_semaphore, #tpu.memory_space<semaphore_mem>>
    tpu.wait_indirect_dma semaphore(%dma_wait3A_202 : memref<!tpu.dma_semaphore, #tpu.memory_space<semaphore_mem>>) src(%dma_wait3A_200 : memref<10112x16xf32, #tpu.memory_space<hbm>>) dst(%dma_wait3A_194 : memref<128x16xf32, #tpu.memory_space<vmem>>)
    %dma_start3A_203 = arith.constant 1 : i32
    %dma_start3A_204 = arith.constant 71 : i32
    %dma_start3A_205 = arith.constant 1 : i32
    %dma_start3A_206 = arith.constant 0 : i32
    %dma_start3A_207 = arith.constant 0 : i32
    %dma_start3A_208 = tpu.memref_slice %arg8[%dma_start3A_203, %dma_start3A_206, %dma_start3A_207] : memref<10x128x16xf32, #tpu.memory_space<vmem>> -> memref<1x128x16xf32, #tpu.memory_space<vmem>>
    %dma_start3A_209 = tpu.memref_squeeze %dma_start3A_208 : memref<1x128x16xf32, #tpu.memory_space<vmem>> -> memref<128x16xf32, #tpu.memory_space<vmem>>
    %dma_start3A_210 = arith.constant 0 : i32
    %dma_start3A_211 = tpu.memref_slice %arg7[%dma_start3A_204, %dma_start3A_210] : memref<80x128xi32, #tpu.memory_space<vmem>> -> memref<1x128xi32, #tpu.memory_space<vmem>>
    %dma_start3A_212 = tpu.memref_squeeze %dma_start3A_211 : memref<1x128xi32, #tpu.memory_space<vmem>> -> memref<128xi32, #tpu.memory_space<vmem>>
    %dma_start3A_213 = arith.constant 0 : i32
    %dma_start3A_214 = arith.constant 0 : i32
    %dma_start3A_215 = tpu.memref_slice %arg10[%dma_start3A_213, %dma_start3A_214] : memref<10112x16xf32, #tpu.memory_space<vmem_shared>> -> memref<10112x16xf32, #tpu.memory_space<vmem_shared>>
    %dma_start3A_216 = tpu.memref_slice %arg12[%dma_start3A_205] : memref<10x!tpu.dma_semaphore, #tpu.memory_space<semaphore_mem>> -> memref<1x!tpu.dma_semaphore, #tpu.memory_space<semaphore_mem>>
    %dma_start3A_217 = tpu.memref_squeeze %dma_start3A_216 : memref<1x!tpu.dma_semaphore, #tpu.memory_space<semaphore_mem>> -> memref<!tpu.dma_semaphore, #tpu.memory_space<semaphore_mem>>
    tpu.enqueue_indirect_dma source(%dma_start3A_209 : memref<128x16xf32, #tpu.memory_space<vmem>>) target(%dma_start3A_215 : memref<10112x16xf32, #tpu.memory_space<vmem_shared>>) offsets(%dma_start3A_212 : memref<128xi32, #tpu.memory_space<vmem>>) semaphore(%dma_start3A_217 : memref<!tpu.dma_semaphore, #tpu.memory_space<semaphore_mem>>) {add = true}
    %dma_wait3A_218 = arith.constant 0 : i32
    %dma_wait3A_219 = arith.constant 2 : i32
    %dma_wait3A_220 = arith.constant 2 : i32
    %dma_wait3A_221 = arith.constant 0 : i32
    %dma_wait3A_222 = arith.constant 0 : i32
    %dma_wait3A_223 = tpu.memref_slice %arg8[%dma_wait3A_219, %dma_wait3A_221, %dma_wait3A_222] : memref<10x128x16xf32, #tpu.memory_space<vmem>> -> memref<1x128x16xf32, #tpu.memory_space<vmem>>
    %dma_wait3A_224 = tpu.memref_squeeze %dma_wait3A_223 : memref<1x128x16xf32, #tpu.memory_space<vmem>> -> memref<128x16xf32, #tpu.memory_space<vmem>>
    %dma_wait3A_225 = arith.constant 0 : i32
    %dma_wait3A_226 = tpu.memref_slice %arg6[%dma_wait3A_218, %dma_wait3A_225] : memref<80x128xi32, #tpu.memory_space<vmem>> -> memref<1x128xi32, #tpu.memory_space<vmem>>
    %dma_wait3A_227 = tpu.memref_squeeze %dma_wait3A_226 : memref<1x128xi32, #tpu.memory_space<vmem>> -> memref<128xi32, #tpu.memory_space<vmem>>
    %dma_wait3A_228 = arith.constant 0 : i32
    %dma_wait3A_229 = arith.constant 0 : i32
    %dma_wait3A_230 = tpu.memref_slice %arg2[%dma_wait3A_228, %dma_wait3A_229] : memref<10112x16xf32, #tpu.memory_space<hbm>> -> memref<10112x16xf32, #tpu.memory_space<hbm>>
    %dma_wait3A_231 = tpu.memref_slice %arg11[%dma_wait3A_220] : memref<10x!tpu.dma_semaphore, #tpu.memory_space<semaphore_mem>> -> memref<1x!tpu.dma_semaphore, #tpu.memory_space<semaphore_mem>>
    %dma_wait3A_232 = tpu.memref_squeeze %dma_wait3A_231 : memref<1x!tpu.dma_semaphore, #tpu.memory_space<semaphore_mem>> -> memref<!tpu.dma_semaphore, #tpu.memory_space<semaphore_mem>>
    tpu.wait_indirect_dma semaphore(%dma_wait3A_232 : memref<!tpu.dma_semaphore, #tpu.memory_space<semaphore_mem>>) src(%dma_wait3A_230 : memref<10112x16xf32, #tpu.memory_space<hbm>>) dst(%dma_wait3A_224 : memref<128x16xf32, #tpu.memory_space<vmem>>)
    %dma_start3A_233 = arith.constant 2 : i32
    %dma_start3A_234 = arith.constant 72 : i32
    %dma_start3A_235 = arith.constant 2 : i32
    %dma_start3A_236 = arith.constant 0 : i32
    %dma_start3A_237 = arith.constant 0 : i32
    %dma_start3A_238 = tpu.memref_slice %arg8[%dma_start3A_233, %dma_start3A_236, %dma_start3A_237] : memref<10x128x16xf32, #tpu.memory_space<vmem>> -> memref<1x128x16xf32, #tpu.memory_space<vmem>>
    %dma_start3A_239 = tpu.memref_squeeze %dma_start3A_238 : memref<1x128x16xf32, #tpu.memory_space<vmem>> -> memref<128x16xf32, #tpu.memory_space<vmem>>
    %dma_start3A_240 = arith.constant 0 : i32
    %dma_start3A_241 = tpu.memref_slice %arg7[%dma_start3A_234, %dma_start3A_240] : memref<80x128xi32, #tpu.memory_space<vmem>> -> memref<1x128xi32, #tpu.memory_space<vmem>>
    %dma_start3A_242 = tpu.memref_squeeze %dma_start3A_241 : memref<1x128xi32, #tpu.memory_space<vmem>> -> memref<128xi32, #tpu.memory_space<vmem>>
    %dma_start3A_243 = arith.constant 0 : i32
    %dma_start3A_244 = arith.constant 0 : i32
    %dma_start3A_245 = tpu.memref_slice %arg10[%dma_start3A_243, %dma_start3A_244] : memref<10112x16xf32, #tpu.memory_space<vmem_shared>> -> memref<10112x16xf32, #tpu.memory_space<vmem_shared>>
    %dma_start3A_246 = tpu.memref_slice %arg12[%dma_start3A_235] : memref<10x!tpu.dma_semaphore, #tpu.memory_space<semaphore_mem>> -> memref<1x!tpu.dma_semaphore, #tpu.memory_space<semaphore_mem>>
    %dma_start3A_247 = tpu.memref_squeeze %dma_start3A_246 : memref<1x!tpu.dma_semaphore, #tpu.memory_space<semaphore_mem>> -> memref<!tpu.dma_semaphore, #tpu.memory_space<semaphore_mem>>
    tpu.enqueue_indirect_dma source(%dma_start3A_239 : memref<128x16xf32, #tpu.memory_space<vmem>>) target(%dma_start3A_245 : memref<10112x16xf32, #tpu.memory_space<vmem_shared>>) offsets(%dma_start3A_242 : memref<128xi32, #tpu.memory_space<vmem>>) semaphore(%dma_start3A_247 : memref<!tpu.dma_semaphore, #tpu.memory_space<semaphore_mem>>) {add = true}
    %dma_wait3A_248 = arith.constant 0 : i32
    %dma_wait3A_249 = arith.constant 3 : i32
    %dma_wait3A_250 = arith.constant 3 : i32
    %dma_wait3A_251 = arith.constant 0 : i32
    %dma_wait3A_252 = arith.constant 0 : i32
    %dma_wait3A_253 = tpu.memref_slice %arg8[%dma_wait3A_249, %dma_wait3A_251, %dma_wait3A_252] : memref<10x128x16xf32, #tpu.memory_space<vmem>> -> memref<1x128x16xf32, #tpu.memory_space<vmem>>
    %dma_wait3A_254 = tpu.memref_squeeze %dma_wait3A_253 : memref<1x128x16xf32, #tpu.memory_space<vmem>> -> memref<128x16xf32, #tpu.memory_space<vmem>>
    %dma_wait3A_255 = arith.constant 0 : i32
    %dma_wait3A_256 = tpu.memref_slice %arg6[%dma_wait3A_248, %dma_wait3A_255] : memref<80x128xi32, #tpu.memory_space<vmem>> -> memref<1x128xi32, #tpu.memory_space<vmem>>
    %dma_wait3A_257 = tpu.memref_squeeze %dma_wait3A_256 : memref<1x128xi32, #tpu.memory_space<vmem>> -> memref<128xi32, #tpu.memory_space<vmem>>
    %dma_wait3A_258 = arith.constant 0 : i32
    %dma_wait3A_259 = arith.constant 0 : i32
    %dma_wait3A_260 = tpu.memref_slice %arg2[%dma_wait3A_258, %dma_wait3A_259] : memref<10112x16xf32, #tpu.memory_space<hbm>> -> memref<10112x16xf32, #tpu.memory_space<hbm>>
    %dma_wait3A_261 = tpu.memref_slice %arg11[%dma_wait3A_250] : memref<10x!tpu.dma_semaphore, #tpu.memory_space<semaphore_mem>> -> memref<1x!tpu.dma_semaphore, #tpu.memory_space<semaphore_mem>>
    %dma_wait3A_262 = tpu.memref_squeeze %dma_wait3A_261 : memref<1x!tpu.dma_semaphore, #tpu.memory_space<semaphore_mem>> -> memref<!tpu.dma_semaphore, #tpu.memory_space<semaphore_mem>>
    tpu.wait_indirect_dma semaphore(%dma_wait3A_262 : memref<!tpu.dma_semaphore, #tpu.memory_space<semaphore_mem>>) src(%dma_wait3A_260 : memref<10112x16xf32, #tpu.memory_space<hbm>>) dst(%dma_wait3A_254 : memref<128x16xf32, #tpu.memory_space<vmem>>)
    %dma_start3A_263 = arith.constant 3 : i32
    %dma_start3A_264 = arith.constant 73 : i32
    %dma_start3A_265 = arith.constant 3 : i32
    %dma_start3A_266 = arith.constant 0 : i32
    %dma_start3A_267 = arith.constant 0 : i32
    %dma_start3A_268 = tpu.memref_slice %arg8[%dma_start3A_263, %dma_start3A_266, %dma_start3A_267] : memref<10x128x16xf32, #tpu.memory_space<vmem>> -> memref<1x128x16xf32, #tpu.memory_space<vmem>>
    %dma_start3A_269 = tpu.memref_squeeze %dma_start3A_268 : memref<1x128x16xf32, #tpu.memory_space<vmem>> -> memref<128x16xf32, #tpu.memory_space<vmem>>
    %dma_start3A_270 = arith.constant 0 : i32
    %dma_start3A_271 = tpu.memref_slice %arg7[%dma_start3A_264, %dma_start3A_270] : memref<80x128xi32, #tpu.memory_space<vmem>> -> memref<1x128xi32, #tpu.memory_space<vmem>>
    %dma_start3A_272 = tpu.memref_squeeze %dma_start3A_271 : memref<1x128xi32, #tpu.memory_space<vmem>> -> memref<128xi32, #tpu.memory_space<vmem>>
    %dma_start3A_273 = arith.constant 0 : i32
    %dma_start3A_274 = arith.constant 0 : i32
    %dma_start3A_275 = tpu.memref_slice %arg10[%dma_start3A_273, %dma_start3A_274] : memref<10112x16xf32, #tpu.memory_space<vmem_shared>> -> memref<10112x16xf32, #tpu.memory_space<vmem_shared>>
    %dma_start3A_276 = tpu.memref_slice %arg12[%dma_start3A_265] : memref<10x!tpu.dma_semaphore, #tpu.memory_space<semaphore_mem>> -> memref<1x!tpu.dma_semaphore, #tpu.memory_space<semaphore_mem>>
    %dma_start3A_277 = tpu.memref_squeeze %dma_start3A_276 : memref<1x!tpu.dma_semaphore, #tpu.memory_space<semaphore_mem>> -> memref<!tpu.dma_semaphore, #tpu.memory_space<semaphore_mem>>
    tpu.enqueue_indirect_dma source(%dma_start3A_269 : memref<128x16xf32, #tpu.memory_space<vmem>>) target(%dma_start3A_275 : memref<10112x16xf32, #tpu.memory_space<vmem_shared>>) offsets(%dma_start3A_272 : memref<128xi32, #tpu.memory_space<vmem>>) semaphore(%dma_start3A_277 : memref<!tpu.dma_semaphore, #tpu.memory_space<semaphore_mem>>) {add = true}
    %dma_wait3A_278 = arith.constant 0 : i32
    %dma_wait3A_279 = arith.constant 4 : i32
    %dma_wait3A_280 = arith.constant 4 : i32
    %dma_wait3A_281 = arith.constant 0 : i32
    %dma_wait3A_282 = arith.constant 0 : i32
    %dma_wait3A_283 = tpu.memref_slice %arg8[%dma_wait3A_279, %dma_wait3A_281, %dma_wait3A_282] : memref<10x128x16xf32, #tpu.memory_space<vmem>> -> memref<1x128x16xf32, #tpu.memory_space<vmem>>
    %dma_wait3A_284 = tpu.memref_squeeze %dma_wait3A_283 : memref<1x128x16xf32, #tpu.memory_space<vmem>> -> memref<128x16xf32, #tpu.memory_space<vmem>>
    %dma_wait3A_285 = arith.constant 0 : i32
    %dma_wait3A_286 = tpu.memref_slice %arg6[%dma_wait3A_278, %dma_wait3A_285] : memref<80x128xi32, #tpu.memory_space<vmem>> -> memref<1x128xi32, #tpu.memory_space<vmem>>
    %dma_wait3A_287 = tpu.memref_squeeze %dma_wait3A_286 : memref<1x128xi32, #tpu.memory_space<vmem>> -> memref<128xi32, #tpu.memory_space<vmem>>
    %dma_wait3A_288 = arith.constant 0 : i32
    %dma_wait3A_289 = arith.constant 0 : i32
    %dma_wait3A_290 = tpu.memref_slice %arg2[%dma_wait3A_288, %dma_wait3A_289] : memref<10112x16xf32, #tpu.memory_space<hbm>> -> memref<10112x16xf32, #tpu.memory_space<hbm>>
    %dma_wait3A_291 = tpu.memref_slice %arg11[%dma_wait3A_280] : memref<10x!tpu.dma_semaphore, #tpu.memory_space<semaphore_mem>> -> memref<1x!tpu.dma_semaphore, #tpu.memory_space<semaphore_mem>>
    %dma_wait3A_292 = tpu.memref_squeeze %dma_wait3A_291 : memref<1x!tpu.dma_semaphore, #tpu.memory_space<semaphore_mem>> -> memref<!tpu.dma_semaphore, #tpu.memory_space<semaphore_mem>>
    tpu.wait_indirect_dma semaphore(%dma_wait3A_292 : memref<!tpu.dma_semaphore, #tpu.memory_space<semaphore_mem>>) src(%dma_wait3A_290 : memref<10112x16xf32, #tpu.memory_space<hbm>>) dst(%dma_wait3A_284 : memref<128x16xf32, #tpu.memory_space<vmem>>)
    %dma_start3A_293 = arith.constant 4 : i32
    %dma_start3A_294 = arith.constant 74 : i32
    %dma_start3A_295 = arith.constant 4 : i32
    %dma_start3A_296 = arith.constant 0 : i32
    %dma_start3A_297 = arith.constant 0 : i32
    %dma_start3A_298 = tpu.memref_slice %arg8[%dma_start3A_293, %dma_start3A_296, %dma_start3A_297] : memref<10x128x16xf32, #tpu.memory_space<vmem>> -> memref<1x128x16xf32, #tpu.memory_space<vmem>>
    %dma_start3A_299 = tpu.memref_squeeze %dma_start3A_298 : memref<1x128x16xf32, #tpu.memory_space<vmem>> -> memref<128x16xf32, #tpu.memory_space<vmem>>
    %dma_start3A_300 = arith.constant 0 : i32
    %dma_start3A_301 = tpu.memref_slice %arg7[%dma_start3A_294, %dma_start3A_300] : memref<80x128xi32, #tpu.memory_space<vmem>> -> memref<1x128xi32, #tpu.memory_space<vmem>>
    %dma_start3A_302 = tpu.memref_squeeze %dma_start3A_301 : memref<1x128xi32, #tpu.memory_space<vmem>> -> memref<128xi32, #tpu.memory_space<vmem>>
    %dma_start3A_303 = arith.constant 0 : i32
    %dma_start3A_304 = arith.constant 0 : i32
    %dma_start3A_305 = tpu.memref_slice %arg10[%dma_start3A_303, %dma_start3A_304] : memref<10112x16xf32, #tpu.memory_space<vmem_shared>> -> memref<10112x16xf32, #tpu.memory_space<vmem_shared>>
    %dma_start3A_306 = tpu.memref_slice %arg12[%dma_start3A_295] : memref<10x!tpu.dma_semaphore, #tpu.memory_space<semaphore_mem>> -> memref<1x!tpu.dma_semaphore, #tpu.memory_space<semaphore_mem>>
    %dma_start3A_307 = tpu.memref_squeeze %dma_start3A_306 : memref<1x!tpu.dma_semaphore, #tpu.memory_space<semaphore_mem>> -> memref<!tpu.dma_semaphore, #tpu.memory_space<semaphore_mem>>
    tpu.enqueue_indirect_dma source(%dma_start3A_299 : memref<128x16xf32, #tpu.memory_space<vmem>>) target(%dma_start3A_305 : memref<10112x16xf32, #tpu.memory_space<vmem_shared>>) offsets(%dma_start3A_302 : memref<128xi32, #tpu.memory_space<vmem>>) semaphore(%dma_start3A_307 : memref<!tpu.dma_semaphore, #tpu.memory_space<semaphore_mem>>) {add = true}
    %dma_wait3A_308 = arith.constant 0 : i32
    %dma_wait3A_309 = arith.constant 5 : i32
    %dma_wait3A_310 = arith.constant 5 : i32
    %dma_wait3A_311 = arith.constant 0 : i32
    %dma_wait3A_312 = arith.constant 0 : i32
    %dma_wait3A_313 = tpu.memref_slice %arg8[%dma_wait3A_309, %dma_wait3A_311, %dma_wait3A_312] : memref<10x128x16xf32, #tpu.memory_space<vmem>> -> memref<1x128x16xf32, #tpu.memory_space<vmem>>
    %dma_wait3A_314 = tpu.memref_squeeze %dma_wait3A_313 : memref<1x128x16xf32, #tpu.memory_space<vmem>> -> memref<128x16xf32, #tpu.memory_space<vmem>>
    %dma_wait3A_315 = arith.constant 0 : i32
    %dma_wait3A_316 = tpu.memref_slice %arg6[%dma_wait3A_308, %dma_wait3A_315] : memref<80x128xi32, #tpu.memory_space<vmem>> -> memref<1x128xi32, #tpu.memory_space<vmem>>
    %dma_wait3A_317 = tpu.memref_squeeze %dma_wait3A_316 : memref<1x128xi32, #tpu.memory_space<vmem>> -> memref<128xi32, #tpu.memory_space<vmem>>
    %dma_wait3A_318 = arith.constant 0 : i32
    %dma_wait3A_319 = arith.constant 0 : i32
    %dma_wait3A_320 = tpu.memref_slice %arg2[%dma_wait3A_318, %dma_wait3A_319] : memref<10112x16xf32, #tpu.memory_space<hbm>> -> memref<10112x16xf32, #tpu.memory_space<hbm>>
    %dma_wait3A_321 = tpu.memref_slice %arg11[%dma_wait3A_310] : memref<10x!tpu.dma_semaphore, #tpu.memory_space<semaphore_mem>> -> memref<1x!tpu.dma_semaphore, #tpu.memory_space<semaphore_mem>>
    %dma_wait3A_322 = tpu.memref_squeeze %dma_wait3A_321 : memref<1x!tpu.dma_semaphore, #tpu.memory_space<semaphore_mem>> -> memref<!tpu.dma_semaphore, #tpu.memory_space<semaphore_mem>>
    tpu.wait_indirect_dma semaphore(%dma_wait3A_322 : memref<!tpu.dma_semaphore, #tpu.memory_space<semaphore_mem>>) src(%dma_wait3A_320 : memref<10112x16xf32, #tpu.memory_space<hbm>>) dst(%dma_wait3A_314 : memref<128x16xf32, #tpu.memory_space<vmem>>)
    %dma_start3A_323 = arith.constant 5 : i32
    %dma_start3A_324 = arith.constant 75 : i32
    %dma_start3A_325 = arith.constant 5 : i32
    %dma_start3A_326 = arith.constant 0 : i32
    %dma_start3A_327 = arith.constant 0 : i32
    %dma_start3A_328 = tpu.memref_slice %arg8[%dma_start3A_323, %dma_start3A_326, %dma_start3A_327] : memref<10x128x16xf32, #tpu.memory_space<vmem>> -> memref<1x128x16xf32, #tpu.memory_space<vmem>>
    %dma_start3A_329 = tpu.memref_squeeze %dma_start3A_328 : memref<1x128x16xf32, #tpu.memory_space<vmem>> -> memref<128x16xf32, #tpu.memory_space<vmem>>
    %dma_start3A_330 = arith.constant 0 : i32
    %dma_start3A_331 = tpu.memref_slice %arg7[%dma_start3A_324, %dma_start3A_330] : memref<80x128xi32, #tpu.memory_space<vmem>> -> memref<1x128xi32, #tpu.memory_space<vmem>>
    %dma_start3A_332 = tpu.memref_squeeze %dma_start3A_331 : memref<1x128xi32, #tpu.memory_space<vmem>> -> memref<128xi32, #tpu.memory_space<vmem>>
    %dma_start3A_333 = arith.constant 0 : i32
    %dma_start3A_334 = arith.constant 0 : i32
    %dma_start3A_335 = tpu.memref_slice %arg10[%dma_start3A_333, %dma_start3A_334] : memref<10112x16xf32, #tpu.memory_space<vmem_shared>> -> memref<10112x16xf32, #tpu.memory_space<vmem_shared>>
    %dma_start3A_336 = tpu.memref_slice %arg12[%dma_start3A_325] : memref<10x!tpu.dma_semaphore, #tpu.memory_space<semaphore_mem>> -> memref<1x!tpu.dma_semaphore, #tpu.memory_space<semaphore_mem>>
    %dma_start3A_337 = tpu.memref_squeeze %dma_start3A_336 : memref<1x!tpu.dma_semaphore, #tpu.memory_space<semaphore_mem>> -> memref<!tpu.dma_semaphore, #tpu.memory_space<semaphore_mem>>
    tpu.enqueue_indirect_dma source(%dma_start3A_329 : memref<128x16xf32, #tpu.memory_space<vmem>>) target(%dma_start3A_335 : memref<10112x16xf32, #tpu.memory_space<vmem_shared>>) offsets(%dma_start3A_332 : memref<128xi32, #tpu.memory_space<vmem>>) semaphore(%dma_start3A_337 : memref<!tpu.dma_semaphore, #tpu.memory_space<semaphore_mem>>) {add = true}
    %dma_wait3A_338 = arith.constant 0 : i32
    %dma_wait3A_339 = arith.constant 6 : i32
    %dma_wait3A_340 = arith.constant 6 : i32
    %dma_wait3A_341 = arith.constant 0 : i32
    %dma_wait3A_342 = arith.constant 0 : i32
    %dma_wait3A_343 = tpu.memref_slice %arg8[%dma_wait3A_339, %dma_wait3A_341, %dma_wait3A_342] : memref<10x128x16xf32, #tpu.memory_space<vmem>> -> memref<1x128x16xf32, #tpu.memory_space<vmem>>
    %dma_wait3A_344 = tpu.memref_squeeze %dma_wait3A_343 : memref<1x128x16xf32, #tpu.memory_space<vmem>> -> memref<128x16xf32, #tpu.memory_space<vmem>>
    %dma_wait3A_345 = arith.constant 0 : i32
    %dma_wait3A_346 = tpu.memref_slice %arg6[%dma_wait3A_338, %dma_wait3A_345] : memref<80x128xi32, #tpu.memory_space<vmem>> -> memref<1x128xi32, #tpu.memory_space<vmem>>
    %dma_wait3A_347 = tpu.memref_squeeze %dma_wait3A_346 : memref<1x128xi32, #tpu.memory_space<vmem>> -> memref<128xi32, #tpu.memory_space<vmem>>
    %dma_wait3A_348 = arith.constant 0 : i32
    %dma_wait3A_349 = arith.constant 0 : i32
    %dma_wait3A_350 = tpu.memref_slice %arg2[%dma_wait3A_348, %dma_wait3A_349] : memref<10112x16xf32, #tpu.memory_space<hbm>> -> memref<10112x16xf32, #tpu.memory_space<hbm>>
    %dma_wait3A_351 = tpu.memref_slice %arg11[%dma_wait3A_340] : memref<10x!tpu.dma_semaphore, #tpu.memory_space<semaphore_mem>> -> memref<1x!tpu.dma_semaphore, #tpu.memory_space<semaphore_mem>>
    %dma_wait3A_352 = tpu.memref_squeeze %dma_wait3A_351 : memref<1x!tpu.dma_semaphore, #tpu.memory_space<semaphore_mem>> -> memref<!tpu.dma_semaphore, #tpu.memory_space<semaphore_mem>>
    tpu.wait_indirect_dma semaphore(%dma_wait3A_352 : memref<!tpu.dma_semaphore, #tpu.memory_space<semaphore_mem>>) src(%dma_wait3A_350 : memref<10112x16xf32, #tpu.memory_space<hbm>>) dst(%dma_wait3A_344 : memref<128x16xf32, #tpu.memory_space<vmem>>)
    %dma_start3A_353 = arith.constant 6 : i32
    %dma_start3A_354 = arith.constant 76 : i32
    %dma_start3A_355 = arith.constant 6 : i32
    %dma_start3A_356 = arith.constant 0 : i32
    %dma_start3A_357 = arith.constant 0 : i32
    %dma_start3A_358 = tpu.memref_slice %arg8[%dma_start3A_353, %dma_start3A_356, %dma_start3A_357] : memref<10x128x16xf32, #tpu.memory_space<vmem>> -> memref<1x128x16xf32, #tpu.memory_space<vmem>>
    %dma_start3A_359 = tpu.memref_squeeze %dma_start3A_358 : memref<1x128x16xf32, #tpu.memory_space<vmem>> -> memref<128x16xf32, #tpu.memory_space<vmem>>
    %dma_start3A_360 = arith.constant 0 : i32
    %dma_start3A_361 = tpu.memref_slice %arg7[%dma_start3A_354, %dma_start3A_360] : memref<80x128xi32, #tpu.memory_space<vmem>> -> memref<1x128xi32, #tpu.memory_space<vmem>>
    %dma_start3A_362 = tpu.memref_squeeze %dma_start3A_361 : memref<1x128xi32, #tpu.memory_space<vmem>> -> memref<128xi32, #tpu.memory_space<vmem>>
    %dma_start3A_363 = arith.constant 0 : i32
    %dma_start3A_364 = arith.constant 0 : i32
    %dma_start3A_365 = tpu.memref_slice %arg10[%dma_start3A_363, %dma_start3A_364] : memref<10112x16xf32, #tpu.memory_space<vmem_shared>> -> memref<10112x16xf32, #tpu.memory_space<vmem_shared>>
    %dma_start3A_366 = tpu.memref_slice %arg12[%dma_start3A_355] : memref<10x!tpu.dma_semaphore, #tpu.memory_space<semaphore_mem>> -> memref<1x!tpu.dma_semaphore, #tpu.memory_space<semaphore_mem>>
    %dma_start3A_367 = tpu.memref_squeeze %dma_start3A_366 : memref<1x!tpu.dma_semaphore, #tpu.memory_space<semaphore_mem>> -> memref<!tpu.dma_semaphore, #tpu.memory_space<semaphore_mem>>
    tpu.enqueue_indirect_dma source(%dma_start3A_359 : memref<128x16xf32, #tpu.memory_space<vmem>>) target(%dma_start3A_365 : memref<10112x16xf32, #tpu.memory_space<vmem_shared>>) offsets(%dma_start3A_362 : memref<128xi32, #tpu.memory_space<vmem>>) semaphore(%dma_start3A_367 : memref<!tpu.dma_semaphore, #tpu.memory_space<semaphore_mem>>) {add = true}
    %dma_wait3A_368 = arith.constant 0 : i32
    %dma_wait3A_369 = arith.constant 7 : i32
    %dma_wait3A_370 = arith.constant 7 : i32
    %dma_wait3A_371 = arith.constant 0 : i32
    %dma_wait3A_372 = arith.constant 0 : i32
    %dma_wait3A_373 = tpu.memref_slice %arg8[%dma_wait3A_369, %dma_wait3A_371, %dma_wait3A_372] : memref<10x128x16xf32, #tpu.memory_space<vmem>> -> memref<1x128x16xf32, #tpu.memory_space<vmem>>
    %dma_wait3A_374 = tpu.memref_squeeze %dma_wait3A_373 : memref<1x128x16xf32, #tpu.memory_space<vmem>> -> memref<128x16xf32, #tpu.memory_space<vmem>>
    %dma_wait3A_375 = arith.constant 0 : i32
    %dma_wait3A_376 = tpu.memref_slice %arg6[%dma_wait3A_368, %dma_wait3A_375] : memref<80x128xi32, #tpu.memory_space<vmem>> -> memref<1x128xi32, #tpu.memory_space<vmem>>
    %dma_wait3A_377 = tpu.memref_squeeze %dma_wait3A_376 : memref<1x128xi32, #tpu.memory_space<vmem>> -> memref<128xi32, #tpu.memory_space<vmem>>
    %dma_wait3A_378 = arith.constant 0 : i32
    %dma_wait3A_379 = arith.constant 0 : i32
    %dma_wait3A_380 = tpu.memref_slice %arg2[%dma_wait3A_378, %dma_wait3A_379] : memref<10112x16xf32, #tpu.memory_space<hbm>> -> memref<10112x16xf32, #tpu.memory_space<hbm>>
    %dma_wait3A_381 = tpu.memref_slice %arg11[%dma_wait3A_370] : memref<10x!tpu.dma_semaphore, #tpu.memory_space<semaphore_mem>> -> memref<1x!tpu.dma_semaphore, #tpu.memory_space<semaphore_mem>>
    %dma_wait3A_382 = tpu.memref_squeeze %dma_wait3A_381 : memref<1x!tpu.dma_semaphore, #tpu.memory_space<semaphore_mem>> -> memref<!tpu.dma_semaphore, #tpu.memory_space<semaphore_mem>>
    tpu.wait_indirect_dma semaphore(%dma_wait3A_382 : memref<!tpu.dma_semaphore, #tpu.memory_space<semaphore_mem>>) src(%dma_wait3A_380 : memref<10112x16xf32, #tpu.memory_space<hbm>>) dst(%dma_wait3A_374 : memref<128x16xf32, #tpu.memory_space<vmem>>)
    %dma_start3A_383 = arith.constant 7 : i32
    %dma_start3A_384 = arith.constant 77 : i32
    %dma_start3A_385 = arith.constant 7 : i32
    %dma_start3A_386 = arith.constant 0 : i32
    %dma_start3A_387 = arith.constant 0 : i32
    %dma_start3A_388 = tpu.memref_slice %arg8[%dma_start3A_383, %dma_start3A_386, %dma_start3A_387] : memref<10x128x16xf32, #tpu.memory_space<vmem>> -> memref<1x128x16xf32, #tpu.memory_space<vmem>>
    %dma_start3A_389 = tpu.memref_squeeze %dma_start3A_388 : memref<1x128x16xf32, #tpu.memory_space<vmem>> -> memref<128x16xf32, #tpu.memory_space<vmem>>
    %dma_start3A_390 = arith.constant 0 : i32
    %dma_start3A_391 = tpu.memref_slice %arg7[%dma_start3A_384, %dma_start3A_390] : memref<80x128xi32, #tpu.memory_space<vmem>> -> memref<1x128xi32, #tpu.memory_space<vmem>>
    %dma_start3A_392 = tpu.memref_squeeze %dma_start3A_391 : memref<1x128xi32, #tpu.memory_space<vmem>> -> memref<128xi32, #tpu.memory_space<vmem>>
    %dma_start3A_393 = arith.constant 0 : i32
    %dma_start3A_394 = arith.constant 0 : i32
    %dma_start3A_395 = tpu.memref_slice %arg10[%dma_start3A_393, %dma_start3A_394] : memref<10112x16xf32, #tpu.memory_space<vmem_shared>> -> memref<10112x16xf32, #tpu.memory_space<vmem_shared>>
    %dma_start3A_396 = tpu.memref_slice %arg12[%dma_start3A_385] : memref<10x!tpu.dma_semaphore, #tpu.memory_space<semaphore_mem>> -> memref<1x!tpu.dma_semaphore, #tpu.memory_space<semaphore_mem>>
    %dma_start3A_397 = tpu.memref_squeeze %dma_start3A_396 : memref<1x!tpu.dma_semaphore, #tpu.memory_space<semaphore_mem>> -> memref<!tpu.dma_semaphore, #tpu.memory_space<semaphore_mem>>
    tpu.enqueue_indirect_dma source(%dma_start3A_389 : memref<128x16xf32, #tpu.memory_space<vmem>>) target(%dma_start3A_395 : memref<10112x16xf32, #tpu.memory_space<vmem_shared>>) offsets(%dma_start3A_392 : memref<128xi32, #tpu.memory_space<vmem>>) semaphore(%dma_start3A_397 : memref<!tpu.dma_semaphore, #tpu.memory_space<semaphore_mem>>) {add = true}
    %dma_wait3A_398 = arith.constant 0 : i32
    %dma_wait3A_399 = arith.constant 8 : i32
    %dma_wait3A_400 = arith.constant 8 : i32
    %dma_wait3A_401 = arith.constant 0 : i32
    %dma_wait3A_402 = arith.constant 0 : i32
    %dma_wait3A_403 = tpu.memref_slice %arg8[%dma_wait3A_399, %dma_wait3A_401, %dma_wait3A_402] : memref<10x128x16xf32, #tpu.memory_space<vmem>> -> memref<1x128x16xf32, #tpu.memory_space<vmem>>
    %dma_wait3A_404 = tpu.memref_squeeze %dma_wait3A_403 : memref<1x128x16xf32, #tpu.memory_space<vmem>> -> memref<128x16xf32, #tpu.memory_space<vmem>>
    %dma_wait3A_405 = arith.constant 0 : i32
    %dma_wait3A_406 = tpu.memref_slice %arg6[%dma_wait3A_398, %dma_wait3A_405] : memref<80x128xi32, #tpu.memory_space<vmem>> -> memref<1x128xi32, #tpu.memory_space<vmem>>
    %dma_wait3A_407 = tpu.memref_squeeze %dma_wait3A_406 : memref<1x128xi32, #tpu.memory_space<vmem>> -> memref<128xi32, #tpu.memory_space<vmem>>
    %dma_wait3A_408 = arith.constant 0 : i32
    %dma_wait3A_409 = arith.constant 0 : i32
    %dma_wait3A_410 = tpu.memref_slice %arg2[%dma_wait3A_408, %dma_wait3A_409] : memref<10112x16xf32, #tpu.memory_space<hbm>> -> memref<10112x16xf32, #tpu.memory_space<hbm>>
    %dma_wait3A_411 = tpu.memref_slice %arg11[%dma_wait3A_400] : memref<10x!tpu.dma_semaphore, #tpu.memory_space<semaphore_mem>> -> memref<1x!tpu.dma_semaphore, #tpu.memory_space<semaphore_mem>>
    %dma_wait3A_412 = tpu.memref_squeeze %dma_wait3A_411 : memref<1x!tpu.dma_semaphore, #tpu.memory_space<semaphore_mem>> -> memref<!tpu.dma_semaphore, #tpu.memory_space<semaphore_mem>>
    tpu.wait_indirect_dma semaphore(%dma_wait3A_412 : memref<!tpu.dma_semaphore, #tpu.memory_space<semaphore_mem>>) src(%dma_wait3A_410 : memref<10112x16xf32, #tpu.memory_space<hbm>>) dst(%dma_wait3A_404 : memref<128x16xf32, #tpu.memory_space<vmem>>)
    %dma_start3A_413 = arith.constant 8 : i32
    %dma_start3A_414 = arith.constant 78 : i32
    %dma_start3A_415 = arith.constant 8 : i32
    %dma_start3A_416 = arith.constant 0 : i32
    %dma_start3A_417 = arith.constant 0 : i32
    %dma_start3A_418 = tpu.memref_slice %arg8[%dma_start3A_413, %dma_start3A_416, %dma_start3A_417] : memref<10x128x16xf32, #tpu.memory_space<vmem>> -> memref<1x128x16xf32, #tpu.memory_space<vmem>>
    %dma_start3A_419 = tpu.memref_squeeze %dma_start3A_418 : memref<1x128x16xf32, #tpu.memory_space<vmem>> -> memref<128x16xf32, #tpu.memory_space<vmem>>
    %dma_start3A_420 = arith.constant 0 : i32
    %dma_start3A_421 = tpu.memref_slice %arg7[%dma_start3A_414, %dma_start3A_420] : memref<80x128xi32, #tpu.memory_space<vmem>> -> memref<1x128xi32, #tpu.memory_space<vmem>>
    %dma_start3A_422 = tpu.memref_squeeze %dma_start3A_421 : memref<1x128xi32, #tpu.memory_space<vmem>> -> memref<128xi32, #tpu.memory_space<vmem>>
    %dma_start3A_423 = arith.constant 0 : i32
    %dma_start3A_424 = arith.constant 0 : i32
    %dma_start3A_425 = tpu.memref_slice %arg10[%dma_start3A_423, %dma_start3A_424] : memref<10112x16xf32, #tpu.memory_space<vmem_shared>> -> memref<10112x16xf32, #tpu.memory_space<vmem_shared>>
    %dma_start3A_426 = tpu.memref_slice %arg12[%dma_start3A_415] : memref<10x!tpu.dma_semaphore, #tpu.memory_space<semaphore_mem>> -> memref<1x!tpu.dma_semaphore, #tpu.memory_space<semaphore_mem>>
    %dma_start3A_427 = tpu.memref_squeeze %dma_start3A_426 : memref<1x!tpu.dma_semaphore, #tpu.memory_space<semaphore_mem>> -> memref<!tpu.dma_semaphore, #tpu.memory_space<semaphore_mem>>
    tpu.enqueue_indirect_dma source(%dma_start3A_419 : memref<128x16xf32, #tpu.memory_space<vmem>>) target(%dma_start3A_425 : memref<10112x16xf32, #tpu.memory_space<vmem_shared>>) offsets(%dma_start3A_422 : memref<128xi32, #tpu.memory_space<vmem>>) semaphore(%dma_start3A_427 : memref<!tpu.dma_semaphore, #tpu.memory_space<semaphore_mem>>) {add = true}
    %dma_wait3A_428 = arith.constant 0 : i32
    %dma_wait3A_429 = arith.constant 9 : i32
    %dma_wait3A_430 = arith.constant 9 : i32
    %dma_wait3A_431 = arith.constant 0 : i32
    %dma_wait3A_432 = arith.constant 0 : i32
    %dma_wait3A_433 = tpu.memref_slice %arg8[%dma_wait3A_429, %dma_wait3A_431, %dma_wait3A_432] : memref<10x128x16xf32, #tpu.memory_space<vmem>> -> memref<1x128x16xf32, #tpu.memory_space<vmem>>
    %dma_wait3A_434 = tpu.memref_squeeze %dma_wait3A_433 : memref<1x128x16xf32, #tpu.memory_space<vmem>> -> memref<128x16xf32, #tpu.memory_space<vmem>>
    %dma_wait3A_435 = arith.constant 0 : i32
    %dma_wait3A_436 = tpu.memref_slice %arg6[%dma_wait3A_428, %dma_wait3A_435] : memref<80x128xi32, #tpu.memory_space<vmem>> -> memref<1x128xi32, #tpu.memory_space<vmem>>
    %dma_wait3A_437 = tpu.memref_squeeze %dma_wait3A_436 : memref<1x128xi32, #tpu.memory_space<vmem>> -> memref<128xi32, #tpu.memory_space<vmem>>
    %dma_wait3A_438 = arith.constant 0 : i32
    %dma_wait3A_439 = arith.constant 0 : i32
    %dma_wait3A_440 = tpu.memref_slice %arg2[%dma_wait3A_438, %dma_wait3A_439] : memref<10112x16xf32, #tpu.memory_space<hbm>> -> memref<10112x16xf32, #tpu.memory_space<hbm>>
    %dma_wait3A_441 = tpu.memref_slice %arg11[%dma_wait3A_430] : memref<10x!tpu.dma_semaphore, #tpu.memory_space<semaphore_mem>> -> memref<1x!tpu.dma_semaphore, #tpu.memory_space<semaphore_mem>>
    %dma_wait3A_442 = tpu.memref_squeeze %dma_wait3A_441 : memref<1x!tpu.dma_semaphore, #tpu.memory_space<semaphore_mem>> -> memref<!tpu.dma_semaphore, #tpu.memory_space<semaphore_mem>>
    tpu.wait_indirect_dma semaphore(%dma_wait3A_442 : memref<!tpu.dma_semaphore, #tpu.memory_space<semaphore_mem>>) src(%dma_wait3A_440 : memref<10112x16xf32, #tpu.memory_space<hbm>>) dst(%dma_wait3A_434 : memref<128x16xf32, #tpu.memory_space<vmem>>)
    %dma_start3A_443 = arith.constant 9 : i32
    %dma_start3A_444 = arith.constant 79 : i32
    %dma_start3A_445 = arith.constant 9 : i32
    %dma_start3A_446 = arith.constant 0 : i32
    %dma_start3A_447 = arith.constant 0 : i32
    %dma_start3A_448 = tpu.memref_slice %arg8[%dma_start3A_443, %dma_start3A_446, %dma_start3A_447] : memref<10x128x16xf32, #tpu.memory_space<vmem>> -> memref<1x128x16xf32, #tpu.memory_space<vmem>>
    %dma_start3A_449 = tpu.memref_squeeze %dma_start3A_448 : memref<1x128x16xf32, #tpu.memory_space<vmem>> -> memref<128x16xf32, #tpu.memory_space<vmem>>
    %dma_start3A_450 = arith.constant 0 : i32
    %dma_start3A_451 = tpu.memref_slice %arg7[%dma_start3A_444, %dma_start3A_450] : memref<80x128xi32, #tpu.memory_space<vmem>> -> memref<1x128xi32, #tpu.memory_space<vmem>>
    %dma_start3A_452 = tpu.memref_squeeze %dma_start3A_451 : memref<1x128xi32, #tpu.memory_space<vmem>> -> memref<128xi32, #tpu.memory_space<vmem>>
    %dma_start3A_453 = arith.constant 0 : i32
    %dma_start3A_454 = arith.constant 0 : i32
    %dma_start3A_455 = tpu.memref_slice %arg10[%dma_start3A_453, %dma_start3A_454] : memref<10112x16xf32, #tpu.memory_space<vmem_shared>> -> memref<10112x16xf32, #tpu.memory_space<vmem_shared>>
    %dma_start3A_456 = tpu.memref_slice %arg12[%dma_start3A_445] : memref<10x!tpu.dma_semaphore, #tpu.memory_space<semaphore_mem>> -> memref<1x!tpu.dma_semaphore, #tpu.memory_space<semaphore_mem>>
    %dma_start3A_457 = tpu.memref_squeeze %dma_start3A_456 : memref<1x!tpu.dma_semaphore, #tpu.memory_space<semaphore_mem>> -> memref<!tpu.dma_semaphore, #tpu.memory_space<semaphore_mem>>
    tpu.enqueue_indirect_dma source(%dma_start3A_449 : memref<128x16xf32, #tpu.memory_space<vmem>>) target(%dma_start3A_455 : memref<10112x16xf32, #tpu.memory_space<vmem_shared>>) offsets(%dma_start3A_452 : memref<128xi32, #tpu.memory_space<vmem>>) semaphore(%dma_start3A_457 : memref<!tpu.dma_semaphore, #tpu.memory_space<semaphore_mem>>) {add = true}
    %dma_wait3A_458 = arith.constant 0 : i32
    %dma_wait3A_459 = arith.constant 0 : i32
    %dma_wait3A_460 = arith.constant 0 : i32
    %dma_wait3A_461 = arith.constant 0 : i32
    %dma_wait3A_462 = arith.constant 0 : i32
    %dma_wait3A_463 = tpu.memref_slice %arg8[%dma_wait3A_458, %dma_wait3A_461, %dma_wait3A_462] : memref<10x128x16xf32, #tpu.memory_space<vmem>> -> memref<1x128x16xf32, #tpu.memory_space<vmem>>
    %dma_wait3A_464 = tpu.memref_squeeze %dma_wait3A_463 : memref<1x128x16xf32, #tpu.memory_space<vmem>> -> memref<128x16xf32, #tpu.memory_space<vmem>>
    %dma_wait3A_465 = arith.constant 0 : i32
    %dma_wait3A_466 = tpu.memref_slice %arg7[%dma_wait3A_459, %dma_wait3A_465] : memref<80x128xi32, #tpu.memory_space<vmem>> -> memref<1x128xi32, #tpu.memory_space<vmem>>
    %dma_wait3A_467 = tpu.memref_squeeze %dma_wait3A_466 : memref<1x128xi32, #tpu.memory_space<vmem>> -> memref<128xi32, #tpu.memory_space<vmem>>
    %dma_wait3A_468 = arith.constant 0 : i32
    %dma_wait3A_469 = arith.constant 0 : i32
    %dma_wait3A_470 = tpu.memref_slice %arg10[%dma_wait3A_468, %dma_wait3A_469] : memref<10112x16xf32, #tpu.memory_space<vmem_shared>> -> memref<10112x16xf32, #tpu.memory_space<vmem_shared>>
    %dma_wait3A_471 = tpu.memref_slice %arg12[%dma_wait3A_460] : memref<10x!tpu.dma_semaphore, #tpu.memory_space<semaphore_mem>> -> memref<1x!tpu.dma_semaphore, #tpu.memory_space<semaphore_mem>>
    %dma_wait3A_472 = tpu.memref_squeeze %dma_wait3A_471 : memref<1x!tpu.dma_semaphore, #tpu.memory_space<semaphore_mem>> -> memref<!tpu.dma_semaphore, #tpu.memory_space<semaphore_mem>>
    tpu.wait_indirect_dma semaphore(%dma_wait3A_472 : memref<!tpu.dma_semaphore, #tpu.memory_space<semaphore_mem>>) src(%dma_wait3A_464 : memref<128x16xf32, #tpu.memory_space<vmem>>) dst(%dma_wait3A_470 : memref<10112x16xf32, #tpu.memory_space<vmem_shared>>)
    %dma_wait3A_473 = arith.constant 1 : i32
    %dma_wait3A_474 = arith.constant 0 : i32
    %dma_wait3A_475 = arith.constant 1 : i32
    %dma_wait3A_476 = arith.constant 0 : i32
    %dma_wait3A_477 = arith.constant 0 : i32
    %dma_wait3A_478 = tpu.memref_slice %arg8[%dma_wait3A_473, %dma_wait3A_476, %dma_wait3A_477] : memref<10x128x16xf32, #tpu.memory_space<vmem>> -> memref<1x128x16xf32, #tpu.memory_space<vmem>>
    %dma_wait3A_479 = tpu.memref_squeeze %dma_wait3A_478 : memref<1x128x16xf32, #tpu.memory_space<vmem>> -> memref<128x16xf32, #tpu.memory_space<vmem>>
    %dma_wait3A_480 = arith.constant 0 : i32
    %dma_wait3A_481 = tpu.memref_slice %arg7[%dma_wait3A_474, %dma_wait3A_480] : memref<80x128xi32, #tpu.memory_space<vmem>> -> memref<1x128xi32, #tpu.memory_space<vmem>>
    %dma_wait3A_482 = tpu.memref_squeeze %dma_wait3A_481 : memref<1x128xi32, #tpu.memory_space<vmem>> -> memref<128xi32, #tpu.memory_space<vmem>>
    %dma_wait3A_483 = arith.constant 0 : i32
    %dma_wait3A_484 = arith.constant 0 : i32
    %dma_wait3A_485 = tpu.memref_slice %arg10[%dma_wait3A_483, %dma_wait3A_484] : memref<10112x16xf32, #tpu.memory_space<vmem_shared>> -> memref<10112x16xf32, #tpu.memory_space<vmem_shared>>
    %dma_wait3A_486 = tpu.memref_slice %arg12[%dma_wait3A_475] : memref<10x!tpu.dma_semaphore, #tpu.memory_space<semaphore_mem>> -> memref<1x!tpu.dma_semaphore, #tpu.memory_space<semaphore_mem>>
    %dma_wait3A_487 = tpu.memref_squeeze %dma_wait3A_486 : memref<1x!tpu.dma_semaphore, #tpu.memory_space<semaphore_mem>> -> memref<!tpu.dma_semaphore, #tpu.memory_space<semaphore_mem>>
    tpu.wait_indirect_dma semaphore(%dma_wait3A_487 : memref<!tpu.dma_semaphore, #tpu.memory_space<semaphore_mem>>) src(%dma_wait3A_479 : memref<128x16xf32, #tpu.memory_space<vmem>>) dst(%dma_wait3A_485 : memref<10112x16xf32, #tpu.memory_space<vmem_shared>>)
    %dma_wait3A_488 = arith.constant 2 : i32
    %dma_wait3A_489 = arith.constant 0 : i32
    %dma_wait3A_490 = arith.constant 2 : i32
    %dma_wait3A_491 = arith.constant 0 : i32
    %dma_wait3A_492 = arith.constant 0 : i32
    %dma_wait3A_493 = tpu.memref_slice %arg8[%dma_wait3A_488, %dma_wait3A_491, %dma_wait3A_492] : memref<10x128x16xf32, #tpu.memory_space<vmem>> -> memref<1x128x16xf32, #tpu.memory_space<vmem>>
    %dma_wait3A_494 = tpu.memref_squeeze %dma_wait3A_493 : memref<1x128x16xf32, #tpu.memory_space<vmem>> -> memref<128x16xf32, #tpu.memory_space<vmem>>
    %dma_wait3A_495 = arith.constant 0 : i32
    %dma_wait3A_496 = tpu.memref_slice %arg7[%dma_wait3A_489, %dma_wait3A_495] : memref<80x128xi32, #tpu.memory_space<vmem>> -> memref<1x128xi32, #tpu.memory_space<vmem>>
    %dma_wait3A_497 = tpu.memref_squeeze %dma_wait3A_496 : memref<1x128xi32, #tpu.memory_space<vmem>> -> memref<128xi32, #tpu.memory_space<vmem>>
    %dma_wait3A_498 = arith.constant 0 : i32
    %dma_wait3A_499 = arith.constant 0 : i32
    %dma_wait3A_500 = tpu.memref_slice %arg10[%dma_wait3A_498, %dma_wait3A_499] : memref<10112x16xf32, #tpu.memory_space<vmem_shared>> -> memref<10112x16xf32, #tpu.memory_space<vmem_shared>>
    %dma_wait3A_501 = tpu.memref_slice %arg12[%dma_wait3A_490] : memref<10x!tpu.dma_semaphore, #tpu.memory_space<semaphore_mem>> -> memref<1x!tpu.dma_semaphore, #tpu.memory_space<semaphore_mem>>
    %dma_wait3A_502 = tpu.memref_squeeze %dma_wait3A_501 : memref<1x!tpu.dma_semaphore, #tpu.memory_space<semaphore_mem>> -> memref<!tpu.dma_semaphore, #tpu.memory_space<semaphore_mem>>
    tpu.wait_indirect_dma semaphore(%dma_wait3A_502 : memref<!tpu.dma_semaphore, #tpu.memory_space<semaphore_mem>>) src(%dma_wait3A_494 : memref<128x16xf32, #tpu.memory_space<vmem>>) dst(%dma_wait3A_500 : memref<10112x16xf32, #tpu.memory_space<vmem_shared>>)
    %dma_wait3A_503 = arith.constant 3 : i32
    %dma_wait3A_504 = arith.constant 0 : i32
    %dma_wait3A_505 = arith.constant 3 : i32
    %dma_wait3A_506 = arith.constant 0 : i32
    %dma_wait3A_507 = arith.constant 0 : i32
    %dma_wait3A_508 = tpu.memref_slice %arg8[%dma_wait3A_503, %dma_wait3A_506, %dma_wait3A_507] : memref<10x128x16xf32, #tpu.memory_space<vmem>> -> memref<1x128x16xf32, #tpu.memory_space<vmem>>
    %dma_wait3A_509 = tpu.memref_squeeze %dma_wait3A_508 : memref<1x128x16xf32, #tpu.memory_space<vmem>> -> memref<128x16xf32, #tpu.memory_space<vmem>>
    %dma_wait3A_510 = arith.constant 0 : i32
    %dma_wait3A_511 = tpu.memref_slice %arg7[%dma_wait3A_504, %dma_wait3A_510] : memref<80x128xi32, #tpu.memory_space<vmem>> -> memref<1x128xi32, #tpu.memory_space<vmem>>
    %dma_wait3A_512 = tpu.memref_squeeze %dma_wait3A_511 : memref<1x128xi32, #tpu.memory_space<vmem>> -> memref<128xi32, #tpu.memory_space<vmem>>
    %dma_wait3A_513 = arith.constant 0 : i32
    %dma_wait3A_514 = arith.constant 0 : i32
    %dma_wait3A_515 = tpu.memref_slice %arg10[%dma_wait3A_513, %dma_wait3A_514] : memref<10112x16xf32, #tpu.memory_space<vmem_shared>> -> memref<10112x16xf32, #tpu.memory_space<vmem_shared>>
    %dma_wait3A_516 = tpu.memref_slice %arg12[%dma_wait3A_505] : memref<10x!tpu.dma_semaphore, #tpu.memory_space<semaphore_mem>> -> memref<1x!tpu.dma_semaphore, #tpu.memory_space<semaphore_mem>>
    %dma_wait3A_517 = tpu.memref_squeeze %dma_wait3A_516 : memref<1x!tpu.dma_semaphore, #tpu.memory_space<semaphore_mem>> -> memref<!tpu.dma_semaphore, #tpu.memory_space<semaphore_mem>>
    tpu.wait_indirect_dma semaphore(%dma_wait3A_517 : memref<!tpu.dma_semaphore, #tpu.memory_space<semaphore_mem>>) src(%dma_wait3A_509 : memref<128x16xf32, #tpu.memory_space<vmem>>) dst(%dma_wait3A_515 : memref<10112x16xf32, #tpu.memory_space<vmem_shared>>)
    %dma_wait3A_518 = arith.constant 4 : i32
    %dma_wait3A_519 = arith.constant 0 : i32
    %dma_wait3A_520 = arith.constant 4 : i32
    %dma_wait3A_521 = arith.constant 0 : i32
    %dma_wait3A_522 = arith.constant 0 : i32
    %dma_wait3A_523 = tpu.memref_slice %arg8[%dma_wait3A_518, %dma_wait3A_521, %dma_wait3A_522] : memref<10x128x16xf32, #tpu.memory_space<vmem>> -> memref<1x128x16xf32, #tpu.memory_space<vmem>>
    %dma_wait3A_524 = tpu.memref_squeeze %dma_wait3A_523 : memref<1x128x16xf32, #tpu.memory_space<vmem>> -> memref<128x16xf32, #tpu.memory_space<vmem>>
    %dma_wait3A_525 = arith.constant 0 : i32
    %dma_wait3A_526 = tpu.memref_slice %arg7[%dma_wait3A_519, %dma_wait3A_525] : memref<80x128xi32, #tpu.memory_space<vmem>> -> memref<1x128xi32, #tpu.memory_space<vmem>>
    %dma_wait3A_527 = tpu.memref_squeeze %dma_wait3A_526 : memref<1x128xi32, #tpu.memory_space<vmem>> -> memref<128xi32, #tpu.memory_space<vmem>>
    %dma_wait3A_528 = arith.constant 0 : i32
    %dma_wait3A_529 = arith.constant 0 : i32
    %dma_wait3A_530 = tpu.memref_slice %arg10[%dma_wait3A_528, %dma_wait3A_529] : memref<10112x16xf32, #tpu.memory_space<vmem_shared>> -> memref<10112x16xf32, #tpu.memory_space<vmem_shared>>
    %dma_wait3A_531 = tpu.memref_slice %arg12[%dma_wait3A_520] : memref<10x!tpu.dma_semaphore, #tpu.memory_space<semaphore_mem>> -> memref<1x!tpu.dma_semaphore, #tpu.memory_space<semaphore_mem>>
    %dma_wait3A_532 = tpu.memref_squeeze %dma_wait3A_531 : memref<1x!tpu.dma_semaphore, #tpu.memory_space<semaphore_mem>> -> memref<!tpu.dma_semaphore, #tpu.memory_space<semaphore_mem>>
    tpu.wait_indirect_dma semaphore(%dma_wait3A_532 : memref<!tpu.dma_semaphore, #tpu.memory_space<semaphore_mem>>) src(%dma_wait3A_524 : memref<128x16xf32, #tpu.memory_space<vmem>>) dst(%dma_wait3A_530 : memref<10112x16xf32, #tpu.memory_space<vmem_shared>>)
    %dma_wait3A_533 = arith.constant 5 : i32
    %dma_wait3A_534 = arith.constant 0 : i32
    %dma_wait3A_535 = arith.constant 5 : i32
    %dma_wait3A_536 = arith.constant 0 : i32
    %dma_wait3A_537 = arith.constant 0 : i32
    %dma_wait3A_538 = tpu.memref_slice %arg8[%dma_wait3A_533, %dma_wait3A_536, %dma_wait3A_537] : memref<10x128x16xf32, #tpu.memory_space<vmem>> -> memref<1x128x16xf32, #tpu.memory_space<vmem>>
    %dma_wait3A_539 = tpu.memref_squeeze %dma_wait3A_538 : memref<1x128x16xf32, #tpu.memory_space<vmem>> -> memref<128x16xf32, #tpu.memory_space<vmem>>
    %dma_wait3A_540 = arith.constant 0 : i32
    %dma_wait3A_541 = tpu.memref_slice %arg7[%dma_wait3A_534, %dma_wait3A_540] : memref<80x128xi32, #tpu.memory_space<vmem>> -> memref<1x128xi32, #tpu.memory_space<vmem>>
    %dma_wait3A_542 = tpu.memref_squeeze %dma_wait3A_541 : memref<1x128xi32, #tpu.memory_space<vmem>> -> memref<128xi32, #tpu.memory_space<vmem>>
    %dma_wait3A_543 = arith.constant 0 : i32
    %dma_wait3A_544 = arith.constant 0 : i32
    %dma_wait3A_545 = tpu.memref_slice %arg10[%dma_wait3A_543, %dma_wait3A_544] : memref<10112x16xf32, #tpu.memory_space<vmem_shared>> -> memref<10112x16xf32, #tpu.memory_space<vmem_shared>>
    %dma_wait3A_546 = tpu.memref_slice %arg12[%dma_wait3A_535] : memref<10x!tpu.dma_semaphore, #tpu.memory_space<semaphore_mem>> -> memref<1x!tpu.dma_semaphore, #tpu.memory_space<semaphore_mem>>
    %dma_wait3A_547 = tpu.memref_squeeze %dma_wait3A_546 : memref<1x!tpu.dma_semaphore, #tpu.memory_space<semaphore_mem>> -> memref<!tpu.dma_semaphore, #tpu.memory_space<semaphore_mem>>
    tpu.wait_indirect_dma semaphore(%dma_wait3A_547 : memref<!tpu.dma_semaphore, #tpu.memory_space<semaphore_mem>>) src(%dma_wait3A_539 : memref<128x16xf32, #tpu.memory_space<vmem>>) dst(%dma_wait3A_545 : memref<10112x16xf32, #tpu.memory_space<vmem_shared>>)
    %dma_wait3A_548 = arith.constant 6 : i32
    %dma_wait3A_549 = arith.constant 0 : i32
    %dma_wait3A_550 = arith.constant 6 : i32
    %dma_wait3A_551 = arith.constant 0 : i32
    %dma_wait3A_552 = arith.constant 0 : i32
    %dma_wait3A_553 = tpu.memref_slice %arg8[%dma_wait3A_548, %dma_wait3A_551, %dma_wait3A_552] : memref<10x128x16xf32, #tpu.memory_space<vmem>> -> memref<1x128x16xf32, #tpu.memory_space<vmem>>
    %dma_wait3A_554 = tpu.memref_squeeze %dma_wait3A_553 : memref<1x128x16xf32, #tpu.memory_space<vmem>> -> memref<128x16xf32, #tpu.memory_space<vmem>>
    %dma_wait3A_555 = arith.constant 0 : i32
    %dma_wait3A_556 = tpu.memref_slice %arg7[%dma_wait3A_549, %dma_wait3A_555] : memref<80x128xi32, #tpu.memory_space<vmem>> -> memref<1x128xi32, #tpu.memory_space<vmem>>
    %dma_wait3A_557 = tpu.memref_squeeze %dma_wait3A_556 : memref<1x128xi32, #tpu.memory_space<vmem>> -> memref<128xi32, #tpu.memory_space<vmem>>
    %dma_wait3A_558 = arith.constant 0 : i32
    %dma_wait3A_559 = arith.constant 0 : i32
    %dma_wait3A_560 = tpu.memref_slice %arg10[%dma_wait3A_558, %dma_wait3A_559] : memref<10112x16xf32, #tpu.memory_space<vmem_shared>> -> memref<10112x16xf32, #tpu.memory_space<vmem_shared>>
    %dma_wait3A_561 = tpu.memref_slice %arg12[%dma_wait3A_550] : memref<10x!tpu.dma_semaphore, #tpu.memory_space<semaphore_mem>> -> memref<1x!tpu.dma_semaphore, #tpu.memory_space<semaphore_mem>>
    %dma_wait3A_562 = tpu.memref_squeeze %dma_wait3A_561 : memref<1x!tpu.dma_semaphore, #tpu.memory_space<semaphore_mem>> -> memref<!tpu.dma_semaphore, #tpu.memory_space<semaphore_mem>>
    tpu.wait_indirect_dma semaphore(%dma_wait3A_562 : memref<!tpu.dma_semaphore, #tpu.memory_space<semaphore_mem>>) src(%dma_wait3A_554 : memref<128x16xf32, #tpu.memory_space<vmem>>) dst(%dma_wait3A_560 : memref<10112x16xf32, #tpu.memory_space<vmem_shared>>)
    %dma_wait3A_563 = arith.constant 7 : i32
    %dma_wait3A_564 = arith.constant 0 : i32
    %dma_wait3A_565 = arith.constant 7 : i32
    %dma_wait3A_566 = arith.constant 0 : i32
    %dma_wait3A_567 = arith.constant 0 : i32
    %dma_wait3A_568 = tpu.memref_slice %arg8[%dma_wait3A_563, %dma_wait3A_566, %dma_wait3A_567] : memref<10x128x16xf32, #tpu.memory_space<vmem>> -> memref<1x128x16xf32, #tpu.memory_space<vmem>>
    %dma_wait3A_569 = tpu.memref_squeeze %dma_wait3A_568 : memref<1x128x16xf32, #tpu.memory_space<vmem>> -> memref<128x16xf32, #tpu.memory_space<vmem>>
    %dma_wait3A_570 = arith.constant 0 : i32
    %dma_wait3A_571 = tpu.memref_slice %arg7[%dma_wait3A_564, %dma_wait3A_570] : memref<80x128xi32, #tpu.memory_space<vmem>> -> memref<1x128xi32, #tpu.memory_space<vmem>>
    %dma_wait3A_572 = tpu.memref_squeeze %dma_wait3A_571 : memref<1x128xi32, #tpu.memory_space<vmem>> -> memref<128xi32, #tpu.memory_space<vmem>>
    %dma_wait3A_573 = arith.constant 0 : i32
    %dma_wait3A_574 = arith.constant 0 : i32
    %dma_wait3A_575 = tpu.memref_slice %arg10[%dma_wait3A_573, %dma_wait3A_574] : memref<10112x16xf32, #tpu.memory_space<vmem_shared>> -> memref<10112x16xf32, #tpu.memory_space<vmem_shared>>
    %dma_wait3A_576 = tpu.memref_slice %arg12[%dma_wait3A_565] : memref<10x!tpu.dma_semaphore, #tpu.memory_space<semaphore_mem>> -> memref<1x!tpu.dma_semaphore, #tpu.memory_space<semaphore_mem>>
    %dma_wait3A_577 = tpu.memref_squeeze %dma_wait3A_576 : memref<1x!tpu.dma_semaphore, #tpu.memory_space<semaphore_mem>> -> memref<!tpu.dma_semaphore, #tpu.memory_space<semaphore_mem>>
    tpu.wait_indirect_dma semaphore(%dma_wait3A_577 : memref<!tpu.dma_semaphore, #tpu.memory_space<semaphore_mem>>) src(%dma_wait3A_569 : memref<128x16xf32, #tpu.memory_space<vmem>>) dst(%dma_wait3A_575 : memref<10112x16xf32, #tpu.memory_space<vmem_shared>>)
    %dma_wait3A_578 = arith.constant 8 : i32
    %dma_wait3A_579 = arith.constant 0 : i32
    %dma_wait3A_580 = arith.constant 8 : i32
    %dma_wait3A_581 = arith.constant 0 : i32
    %dma_wait3A_582 = arith.constant 0 : i32
    %dma_wait3A_583 = tpu.memref_slice %arg8[%dma_wait3A_578, %dma_wait3A_581, %dma_wait3A_582] : memref<10x128x16xf32, #tpu.memory_space<vmem>> -> memref<1x128x16xf32, #tpu.memory_space<vmem>>
    %dma_wait3A_584 = tpu.memref_squeeze %dma_wait3A_583 : memref<1x128x16xf32, #tpu.memory_space<vmem>> -> memref<128x16xf32, #tpu.memory_space<vmem>>
    %dma_wait3A_585 = arith.constant 0 : i32
    %dma_wait3A_586 = tpu.memref_slice %arg7[%dma_wait3A_579, %dma_wait3A_585] : memref<80x128xi32, #tpu.memory_space<vmem>> -> memref<1x128xi32, #tpu.memory_space<vmem>>
    %dma_wait3A_587 = tpu.memref_squeeze %dma_wait3A_586 : memref<1x128xi32, #tpu.memory_space<vmem>> -> memref<128xi32, #tpu.memory_space<vmem>>
    %dma_wait3A_588 = arith.constant 0 : i32
    %dma_wait3A_589 = arith.constant 0 : i32
    %dma_wait3A_590 = tpu.memref_slice %arg10[%dma_wait3A_588, %dma_wait3A_589] : memref<10112x16xf32, #tpu.memory_space<vmem_shared>> -> memref<10112x16xf32, #tpu.memory_space<vmem_shared>>
    %dma_wait3A_591 = tpu.memref_slice %arg12[%dma_wait3A_580] : memref<10x!tpu.dma_semaphore, #tpu.memory_space<semaphore_mem>> -> memref<1x!tpu.dma_semaphore, #tpu.memory_space<semaphore_mem>>
    %dma_wait3A_592 = tpu.memref_squeeze %dma_wait3A_591 : memref<1x!tpu.dma_semaphore, #tpu.memory_space<semaphore_mem>> -> memref<!tpu.dma_semaphore, #tpu.memory_space<semaphore_mem>>
    tpu.wait_indirect_dma semaphore(%dma_wait3A_592 : memref<!tpu.dma_semaphore, #tpu.memory_space<semaphore_mem>>) src(%dma_wait3A_584 : memref<128x16xf32, #tpu.memory_space<vmem>>) dst(%dma_wait3A_590 : memref<10112x16xf32, #tpu.memory_space<vmem_shared>>)
    %dma_wait3A_593 = arith.constant 9 : i32
    %dma_wait3A_594 = arith.constant 0 : i32
    %dma_wait3A_595 = arith.constant 9 : i32
    %dma_wait3A_596 = arith.constant 0 : i32
    %dma_wait3A_597 = arith.constant 0 : i32
    %dma_wait3A_598 = tpu.memref_slice %arg8[%dma_wait3A_593, %dma_wait3A_596, %dma_wait3A_597] : memref<10x128x16xf32, #tpu.memory_space<vmem>> -> memref<1x128x16xf32, #tpu.memory_space<vmem>>
    %dma_wait3A_599 = tpu.memref_squeeze %dma_wait3A_598 : memref<1x128x16xf32, #tpu.memory_space<vmem>> -> memref<128x16xf32, #tpu.memory_space<vmem>>
    %dma_wait3A_600 = arith.constant 0 : i32
    %dma_wait3A_601 = tpu.memref_slice %arg7[%dma_wait3A_594, %dma_wait3A_600] : memref<80x128xi32, #tpu.memory_space<vmem>> -> memref<1x128xi32, #tpu.memory_space<vmem>>
    %dma_wait3A_602 = tpu.memref_squeeze %dma_wait3A_601 : memref<1x128xi32, #tpu.memory_space<vmem>> -> memref<128xi32, #tpu.memory_space<vmem>>
    %dma_wait3A_603 = arith.constant 0 : i32
    %dma_wait3A_604 = arith.constant 0 : i32
    %dma_wait3A_605 = tpu.memref_slice %arg10[%dma_wait3A_603, %dma_wait3A_604] : memref<10112x16xf32, #tpu.memory_space<vmem_shared>> -> memref<10112x16xf32, #tpu.memory_space<vmem_shared>>
    %dma_wait3A_606 = tpu.memref_slice %arg12[%dma_wait3A_595] : memref<10x!tpu.dma_semaphore, #tpu.memory_space<semaphore_mem>> -> memref<1x!tpu.dma_semaphore, #tpu.memory_space<semaphore_mem>>
    %dma_wait3A_607 = tpu.memref_squeeze %dma_wait3A_606 : memref<1x!tpu.dma_semaphore, #tpu.memory_space<semaphore_mem>> -> memref<!tpu.dma_semaphore, #tpu.memory_space<semaphore_mem>>
    tpu.wait_indirect_dma semaphore(%dma_wait3A_607 : memref<!tpu.dma_semaphore, #tpu.memory_space<semaphore_mem>>) src(%dma_wait3A_599 : memref<128x16xf32, #tpu.memory_space<vmem>>) dst(%dma_wait3A_605 : memref<10112x16xf32, #tpu.memory_space<vmem_shared>>)
    %barrier3A_608 = arith.constant 0 : index
    tpu.barrier barrier_id(%barrier3A_608)
    %mul3A_609 = arith.constant 632 : i32
    %mul3A_610 = arith.muli %arg1, %mul3A_609 : i32
    "tpu.region"() ({
      %run_scoped3A_613 = tpu.sem_alloc : memref<!tpu.dma_semaphore, #tpu.memory_space<semaphore_mem>>
      %dma_start3A_614 = arith.constant 0 : i32
      %dma_start3A_615 = tpu.memref_slice %arg10[%mul3A_610, %dma_start3A_614] : memref<10112x16xf32, #tpu.memory_space<vmem_shared>> -> memref<632x16xf32, #tpu.memory_space<vmem_shared>>
      %dma_start3A_616 = arith.constant 0 : i32
      %dma_start3A_617 = tpu.memref_slice %arg10[%mul3A_610, %dma_start3A_616] : memref<10112x16xf32, #tpu.memory_space<vmem_shared>> -> memref<632x16xf32, #tpu.memory_space<vmem_shared>>
      tpu.enqueue_dma source(%dma_start3A_617 : memref<632x16xf32, #tpu.memory_space<vmem_shared>>) target(%arg9 : memref<632x16xf32, #tpu.memory_space<vmem>>) target_semaphore(%run_scoped3A_613 : memref<!tpu.dma_semaphore, #tpu.memory_space<semaphore_mem>>)
      %dma_wait3A_618 = arith.constant 0 : i32
      %dma_wait3A_619 = tpu.memref_slice %arg10[%mul3A_610, %dma_wait3A_618] : memref<10112x16xf32, #tpu.memory_space<vmem_shared>> -> memref<632x16xf32, #tpu.memory_space<vmem_shared>>
      %dma_wait3A_620 = arith.constant 0 : i32
      %dma_wait3A_621 = tpu.memref_slice %arg10[%mul3A_610, %dma_wait3A_620] : memref<10112x16xf32, #tpu.memory_space<vmem_shared>> -> memref<632x16xf32, #tpu.memory_space<vmem_shared>>
      tpu.wait_dma2 semaphore(%run_scoped3A_613 : memref<!tpu.dma_semaphore, #tpu.memory_space<semaphore_mem>>) src(%dma_wait3A_621 : memref<632x16xf32, #tpu.memory_space<vmem_shared>>) dst(%arg9 : memref<632x16xf32, #tpu.memory_space<vmem>>)
      tpu.yield
    }) : () -> ()
    %mul3A_611 = arith.constant 632 : i32
    %mul3A_612 = arith.muli %arg1, %mul3A_611 : i32
    "tpu.region"() ({
      %run_scoped3A_613 = tpu.sem_alloc : memref<!tpu.dma_semaphore, #tpu.memory_space<semaphore_mem>>
      %dma_start3A_614 = arith.constant 0 : i32
      %dma_start3A_615 = arith.constant 0 : i32
      %dma_start3A_616 = tpu.memref_slice %arg5[%arg0, %dma_start3A_614, %dma_start3A_615] : memref<2x10112x16xf32, #tpu.memory_space<hbm>> -> memref<1x10112x16xf32, #tpu.memory_space<hbm>>
      %dma_start3A_617 = tpu.memref_squeeze %dma_start3A_616 : memref<1x10112x16xf32, #tpu.memory_space<hbm>> -> memref<10112x16xf32, #tpu.memory_space<hbm>>
      %dma_start3A_618 = arith.constant 0 : i32
      %dma_start3A_619 = tpu.memref_slice %dma_start3A_617[%mul3A_612, %dma_start3A_618] : memref<10112x16xf32, #tpu.memory_space<hbm>> -> memref<632x16xf32, #tpu.memory_space<hbm>>
      %dma_start3A_620 = arith.constant 0 : i32
      %dma_start3A_621 = arith.constant 0 : i32
      %dma_start3A_622 = tpu.memref_slice %arg5[%arg0, %dma_start3A_620, %dma_start3A_621] : memref<2x10112x16xf32, #tpu.memory_space<hbm>> -> memref<1x10112x16xf32, #tpu.memory_space<hbm>>
      %dma_start3A_623 = tpu.memref_squeeze %dma_start3A_622 : memref<1x10112x16xf32, #tpu.memory_space<hbm>> -> memref<10112x16xf32, #tpu.memory_space<hbm>>
      %dma_start3A_624 = arith.constant 0 : i32
      %dma_start3A_625 = tpu.memref_slice %dma_start3A_623[%mul3A_612, %dma_start3A_624] : memref<10112x16xf32, #tpu.memory_space<hbm>> -> memref<632x16xf32, #tpu.memory_space<hbm>>
      tpu.enqueue_dma source(%arg9 : memref<632x16xf32, #tpu.memory_space<vmem>>) target(%dma_start3A_625 : memref<632x16xf32, #tpu.memory_space<hbm>>) target_semaphore(%run_scoped3A_613 : memref<!tpu.dma_semaphore, #tpu.memory_space<semaphore_mem>>)
      %dma_wait3A_626 = arith.constant 0 : i32
      %dma_wait3A_627 = arith.constant 0 : i32
      %dma_wait3A_628 = tpu.memref_slice %arg5[%arg0, %dma_wait3A_626, %dma_wait3A_627] : memref<2x10112x16xf32, #tpu.memory_space<hbm>> -> memref<1x10112x16xf32, #tpu.memory_space<hbm>>
      %dma_wait3A_629 = tpu.memref_squeeze %dma_wait3A_628 : memref<1x10112x16xf32, #tpu.memory_space<hbm>> -> memref<10112x16xf32, #tpu.memory_space<hbm>>
      %dma_wait3A_630 = arith.constant 0 : i32
      %dma_wait3A_631 = tpu.memref_slice %dma_wait3A_629[%mul3A_612, %dma_wait3A_630] : memref<10112x16xf32, #tpu.memory_space<hbm>> -> memref<632x16xf32, #tpu.memory_space<hbm>>
      %dma_wait3A_632 = arith.constant 0 : i32
      %dma_wait3A_633 = arith.constant 0 : i32
      %dma_wait3A_634 = tpu.memref_slice %arg5[%arg0, %dma_wait3A_632, %dma_wait3A_633] : memref<2x10112x16xf32, #tpu.memory_space<hbm>> -> memref<1x10112x16xf32, #tpu.memory_space<hbm>>
      %dma_wait3A_635 = tpu.memref_squeeze %dma_wait3A_634 : memref<1x10112x16xf32, #tpu.memory_space<hbm>> -> memref<10112x16xf32, #tpu.memory_space<hbm>>
      %dma_wait3A_636 = arith.constant 0 : i32
      %dma_wait3A_637 = tpu.memref_slice %dma_wait3A_635[%mul3A_612, %dma_wait3A_636] : memref<10112x16xf32, #tpu.memory_space<hbm>> -> memref<632x16xf32, #tpu.memory_space<hbm>>
      tpu.wait_dma2 semaphore(%run_scoped3A_613 : memref<!tpu.dma_semaphore, #tpu.memory_space<semaphore_mem>>) src(%arg9 : memref<632x16xf32, #tpu.memory_space<vmem>>) dst(%dma_wait3A_637 : memref<632x16xf32, #tpu.memory_space<hbm>>)
      tpu.yield
    }) : () -> ()
    return
  }
}

#map = affine_map<(d0, d1) -> (0, 0)>
#map1 = affine_map<(d0, d1) -> (0, 0, 0, 0)>
#map2 = affine_map<(d0, d1) -> (0, 0, 0)>
module attributes {stable_mosaic.version = 14 : i64} {
  func.func @agg(%arg0: i32, %arg1: i32, %arg2: memref<10112x16xf32, #tpu.memory_space<hbm>>, %arg3: memref<2x32x80x128xi32, #tpu.memory_space<hbm>>, %arg4: memref<10112x16xf32, #tpu.memory_space<hbm>>, %arg5: memref<2x10112x16xf32, #tpu.memory_space<hbm>>, %arg6: memref<80x128xi32, #tpu.memory_space<vmem>>, %arg7: memref<80x128xi32, #tpu.memory_space<vmem>>, %arg8: memref<10x128x16xf32, #tpu.memory_space<vmem>>, %arg9: memref<632x16xf32, #tpu.memory_space<vmem>>, %arg10: memref<10112x16xf32, #tpu.memory_space<vmem_shared>>, %arg11: memref<10x!tpu.dma_semaphore, #tpu.memory_space<semaphore_mem>>, %arg12: memref<10x!tpu.dma_semaphore, #tpu.memory_space<semaphore_mem>>) attributes {dimension_semantics = [#tpu.dimension_semantics<core_parallel>, #tpu.dimension_semantics<subcore_parallel>], iteration_bounds = array<i64: 2, 16>, scalar_prefetch = 0 : i64, scratch_operands = 7 : i64, tpu.core_type = #tpu.core_type<sc_vector_subcore>, window_params = [{transform_indices = #map}, {transform_indices = #map1}, {transform_indices = #map}, {transform_indices = #map2}]} {
    %mul3A = arith.constant 16 : i32
    %mul3A_0 = arith.muli %arg0, %mul3A : i32
    %add3A = arith.addi %mul3A_0, %arg1 : i32
    %mul3A_1 = arith.constant 632 : i32
    %mul3A_2 = arith.muli %arg1, %mul3A_1 : i32
    "tpu.region"() ({
      %run_scoped3A_613 = tpu.sem_alloc : memref<!tpu.dma_semaphore, #tpu.memory_space<semaphore_mem>>
      %dma_start3A_614 = arith.constant 0 : i32
      %dma_start3A_615 = tpu.memref_slice %arg4[%mul3A_2, %dma_start3A_614] : memref<10112x16xf32, #tpu.memory_space<hbm>> -> memref<632x16xf32, #tpu.memory_space<hbm>>
      %dma_start3A_616 = arith.constant 0 : i32
      %dma_start3A_617 = tpu.memref_slice %arg4[%mul3A_2, %dma_start3A_616] : memref<10112x16xf32, #tpu.memory_space<hbm>> -> memref<632x16xf32, #tpu.memory_space<hbm>>
      tpu.enqueue_dma source(%dma_start3A_617 : memref<632x16xf32, #tpu.memory_space<hbm>>) target(%arg9 : memref<632x16xf32, #tpu.memory_space<vmem>>) target_semaphore(%run_scoped3A_613 : memref<!tpu.dma_semaphore, #tpu.memory_space<semaphore_mem>>)
      %dma_wait3A_618 = arith.constant 0 : i32
      %dma_wait3A_619 = tpu.memref_slice %arg4[%mul3A_2, %dma_wait3A_618] : memref<10112x16xf32, #tpu.memory_space<hbm>> -> memref<632x16xf32, #tpu.memory_space<hbm>>
      %dma_wait3A_620 = arith.constant 0 : i32
      %dma_wait3A_621 = tpu.memref_slice %arg4[%mul3A_2, %dma_wait3A_620] : memref<10112x16xf32, #tpu.memory_space<hbm>> -> memref<632x16xf32, #tpu.memory_space<hbm>>
      tpu.wait_dma2 semaphore(%run_scoped3A_613 : memref<!tpu.dma_semaphore, #tpu.memory_space<semaphore_mem>>) src(%dma_wait3A_621 : memref<632x16xf32, #tpu.memory_space<hbm>>) dst(%arg9 : memref<632x16xf32, #tpu.memory_space<vmem>>)
      tpu.yield
    }) : () -> ()
    %mul3A_3 = arith.constant 632 : i32
    %mul3A_4 = arith.muli %arg1, %mul3A_3 : i32
    "tpu.region"() ({
      %run_scoped3A_613 = tpu.sem_alloc : memref<!tpu.dma_semaphore, #tpu.memory_space<semaphore_mem>>
      %dma_start3A_614 = arith.constant 0 : i32
      %dma_start3A_615 = tpu.memref_slice %arg10[%mul3A_4, %dma_start3A_614] : memref<10112x16xf32, #tpu.memory_space<vmem_shared>> -> memref<632x16xf32, #tpu.memory_space<vmem_shared>>
      %dma_start3A_616 = arith.constant 0 : i32
      %dma_start3A_617 = tpu.memref_slice %arg10[%mul3A_4, %dma_start3A_616] : memref<10112x16xf32, #tpu.memory_space<vmem_shared>> -> memref<632x16xf32, #tpu.memory_space<vmem_shared>>
      tpu.enqueue_dma source(%arg9 : memref<632x16xf32, #tpu.memory_space<vmem>>) target(%dma_start3A_617 : memref<632x16xf32, #tpu.memory_space<vmem_shared>>) target_semaphore(%run_scoped3A_613 : memref<!tpu.dma_semaphore, #tpu.memory_space<semaphore_mem>>)
      %dma_wait3A_618 = arith.constant 0 : i32
      %dma_wait3A_619 = tpu.memref_slice %arg10[%mul3A_4, %dma_wait3A_618] : memref<10112x16xf32, #tpu.memory_space<vmem_shared>> -> memref<632x16xf32, #tpu.memory_space<vmem_shared>>
      %dma_wait3A_620 = arith.constant 0 : i32
      %dma_wait3A_621 = tpu.memref_slice %arg10[%mul3A_4, %dma_wait3A_620] : memref<10112x16xf32, #tpu.memory_space<vmem_shared>> -> memref<632x16xf32, #tpu.memory_space<vmem_shared>>
      tpu.wait_dma2 semaphore(%run_scoped3A_613 : memref<!tpu.dma_semaphore, #tpu.memory_space<semaphore_mem>>) src(%arg9 : memref<632x16xf32, #tpu.memory_space<vmem>>) dst(%dma_wait3A_621 : memref<632x16xf32, #tpu.memory_space<vmem_shared>>)
      tpu.yield
    }) : () -> ()
    %run_scoped3A = arith.constant 0 : i32
    "tpu.region"() ({
      %run_scoped3A_613 = tpu.sem_alloc : memref<!tpu.dma_semaphore, #tpu.memory_space<semaphore_mem>>
      %dma_start3A_614 = arith.constant 0 : i32
      %dma_start3A_615 = arith.constant 0 : i32
      %dma_start3A_616 = arith.constant 0 : i32
      %dma_start3A_617 = tpu.memref_slice %arg3[%run_scoped3A, %dma_start3A_614, %dma_start3A_615, %dma_start3A_616] : memref<2x32x80x128xi32, #tpu.memory_space<hbm>> -> memref<1x32x80x128xi32, #tpu.memory_space<hbm>>
      %dma_start3A_618 = tpu.memref_squeeze %dma_start3A_617 : memref<1x32x80x128xi32, #tpu.memory_space<hbm>> -> memref<32x80x128xi32, #tpu.memory_space<hbm>>
      %dma_start3A_619 = arith.constant 0 : i32
      %dma_start3A_620 = arith.constant 0 : i32
      %dma_start3A_621 = tpu.memref_slice %dma_start3A_618[%add3A, %dma_start3A_619, %dma_start3A_620] : memref<32x80x128xi32, #tpu.memory_space<hbm>> -> memref<1x80x128xi32, #tpu.memory_space<hbm>>
      %dma_start3A_622 = tpu.memref_squeeze %dma_start3A_621 : memref<1x80x128xi32, #tpu.memory_space<hbm>> -> memref<80x128xi32, #tpu.memory_space<hbm>>
      %dma_start3A_623 = arith.constant 0 : i32
      %dma_start3A_624 = arith.constant 0 : i32
      %dma_start3A_625 = arith.constant 0 : i32
      %dma_start3A_626 = tpu.memref_slice %arg3[%run_scoped3A, %dma_start3A_623, %dma_start3A_624, %dma_start3A_625] : memref<2x32x80x128xi32, #tpu.memory_space<hbm>> -> memref<1x32x80x128xi32, #tpu.memory_space<hbm>>
      %dma_start3A_627 = tpu.memref_squeeze %dma_start3A_626 : memref<1x32x80x128xi32, #tpu.memory_space<hbm>> -> memref<32x80x128xi32, #tpu.memory_space<hbm>>
      %dma_start3A_628 = arith.constant 0 : i32
      %dma_start3A_629 = arith.constant 0 : i32
      %dma_start3A_630 = tpu.memref_slice %dma_start3A_627[%add3A, %dma_start3A_628, %dma_start3A_629] : memref<32x80x128xi32, #tpu.memory_space<hbm>> -> memref<1x80x128xi32, #tpu.memory_space<hbm>>
      %dma_start3A_631 = tpu.memref_squeeze %dma_start3A_630 : memref<1x80x128xi32, #tpu.memory_space<hbm>> -> memref<80x128xi32, #tpu.memory_space<hbm>>
      tpu.enqueue_dma source(%dma_start3A_631 : memref<80x128xi32, #tpu.memory_space<hbm>>) target(%arg6 : memref<80x128xi32, #tpu.memory_space<vmem>>) target_semaphore(%run_scoped3A_613 : memref<!tpu.dma_semaphore, #tpu.memory_space<semaphore_mem>>)
      %dma_wait3A_632 = arith.constant 0 : i32
      %dma_wait3A_633 = arith.constant 0 : i32
      %dma_wait3A_634 = arith.constant 0 : i32
      %dma_wait3A_635 = tpu.memref_slice %arg3[%run_scoped3A, %dma_wait3A_632, %dma_wait3A_633, %dma_wait3A_634] : memref<2x32x80x128xi32, #tpu.memory_space<hbm>> -> memref<1x32x80x128xi32, #tpu.memory_space<hbm>>
      %dma_wait3A_636 = tpu.memref_squeeze %dma_wait3A_635 : memref<1x32x80x128xi32, #tpu.memory_space<hbm>> -> memref<32x80x128xi32, #tpu.memory_space<hbm>>
      %dma_wait3A_637 = arith.constant 0 : i32
      %dma_wait3A_638 = arith.constant 0 : i32
      %dma_wait3A_639 = tpu.memref_slice %dma_wait3A_636[%add3A, %dma_wait3A_637, %dma_wait3A_638] : memref<32x80x128xi32, #tpu.memory_space<hbm>> -> memref<1x80x128xi32, #tpu.memory_space<hbm>>
      %dma_wait3A_640 = tpu.memref_squeeze %dma_wait3A_639 : memref<1x80x128xi32, #tpu.memory_space<hbm>> -> memref<80x128xi32, #tpu.memory_space<hbm>>
      %dma_wait3A_641 = arith.constant 0 : i32
      %dma_wait3A_642 = arith.constant 0 : i32
      %dma_wait3A_643 = arith.constant 0 : i32
      %dma_wait3A_644 = tpu.memref_slice %arg3[%run_scoped3A, %dma_wait3A_641, %dma_wait3A_642, %dma_wait3A_643] : memref<2x32x80x128xi32, #tpu.memory_space<hbm>> -> memref<1x32x80x128xi32, #tpu.memory_space<hbm>>
      %dma_wait3A_645 = tpu.memref_squeeze %dma_wait3A_644 : memref<1x32x80x128xi32, #tpu.memory_space<hbm>> -> memref<32x80x128xi32, #tpu.memory_space<hbm>>
      %dma_wait3A_646 = arith.constant 0 : i32
      %dma_wait3A_647 = arith.constant 0 : i32
      %dma_wait3A_648 = tpu.memref_slice %dma_wait3A_645[%add3A, %dma_wait3A_646, %dma_wait3A_647] : memref<32x80x128xi32, #tpu.memory_space<hbm>> -> memref<1x80x128xi32, #tpu.memory_space<hbm>>
      %dma_wait3A_649 = tpu.memref_squeeze %dma_wait3A_648 : memref<1x80x128xi32, #tpu.memory_space<hbm>> -> memref<80x128xi32, #tpu.memory_space<hbm>>
      tpu.wait_dma2 semaphore(%run_scoped3A_613 : memref<!tpu.dma_semaphore, #tpu.memory_space<semaphore_mem>>) src(%dma_wait3A_649 : memref<80x128xi32, #tpu.memory_space<hbm>>) dst(%arg6 : memref<80x128xi32, #tpu.memory_space<vmem>>)
      tpu.yield
    }) : () -> ()
    %run_scoped3A_5 = arith.constant 1 : i32
    "tpu.region"() ({
      %run_scoped3A_613 = tpu.sem_alloc : memref<!tpu.dma_semaphore, #tpu.memory_space<semaphore_mem>>
      %dma_start3A_614 = arith.constant 0 : i32
      %dma_start3A_615 = arith.constant 0 : i32
      %dma_start3A_616 = arith.constant 0 : i32
      %dma_start3A_617 = tpu.memref_slice %arg3[%run_scoped3A_5, %dma_start3A_614, %dma_start3A_615, %dma_start3A_616] : memref<2x32x80x128xi32, #tpu.memory_space<hbm>> -> memref<1x32x80x128xi32, #tpu.memory_space<hbm>>
      %dma_start3A_618 = tpu.memref_squeeze %dma_start3A_617 : memref<1x32x80x128xi32, #tpu.memory_space<hbm>> -> memref<32x80x128xi32, #tpu.memory_space<hbm>>
      %dma_start3A_619 = arith.constant 0 : i32
      %dma_start3A_620 = arith.constant 0 : i32
      %dma_start3A_621 = tpu.memref_slice %dma_start3A_618[%add3A, %dma_start3A_619, %dma_start3A_620] : memref<32x80x128xi32, #tpu.memory_space<hbm>> -> memref<1x80x128xi32, #tpu.memory_space<hbm>>
      %dma_start3A_622 = tpu.memref_squeeze %dma_start3A_621 : memref<1x80x128xi32, #tpu.memory_space<hbm>> -> memref<80x128xi32, #tpu.memory_space<hbm>>
      %dma_start3A_623 = arith.constant 0 : i32
      %dma_start3A_624 = arith.constant 0 : i32
      %dma_start3A_625 = arith.constant 0 : i32
      %dma_start3A_626 = tpu.memref_slice %arg3[%run_scoped3A_5, %dma_start3A_623, %dma_start3A_624, %dma_start3A_625] : memref<2x32x80x128xi32, #tpu.memory_space<hbm>> -> memref<1x32x80x128xi32, #tpu.memory_space<hbm>>
      %dma_start3A_627 = tpu.memref_squeeze %dma_start3A_626 : memref<1x32x80x128xi32, #tpu.memory_space<hbm>> -> memref<32x80x128xi32, #tpu.memory_space<hbm>>
      %dma_start3A_628 = arith.constant 0 : i32
      %dma_start3A_629 = arith.constant 0 : i32
      %dma_start3A_630 = tpu.memref_slice %dma_start3A_627[%add3A, %dma_start3A_628, %dma_start3A_629] : memref<32x80x128xi32, #tpu.memory_space<hbm>> -> memref<1x80x128xi32, #tpu.memory_space<hbm>>
      %dma_start3A_631 = tpu.memref_squeeze %dma_start3A_630 : memref<1x80x128xi32, #tpu.memory_space<hbm>> -> memref<80x128xi32, #tpu.memory_space<hbm>>
      tpu.enqueue_dma source(%dma_start3A_631 : memref<80x128xi32, #tpu.memory_space<hbm>>) target(%arg7 : memref<80x128xi32, #tpu.memory_space<vmem>>) target_semaphore(%run_scoped3A_613 : memref<!tpu.dma_semaphore, #tpu.memory_space<semaphore_mem>>)
      %dma_wait3A_632 = arith.constant 0 : i32
      %dma_wait3A_633 = arith.constant 0 : i32
      %dma_wait3A_634 = arith.constant 0 : i32
      %dma_wait3A_635 = tpu.memref_slice %arg3[%run_scoped3A_5, %dma_wait3A_632, %dma_wait3A_633, %dma_wait3A_634] : memref<2x32x80x128xi32, #tpu.memory_space<hbm>> -> memref<1x32x80x128xi32, #tpu.memory_space<hbm>>
      %dma_wait3A_636 = tpu.memref_squeeze %dma_wait3A_635 : memref<1x32x80x128xi32, #tpu.memory_space<hbm>> -> memref<32x80x128xi32, #tpu.memory_space<hbm>>
      %dma_wait3A_637 = arith.constant 0 : i32
      %dma_wait3A_638 = arith.constant 0 : i32
      %dma_wait3A_639 = tpu.memref_slice %dma_wait3A_636[%add3A, %dma_wait3A_637, %dma_wait3A_638] : memref<32x80x128xi32, #tpu.memory_space<hbm>> -> memref<1x80x128xi32, #tpu.memory_space<hbm>>
      %dma_wait3A_640 = tpu.memref_squeeze %dma_wait3A_639 : memref<1x80x128xi32, #tpu.memory_space<hbm>> -> memref<80x128xi32, #tpu.memory_space<hbm>>
      %dma_wait3A_641 = arith.constant 0 : i32
      %dma_wait3A_642 = arith.constant 0 : i32
      %dma_wait3A_643 = arith.constant 0 : i32
      %dma_wait3A_644 = tpu.memref_slice %arg3[%run_scoped3A_5, %dma_wait3A_641, %dma_wait3A_642, %dma_wait3A_643] : memref<2x32x80x128xi32, #tpu.memory_space<hbm>> -> memref<1x32x80x128xi32, #tpu.memory_space<hbm>>
      %dma_wait3A_645 = tpu.memref_squeeze %dma_wait3A_644 : memref<1x32x80x128xi32, #tpu.memory_space<hbm>> -> memref<32x80x128xi32, #tpu.memory_space<hbm>>
      %dma_wait3A_646 = arith.constant 0 : i32
      %dma_wait3A_647 = arith.constant 0 : i32
      %dma_wait3A_648 = tpu.memref_slice %dma_wait3A_645[%add3A, %dma_wait3A_646, %dma_wait3A_647] : memref<32x80x128xi32, #tpu.memory_space<hbm>> -> memref<1x80x128xi32, #tpu.memory_space<hbm>>
      %dma_wait3A_649 = tpu.memref_squeeze %dma_wait3A_648 : memref<1x80x128xi32, #tpu.memory_space<hbm>> -> memref<80x128xi32, #tpu.memory_space<hbm>>
      tpu.wait_dma2 semaphore(%run_scoped3A_613 : memref<!tpu.dma_semaphore, #tpu.memory_space<semaphore_mem>>) src(%dma_wait3A_649 : memref<80x128xi32, #tpu.memory_space<hbm>>) dst(%arg7 : memref<80x128xi32, #tpu.memory_space<vmem>>)
      tpu.yield
    }) : () -> ()
    %barrier3A = arith.constant 0 : index
    tpu.barrier barrier_id(%barrier3A)
    %dma_start3A = arith.constant 0 : i32
    %dma_start3A_6 = arith.constant 0 : i32
    %dma_start3A_7 = arith.constant 0 : i32
    %dma_start3A_8 = arith.constant 0 : i32
    %dma_start3A_9 = arith.constant 0 : i32
    %dma_start3A_10 = tpu.memref_slice %arg8[%dma_start3A_6, %dma_start3A_8, %dma_start3A_9] : memref<10x128x16xf32, #tpu.memory_space<vmem>> -> memref<1x128x16xf32, #tpu.memory_space<vmem>>
    %dma_start3A_11 = tpu.memref_squeeze %dma_start3A_10 : memref<1x128x16xf32, #tpu.memory_space<vmem>> -> memref<128x16xf32, #tpu.memory_space<vmem>>
    %dma_start3A_12 = arith.constant 0 : i32
    %dma_start3A_13 = tpu.memref_slice %arg6[%dma_start3A, %dma_start3A_12] : memref<80x128xi32, #tpu.memory_space<vmem>> -> memref<1x128xi32, #tpu.memory_space<vmem>>
    %dma_start3A_14 = tpu.memref_squeeze %dma_start3A_13 : memref<1x128xi32, #tpu.memory_space<vmem>> -> memref<128xi32, #tpu.memory_space<vmem>>
    %dma_start3A_15 = arith.constant 0 : i32
    %dma_start3A_16 = arith.constant 0 : i32
    %dma_start3A_17 = tpu.memref_slice %arg2[%dma_start3A_15, %dma_start3A_16] : memref<10112x16xf32, #tpu.memory_space<hbm>> -> memref<10112x16xf32, #tpu.memory_space<hbm>>
    %dma_start3A_18 = tpu.memref_slice %arg11[%dma_start3A_7] : memref<10x!tpu.dma_semaphore, #tpu.memory_space<semaphore_mem>> -> memref<1x!tpu.dma_semaphore, #tpu.memory_space<semaphore_mem>>
    %dma_start3A_19 = tpu.memref_squeeze %dma_start3A_18 : memref<1x!tpu.dma_semaphore, #tpu.memory_space<semaphore_mem>> -> memref<!tpu.dma_semaphore, #tpu.memory_space<semaphore_mem>>
    tpu.enqueue_indirect_dma source(%dma_start3A_17 : memref<10112x16xf32, #tpu.memory_space<hbm>>) target(%dma_start3A_11 : memref<128x16xf32, #tpu.memory_space<vmem>>) offsets(%dma_start3A_14 : memref<128xi32, #tpu.memory_space<vmem>>) semaphore(%dma_start3A_19 : memref<!tpu.dma_semaphore, #tpu.memory_space<semaphore_mem>>)
    %dma_start3A_20 = arith.constant 1 : i32
    %dma_start3A_21 = arith.constant 1 : i32
    %dma_start3A_22 = arith.constant 1 : i32
    %dma_start3A_23 = arith.constant 0 : i32
    %dma_start3A_24 = arith.constant 0 : i32
    %dma_start3A_25 = tpu.memref_slice %arg8[%dma_start3A_21, %dma_start3A_23, %dma_start3A_24] : memref<10x128x16xf32, #tpu.memory_space<vmem>> -> memref<1x128x16xf32, #tpu.memory_space<vmem>>
    %dma_start3A_26 = tpu.memref_squeeze %dma_start3A_25 : memref<1x128x16xf32, #tpu.memory_space<vmem>> -> memref<128x16xf32, #tpu.memory_space<vmem>>
    %dma_start3A_27 = arith.constant 0 : i32
    %dma_start3A_28 = tpu.memref_slice %arg6[%dma_start3A_20, %dma_start3A_27] : memref<80x128xi32, #tpu.memory_space<vmem>> -> memref<1x128xi32, #tpu.memory_space<vmem>>
    %dma_start3A_29 = tpu.memref_squeeze %dma_start3A_28 : memref<1x128xi32, #tpu.memory_space<vmem>> -> memref<128xi32, #tpu.memory_space<vmem>>
    %dma_start3A_30 = arith.constant 0 : i32
    %dma_start3A_31 = arith.constant 0 : i32
    %dma_start3A_32 = tpu.memref_slice %arg2[%dma_start3A_30, %dma_start3A_31] : memref<10112x16xf32, #tpu.memory_space<hbm>> -> memref<10112x16xf32, #tpu.memory_space<hbm>>
    %dma_start3A_33 = tpu.memref_slice %arg11[%dma_start3A_22] : memref<10x!tpu.dma_semaphore, #tpu.memory_space<semaphore_mem>> -> memref<1x!tpu.dma_semaphore, #tpu.memory_space<semaphore_mem>>
    %dma_start3A_34 = tpu.memref_squeeze %dma_start3A_33 : memref<1x!tpu.dma_semaphore, #tpu.memory_space<semaphore_mem>> -> memref<!tpu.dma_semaphore, #tpu.memory_space<semaphore_mem>>
    tpu.enqueue_indirect_dma source(%dma_start3A_32 : memref<10112x16xf32, #tpu.memory_space<hbm>>) target(%dma_start3A_26 : memref<128x16xf32, #tpu.memory_space<vmem>>) offsets(%dma_start3A_29 : memref<128xi32, #tpu.memory_space<vmem>>) semaphore(%dma_start3A_34 : memref<!tpu.dma_semaphore, #tpu.memory_space<semaphore_mem>>)
    %dma_start3A_35 = arith.constant 2 : i32
    %dma_start3A_36 = arith.constant 2 : i32
    %dma_start3A_37 = arith.constant 2 : i32
    %dma_start3A_38 = arith.constant 0 : i32
    %dma_start3A_39 = arith.constant 0 : i32
    %dma_start3A_40 = tpu.memref_slice %arg8[%dma_start3A_36, %dma_start3A_38, %dma_start3A_39] : memref<10x128x16xf32, #tpu.memory_space<vmem>> -> memref<1x128x16xf32, #tpu.memory_space<vmem>>
    %dma_start3A_41 = tpu.memref_squeeze %dma_start3A_40 : memref<1x128x16xf32, #tpu.memory_space<vmem>> -> memref<128x16xf32, #tpu.memory_space<vmem>>
    %dma_start3A_42 = arith.constant 0 : i32
    %dma_start3A_43 = tpu.memref_slice %arg6[%dma_start3A_35, %dma_start3A_42] : memref<80x128xi32, #tpu.memory_space<vmem>> -> memref<1x128xi32, #tpu.memory_space<vmem>>
    %dma_start3A_44 = tpu.memref_squeeze %dma_start3A_43 : memref<1x128xi32, #tpu.memory_space<vmem>> -> memref<128xi32, #tpu.memory_space<vmem>>
    %dma_start3A_45 = arith.constant 0 : i32
    %dma_start3A_46 = arith.constant 0 : i32
    %dma_start3A_47 = tpu.memref_slice %arg2[%dma_start3A_45, %dma_start3A_46] : memref<10112x16xf32, #tpu.memory_space<hbm>> -> memref<10112x16xf32, #tpu.memory_space<hbm>>
    %dma_start3A_48 = tpu.memref_slice %arg11[%dma_start3A_37] : memref<10x!tpu.dma_semaphore, #tpu.memory_space<semaphore_mem>> -> memref<1x!tpu.dma_semaphore, #tpu.memory_space<semaphore_mem>>
    %dma_start3A_49 = tpu.memref_squeeze %dma_start3A_48 : memref<1x!tpu.dma_semaphore, #tpu.memory_space<semaphore_mem>> -> memref<!tpu.dma_semaphore, #tpu.memory_space<semaphore_mem>>
    tpu.enqueue_indirect_dma source(%dma_start3A_47 : memref<10112x16xf32, #tpu.memory_space<hbm>>) target(%dma_start3A_41 : memref<128x16xf32, #tpu.memory_space<vmem>>) offsets(%dma_start3A_44 : memref<128xi32, #tpu.memory_space<vmem>>) semaphore(%dma_start3A_49 : memref<!tpu.dma_semaphore, #tpu.memory_space<semaphore_mem>>)
    %dma_start3A_50 = arith.constant 3 : i32
    %dma_start3A_51 = arith.constant 3 : i32
    %dma_start3A_52 = arith.constant 3 : i32
    %dma_start3A_53 = arith.constant 0 : i32
    %dma_start3A_54 = arith.constant 0 : i32
    %dma_start3A_55 = tpu.memref_slice %arg8[%dma_start3A_51, %dma_start3A_53, %dma_start3A_54] : memref<10x128x16xf32, #tpu.memory_space<vmem>> -> memref<1x128x16xf32, #tpu.memory_space<vmem>>
    %dma_start3A_56 = tpu.memref_squeeze %dma_start3A_55 : memref<1x128x16xf32, #tpu.memory_space<vmem>> -> memref<128x16xf32, #tpu.memory_space<vmem>>
    %dma_start3A_57 = arith.constant 0 : i32
    %dma_start3A_58 = tpu.memref_slice %arg6[%dma_start3A_50, %dma_start3A_57] : memref<80x128xi32, #tpu.memory_space<vmem>> -> memref<1x128xi32, #tpu.memory_space<vmem>>
    %dma_start3A_59 = tpu.memref_squeeze %dma_start3A_58 : memref<1x128xi32, #tpu.memory_space<vmem>> -> memref<128xi32, #tpu.memory_space<vmem>>
    %dma_start3A_60 = arith.constant 0 : i32
    %dma_start3A_61 = arith.constant 0 : i32
    %dma_start3A_62 = tpu.memref_slice %arg2[%dma_start3A_60, %dma_start3A_61] : memref<10112x16xf32, #tpu.memory_space<hbm>> -> memref<10112x16xf32, #tpu.memory_space<hbm>>
    %dma_start3A_63 = tpu.memref_slice %arg11[%dma_start3A_52] : memref<10x!tpu.dma_semaphore, #tpu.memory_space<semaphore_mem>> -> memref<1x!tpu.dma_semaphore, #tpu.memory_space<semaphore_mem>>
    %dma_start3A_64 = tpu.memref_squeeze %dma_start3A_63 : memref<1x!tpu.dma_semaphore, #tpu.memory_space<semaphore_mem>> -> memref<!tpu.dma_semaphore, #tpu.memory_space<semaphore_mem>>
    tpu.enqueue_indirect_dma source(%dma_start3A_62 : memref<10112x16xf32, #tpu.memory_space<hbm>>) target(%dma_start3A_56 : memref<128x16xf32, #tpu.memory_space<vmem>>) offsets(%dma_start3A_59 : memref<128xi32, #tpu.memory_space<vmem>>) semaphore(%dma_start3A_64 : memref<!tpu.dma_semaphore, #tpu.memory_space<semaphore_mem>>)
    %dma_start3A_65 = arith.constant 4 : i32
    %dma_start3A_66 = arith.constant 4 : i32
    %dma_start3A_67 = arith.constant 4 : i32
    %dma_start3A_68 = arith.constant 0 : i32
    %dma_start3A_69 = arith.constant 0 : i32
    %dma_start3A_70 = tpu.memref_slice %arg8[%dma_start3A_66, %dma_start3A_68, %dma_start3A_69] : memref<10x128x16xf32, #tpu.memory_space<vmem>> -> memref<1x128x16xf32, #tpu.memory_space<vmem>>
    %dma_start3A_71 = tpu.memref_squeeze %dma_start3A_70 : memref<1x128x16xf32, #tpu.memory_space<vmem>> -> memref<128x16xf32, #tpu.memory_space<vmem>>
    %dma_start3A_72 = arith.constant 0 : i32
    %dma_start3A_73 = tpu.memref_slice %arg6[%dma_start3A_65, %dma_start3A_72] : memref<80x128xi32, #tpu.memory_space<vmem>> -> memref<1x128xi32, #tpu.memory_space<vmem>>
    %dma_start3A_74 = tpu.memref_squeeze %dma_start3A_73 : memref<1x128xi32, #tpu.memory_space<vmem>> -> memref<128xi32, #tpu.memory_space<vmem>>
    %dma_start3A_75 = arith.constant 0 : i32
    %dma_start3A_76 = arith.constant 0 : i32
    %dma_start3A_77 = tpu.memref_slice %arg2[%dma_start3A_75, %dma_start3A_76] : memref<10112x16xf32, #tpu.memory_space<hbm>> -> memref<10112x16xf32, #tpu.memory_space<hbm>>
    %dma_start3A_78 = tpu.memref_slice %arg11[%dma_start3A_67] : memref<10x!tpu.dma_semaphore, #tpu.memory_space<semaphore_mem>> -> memref<1x!tpu.dma_semaphore, #tpu.memory_space<semaphore_mem>>
    %dma_start3A_79 = tpu.memref_squeeze %dma_start3A_78 : memref<1x!tpu.dma_semaphore, #tpu.memory_space<semaphore_mem>> -> memref<!tpu.dma_semaphore, #tpu.memory_space<semaphore_mem>>
    tpu.enqueue_indirect_dma source(%dma_start3A_77 : memref<10112x16xf32, #tpu.memory_space<hbm>>) target(%dma_start3A_71 : memref<128x16xf32, #tpu.memory_space<vmem>>) offsets(%dma_start3A_74 : memref<128xi32, #tpu.memory_space<vmem>>) semaphore(%dma_start3A_79 : memref<!tpu.dma_semaphore, #tpu.memory_space<semaphore_mem>>)
    %dma_start3A_80 = arith.constant 5 : i32
    %dma_start3A_81 = arith.constant 5 : i32
    %dma_start3A_82 = arith.constant 5 : i32
    %dma_start3A_83 = arith.constant 0 : i32
    %dma_start3A_84 = arith.constant 0 : i32
    %dma_start3A_85 = tpu.memref_slice %arg8[%dma_start3A_81, %dma_start3A_83, %dma_start3A_84] : memref<10x128x16xf32, #tpu.memory_space<vmem>> -> memref<1x128x16xf32, #tpu.memory_space<vmem>>
    %dma_start3A_86 = tpu.memref_squeeze %dma_start3A_85 : memref<1x128x16xf32, #tpu.memory_space<vmem>> -> memref<128x16xf32, #tpu.memory_space<vmem>>
    %dma_start3A_87 = arith.constant 0 : i32
    %dma_start3A_88 = tpu.memref_slice %arg6[%dma_start3A_80, %dma_start3A_87] : memref<80x128xi32, #tpu.memory_space<vmem>> -> memref<1x128xi32, #tpu.memory_space<vmem>>
    %dma_start3A_89 = tpu.memref_squeeze %dma_start3A_88 : memref<1x128xi32, #tpu.memory_space<vmem>> -> memref<128xi32, #tpu.memory_space<vmem>>
    %dma_start3A_90 = arith.constant 0 : i32
    %dma_start3A_91 = arith.constant 0 : i32
    %dma_start3A_92 = tpu.memref_slice %arg2[%dma_start3A_90, %dma_start3A_91] : memref<10112x16xf32, #tpu.memory_space<hbm>> -> memref<10112x16xf32, #tpu.memory_space<hbm>>
    %dma_start3A_93 = tpu.memref_slice %arg11[%dma_start3A_82] : memref<10x!tpu.dma_semaphore, #tpu.memory_space<semaphore_mem>> -> memref<1x!tpu.dma_semaphore, #tpu.memory_space<semaphore_mem>>
    %dma_start3A_94 = tpu.memref_squeeze %dma_start3A_93 : memref<1x!tpu.dma_semaphore, #tpu.memory_space<semaphore_mem>> -> memref<!tpu.dma_semaphore, #tpu.memory_space<semaphore_mem>>
    tpu.enqueue_indirect_dma source(%dma_start3A_92 : memref<10112x16xf32, #tpu.memory_space<hbm>>) target(%dma_start3A_86 : memref<128x16xf32, #tpu.memory_space<vmem>>) offsets(%dma_start3A_89 : memref<128xi32, #tpu.memory_space<vmem>>) semaphore(%dma_start3A_94 : memref<!tpu.dma_semaphore, #tpu.memory_space<semaphore_mem>>)
    %dma_start3A_95 = arith.constant 6 : i32
    %dma_start3A_96 = arith.constant 6 : i32
    %dma_start3A_97 = arith.constant 6 : i32
    %dma_start3A_98 = arith.constant 0 : i32
    %dma_start3A_99 = arith.constant 0 : i32
    %dma_start3A_100 = tpu.memref_slice %arg8[%dma_start3A_96, %dma_start3A_98, %dma_start3A_99] : memref<10x128x16xf32, #tpu.memory_space<vmem>> -> memref<1x128x16xf32, #tpu.memory_space<vmem>>
    %dma_start3A_101 = tpu.memref_squeeze %dma_start3A_100 : memref<1x128x16xf32, #tpu.memory_space<vmem>> -> memref<128x16xf32, #tpu.memory_space<vmem>>
    %dma_start3A_102 = arith.constant 0 : i32
    %dma_start3A_103 = tpu.memref_slice %arg6[%dma_start3A_95, %dma_start3A_102] : memref<80x128xi32, #tpu.memory_space<vmem>> -> memref<1x128xi32, #tpu.memory_space<vmem>>
    %dma_start3A_104 = tpu.memref_squeeze %dma_start3A_103 : memref<1x128xi32, #tpu.memory_space<vmem>> -> memref<128xi32, #tpu.memory_space<vmem>>
    %dma_start3A_105 = arith.constant 0 : i32
    %dma_start3A_106 = arith.constant 0 : i32
    %dma_start3A_107 = tpu.memref_slice %arg2[%dma_start3A_105, %dma_start3A_106] : memref<10112x16xf32, #tpu.memory_space<hbm>> -> memref<10112x16xf32, #tpu.memory_space<hbm>>
    %dma_start3A_108 = tpu.memref_slice %arg11[%dma_start3A_97] : memref<10x!tpu.dma_semaphore, #tpu.memory_space<semaphore_mem>> -> memref<1x!tpu.dma_semaphore, #tpu.memory_space<semaphore_mem>>
    %dma_start3A_109 = tpu.memref_squeeze %dma_start3A_108 : memref<1x!tpu.dma_semaphore, #tpu.memory_space<semaphore_mem>> -> memref<!tpu.dma_semaphore, #tpu.memory_space<semaphore_mem>>
    tpu.enqueue_indirect_dma source(%dma_start3A_107 : memref<10112x16xf32, #tpu.memory_space<hbm>>) target(%dma_start3A_101 : memref<128x16xf32, #tpu.memory_space<vmem>>) offsets(%dma_start3A_104 : memref<128xi32, #tpu.memory_space<vmem>>) semaphore(%dma_start3A_109 : memref<!tpu.dma_semaphore, #tpu.memory_space<semaphore_mem>>)
    %dma_start3A_110 = arith.constant 7 : i32
    %dma_start3A_111 = arith.constant 7 : i32
    %dma_start3A_112 = arith.constant 7 : i32
    %dma_start3A_113 = arith.constant 0 : i32
    %dma_start3A_114 = arith.constant 0 : i32
    %dma_start3A_115 = tpu.memref_slice %arg8[%dma_start3A_111, %dma_start3A_113, %dma_start3A_114] : memref<10x128x16xf32, #tpu.memory_space<vmem>> -> memref<1x128x16xf32, #tpu.memory_space<vmem>>
    %dma_start3A_116 = tpu.memref_squeeze %dma_start3A_115 : memref<1x128x16xf32, #tpu.memory_space<vmem>> -> memref<128x16xf32, #tpu.memory_space<vmem>>
    %dma_start3A_117 = arith.constant 0 : i32
    %dma_start3A_118 = tpu.memref_slice %arg6[%dma_start3A_110, %dma_start3A_117] : memref<80x128xi32, #tpu.memory_space<vmem>> -> memref<1x128xi32, #tpu.memory_space<vmem>>
    %dma_start3A_119 = tpu.memref_squeeze %dma_start3A_118 : memref<1x128xi32, #tpu.memory_space<vmem>> -> memref<128xi32, #tpu.memory_space<vmem>>
    %dma_start3A_120 = arith.constant 0 : i32
    %dma_start3A_121 = arith.constant 0 : i32
    %dma_start3A_122 = tpu.memref_slice %arg2[%dma_start3A_120, %dma_start3A_121] : memref<10112x16xf32, #tpu.memory_space<hbm>> -> memref<10112x16xf32, #tpu.memory_space<hbm>>
    %dma_start3A_123 = tpu.memref_slice %arg11[%dma_start3A_112] : memref<10x!tpu.dma_semaphore, #tpu.memory_space<semaphore_mem>> -> memref<1x!tpu.dma_semaphore, #tpu.memory_space<semaphore_mem>>
    %dma_start3A_124 = tpu.memref_squeeze %dma_start3A_123 : memref<1x!tpu.dma_semaphore, #tpu.memory_space<semaphore_mem>> -> memref<!tpu.dma_semaphore, #tpu.memory_space<semaphore_mem>>
    tpu.enqueue_indirect_dma source(%dma_start3A_122 : memref<10112x16xf32, #tpu.memory_space<hbm>>) target(%dma_start3A_116 : memref<128x16xf32, #tpu.memory_space<vmem>>) offsets(%dma_start3A_119 : memref<128xi32, #tpu.memory_space<vmem>>) semaphore(%dma_start3A_124 : memref<!tpu.dma_semaphore, #tpu.memory_space<semaphore_mem>>)
    %dma_start3A_125 = arith.constant 8 : i32
    %dma_start3A_126 = arith.constant 8 : i32
    %dma_start3A_127 = arith.constant 8 : i32
    %dma_start3A_128 = arith.constant 0 : i32
    %dma_start3A_129 = arith.constant 0 : i32
    %dma_start3A_130 = tpu.memref_slice %arg8[%dma_start3A_126, %dma_start3A_128, %dma_start3A_129] : memref<10x128x16xf32, #tpu.memory_space<vmem>> -> memref<1x128x16xf32, #tpu.memory_space<vmem>>
    %dma_start3A_131 = tpu.memref_squeeze %dma_start3A_130 : memref<1x128x16xf32, #tpu.memory_space<vmem>> -> memref<128x16xf32, #tpu.memory_space<vmem>>
    %dma_start3A_132 = arith.constant 0 : i32
    %dma_start3A_133 = tpu.memref_slice %arg6[%dma_start3A_125, %dma_start3A_132] : memref<80x128xi32, #tpu.memory_space<vmem>> -> memref<1x128xi32, #tpu.memory_space<vmem>>
    %dma_start3A_134 = tpu.memref_squeeze %dma_start3A_133 : memref<1x128xi32, #tpu.memory_space<vmem>> -> memref<128xi32, #tpu.memory_space<vmem>>
    %dma_start3A_135 = arith.constant 0 : i32
    %dma_start3A_136 = arith.constant 0 : i32
    %dma_start3A_137 = tpu.memref_slice %arg2[%dma_start3A_135, %dma_start3A_136] : memref<10112x16xf32, #tpu.memory_space<hbm>> -> memref<10112x16xf32, #tpu.memory_space<hbm>>
    %dma_start3A_138 = tpu.memref_slice %arg11[%dma_start3A_127] : memref<10x!tpu.dma_semaphore, #tpu.memory_space<semaphore_mem>> -> memref<1x!tpu.dma_semaphore, #tpu.memory_space<semaphore_mem>>
    %dma_start3A_139 = tpu.memref_squeeze %dma_start3A_138 : memref<1x!tpu.dma_semaphore, #tpu.memory_space<semaphore_mem>> -> memref<!tpu.dma_semaphore, #tpu.memory_space<semaphore_mem>>
    tpu.enqueue_indirect_dma source(%dma_start3A_137 : memref<10112x16xf32, #tpu.memory_space<hbm>>) target(%dma_start3A_131 : memref<128x16xf32, #tpu.memory_space<vmem>>) offsets(%dma_start3A_134 : memref<128xi32, #tpu.memory_space<vmem>>) semaphore(%dma_start3A_139 : memref<!tpu.dma_semaphore, #tpu.memory_space<semaphore_mem>>)
    %dma_start3A_140 = arith.constant 9 : i32
    %dma_start3A_141 = arith.constant 9 : i32
    %dma_start3A_142 = arith.constant 9 : i32
    %dma_start3A_143 = arith.constant 0 : i32
    %dma_start3A_144 = arith.constant 0 : i32
    %dma_start3A_145 = tpu.memref_slice %arg8[%dma_start3A_141, %dma_start3A_143, %dma_start3A_144] : memref<10x128x16xf32, #tpu.memory_space<vmem>> -> memref<1x128x16xf32, #tpu.memory_space<vmem>>
    %dma_start3A_146 = tpu.memref_squeeze %dma_start3A_145 : memref<1x128x16xf32, #tpu.memory_space<vmem>> -> memref<128x16xf32, #tpu.memory_space<vmem>>
    %dma_start3A_147 = arith.constant 0 : i32
    %dma_start3A_148 = tpu.memref_slice %arg6[%dma_start3A_140, %dma_start3A_147] : memref<80x128xi32, #tpu.memory_space<vmem>> -> memref<1x128xi32, #tpu.memory_space<vmem>>
    %dma_start3A_149 = tpu.memref_squeeze %dma_start3A_148 : memref<1x128xi32, #tpu.memory_space<vmem>> -> memref<128xi32, #tpu.memory_space<vmem>>
    %dma_start3A_150 = arith.constant 0 : i32
    %dma_start3A_151 = arith.constant 0 : i32
    %dma_start3A_152 = tpu.memref_slice %arg2[%dma_start3A_150, %dma_start3A_151] : memref<10112x16xf32, #tpu.memory_space<hbm>> -> memref<10112x16xf32, #tpu.memory_space<hbm>>
    %dma_start3A_153 = tpu.memref_slice %arg11[%dma_start3A_142] : memref<10x!tpu.dma_semaphore, #tpu.memory_space<semaphore_mem>> -> memref<1x!tpu.dma_semaphore, #tpu.memory_space<semaphore_mem>>
    %dma_start3A_154 = tpu.memref_squeeze %dma_start3A_153 : memref<1x!tpu.dma_semaphore, #tpu.memory_space<semaphore_mem>> -> memref<!tpu.dma_semaphore, #tpu.memory_space<semaphore_mem>>
    tpu.enqueue_indirect_dma source(%dma_start3A_152 : memref<10112x16xf32, #tpu.memory_space<hbm>>) target(%dma_start3A_146 : memref<128x16xf32, #tpu.memory_space<vmem>>) offsets(%dma_start3A_149 : memref<128xi32, #tpu.memory_space<vmem>>) semaphore(%dma_start3A_154 : memref<!tpu.dma_semaphore, #tpu.memory_space<semaphore_mem>>)
    %scan3A = arith.constant 0 : i32
    %scan3A_155 = arith.constant 7 : i32
    %scan3A_156 = arith.addi %scan3A, %scan3A_155 : i32
    %scan3A_157 = arith.constant 1 : i32
    scf.for %scan3A_613 = %scan3A to %scan3A_156 step %scan3A_157  : i32 {
      %mul3A_614 = arith.constant 10 : i32
      %mul3A_615 = arith.muli %scan3A_613, %mul3A_614 : i32
      %add3A_616 = arith.constant 0 : i32
      %add3A_617 = arith.addi %add3A_616, %mul3A_615 : i32
      %dma_wait3A_618 = arith.constant 0 : i32
      %dma_wait3A_619 = arith.constant 0 : i32
      %dma_wait3A_620 = arith.constant 0 : i32
      %dma_wait3A_621 = arith.constant 0 : i32
      %dma_wait3A_622 = arith.constant 0 : i32
      %dma_wait3A_623 = tpu.memref_slice %arg8[%dma_wait3A_619, %dma_wait3A_621, %dma_wait3A_622] : memref<10x128x16xf32, #tpu.memory_space<vmem>> -> memref<1x128x16xf32, #tpu.memory_space<vmem>>
      %dma_wait3A_624 = tpu.memref_squeeze %dma_wait3A_623 : memref<1x128x16xf32, #tpu.memory_space<vmem>> -> memref<128x16xf32, #tpu.memory_space<vmem>>
      %dma_wait3A_625 = arith.constant 0 : i32
      %dma_wait3A_626 = tpu.memref_slice %arg6[%dma_wait3A_618, %dma_wait3A_625] : memref<80x128xi32, #tpu.memory_space<vmem>> -> memref<1x128xi32, #tpu.memory_space<vmem>>
      %dma_wait3A_627 = tpu.memref_squeeze %dma_wait3A_626 : memref<1x128xi32, #tpu.memory_space<vmem>> -> memref<128xi32, #tpu.memory_space<vmem>>
      %dma_wait3A_628 = arith.constant 0 : i32
      %dma_wait3A_629 = arith.constant 0 : i32
      %dma_wait3A_630 = tpu.memref_slice %arg2[%dma_wait3A_628, %dma_wait3A_629] : memref<10112x16xf32, #tpu.memory_space<hbm>> -> memref<10112x16xf32, #tpu.memory_space<hbm>>
      %dma_wait3A_631 = tpu.memref_slice %arg11[%dma_wait3A_620] : memref<10x!tpu.dma_semaphore, #tpu.memory_space<semaphore_mem>> -> memref<1x!tpu.dma_semaphore, #tpu.memory_space<semaphore_mem>>
      %dma_wait3A_632 = tpu.memref_squeeze %dma_wait3A_631 : memref<1x!tpu.dma_semaphore, #tpu.memory_space<semaphore_mem>> -> memref<!tpu.dma_semaphore, #tpu.memory_space<semaphore_mem>>
      tpu.wait_indirect_dma semaphore(%dma_wait3A_632 : memref<!tpu.dma_semaphore, #tpu.memory_space<semaphore_mem>>) src(%dma_wait3A_630 : memref<10112x16xf32, #tpu.memory_space<hbm>>) dst(%dma_wait3A_624 : memref<128x16xf32, #tpu.memory_space<vmem>>)
      %add3A_633 = arith.constant 0 : i32
      %add3A_634 = arith.addi %add3A_617, %add3A_633 : i32
      %dma_start3A_635 = arith.constant 0 : i32
      %dma_start3A_636 = arith.constant 0 : i32
      %dma_start3A_637 = arith.constant 0 : i32
      %dma_start3A_638 = arith.constant 0 : i32
      %dma_start3A_639 = tpu.memref_slice %arg8[%dma_start3A_635, %dma_start3A_637, %dma_start3A_638] : memref<10x128x16xf32, #tpu.memory_space<vmem>> -> memref<1x128x16xf32, #tpu.memory_space<vmem>>
      %dma_start3A_640 = tpu.memref_squeeze %dma_start3A_639 : memref<1x128x16xf32, #tpu.memory_space<vmem>> -> memref<128x16xf32, #tpu.memory_space<vmem>>
      %dma_start3A_641 = arith.constant 0 : i32
      %dma_start3A_642 = tpu.memref_slice %arg7[%add3A_634, %dma_start3A_641] : memref<80x128xi32, #tpu.memory_space<vmem>> -> memref<1x128xi32, #tpu.memory_space<vmem>>
      %dma_start3A_643 = tpu.memref_squeeze %dma_start3A_642 : memref<1x128xi32, #tpu.memory_space<vmem>> -> memref<128xi32, #tpu.memory_space<vmem>>
      %dma_start3A_644 = arith.constant 0 : i32
      %dma_start3A_645 = arith.constant 0 : i32
      %dma_start3A_646 = tpu.memref_slice %arg10[%dma_start3A_644, %dma_start3A_645] : memref<10112x16xf32, #tpu.memory_space<vmem_shared>> -> memref<10112x16xf32, #tpu.memory_space<vmem_shared>>
      %dma_start3A_647 = tpu.memref_slice %arg12[%dma_start3A_636] : memref<10x!tpu.dma_semaphore, #tpu.memory_space<semaphore_mem>> -> memref<1x!tpu.dma_semaphore, #tpu.memory_space<semaphore_mem>>
      %dma_start3A_648 = tpu.memref_squeeze %dma_start3A_647 : memref<1x!tpu.dma_semaphore, #tpu.memory_space<semaphore_mem>> -> memref<!tpu.dma_semaphore, #tpu.memory_space<semaphore_mem>>
      tpu.enqueue_indirect_dma source(%dma_start3A_640 : memref<128x16xf32, #tpu.memory_space<vmem>>) target(%dma_start3A_646 : memref<10112x16xf32, #tpu.memory_space<vmem_shared>>) offsets(%dma_start3A_643 : memref<128xi32, #tpu.memory_space<vmem>>) semaphore(%dma_start3A_648 : memref<!tpu.dma_semaphore, #tpu.memory_space<semaphore_mem>>) {add = true}
      %dma_wait3A_649 = arith.constant 0 : i32
      %dma_wait3A_650 = arith.constant 1 : i32
      %dma_wait3A_651 = arith.constant 1 : i32
      %dma_wait3A_652 = arith.constant 0 : i32
      %dma_wait3A_653 = arith.constant 0 : i32
      %dma_wait3A_654 = tpu.memref_slice %arg8[%dma_wait3A_650, %dma_wait3A_652, %dma_wait3A_653] : memref<10x128x16xf32, #tpu.memory_space<vmem>> -> memref<1x128x16xf32, #tpu.memory_space<vmem>>
      %dma_wait3A_655 = tpu.memref_squeeze %dma_wait3A_654 : memref<1x128x16xf32, #tpu.memory_space<vmem>> -> memref<128x16xf32, #tpu.memory_space<vmem>>
      %dma_wait3A_656 = arith.constant 0 : i32
      %dma_wait3A_657 = tpu.memref_slice %arg6[%dma_wait3A_649, %dma_wait3A_656] : memref<80x128xi32, #tpu.memory_space<vmem>> -> memref<1x128xi32, #tpu.memory_space<vmem>>
      %dma_wait3A_658 = tpu.memref_squeeze %dma_wait3A_657 : memref<1x128xi32, #tpu.memory_space<vmem>> -> memref<128xi32, #tpu.memory_space<vmem>>
      %dma_wait3A_659 = arith.constant 0 : i32
      %dma_wait3A_660 = arith.constant 0 : i32
      %dma_wait3A_661 = tpu.memref_slice %arg2[%dma_wait3A_659, %dma_wait3A_660] : memref<10112x16xf32, #tpu.memory_space<hbm>> -> memref<10112x16xf32, #tpu.memory_space<hbm>>
      %dma_wait3A_662 = tpu.memref_slice %arg11[%dma_wait3A_651] : memref<10x!tpu.dma_semaphore, #tpu.memory_space<semaphore_mem>> -> memref<1x!tpu.dma_semaphore, #tpu.memory_space<semaphore_mem>>
      %dma_wait3A_663 = tpu.memref_squeeze %dma_wait3A_662 : memref<1x!tpu.dma_semaphore, #tpu.memory_space<semaphore_mem>> -> memref<!tpu.dma_semaphore, #tpu.memory_space<semaphore_mem>>
      tpu.wait_indirect_dma semaphore(%dma_wait3A_663 : memref<!tpu.dma_semaphore, #tpu.memory_space<semaphore_mem>>) src(%dma_wait3A_661 : memref<10112x16xf32, #tpu.memory_space<hbm>>) dst(%dma_wait3A_655 : memref<128x16xf32, #tpu.memory_space<vmem>>)
      %add3A_664 = arith.constant 1 : i32
      %add3A_665 = arith.addi %add3A_617, %add3A_664 : i32
      %dma_start3A_666 = arith.constant 1 : i32
      %dma_start3A_667 = arith.constant 1 : i32
      %dma_start3A_668 = arith.constant 0 : i32
      %dma_start3A_669 = arith.constant 0 : i32
      %dma_start3A_670 = tpu.memref_slice %arg8[%dma_start3A_666, %dma_start3A_668, %dma_start3A_669] : memref<10x128x16xf32, #tpu.memory_space<vmem>> -> memref<1x128x16xf32, #tpu.memory_space<vmem>>
      %dma_start3A_671 = tpu.memref_squeeze %dma_start3A_670 : memref<1x128x16xf32, #tpu.memory_space<vmem>> -> memref<128x16xf32, #tpu.memory_space<vmem>>
      %dma_start3A_672 = arith.constant 0 : i32
      %dma_start3A_673 = tpu.memref_slice %arg7[%add3A_665, %dma_start3A_672] : memref<80x128xi32, #tpu.memory_space<vmem>> -> memref<1x128xi32, #tpu.memory_space<vmem>>
      %dma_start3A_674 = tpu.memref_squeeze %dma_start3A_673 : memref<1x128xi32, #tpu.memory_space<vmem>> -> memref<128xi32, #tpu.memory_space<vmem>>
      %dma_start3A_675 = arith.constant 0 : i32
      %dma_start3A_676 = arith.constant 0 : i32
      %dma_start3A_677 = tpu.memref_slice %arg10[%dma_start3A_675, %dma_start3A_676] : memref<10112x16xf32, #tpu.memory_space<vmem_shared>> -> memref<10112x16xf32, #tpu.memory_space<vmem_shared>>
      %dma_start3A_678 = tpu.memref_slice %arg12[%dma_start3A_667] : memref<10x!tpu.dma_semaphore, #tpu.memory_space<semaphore_mem>> -> memref<1x!tpu.dma_semaphore, #tpu.memory_space<semaphore_mem>>
      %dma_start3A_679 = tpu.memref_squeeze %dma_start3A_678 : memref<1x!tpu.dma_semaphore, #tpu.memory_space<semaphore_mem>> -> memref<!tpu.dma_semaphore, #tpu.memory_space<semaphore_mem>>
      tpu.enqueue_indirect_dma source(%dma_start3A_671 : memref<128x16xf32, #tpu.memory_space<vmem>>) target(%dma_start3A_677 : memref<10112x16xf32, #tpu.memory_space<vmem_shared>>) offsets(%dma_start3A_674 : memref<128xi32, #tpu.memory_space<vmem>>) semaphore(%dma_start3A_679 : memref<!tpu.dma_semaphore, #tpu.memory_space<semaphore_mem>>) {add = true}
      %dma_wait3A_680 = arith.constant 0 : i32
      %dma_wait3A_681 = arith.constant 2 : i32
      %dma_wait3A_682 = arith.constant 2 : i32
      %dma_wait3A_683 = arith.constant 0 : i32
      %dma_wait3A_684 = arith.constant 0 : i32
      %dma_wait3A_685 = tpu.memref_slice %arg8[%dma_wait3A_681, %dma_wait3A_683, %dma_wait3A_684] : memref<10x128x16xf32, #tpu.memory_space<vmem>> -> memref<1x128x16xf32, #tpu.memory_space<vmem>>
      %dma_wait3A_686 = tpu.memref_squeeze %dma_wait3A_685 : memref<1x128x16xf32, #tpu.memory_space<vmem>> -> memref<128x16xf32, #tpu.memory_space<vmem>>
      %dma_wait3A_687 = arith.constant 0 : i32
      %dma_wait3A_688 = tpu.memref_slice %arg6[%dma_wait3A_680, %dma_wait3A_687] : memref<80x128xi32, #tpu.memory_space<vmem>> -> memref<1x128xi32, #tpu.memory_space<vmem>>
      %dma_wait3A_689 = tpu.memref_squeeze %dma_wait3A_688 : memref<1x128xi32, #tpu.memory_space<vmem>> -> memref<128xi32, #tpu.memory_space<vmem>>
      %dma_wait3A_690 = arith.constant 0 : i32
      %dma_wait3A_691 = arith.constant 0 : i32
      %dma_wait3A_692 = tpu.memref_slice %arg2[%dma_wait3A_690, %dma_wait3A_691] : memref<10112x16xf32, #tpu.memory_space<hbm>> -> memref<10112x16xf32, #tpu.memory_space<hbm>>
      %dma_wait3A_693 = tpu.memref_slice %arg11[%dma_wait3A_682] : memref<10x!tpu.dma_semaphore, #tpu.memory_space<semaphore_mem>> -> memref<1x!tpu.dma_semaphore, #tpu.memory_space<semaphore_mem>>
      %dma_wait3A_694 = tpu.memref_squeeze %dma_wait3A_693 : memref<1x!tpu.dma_semaphore, #tpu.memory_space<semaphore_mem>> -> memref<!tpu.dma_semaphore, #tpu.memory_space<semaphore_mem>>
      tpu.wait_indirect_dma semaphore(%dma_wait3A_694 : memref<!tpu.dma_semaphore, #tpu.memory_space<semaphore_mem>>) src(%dma_wait3A_692 : memref<10112x16xf32, #tpu.memory_space<hbm>>) dst(%dma_wait3A_686 : memref<128x16xf32, #tpu.memory_space<vmem>>)
      %add3A_695 = arith.constant 2 : i32
      %add3A_696 = arith.addi %add3A_617, %add3A_695 : i32
      %dma_start3A_697 = arith.constant 2 : i32
      %dma_start3A_698 = arith.constant 2 : i32
      %dma_start3A_699 = arith.constant 0 : i32
      %dma_start3A_700 = arith.constant 0 : i32
      %dma_start3A_701 = tpu.memref_slice %arg8[%dma_start3A_697, %dma_start3A_699, %dma_start3A_700] : memref<10x128x16xf32, #tpu.memory_space<vmem>> -> memref<1x128x16xf32, #tpu.memory_space<vmem>>
      %dma_start3A_702 = tpu.memref_squeeze %dma_start3A_701 : memref<1x128x16xf32, #tpu.memory_space<vmem>> -> memref<128x16xf32, #tpu.memory_space<vmem>>
      %dma_start3A_703 = arith.constant 0 : i32
      %dma_start3A_704 = tpu.memref_slice %arg7[%add3A_696, %dma_start3A_703] : memref<80x128xi32, #tpu.memory_space<vmem>> -> memref<1x128xi32, #tpu.memory_space<vmem>>
      %dma_start3A_705 = tpu.memref_squeeze %dma_start3A_704 : memref<1x128xi32, #tpu.memory_space<vmem>> -> memref<128xi32, #tpu.memory_space<vmem>>
      %dma_start3A_706 = arith.constant 0 : i32
      %dma_start3A_707 = arith.constant 0 : i32
      %dma_start3A_708 = tpu.memref_slice %arg10[%dma_start3A_706, %dma_start3A_707] : memref<10112x16xf32, #tpu.memory_space<vmem_shared>> -> memref<10112x16xf32, #tpu.memory_space<vmem_shared>>
      %dma_start3A_709 = tpu.memref_slice %arg12[%dma_start3A_698] : memref<10x!tpu.dma_semaphore, #tpu.memory_space<semaphore_mem>> -> memref<1x!tpu.dma_semaphore, #tpu.memory_space<semaphore_mem>>
      %dma_start3A_710 = tpu.memref_squeeze %dma_start3A_709 : memref<1x!tpu.dma_semaphore, #tpu.memory_space<semaphore_mem>> -> memref<!tpu.dma_semaphore, #tpu.memory_space<semaphore_mem>>
      tpu.enqueue_indirect_dma source(%dma_start3A_702 : memref<128x16xf32, #tpu.memory_space<vmem>>) target(%dma_start3A_708 : memref<10112x16xf32, #tpu.memory_space<vmem_shared>>) offsets(%dma_start3A_705 : memref<128xi32, #tpu.memory_space<vmem>>) semaphore(%dma_start3A_710 : memref<!tpu.dma_semaphore, #tpu.memory_space<semaphore_mem>>) {add = true}
      %dma_wait3A_711 = arith.constant 0 : i32
      %dma_wait3A_712 = arith.constant 3 : i32
      %dma_wait3A_713 = arith.constant 3 : i32
      %dma_wait3A_714 = arith.constant 0 : i32
      %dma_wait3A_715 = arith.constant 0 : i32
      %dma_wait3A_716 = tpu.memref_slice %arg8[%dma_wait3A_712, %dma_wait3A_714, %dma_wait3A_715] : memref<10x128x16xf32, #tpu.memory_space<vmem>> -> memref<1x128x16xf32, #tpu.memory_space<vmem>>
      %dma_wait3A_717 = tpu.memref_squeeze %dma_wait3A_716 : memref<1x128x16xf32, #tpu.memory_space<vmem>> -> memref<128x16xf32, #tpu.memory_space<vmem>>
      %dma_wait3A_718 = arith.constant 0 : i32
      %dma_wait3A_719 = tpu.memref_slice %arg6[%dma_wait3A_711, %dma_wait3A_718] : memref<80x128xi32, #tpu.memory_space<vmem>> -> memref<1x128xi32, #tpu.memory_space<vmem>>
      %dma_wait3A_720 = tpu.memref_squeeze %dma_wait3A_719 : memref<1x128xi32, #tpu.memory_space<vmem>> -> memref<128xi32, #tpu.memory_space<vmem>>
      %dma_wait3A_721 = arith.constant 0 : i32
      %dma_wait3A_722 = arith.constant 0 : i32
      %dma_wait3A_723 = tpu.memref_slice %arg2[%dma_wait3A_721, %dma_wait3A_722] : memref<10112x16xf32, #tpu.memory_space<hbm>> -> memref<10112x16xf32, #tpu.memory_space<hbm>>
      %dma_wait3A_724 = tpu.memref_slice %arg11[%dma_wait3A_713] : memref<10x!tpu.dma_semaphore, #tpu.memory_space<semaphore_mem>> -> memref<1x!tpu.dma_semaphore, #tpu.memory_space<semaphore_mem>>
      %dma_wait3A_725 = tpu.memref_squeeze %dma_wait3A_724 : memref<1x!tpu.dma_semaphore, #tpu.memory_space<semaphore_mem>> -> memref<!tpu.dma_semaphore, #tpu.memory_space<semaphore_mem>>
      tpu.wait_indirect_dma semaphore(%dma_wait3A_725 : memref<!tpu.dma_semaphore, #tpu.memory_space<semaphore_mem>>) src(%dma_wait3A_723 : memref<10112x16xf32, #tpu.memory_space<hbm>>) dst(%dma_wait3A_717 : memref<128x16xf32, #tpu.memory_space<vmem>>)
      %add3A_726 = arith.constant 3 : i32
      %add3A_727 = arith.addi %add3A_617, %add3A_726 : i32
      %dma_start3A_728 = arith.constant 3 : i32
      %dma_start3A_729 = arith.constant 3 : i32
      %dma_start3A_730 = arith.constant 0 : i32
      %dma_start3A_731 = arith.constant 0 : i32
      %dma_start3A_732 = tpu.memref_slice %arg8[%dma_start3A_728, %dma_start3A_730, %dma_start3A_731] : memref<10x128x16xf32, #tpu.memory_space<vmem>> -> memref<1x128x16xf32, #tpu.memory_space<vmem>>
      %dma_start3A_733 = tpu.memref_squeeze %dma_start3A_732 : memref<1x128x16xf32, #tpu.memory_space<vmem>> -> memref<128x16xf32, #tpu.memory_space<vmem>>
      %dma_start3A_734 = arith.constant 0 : i32
      %dma_start3A_735 = tpu.memref_slice %arg7[%add3A_727, %dma_start3A_734] : memref<80x128xi32, #tpu.memory_space<vmem>> -> memref<1x128xi32, #tpu.memory_space<vmem>>
      %dma_start3A_736 = tpu.memref_squeeze %dma_start3A_735 : memref<1x128xi32, #tpu.memory_space<vmem>> -> memref<128xi32, #tpu.memory_space<vmem>>
      %dma_start3A_737 = arith.constant 0 : i32
      %dma_start3A_738 = arith.constant 0 : i32
      %dma_start3A_739 = tpu.memref_slice %arg10[%dma_start3A_737, %dma_start3A_738] : memref<10112x16xf32, #tpu.memory_space<vmem_shared>> -> memref<10112x16xf32, #tpu.memory_space<vmem_shared>>
      %dma_start3A_740 = tpu.memref_slice %arg12[%dma_start3A_729] : memref<10x!tpu.dma_semaphore, #tpu.memory_space<semaphore_mem>> -> memref<1x!tpu.dma_semaphore, #tpu.memory_space<semaphore_mem>>
      %dma_start3A_741 = tpu.memref_squeeze %dma_start3A_740 : memref<1x!tpu.dma_semaphore, #tpu.memory_space<semaphore_mem>> -> memref<!tpu.dma_semaphore, #tpu.memory_space<semaphore_mem>>
      tpu.enqueue_indirect_dma source(%dma_start3A_733 : memref<128x16xf32, #tpu.memory_space<vmem>>) target(%dma_start3A_739 : memref<10112x16xf32, #tpu.memory_space<vmem_shared>>) offsets(%dma_start3A_736 : memref<128xi32, #tpu.memory_space<vmem>>) semaphore(%dma_start3A_741 : memref<!tpu.dma_semaphore, #tpu.memory_space<semaphore_mem>>) {add = true}
      %dma_wait3A_742 = arith.constant 0 : i32
      %dma_wait3A_743 = arith.constant 4 : i32
      %dma_wait3A_744 = arith.constant 4 : i32
      %dma_wait3A_745 = arith.constant 0 : i32
      %dma_wait3A_746 = arith.constant 0 : i32
      %dma_wait3A_747 = tpu.memref_slice %arg8[%dma_wait3A_743, %dma_wait3A_745, %dma_wait3A_746] : memref<10x128x16xf32, #tpu.memory_space<vmem>> -> memref<1x128x16xf32, #tpu.memory_space<vmem>>
      %dma_wait3A_748 = tpu.memref_squeeze %dma_wait3A_747 : memref<1x128x16xf32, #tpu.memory_space<vmem>> -> memref<128x16xf32, #tpu.memory_space<vmem>>
      %dma_wait3A_749 = arith.constant 0 : i32
      %dma_wait3A_750 = tpu.memref_slice %arg6[%dma_wait3A_742, %dma_wait3A_749] : memref<80x128xi32, #tpu.memory_space<vmem>> -> memref<1x128xi32, #tpu.memory_space<vmem>>
      %dma_wait3A_751 = tpu.memref_squeeze %dma_wait3A_750 : memref<1x128xi32, #tpu.memory_space<vmem>> -> memref<128xi32, #tpu.memory_space<vmem>>
      %dma_wait3A_752 = arith.constant 0 : i32
      %dma_wait3A_753 = arith.constant 0 : i32
      %dma_wait3A_754 = tpu.memref_slice %arg2[%dma_wait3A_752, %dma_wait3A_753] : memref<10112x16xf32, #tpu.memory_space<hbm>> -> memref<10112x16xf32, #tpu.memory_space<hbm>>
      %dma_wait3A_755 = tpu.memref_slice %arg11[%dma_wait3A_744] : memref<10x!tpu.dma_semaphore, #tpu.memory_space<semaphore_mem>> -> memref<1x!tpu.dma_semaphore, #tpu.memory_space<semaphore_mem>>
      %dma_wait3A_756 = tpu.memref_squeeze %dma_wait3A_755 : memref<1x!tpu.dma_semaphore, #tpu.memory_space<semaphore_mem>> -> memref<!tpu.dma_semaphore, #tpu.memory_space<semaphore_mem>>
      tpu.wait_indirect_dma semaphore(%dma_wait3A_756 : memref<!tpu.dma_semaphore, #tpu.memory_space<semaphore_mem>>) src(%dma_wait3A_754 : memref<10112x16xf32, #tpu.memory_space<hbm>>) dst(%dma_wait3A_748 : memref<128x16xf32, #tpu.memory_space<vmem>>)
      %add3A_757 = arith.constant 4 : i32
      %add3A_758 = arith.addi %add3A_617, %add3A_757 : i32
      %dma_start3A_759 = arith.constant 4 : i32
      %dma_start3A_760 = arith.constant 4 : i32
      %dma_start3A_761 = arith.constant 0 : i32
      %dma_start3A_762 = arith.constant 0 : i32
      %dma_start3A_763 = tpu.memref_slice %arg8[%dma_start3A_759, %dma_start3A_761, %dma_start3A_762] : memref<10x128x16xf32, #tpu.memory_space<vmem>> -> memref<1x128x16xf32, #tpu.memory_space<vmem>>
      %dma_start3A_764 = tpu.memref_squeeze %dma_start3A_763 : memref<1x128x16xf32, #tpu.memory_space<vmem>> -> memref<128x16xf32, #tpu.memory_space<vmem>>
      %dma_start3A_765 = arith.constant 0 : i32
      %dma_start3A_766 = tpu.memref_slice %arg7[%add3A_758, %dma_start3A_765] : memref<80x128xi32, #tpu.memory_space<vmem>> -> memref<1x128xi32, #tpu.memory_space<vmem>>
      %dma_start3A_767 = tpu.memref_squeeze %dma_start3A_766 : memref<1x128xi32, #tpu.memory_space<vmem>> -> memref<128xi32, #tpu.memory_space<vmem>>
      %dma_start3A_768 = arith.constant 0 : i32
      %dma_start3A_769 = arith.constant 0 : i32
      %dma_start3A_770 = tpu.memref_slice %arg10[%dma_start3A_768, %dma_start3A_769] : memref<10112x16xf32, #tpu.memory_space<vmem_shared>> -> memref<10112x16xf32, #tpu.memory_space<vmem_shared>>
      %dma_start3A_771 = tpu.memref_slice %arg12[%dma_start3A_760] : memref<10x!tpu.dma_semaphore, #tpu.memory_space<semaphore_mem>> -> memref<1x!tpu.dma_semaphore, #tpu.memory_space<semaphore_mem>>
      %dma_start3A_772 = tpu.memref_squeeze %dma_start3A_771 : memref<1x!tpu.dma_semaphore, #tpu.memory_space<semaphore_mem>> -> memref<!tpu.dma_semaphore, #tpu.memory_space<semaphore_mem>>
      tpu.enqueue_indirect_dma source(%dma_start3A_764 : memref<128x16xf32, #tpu.memory_space<vmem>>) target(%dma_start3A_770 : memref<10112x16xf32, #tpu.memory_space<vmem_shared>>) offsets(%dma_start3A_767 : memref<128xi32, #tpu.memory_space<vmem>>) semaphore(%dma_start3A_772 : memref<!tpu.dma_semaphore, #tpu.memory_space<semaphore_mem>>) {add = true}
      %dma_wait3A_773 = arith.constant 0 : i32
      %dma_wait3A_774 = arith.constant 5 : i32
      %dma_wait3A_775 = arith.constant 5 : i32
      %dma_wait3A_776 = arith.constant 0 : i32
      %dma_wait3A_777 = arith.constant 0 : i32
      %dma_wait3A_778 = tpu.memref_slice %arg8[%dma_wait3A_774, %dma_wait3A_776, %dma_wait3A_777] : memref<10x128x16xf32, #tpu.memory_space<vmem>> -> memref<1x128x16xf32, #tpu.memory_space<vmem>>
      %dma_wait3A_779 = tpu.memref_squeeze %dma_wait3A_778 : memref<1x128x16xf32, #tpu.memory_space<vmem>> -> memref<128x16xf32, #tpu.memory_space<vmem>>
      %dma_wait3A_780 = arith.constant 0 : i32
      %dma_wait3A_781 = tpu.memref_slice %arg6[%dma_wait3A_773, %dma_wait3A_780] : memref<80x128xi32, #tpu.memory_space<vmem>> -> memref<1x128xi32, #tpu.memory_space<vmem>>
      %dma_wait3A_782 = tpu.memref_squeeze %dma_wait3A_781 : memref<1x128xi32, #tpu.memory_space<vmem>> -> memref<128xi32, #tpu.memory_space<vmem>>
      %dma_wait3A_783 = arith.constant 0 : i32
      %dma_wait3A_784 = arith.constant 0 : i32
      %dma_wait3A_785 = tpu.memref_slice %arg2[%dma_wait3A_783, %dma_wait3A_784] : memref<10112x16xf32, #tpu.memory_space<hbm>> -> memref<10112x16xf32, #tpu.memory_space<hbm>>
      %dma_wait3A_786 = tpu.memref_slice %arg11[%dma_wait3A_775] : memref<10x!tpu.dma_semaphore, #tpu.memory_space<semaphore_mem>> -> memref<1x!tpu.dma_semaphore, #tpu.memory_space<semaphore_mem>>
      %dma_wait3A_787 = tpu.memref_squeeze %dma_wait3A_786 : memref<1x!tpu.dma_semaphore, #tpu.memory_space<semaphore_mem>> -> memref<!tpu.dma_semaphore, #tpu.memory_space<semaphore_mem>>
      tpu.wait_indirect_dma semaphore(%dma_wait3A_787 : memref<!tpu.dma_semaphore, #tpu.memory_space<semaphore_mem>>) src(%dma_wait3A_785 : memref<10112x16xf32, #tpu.memory_space<hbm>>) dst(%dma_wait3A_779 : memref<128x16xf32, #tpu.memory_space<vmem>>)
      %add3A_788 = arith.constant 5 : i32
      %add3A_789 = arith.addi %add3A_617, %add3A_788 : i32
      %dma_start3A_790 = arith.constant 5 : i32
      %dma_start3A_791 = arith.constant 5 : i32
      %dma_start3A_792 = arith.constant 0 : i32
      %dma_start3A_793 = arith.constant 0 : i32
      %dma_start3A_794 = tpu.memref_slice %arg8[%dma_start3A_790, %dma_start3A_792, %dma_start3A_793] : memref<10x128x16xf32, #tpu.memory_space<vmem>> -> memref<1x128x16xf32, #tpu.memory_space<vmem>>
      %dma_start3A_795 = tpu.memref_squeeze %dma_start3A_794 : memref<1x128x16xf32, #tpu.memory_space<vmem>> -> memref<128x16xf32, #tpu.memory_space<vmem>>
      %dma_start3A_796 = arith.constant 0 : i32
      %dma_start3A_797 = tpu.memref_slice %arg7[%add3A_789, %dma_start3A_796] : memref<80x128xi32, #tpu.memory_space<vmem>> -> memref<1x128xi32, #tpu.memory_space<vmem>>
      %dma_start3A_798 = tpu.memref_squeeze %dma_start3A_797 : memref<1x128xi32, #tpu.memory_space<vmem>> -> memref<128xi32, #tpu.memory_space<vmem>>
      %dma_start3A_799 = arith.constant 0 : i32
      %dma_start3A_800 = arith.constant 0 : i32
      %dma_start3A_801 = tpu.memref_slice %arg10[%dma_start3A_799, %dma_start3A_800] : memref<10112x16xf32, #tpu.memory_space<vmem_shared>> -> memref<10112x16xf32, #tpu.memory_space<vmem_shared>>
      %dma_start3A_802 = tpu.memref_slice %arg12[%dma_start3A_791] : memref<10x!tpu.dma_semaphore, #tpu.memory_space<semaphore_mem>> -> memref<1x!tpu.dma_semaphore, #tpu.memory_space<semaphore_mem>>
      %dma_start3A_803 = tpu.memref_squeeze %dma_start3A_802 : memref<1x!tpu.dma_semaphore, #tpu.memory_space<semaphore_mem>> -> memref<!tpu.dma_semaphore, #tpu.memory_space<semaphore_mem>>
      tpu.enqueue_indirect_dma source(%dma_start3A_795 : memref<128x16xf32, #tpu.memory_space<vmem>>) target(%dma_start3A_801 : memref<10112x16xf32, #tpu.memory_space<vmem_shared>>) offsets(%dma_start3A_798 : memref<128xi32, #tpu.memory_space<vmem>>) semaphore(%dma_start3A_803 : memref<!tpu.dma_semaphore, #tpu.memory_space<semaphore_mem>>) {add = true}
      %dma_wait3A_804 = arith.constant 0 : i32
      %dma_wait3A_805 = arith.constant 6 : i32
      %dma_wait3A_806 = arith.constant 6 : i32
      %dma_wait3A_807 = arith.constant 0 : i32
      %dma_wait3A_808 = arith.constant 0 : i32
      %dma_wait3A_809 = tpu.memref_slice %arg8[%dma_wait3A_805, %dma_wait3A_807, %dma_wait3A_808] : memref<10x128x16xf32, #tpu.memory_space<vmem>> -> memref<1x128x16xf32, #tpu.memory_space<vmem>>
      %dma_wait3A_810 = tpu.memref_squeeze %dma_wait3A_809 : memref<1x128x16xf32, #tpu.memory_space<vmem>> -> memref<128x16xf32, #tpu.memory_space<vmem>>
      %dma_wait3A_811 = arith.constant 0 : i32
      %dma_wait3A_812 = tpu.memref_slice %arg6[%dma_wait3A_804, %dma_wait3A_811] : memref<80x128xi32, #tpu.memory_space<vmem>> -> memref<1x128xi32, #tpu.memory_space<vmem>>
      %dma_wait3A_813 = tpu.memref_squeeze %dma_wait3A_812 : memref<1x128xi32, #tpu.memory_space<vmem>> -> memref<128xi32, #tpu.memory_space<vmem>>
      %dma_wait3A_814 = arith.constant 0 : i32
      %dma_wait3A_815 = arith.constant 0 : i32
      %dma_wait3A_816 = tpu.memref_slice %arg2[%dma_wait3A_814, %dma_wait3A_815] : memref<10112x16xf32, #tpu.memory_space<hbm>> -> memref<10112x16xf32, #tpu.memory_space<hbm>>
      %dma_wait3A_817 = tpu.memref_slice %arg11[%dma_wait3A_806] : memref<10x!tpu.dma_semaphore, #tpu.memory_space<semaphore_mem>> -> memref<1x!tpu.dma_semaphore, #tpu.memory_space<semaphore_mem>>
      %dma_wait3A_818 = tpu.memref_squeeze %dma_wait3A_817 : memref<1x!tpu.dma_semaphore, #tpu.memory_space<semaphore_mem>> -> memref<!tpu.dma_semaphore, #tpu.memory_space<semaphore_mem>>
      tpu.wait_indirect_dma semaphore(%dma_wait3A_818 : memref<!tpu.dma_semaphore, #tpu.memory_space<semaphore_mem>>) src(%dma_wait3A_816 : memref<10112x16xf32, #tpu.memory_space<hbm>>) dst(%dma_wait3A_810 : memref<128x16xf32, #tpu.memory_space<vmem>>)
      %add3A_819 = arith.constant 6 : i32
      %add3A_820 = arith.addi %add3A_617, %add3A_819 : i32
      %dma_start3A_821 = arith.constant 6 : i32
      %dma_start3A_822 = arith.constant 6 : i32
      %dma_start3A_823 = arith.constant 0 : i32
      %dma_start3A_824 = arith.constant 0 : i32
      %dma_start3A_825 = tpu.memref_slice %arg8[%dma_start3A_821, %dma_start3A_823, %dma_start3A_824] : memref<10x128x16xf32, #tpu.memory_space<vmem>> -> memref<1x128x16xf32, #tpu.memory_space<vmem>>
      %dma_start3A_826 = tpu.memref_squeeze %dma_start3A_825 : memref<1x128x16xf32, #tpu.memory_space<vmem>> -> memref<128x16xf32, #tpu.memory_space<vmem>>
      %dma_start3A_827 = arith.constant 0 : i32
      %dma_start3A_828 = tpu.memref_slice %arg7[%add3A_820, %dma_start3A_827] : memref<80x128xi32, #tpu.memory_space<vmem>> -> memref<1x128xi32, #tpu.memory_space<vmem>>
      %dma_start3A_829 = tpu.memref_squeeze %dma_start3A_828 : memref<1x128xi32, #tpu.memory_space<vmem>> -> memref<128xi32, #tpu.memory_space<vmem>>
      %dma_start3A_830 = arith.constant 0 : i32
      %dma_start3A_831 = arith.constant 0 : i32
      %dma_start3A_832 = tpu.memref_slice %arg10[%dma_start3A_830, %dma_start3A_831] : memref<10112x16xf32, #tpu.memory_space<vmem_shared>> -> memref<10112x16xf32, #tpu.memory_space<vmem_shared>>
      %dma_start3A_833 = tpu.memref_slice %arg12[%dma_start3A_822] : memref<10x!tpu.dma_semaphore, #tpu.memory_space<semaphore_mem>> -> memref<1x!tpu.dma_semaphore, #tpu.memory_space<semaphore_mem>>
      %dma_start3A_834 = tpu.memref_squeeze %dma_start3A_833 : memref<1x!tpu.dma_semaphore, #tpu.memory_space<semaphore_mem>> -> memref<!tpu.dma_semaphore, #tpu.memory_space<semaphore_mem>>
      tpu.enqueue_indirect_dma source(%dma_start3A_826 : memref<128x16xf32, #tpu.memory_space<vmem>>) target(%dma_start3A_832 : memref<10112x16xf32, #tpu.memory_space<vmem_shared>>) offsets(%dma_start3A_829 : memref<128xi32, #tpu.memory_space<vmem>>) semaphore(%dma_start3A_834 : memref<!tpu.dma_semaphore, #tpu.memory_space<semaphore_mem>>) {add = true}
      %dma_wait3A_835 = arith.constant 0 : i32
      %dma_wait3A_836 = arith.constant 7 : i32
      %dma_wait3A_837 = arith.constant 7 : i32
      %dma_wait3A_838 = arith.constant 0 : i32
      %dma_wait3A_839 = arith.constant 0 : i32
      %dma_wait3A_840 = tpu.memref_slice %arg8[%dma_wait3A_836, %dma_wait3A_838, %dma_wait3A_839] : memref<10x128x16xf32, #tpu.memory_space<vmem>> -> memref<1x128x16xf32, #tpu.memory_space<vmem>>
      %dma_wait3A_841 = tpu.memref_squeeze %dma_wait3A_840 : memref<1x128x16xf32, #tpu.memory_space<vmem>> -> memref<128x16xf32, #tpu.memory_space<vmem>>
      %dma_wait3A_842 = arith.constant 0 : i32
      %dma_wait3A_843 = tpu.memref_slice %arg6[%dma_wait3A_835, %dma_wait3A_842] : memref<80x128xi32, #tpu.memory_space<vmem>> -> memref<1x128xi32, #tpu.memory_space<vmem>>
      %dma_wait3A_844 = tpu.memref_squeeze %dma_wait3A_843 : memref<1x128xi32, #tpu.memory_space<vmem>> -> memref<128xi32, #tpu.memory_space<vmem>>
      %dma_wait3A_845 = arith.constant 0 : i32
      %dma_wait3A_846 = arith.constant 0 : i32
      %dma_wait3A_847 = tpu.memref_slice %arg2[%dma_wait3A_845, %dma_wait3A_846] : memref<10112x16xf32, #tpu.memory_space<hbm>> -> memref<10112x16xf32, #tpu.memory_space<hbm>>
      %dma_wait3A_848 = tpu.memref_slice %arg11[%dma_wait3A_837] : memref<10x!tpu.dma_semaphore, #tpu.memory_space<semaphore_mem>> -> memref<1x!tpu.dma_semaphore, #tpu.memory_space<semaphore_mem>>
      %dma_wait3A_849 = tpu.memref_squeeze %dma_wait3A_848 : memref<1x!tpu.dma_semaphore, #tpu.memory_space<semaphore_mem>> -> memref<!tpu.dma_semaphore, #tpu.memory_space<semaphore_mem>>
      tpu.wait_indirect_dma semaphore(%dma_wait3A_849 : memref<!tpu.dma_semaphore, #tpu.memory_space<semaphore_mem>>) src(%dma_wait3A_847 : memref<10112x16xf32, #tpu.memory_space<hbm>>) dst(%dma_wait3A_841 : memref<128x16xf32, #tpu.memory_space<vmem>>)
      %add3A_850 = arith.constant 7 : i32
      %add3A_851 = arith.addi %add3A_617, %add3A_850 : i32
      %dma_start3A_852 = arith.constant 7 : i32
      %dma_start3A_853 = arith.constant 7 : i32
      %dma_start3A_854 = arith.constant 0 : i32
      %dma_start3A_855 = arith.constant 0 : i32
      %dma_start3A_856 = tpu.memref_slice %arg8[%dma_start3A_852, %dma_start3A_854, %dma_start3A_855] : memref<10x128x16xf32, #tpu.memory_space<vmem>> -> memref<1x128x16xf32, #tpu.memory_space<vmem>>
      %dma_start3A_857 = tpu.memref_squeeze %dma_start3A_856 : memref<1x128x16xf32, #tpu.memory_space<vmem>> -> memref<128x16xf32, #tpu.memory_space<vmem>>
      %dma_start3A_858 = arith.constant 0 : i32
      %dma_start3A_859 = tpu.memref_slice %arg7[%add3A_851, %dma_start3A_858] : memref<80x128xi32, #tpu.memory_space<vmem>> -> memref<1x128xi32, #tpu.memory_space<vmem>>
      %dma_start3A_860 = tpu.memref_squeeze %dma_start3A_859 : memref<1x128xi32, #tpu.memory_space<vmem>> -> memref<128xi32, #tpu.memory_space<vmem>>
      %dma_start3A_861 = arith.constant 0 : i32
      %dma_start3A_862 = arith.constant 0 : i32
      %dma_start3A_863 = tpu.memref_slice %arg10[%dma_start3A_861, %dma_start3A_862] : memref<10112x16xf32, #tpu.memory_space<vmem_shared>> -> memref<10112x16xf32, #tpu.memory_space<vmem_shared>>
      %dma_start3A_864 = tpu.memref_slice %arg12[%dma_start3A_853] : memref<10x!tpu.dma_semaphore, #tpu.memory_space<semaphore_mem>> -> memref<1x!tpu.dma_semaphore, #tpu.memory_space<semaphore_mem>>
      %dma_start3A_865 = tpu.memref_squeeze %dma_start3A_864 : memref<1x!tpu.dma_semaphore, #tpu.memory_space<semaphore_mem>> -> memref<!tpu.dma_semaphore, #tpu.memory_space<semaphore_mem>>
      tpu.enqueue_indirect_dma source(%dma_start3A_857 : memref<128x16xf32, #tpu.memory_space<vmem>>) target(%dma_start3A_863 : memref<10112x16xf32, #tpu.memory_space<vmem_shared>>) offsets(%dma_start3A_860 : memref<128xi32, #tpu.memory_space<vmem>>) semaphore(%dma_start3A_865 : memref<!tpu.dma_semaphore, #tpu.memory_space<semaphore_mem>>) {add = true}
      %dma_wait3A_866 = arith.constant 0 : i32
      %dma_wait3A_867 = arith.constant 8 : i32
      %dma_wait3A_868 = arith.constant 8 : i32
      %dma_wait3A_869 = arith.constant 0 : i32
      %dma_wait3A_870 = arith.constant 0 : i32
      %dma_wait3A_871 = tpu.memref_slice %arg8[%dma_wait3A_867, %dma_wait3A_869, %dma_wait3A_870] : memref<10x128x16xf32, #tpu.memory_space<vmem>> -> memref<1x128x16xf32, #tpu.memory_space<vmem>>
      %dma_wait3A_872 = tpu.memref_squeeze %dma_wait3A_871 : memref<1x128x16xf32, #tpu.memory_space<vmem>> -> memref<128x16xf32, #tpu.memory_space<vmem>>
      %dma_wait3A_873 = arith.constant 0 : i32
      %dma_wait3A_874 = tpu.memref_slice %arg6[%dma_wait3A_866, %dma_wait3A_873] : memref<80x128xi32, #tpu.memory_space<vmem>> -> memref<1x128xi32, #tpu.memory_space<vmem>>
      %dma_wait3A_875 = tpu.memref_squeeze %dma_wait3A_874 : memref<1x128xi32, #tpu.memory_space<vmem>> -> memref<128xi32, #tpu.memory_space<vmem>>
      %dma_wait3A_876 = arith.constant 0 : i32
      %dma_wait3A_877 = arith.constant 0 : i32
      %dma_wait3A_878 = tpu.memref_slice %arg2[%dma_wait3A_876, %dma_wait3A_877] : memref<10112x16xf32, #tpu.memory_space<hbm>> -> memref<10112x16xf32, #tpu.memory_space<hbm>>
      %dma_wait3A_879 = tpu.memref_slice %arg11[%dma_wait3A_868] : memref<10x!tpu.dma_semaphore, #tpu.memory_space<semaphore_mem>> -> memref<1x!tpu.dma_semaphore, #tpu.memory_space<semaphore_mem>>
      %dma_wait3A_880 = tpu.memref_squeeze %dma_wait3A_879 : memref<1x!tpu.dma_semaphore, #tpu.memory_space<semaphore_mem>> -> memref<!tpu.dma_semaphore, #tpu.memory_space<semaphore_mem>>
      tpu.wait_indirect_dma semaphore(%dma_wait3A_880 : memref<!tpu.dma_semaphore, #tpu.memory_space<semaphore_mem>>) src(%dma_wait3A_878 : memref<10112x16xf32, #tpu.memory_space<hbm>>) dst(%dma_wait3A_872 : memref<128x16xf32, #tpu.memory_space<vmem>>)
      %add3A_881 = arith.constant 8 : i32
      %add3A_882 = arith.addi %add3A_617, %add3A_881 : i32
      %dma_start3A_883 = arith.constant 8 : i32
      %dma_start3A_884 = arith.constant 8 : i32
      %dma_start3A_885 = arith.constant 0 : i32
      %dma_start3A_886 = arith.constant 0 : i32
      %dma_start3A_887 = tpu.memref_slice %arg8[%dma_start3A_883, %dma_start3A_885, %dma_start3A_886] : memref<10x128x16xf32, #tpu.memory_space<vmem>> -> memref<1x128x16xf32, #tpu.memory_space<vmem>>
      %dma_start3A_888 = tpu.memref_squeeze %dma_start3A_887 : memref<1x128x16xf32, #tpu.memory_space<vmem>> -> memref<128x16xf32, #tpu.memory_space<vmem>>
      %dma_start3A_889 = arith.constant 0 : i32
      %dma_start3A_890 = tpu.memref_slice %arg7[%add3A_882, %dma_start3A_889] : memref<80x128xi32, #tpu.memory_space<vmem>> -> memref<1x128xi32, #tpu.memory_space<vmem>>
      %dma_start3A_891 = tpu.memref_squeeze %dma_start3A_890 : memref<1x128xi32, #tpu.memory_space<vmem>> -> memref<128xi32, #tpu.memory_space<vmem>>
      %dma_start3A_892 = arith.constant 0 : i32
      %dma_start3A_893 = arith.constant 0 : i32
      %dma_start3A_894 = tpu.memref_slice %arg10[%dma_start3A_892, %dma_start3A_893] : memref<10112x16xf32, #tpu.memory_space<vmem_shared>> -> memref<10112x16xf32, #tpu.memory_space<vmem_shared>>
      %dma_start3A_895 = tpu.memref_slice %arg12[%dma_start3A_884] : memref<10x!tpu.dma_semaphore, #tpu.memory_space<semaphore_mem>> -> memref<1x!tpu.dma_semaphore, #tpu.memory_space<semaphore_mem>>
      %dma_start3A_896 = tpu.memref_squeeze %dma_start3A_895 : memref<1x!tpu.dma_semaphore, #tpu.memory_space<semaphore_mem>> -> memref<!tpu.dma_semaphore, #tpu.memory_space<semaphore_mem>>
      tpu.enqueue_indirect_dma source(%dma_start3A_888 : memref<128x16xf32, #tpu.memory_space<vmem>>) target(%dma_start3A_894 : memref<10112x16xf32, #tpu.memory_space<vmem_shared>>) offsets(%dma_start3A_891 : memref<128xi32, #tpu.memory_space<vmem>>) semaphore(%dma_start3A_896 : memref<!tpu.dma_semaphore, #tpu.memory_space<semaphore_mem>>) {add = true}
      %dma_wait3A_897 = arith.constant 0 : i32
      %dma_wait3A_898 = arith.constant 9 : i32
      %dma_wait3A_899 = arith.constant 9 : i32
      %dma_wait3A_900 = arith.constant 0 : i32
      %dma_wait3A_901 = arith.constant 0 : i32
      %dma_wait3A_902 = tpu.memref_slice %arg8[%dma_wait3A_898, %dma_wait3A_900, %dma_wait3A_901] : memref<10x128x16xf32, #tpu.memory_space<vmem>> -> memref<1x128x16xf32, #tpu.memory_space<vmem>>
      %dma_wait3A_903 = tpu.memref_squeeze %dma_wait3A_902 : memref<1x128x16xf32, #tpu.memory_space<vmem>> -> memref<128x16xf32, #tpu.memory_space<vmem>>
      %dma_wait3A_904 = arith.constant 0 : i32
      %dma_wait3A_905 = tpu.memref_slice %arg6[%dma_wait3A_897, %dma_wait3A_904] : memref<80x128xi32, #tpu.memory_space<vmem>> -> memref<1x128xi32, #tpu.memory_space<vmem>>
      %dma_wait3A_906 = tpu.memref_squeeze %dma_wait3A_905 : memref<1x128xi32, #tpu.memory_space<vmem>> -> memref<128xi32, #tpu.memory_space<vmem>>
      %dma_wait3A_907 = arith.constant 0 : i32
      %dma_wait3A_908 = arith.constant 0 : i32
      %dma_wait3A_909 = tpu.memref_slice %arg2[%dma_wait3A_907, %dma_wait3A_908] : memref<10112x16xf32, #tpu.memory_space<hbm>> -> memref<10112x16xf32, #tpu.memory_space<hbm>>
      %dma_wait3A_910 = tpu.memref_slice %arg11[%dma_wait3A_899] : memref<10x!tpu.dma_semaphore, #tpu.memory_space<semaphore_mem>> -> memref<1x!tpu.dma_semaphore, #tpu.memory_space<semaphore_mem>>
      %dma_wait3A_911 = tpu.memref_squeeze %dma_wait3A_910 : memref<1x!tpu.dma_semaphore, #tpu.memory_space<semaphore_mem>> -> memref<!tpu.dma_semaphore, #tpu.memory_space<semaphore_mem>>
      tpu.wait_indirect_dma semaphore(%dma_wait3A_911 : memref<!tpu.dma_semaphore, #tpu.memory_space<semaphore_mem>>) src(%dma_wait3A_909 : memref<10112x16xf32, #tpu.memory_space<hbm>>) dst(%dma_wait3A_903 : memref<128x16xf32, #tpu.memory_space<vmem>>)
      %add3A_912 = arith.constant 9 : i32
      %add3A_913 = arith.addi %add3A_617, %add3A_912 : i32
      %dma_start3A_914 = arith.constant 9 : i32
      %dma_start3A_915 = arith.constant 9 : i32
      %dma_start3A_916 = arith.constant 0 : i32
      %dma_start3A_917 = arith.constant 0 : i32
      %dma_start3A_918 = tpu.memref_slice %arg8[%dma_start3A_914, %dma_start3A_916, %dma_start3A_917] : memref<10x128x16xf32, #tpu.memory_space<vmem>> -> memref<1x128x16xf32, #tpu.memory_space<vmem>>
      %dma_start3A_919 = tpu.memref_squeeze %dma_start3A_918 : memref<1x128x16xf32, #tpu.memory_space<vmem>> -> memref<128x16xf32, #tpu.memory_space<vmem>>
      %dma_start3A_920 = arith.constant 0 : i32
      %dma_start3A_921 = tpu.memref_slice %arg7[%add3A_913, %dma_start3A_920] : memref<80x128xi32, #tpu.memory_space<vmem>> -> memref<1x128xi32, #tpu.memory_space<vmem>>
      %dma_start3A_922 = tpu.memref_squeeze %dma_start3A_921 : memref<1x128xi32, #tpu.memory_space<vmem>> -> memref<128xi32, #tpu.memory_space<vmem>>
      %dma_start3A_923 = arith.constant 0 : i32
      %dma_start3A_924 = arith.constant 0 : i32
      %dma_start3A_925 = tpu.memref_slice %arg10[%dma_start3A_923, %dma_start3A_924] : memref<10112x16xf32, #tpu.memory_space<vmem_shared>> -> memref<10112x16xf32, #tpu.memory_space<vmem_shared>>
      %dma_start3A_926 = tpu.memref_slice %arg12[%dma_start3A_915] : memref<10x!tpu.dma_semaphore, #tpu.memory_space<semaphore_mem>> -> memref<1x!tpu.dma_semaphore, #tpu.memory_space<semaphore_mem>>
      %dma_start3A_927 = tpu.memref_squeeze %dma_start3A_926 : memref<1x!tpu.dma_semaphore, #tpu.memory_space<semaphore_mem>> -> memref<!tpu.dma_semaphore, #tpu.memory_space<semaphore_mem>>
      tpu.enqueue_indirect_dma source(%dma_start3A_919 : memref<128x16xf32, #tpu.memory_space<vmem>>) target(%dma_start3A_925 : memref<10112x16xf32, #tpu.memory_space<vmem_shared>>) offsets(%dma_start3A_922 : memref<128xi32, #tpu.memory_space<vmem>>) semaphore(%dma_start3A_927 : memref<!tpu.dma_semaphore, #tpu.memory_space<semaphore_mem>>) {add = true}
      %dma_wait3A_928 = arith.constant 0 : i32
      %dma_wait3A_929 = arith.constant 0 : i32
      %dma_wait3A_930 = arith.constant 0 : i32
      %dma_wait3A_931 = arith.constant 0 : i32
      %dma_wait3A_932 = arith.constant 0 : i32
      %dma_wait3A_933 = tpu.memref_slice %arg8[%dma_wait3A_928, %dma_wait3A_931, %dma_wait3A_932] : memref<10x128x16xf32, #tpu.memory_space<vmem>> -> memref<1x128x16xf32, #tpu.memory_space<vmem>>
      %dma_wait3A_934 = tpu.memref_squeeze %dma_wait3A_933 : memref<1x128x16xf32, #tpu.memory_space<vmem>> -> memref<128x16xf32, #tpu.memory_space<vmem>>
      %dma_wait3A_935 = arith.constant 0 : i32
      %dma_wait3A_936 = tpu.memref_slice %arg7[%dma_wait3A_929, %dma_wait3A_935] : memref<80x128xi32, #tpu.memory_space<vmem>> -> memref<1x128xi32, #tpu.memory_space<vmem>>
      %dma_wait3A_937 = tpu.memref_squeeze %dma_wait3A_936 : memref<1x128xi32, #tpu.memory_space<vmem>> -> memref<128xi32, #tpu.memory_space<vmem>>
      %dma_wait3A_938 = arith.constant 0 : i32
      %dma_wait3A_939 = arith.constant 0 : i32
      %dma_wait3A_940 = tpu.memref_slice %arg10[%dma_wait3A_938, %dma_wait3A_939] : memref<10112x16xf32, #tpu.memory_space<vmem_shared>> -> memref<10112x16xf32, #tpu.memory_space<vmem_shared>>
      %dma_wait3A_941 = tpu.memref_slice %arg12[%dma_wait3A_930] : memref<10x!tpu.dma_semaphore, #tpu.memory_space<semaphore_mem>> -> memref<1x!tpu.dma_semaphore, #tpu.memory_space<semaphore_mem>>
      %dma_wait3A_942 = tpu.memref_squeeze %dma_wait3A_941 : memref<1x!tpu.dma_semaphore, #tpu.memory_space<semaphore_mem>> -> memref<!tpu.dma_semaphore, #tpu.memory_space<semaphore_mem>>
      tpu.wait_indirect_dma semaphore(%dma_wait3A_942 : memref<!tpu.dma_semaphore, #tpu.memory_space<semaphore_mem>>) src(%dma_wait3A_934 : memref<128x16xf32, #tpu.memory_space<vmem>>) dst(%dma_wait3A_940 : memref<10112x16xf32, #tpu.memory_space<vmem_shared>>)
      %add3A_943 = arith.constant 10 : i32
      %add3A_944 = arith.addi %add3A_617, %add3A_943 : i32
      %add3A_945 = arith.constant 0 : i32
      %add3A_946 = arith.addi %add3A_944, %add3A_945 : i32
      %dma_start3A_947 = arith.constant 0 : i32
      %dma_start3A_948 = arith.constant 0 : i32
      %dma_start3A_949 = arith.constant 0 : i32
      %dma_start3A_950 = arith.constant 0 : i32
      %dma_start3A_951 = tpu.memref_slice %arg8[%dma_start3A_947, %dma_start3A_949, %dma_start3A_950] : memref<10x128x16xf32, #tpu.memory_space<vmem>> -> memref<1x128x16xf32, #tpu.memory_space<vmem>>
      %dma_start3A_952 = tpu.memref_squeeze %dma_start3A_951 : memref<1x128x16xf32, #tpu.memory_space<vmem>> -> memref<128x16xf32, #tpu.memory_space<vmem>>
      %dma_start3A_953 = arith.constant 0 : i32
      %dma_start3A_954 = tpu.memref_slice %arg6[%add3A_946, %dma_start3A_953] : memref<80x128xi32, #tpu.memory_space<vmem>> -> memref<1x128xi32, #tpu.memory_space<vmem>>
      %dma_start3A_955 = tpu.memref_squeeze %dma_start3A_954 : memref<1x128xi32, #tpu.memory_space<vmem>> -> memref<128xi32, #tpu.memory_space<vmem>>
      %dma_start3A_956 = arith.constant 0 : i32
      %dma_start3A_957 = arith.constant 0 : i32
      %dma_start3A_958 = tpu.memref_slice %arg2[%dma_start3A_956, %dma_start3A_957] : memref<10112x16xf32, #tpu.memory_space<hbm>> -> memref<10112x16xf32, #tpu.memory_space<hbm>>
      %dma_start3A_959 = tpu.memref_slice %arg11[%dma_start3A_948] : memref<10x!tpu.dma_semaphore, #tpu.memory_space<semaphore_mem>> -> memref<1x!tpu.dma_semaphore, #tpu.memory_space<semaphore_mem>>
      %dma_start3A_960 = tpu.memref_squeeze %dma_start3A_959 : memref<1x!tpu.dma_semaphore, #tpu.memory_space<semaphore_mem>> -> memref<!tpu.dma_semaphore, #tpu.memory_space<semaphore_mem>>
      tpu.enqueue_indirect_dma source(%dma_start3A_958 : memref<10112x16xf32, #tpu.memory_space<hbm>>) target(%dma_start3A_952 : memref<128x16xf32, #tpu.memory_space<vmem>>) offsets(%dma_start3A_955 : memref<128xi32, #tpu.memory_space<vmem>>) semaphore(%dma_start3A_960 : memref<!tpu.dma_semaphore, #tpu.memory_space<semaphore_mem>>)
      %dma_wait3A_961 = arith.constant 1 : i32
      %dma_wait3A_962 = arith.constant 0 : i32
      %dma_wait3A_963 = arith.constant 1 : i32
      %dma_wait3A_964 = arith.constant 0 : i32
      %dma_wait3A_965 = arith.constant 0 : i32
      %dma_wait3A_966 = tpu.memref_slice %arg8[%dma_wait3A_961, %dma_wait3A_964, %dma_wait3A_965] : memref<10x128x16xf32, #tpu.memory_space<vmem>> -> memref<1x128x16xf32, #tpu.memory_space<vmem>>
      %dma_wait3A_967 = tpu.memref_squeeze %dma_wait3A_966 : memref<1x128x16xf32, #tpu.memory_space<vmem>> -> memref<128x16xf32, #tpu.memory_space<vmem>>
      %dma_wait3A_968 = arith.constant 0 : i32
      %dma_wait3A_969 = tpu.memref_slice %arg7[%dma_wait3A_962, %dma_wait3A_968] : memref<80x128xi32, #tpu.memory_space<vmem>> -> memref<1x128xi32, #tpu.memory_space<vmem>>
      %dma_wait3A_970 = tpu.memref_squeeze %dma_wait3A_969 : memref<1x128xi32, #tpu.memory_space<vmem>> -> memref<128xi32, #tpu.memory_space<vmem>>
      %dma_wait3A_971 = arith.constant 0 : i32
      %dma_wait3A_972 = arith.constant 0 : i32
      %dma_wait3A_973 = tpu.memref_slice %arg10[%dma_wait3A_971, %dma_wait3A_972] : memref<10112x16xf32, #tpu.memory_space<vmem_shared>> -> memref<10112x16xf32, #tpu.memory_space<vmem_shared>>
      %dma_wait3A_974 = tpu.memref_slice %arg12[%dma_wait3A_963] : memref<10x!tpu.dma_semaphore, #tpu.memory_space<semaphore_mem>> -> memref<1x!tpu.dma_semaphore, #tpu.memory_space<semaphore_mem>>
      %dma_wait3A_975 = tpu.memref_squeeze %dma_wait3A_974 : memref<1x!tpu.dma_semaphore, #tpu.memory_space<semaphore_mem>> -> memref<!tpu.dma_semaphore, #tpu.memory_space<semaphore_mem>>
      tpu.wait_indirect_dma semaphore(%dma_wait3A_975 : memref<!tpu.dma_semaphore, #tpu.memory_space<semaphore_mem>>) src(%dma_wait3A_967 : memref<128x16xf32, #tpu.memory_space<vmem>>) dst(%dma_wait3A_973 : memref<10112x16xf32, #tpu.memory_space<vmem_shared>>)
      %add3A_976 = arith.constant 10 : i32
      %add3A_977 = arith.addi %add3A_617, %add3A_976 : i32
      %add3A_978 = arith.constant 1 : i32
      %add3A_979 = arith.addi %add3A_977, %add3A_978 : i32
      %dma_start3A_980 = arith.constant 1 : i32
      %dma_start3A_981 = arith.constant 1 : i32
      %dma_start3A_982 = arith.constant 0 : i32
      %dma_start3A_983 = arith.constant 0 : i32
      %dma_start3A_984 = tpu.memref_slice %arg8[%dma_start3A_980, %dma_start3A_982, %dma_start3A_983] : memref<10x128x16xf32, #tpu.memory_space<vmem>> -> memref<1x128x16xf32, #tpu.memory_space<vmem>>
      %dma_start3A_985 = tpu.memref_squeeze %dma_start3A_984 : memref<1x128x16xf32, #tpu.memory_space<vmem>> -> memref<128x16xf32, #tpu.memory_space<vmem>>
      %dma_start3A_986 = arith.constant 0 : i32
      %dma_start3A_987 = tpu.memref_slice %arg6[%add3A_979, %dma_start3A_986] : memref<80x128xi32, #tpu.memory_space<vmem>> -> memref<1x128xi32, #tpu.memory_space<vmem>>
      %dma_start3A_988 = tpu.memref_squeeze %dma_start3A_987 : memref<1x128xi32, #tpu.memory_space<vmem>> -> memref<128xi32, #tpu.memory_space<vmem>>
      %dma_start3A_989 = arith.constant 0 : i32
      %dma_start3A_990 = arith.constant 0 : i32
      %dma_start3A_991 = tpu.memref_slice %arg2[%dma_start3A_989, %dma_start3A_990] : memref<10112x16xf32, #tpu.memory_space<hbm>> -> memref<10112x16xf32, #tpu.memory_space<hbm>>
      %dma_start3A_992 = tpu.memref_slice %arg11[%dma_start3A_981] : memref<10x!tpu.dma_semaphore, #tpu.memory_space<semaphore_mem>> -> memref<1x!tpu.dma_semaphore, #tpu.memory_space<semaphore_mem>>
      %dma_start3A_993 = tpu.memref_squeeze %dma_start3A_992 : memref<1x!tpu.dma_semaphore, #tpu.memory_space<semaphore_mem>> -> memref<!tpu.dma_semaphore, #tpu.memory_space<semaphore_mem>>
      tpu.enqueue_indirect_dma source(%dma_start3A_991 : memref<10112x16xf32, #tpu.memory_space<hbm>>) target(%dma_start3A_985 : memref<128x16xf32, #tpu.memory_space<vmem>>) offsets(%dma_start3A_988 : memref<128xi32, #tpu.memory_space<vmem>>) semaphore(%dma_start3A_993 : memref<!tpu.dma_semaphore, #tpu.memory_space<semaphore_mem>>)
      %dma_wait3A_994 = arith.constant 2 : i32
      %dma_wait3A_995 = arith.constant 0 : i32
      %dma_wait3A_996 = arith.constant 2 : i32
      %dma_wait3A_997 = arith.constant 0 : i32
      %dma_wait3A_998 = arith.constant 0 : i32
      %dma_wait3A_999 = tpu.memref_slice %arg8[%dma_wait3A_994, %dma_wait3A_997, %dma_wait3A_998] : memref<10x128x16xf32, #tpu.memory_space<vmem>> -> memref<1x128x16xf32, #tpu.memory_space<vmem>>
      %dma_wait3A_1000 = tpu.memref_squeeze %dma_wait3A_999 : memref<1x128x16xf32, #tpu.memory_space<vmem>> -> memref<128x16xf32, #tpu.memory_space<vmem>>
      %dma_wait3A_1001 = arith.constant 0 : i32
      %dma_wait3A_1002 = tpu.memref_slice %arg7[%dma_wait3A_995, %dma_wait3A_1001] : memref<80x128xi32, #tpu.memory_space<vmem>> -> memref<1x128xi32, #tpu.memory_space<vmem>>
      %dma_wait3A_1003 = tpu.memref_squeeze %dma_wait3A_1002 : memref<1x128xi32, #tpu.memory_space<vmem>> -> memref<128xi32, #tpu.memory_space<vmem>>
      %dma_wait3A_1004 = arith.constant 0 : i32
      %dma_wait3A_1005 = arith.constant 0 : i32
      %dma_wait3A_1006 = tpu.memref_slice %arg10[%dma_wait3A_1004, %dma_wait3A_1005] : memref<10112x16xf32, #tpu.memory_space<vmem_shared>> -> memref<10112x16xf32, #tpu.memory_space<vmem_shared>>
      %dma_wait3A_1007 = tpu.memref_slice %arg12[%dma_wait3A_996] : memref<10x!tpu.dma_semaphore, #tpu.memory_space<semaphore_mem>> -> memref<1x!tpu.dma_semaphore, #tpu.memory_space<semaphore_mem>>
      %dma_wait3A_1008 = tpu.memref_squeeze %dma_wait3A_1007 : memref<1x!tpu.dma_semaphore, #tpu.memory_space<semaphore_mem>> -> memref<!tpu.dma_semaphore, #tpu.memory_space<semaphore_mem>>
      tpu.wait_indirect_dma semaphore(%dma_wait3A_1008 : memref<!tpu.dma_semaphore, #tpu.memory_space<semaphore_mem>>) src(%dma_wait3A_1000 : memref<128x16xf32, #tpu.memory_space<vmem>>) dst(%dma_wait3A_1006 : memref<10112x16xf32, #tpu.memory_space<vmem_shared>>)
      %add3A_1009 = arith.constant 10 : i32
      %add3A_1010 = arith.addi %add3A_617, %add3A_1009 : i32
      %add3A_1011 = arith.constant 2 : i32
      %add3A_1012 = arith.addi %add3A_1010, %add3A_1011 : i32
      %dma_start3A_1013 = arith.constant 2 : i32
      %dma_start3A_1014 = arith.constant 2 : i32
      %dma_start3A_1015 = arith.constant 0 : i32
      %dma_start3A_1016 = arith.constant 0 : i32
      %dma_start3A_1017 = tpu.memref_slice %arg8[%dma_start3A_1013, %dma_start3A_1015, %dma_start3A_1016] : memref<10x128x16xf32, #tpu.memory_space<vmem>> -> memref<1x128x16xf32, #tpu.memory_space<vmem>>
      %dma_start3A_1018 = tpu.memref_squeeze %dma_start3A_1017 : memref<1x128x16xf32, #tpu.memory_space<vmem>> -> memref<128x16xf32, #tpu.memory_space<vmem>>
      %dma_start3A_1019 = arith.constant 0 : i32
      %dma_start3A_1020 = tpu.memref_slice %arg6[%add3A_1012, %dma_start3A_1019] : memref<80x128xi32, #tpu.memory_space<vmem>> -> memref<1x128xi32, #tpu.memory_space<vmem>>
      %dma_start3A_1021 = tpu.memref_squeeze %dma_start3A_1020 : memref<1x128xi32, #tpu.memory_space<vmem>> -> memref<128xi32, #tpu.memory_space<vmem>>
      %dma_start3A_1022 = arith.constant 0 : i32
      %dma_start3A_1023 = arith.constant 0 : i32
      %dma_start3A_1024 = tpu.memref_slice %arg2[%dma_start3A_1022, %dma_start3A_1023] : memref<10112x16xf32, #tpu.memory_space<hbm>> -> memref<10112x16xf32, #tpu.memory_space<hbm>>
      %dma_start3A_1025 = tpu.memref_slice %arg11[%dma_start3A_1014] : memref<10x!tpu.dma_semaphore, #tpu.memory_space<semaphore_mem>> -> memref<1x!tpu.dma_semaphore, #tpu.memory_space<semaphore_mem>>
      %dma_start3A_1026 = tpu.memref_squeeze %dma_start3A_1025 : memref<1x!tpu.dma_semaphore, #tpu.memory_space<semaphore_mem>> -> memref<!tpu.dma_semaphore, #tpu.memory_space<semaphore_mem>>
      tpu.enqueue_indirect_dma source(%dma_start3A_1024 : memref<10112x16xf32, #tpu.memory_space<hbm>>) target(%dma_start3A_1018 : memref<128x16xf32, #tpu.memory_space<vmem>>) offsets(%dma_start3A_1021 : memref<128xi32, #tpu.memory_space<vmem>>) semaphore(%dma_start3A_1026 : memref<!tpu.dma_semaphore, #tpu.memory_space<semaphore_mem>>)
      %dma_wait3A_1027 = arith.constant 3 : i32
      %dma_wait3A_1028 = arith.constant 0 : i32
      %dma_wait3A_1029 = arith.constant 3 : i32
      %dma_wait3A_1030 = arith.constant 0 : i32
      %dma_wait3A_1031 = arith.constant 0 : i32
      %dma_wait3A_1032 = tpu.memref_slice %arg8[%dma_wait3A_1027, %dma_wait3A_1030, %dma_wait3A_1031] : memref<10x128x16xf32, #tpu.memory_space<vmem>> -> memref<1x128x16xf32, #tpu.memory_space<vmem>>
      %dma_wait3A_1033 = tpu.memref_squeeze %dma_wait3A_1032 : memref<1x128x16xf32, #tpu.memory_space<vmem>> -> memref<128x16xf32, #tpu.memory_space<vmem>>
      %dma_wait3A_1034 = arith.constant 0 : i32
      %dma_wait3A_1035 = tpu.memref_slice %arg7[%dma_wait3A_1028, %dma_wait3A_1034] : memref<80x128xi32, #tpu.memory_space<vmem>> -> memref<1x128xi32, #tpu.memory_space<vmem>>
      %dma_wait3A_1036 = tpu.memref_squeeze %dma_wait3A_1035 : memref<1x128xi32, #tpu.memory_space<vmem>> -> memref<128xi32, #tpu.memory_space<vmem>>
      %dma_wait3A_1037 = arith.constant 0 : i32
      %dma_wait3A_1038 = arith.constant 0 : i32
      %dma_wait3A_1039 = tpu.memref_slice %arg10[%dma_wait3A_1037, %dma_wait3A_1038] : memref<10112x16xf32, #tpu.memory_space<vmem_shared>> -> memref<10112x16xf32, #tpu.memory_space<vmem_shared>>
      %dma_wait3A_1040 = tpu.memref_slice %arg12[%dma_wait3A_1029] : memref<10x!tpu.dma_semaphore, #tpu.memory_space<semaphore_mem>> -> memref<1x!tpu.dma_semaphore, #tpu.memory_space<semaphore_mem>>
      %dma_wait3A_1041 = tpu.memref_squeeze %dma_wait3A_1040 : memref<1x!tpu.dma_semaphore, #tpu.memory_space<semaphore_mem>> -> memref<!tpu.dma_semaphore, #tpu.memory_space<semaphore_mem>>
      tpu.wait_indirect_dma semaphore(%dma_wait3A_1041 : memref<!tpu.dma_semaphore, #tpu.memory_space<semaphore_mem>>) src(%dma_wait3A_1033 : memref<128x16xf32, #tpu.memory_space<vmem>>) dst(%dma_wait3A_1039 : memref<10112x16xf32, #tpu.memory_space<vmem_shared>>)
      %add3A_1042 = arith.constant 10 : i32
      %add3A_1043 = arith.addi %add3A_617, %add3A_1042 : i32
      %add3A_1044 = arith.constant 3 : i32
      %add3A_1045 = arith.addi %add3A_1043, %add3A_1044 : i32
      %dma_start3A_1046 = arith.constant 3 : i32
      %dma_start3A_1047 = arith.constant 3 : i32
      %dma_start3A_1048 = arith.constant 0 : i32
      %dma_start3A_1049 = arith.constant 0 : i32
      %dma_start3A_1050 = tpu.memref_slice %arg8[%dma_start3A_1046, %dma_start3A_1048, %dma_start3A_1049] : memref<10x128x16xf32, #tpu.memory_space<vmem>> -> memref<1x128x16xf32, #tpu.memory_space<vmem>>
      %dma_start3A_1051 = tpu.memref_squeeze %dma_start3A_1050 : memref<1x128x16xf32, #tpu.memory_space<vmem>> -> memref<128x16xf32, #tpu.memory_space<vmem>>
      %dma_start3A_1052 = arith.constant 0 : i32
      %dma_start3A_1053 = tpu.memref_slice %arg6[%add3A_1045, %dma_start3A_1052] : memref<80x128xi32, #tpu.memory_space<vmem>> -> memref<1x128xi32, #tpu.memory_space<vmem>>
      %dma_start3A_1054 = tpu.memref_squeeze %dma_start3A_1053 : memref<1x128xi32, #tpu.memory_space<vmem>> -> memref<128xi32, #tpu.memory_space<vmem>>
      %dma_start3A_1055 = arith.constant 0 : i32
      %dma_start3A_1056 = arith.constant 0 : i32
      %dma_start3A_1057 = tpu.memref_slice %arg2[%dma_start3A_1055, %dma_start3A_1056] : memref<10112x16xf32, #tpu.memory_space<hbm>> -> memref<10112x16xf32, #tpu.memory_space<hbm>>
      %dma_start3A_1058 = tpu.memref_slice %arg11[%dma_start3A_1047] : memref<10x!tpu.dma_semaphore, #tpu.memory_space<semaphore_mem>> -> memref<1x!tpu.dma_semaphore, #tpu.memory_space<semaphore_mem>>
      %dma_start3A_1059 = tpu.memref_squeeze %dma_start3A_1058 : memref<1x!tpu.dma_semaphore, #tpu.memory_space<semaphore_mem>> -> memref<!tpu.dma_semaphore, #tpu.memory_space<semaphore_mem>>
      tpu.enqueue_indirect_dma source(%dma_start3A_1057 : memref<10112x16xf32, #tpu.memory_space<hbm>>) target(%dma_start3A_1051 : memref<128x16xf32, #tpu.memory_space<vmem>>) offsets(%dma_start3A_1054 : memref<128xi32, #tpu.memory_space<vmem>>) semaphore(%dma_start3A_1059 : memref<!tpu.dma_semaphore, #tpu.memory_space<semaphore_mem>>)
      %dma_wait3A_1060 = arith.constant 4 : i32
      %dma_wait3A_1061 = arith.constant 0 : i32
      %dma_wait3A_1062 = arith.constant 4 : i32
      %dma_wait3A_1063 = arith.constant 0 : i32
      %dma_wait3A_1064 = arith.constant 0 : i32
      %dma_wait3A_1065 = tpu.memref_slice %arg8[%dma_wait3A_1060, %dma_wait3A_1063, %dma_wait3A_1064] : memref<10x128x16xf32, #tpu.memory_space<vmem>> -> memref<1x128x16xf32, #tpu.memory_space<vmem>>
      %dma_wait3A_1066 = tpu.memref_squeeze %dma_wait3A_1065 : memref<1x128x16xf32, #tpu.memory_space<vmem>> -> memref<128x16xf32, #tpu.memory_space<vmem>>
      %dma_wait3A_1067 = arith.constant 0 : i32
      %dma_wait3A_1068 = tpu.memref_slice %arg7[%dma_wait3A_1061, %dma_wait3A_1067] : memref<80x128xi32, #tpu.memory_space<vmem>> -> memref<1x128xi32, #tpu.memory_space<vmem>>
      %dma_wait3A_1069 = tpu.memref_squeeze %dma_wait3A_1068 : memref<1x128xi32, #tpu.memory_space<vmem>> -> memref<128xi32, #tpu.memory_space<vmem>>
      %dma_wait3A_1070 = arith.constant 0 : i32
      %dma_wait3A_1071 = arith.constant 0 : i32
      %dma_wait3A_1072 = tpu.memref_slice %arg10[%dma_wait3A_1070, %dma_wait3A_1071] : memref<10112x16xf32, #tpu.memory_space<vmem_shared>> -> memref<10112x16xf32, #tpu.memory_space<vmem_shared>>
      %dma_wait3A_1073 = tpu.memref_slice %arg12[%dma_wait3A_1062] : memref<10x!tpu.dma_semaphore, #tpu.memory_space<semaphore_mem>> -> memref<1x!tpu.dma_semaphore, #tpu.memory_space<semaphore_mem>>
      %dma_wait3A_1074 = tpu.memref_squeeze %dma_wait3A_1073 : memref<1x!tpu.dma_semaphore, #tpu.memory_space<semaphore_mem>> -> memref<!tpu.dma_semaphore, #tpu.memory_space<semaphore_mem>>
      tpu.wait_indirect_dma semaphore(%dma_wait3A_1074 : memref<!tpu.dma_semaphore, #tpu.memory_space<semaphore_mem>>) src(%dma_wait3A_1066 : memref<128x16xf32, #tpu.memory_space<vmem>>) dst(%dma_wait3A_1072 : memref<10112x16xf32, #tpu.memory_space<vmem_shared>>)
      %add3A_1075 = arith.constant 10 : i32
      %add3A_1076 = arith.addi %add3A_617, %add3A_1075 : i32
      %add3A_1077 = arith.constant 4 : i32
      %add3A_1078 = arith.addi %add3A_1076, %add3A_1077 : i32
      %dma_start3A_1079 = arith.constant 4 : i32
      %dma_start3A_1080 = arith.constant 4 : i32
      %dma_start3A_1081 = arith.constant 0 : i32
      %dma_start3A_1082 = arith.constant 0 : i32
      %dma_start3A_1083 = tpu.memref_slice %arg8[%dma_start3A_1079, %dma_start3A_1081, %dma_start3A_1082] : memref<10x128x16xf32, #tpu.memory_space<vmem>> -> memref<1x128x16xf32, #tpu.memory_space<vmem>>
      %dma_start3A_1084 = tpu.memref_squeeze %dma_start3A_1083 : memref<1x128x16xf32, #tpu.memory_space<vmem>> -> memref<128x16xf32, #tpu.memory_space<vmem>>
      %dma_start3A_1085 = arith.constant 0 : i32
      %dma_start3A_1086 = tpu.memref_slice %arg6[%add3A_1078, %dma_start3A_1085] : memref<80x128xi32, #tpu.memory_space<vmem>> -> memref<1x128xi32, #tpu.memory_space<vmem>>
      %dma_start3A_1087 = tpu.memref_squeeze %dma_start3A_1086 : memref<1x128xi32, #tpu.memory_space<vmem>> -> memref<128xi32, #tpu.memory_space<vmem>>
      %dma_start3A_1088 = arith.constant 0 : i32
      %dma_start3A_1089 = arith.constant 0 : i32
      %dma_start3A_1090 = tpu.memref_slice %arg2[%dma_start3A_1088, %dma_start3A_1089] : memref<10112x16xf32, #tpu.memory_space<hbm>> -> memref<10112x16xf32, #tpu.memory_space<hbm>>
      %dma_start3A_1091 = tpu.memref_slice %arg11[%dma_start3A_1080] : memref<10x!tpu.dma_semaphore, #tpu.memory_space<semaphore_mem>> -> memref<1x!tpu.dma_semaphore, #tpu.memory_space<semaphore_mem>>
      %dma_start3A_1092 = tpu.memref_squeeze %dma_start3A_1091 : memref<1x!tpu.dma_semaphore, #tpu.memory_space<semaphore_mem>> -> memref<!tpu.dma_semaphore, #tpu.memory_space<semaphore_mem>>
      tpu.enqueue_indirect_dma source(%dma_start3A_1090 : memref<10112x16xf32, #tpu.memory_space<hbm>>) target(%dma_start3A_1084 : memref<128x16xf32, #tpu.memory_space<vmem>>) offsets(%dma_start3A_1087 : memref<128xi32, #tpu.memory_space<vmem>>) semaphore(%dma_start3A_1092 : memref<!tpu.dma_semaphore, #tpu.memory_space<semaphore_mem>>)
      %dma_wait3A_1093 = arith.constant 5 : i32
      %dma_wait3A_1094 = arith.constant 0 : i32
      %dma_wait3A_1095 = arith.constant 5 : i32
      %dma_wait3A_1096 = arith.constant 0 : i32
      %dma_wait3A_1097 = arith.constant 0 : i32
      %dma_wait3A_1098 = tpu.memref_slice %arg8[%dma_wait3A_1093, %dma_wait3A_1096, %dma_wait3A_1097] : memref<10x128x16xf32, #tpu.memory_space<vmem>> -> memref<1x128x16xf32, #tpu.memory_space<vmem>>
      %dma_wait3A_1099 = tpu.memref_squeeze %dma_wait3A_1098 : memref<1x128x16xf32, #tpu.memory_space<vmem>> -> memref<128x16xf32, #tpu.memory_space<vmem>>
      %dma_wait3A_1100 = arith.constant 0 : i32
      %dma_wait3A_1101 = tpu.memref_slice %arg7[%dma_wait3A_1094, %dma_wait3A_1100] : memref<80x128xi32, #tpu.memory_space<vmem>> -> memref<1x128xi32, #tpu.memory_space<vmem>>
      %dma_wait3A_1102 = tpu.memref_squeeze %dma_wait3A_1101 : memref<1x128xi32, #tpu.memory_space<vmem>> -> memref<128xi32, #tpu.memory_space<vmem>>
      %dma_wait3A_1103 = arith.constant 0 : i32
      %dma_wait3A_1104 = arith.constant 0 : i32
      %dma_wait3A_1105 = tpu.memref_slice %arg10[%dma_wait3A_1103, %dma_wait3A_1104] : memref<10112x16xf32, #tpu.memory_space<vmem_shared>> -> memref<10112x16xf32, #tpu.memory_space<vmem_shared>>
      %dma_wait3A_1106 = tpu.memref_slice %arg12[%dma_wait3A_1095] : memref<10x!tpu.dma_semaphore, #tpu.memory_space<semaphore_mem>> -> memref<1x!tpu.dma_semaphore, #tpu.memory_space<semaphore_mem>>
      %dma_wait3A_1107 = tpu.memref_squeeze %dma_wait3A_1106 : memref<1x!tpu.dma_semaphore, #tpu.memory_space<semaphore_mem>> -> memref<!tpu.dma_semaphore, #tpu.memory_space<semaphore_mem>>
      tpu.wait_indirect_dma semaphore(%dma_wait3A_1107 : memref<!tpu.dma_semaphore, #tpu.memory_space<semaphore_mem>>) src(%dma_wait3A_1099 : memref<128x16xf32, #tpu.memory_space<vmem>>) dst(%dma_wait3A_1105 : memref<10112x16xf32, #tpu.memory_space<vmem_shared>>)
      %add3A_1108 = arith.constant 10 : i32
      %add3A_1109 = arith.addi %add3A_617, %add3A_1108 : i32
      %add3A_1110 = arith.constant 5 : i32
      %add3A_1111 = arith.addi %add3A_1109, %add3A_1110 : i32
      %dma_start3A_1112 = arith.constant 5 : i32
      %dma_start3A_1113 = arith.constant 5 : i32
      %dma_start3A_1114 = arith.constant 0 : i32
      %dma_start3A_1115 = arith.constant 0 : i32
      %dma_start3A_1116 = tpu.memref_slice %arg8[%dma_start3A_1112, %dma_start3A_1114, %dma_start3A_1115] : memref<10x128x16xf32, #tpu.memory_space<vmem>> -> memref<1x128x16xf32, #tpu.memory_space<vmem>>
      %dma_start3A_1117 = tpu.memref_squeeze %dma_start3A_1116 : memref<1x128x16xf32, #tpu.memory_space<vmem>> -> memref<128x16xf32, #tpu.memory_space<vmem>>
      %dma_start3A_1118 = arith.constant 0 : i32
      %dma_start3A_1119 = tpu.memref_slice %arg6[%add3A_1111, %dma_start3A_1118] : memref<80x128xi32, #tpu.memory_space<vmem>> -> memref<1x128xi32, #tpu.memory_space<vmem>>
      %dma_start3A_1120 = tpu.memref_squeeze %dma_start3A_1119 : memref<1x128xi32, #tpu.memory_space<vmem>> -> memref<128xi32, #tpu.memory_space<vmem>>
      %dma_start3A_1121 = arith.constant 0 : i32
      %dma_start3A_1122 = arith.constant 0 : i32
      %dma_start3A_1123 = tpu.memref_slice %arg2[%dma_start3A_1121, %dma_start3A_1122] : memref<10112x16xf32, #tpu.memory_space<hbm>> -> memref<10112x16xf32, #tpu.memory_space<hbm>>
      %dma_start3A_1124 = tpu.memref_slice %arg11[%dma_start3A_1113] : memref<10x!tpu.dma_semaphore, #tpu.memory_space<semaphore_mem>> -> memref<1x!tpu.dma_semaphore, #tpu.memory_space<semaphore_mem>>
      %dma_start3A_1125 = tpu.memref_squeeze %dma_start3A_1124 : memref<1x!tpu.dma_semaphore, #tpu.memory_space<semaphore_mem>> -> memref<!tpu.dma_semaphore, #tpu.memory_space<semaphore_mem>>
      tpu.enqueue_indirect_dma source(%dma_start3A_1123 : memref<10112x16xf32, #tpu.memory_space<hbm>>) target(%dma_start3A_1117 : memref<128x16xf32, #tpu.memory_space<vmem>>) offsets(%dma_start3A_1120 : memref<128xi32, #tpu.memory_space<vmem>>) semaphore(%dma_start3A_1125 : memref<!tpu.dma_semaphore, #tpu.memory_space<semaphore_mem>>)
      %dma_wait3A_1126 = arith.constant 6 : i32
      %dma_wait3A_1127 = arith.constant 0 : i32
      %dma_wait3A_1128 = arith.constant 6 : i32
      %dma_wait3A_1129 = arith.constant 0 : i32
      %dma_wait3A_1130 = arith.constant 0 : i32
      %dma_wait3A_1131 = tpu.memref_slice %arg8[%dma_wait3A_1126, %dma_wait3A_1129, %dma_wait3A_1130] : memref<10x128x16xf32, #tpu.memory_space<vmem>> -> memref<1x128x16xf32, #tpu.memory_space<vmem>>
      %dma_wait3A_1132 = tpu.memref_squeeze %dma_wait3A_1131 : memref<1x128x16xf32, #tpu.memory_space<vmem>> -> memref<128x16xf32, #tpu.memory_space<vmem>>
      %dma_wait3A_1133 = arith.constant 0 : i32
      %dma_wait3A_1134 = tpu.memref_slice %arg7[%dma_wait3A_1127, %dma_wait3A_1133] : memref<80x128xi32, #tpu.memory_space<vmem>> -> memref<1x128xi32, #tpu.memory_space<vmem>>
      %dma_wait3A_1135 = tpu.memref_squeeze %dma_wait3A_1134 : memref<1x128xi32, #tpu.memory_space<vmem>> -> memref<128xi32, #tpu.memory_space<vmem>>
      %dma_wait3A_1136 = arith.constant 0 : i32
      %dma_wait3A_1137 = arith.constant 0 : i32
      %dma_wait3A_1138 = tpu.memref_slice %arg10[%dma_wait3A_1136, %dma_wait3A_1137] : memref<10112x16xf32, #tpu.memory_space<vmem_shared>> -> memref<10112x16xf32, #tpu.memory_space<vmem_shared>>
      %dma_wait3A_1139 = tpu.memref_slice %arg12[%dma_wait3A_1128] : memref<10x!tpu.dma_semaphore, #tpu.memory_space<semaphore_mem>> -> memref<1x!tpu.dma_semaphore, #tpu.memory_space<semaphore_mem>>
      %dma_wait3A_1140 = tpu.memref_squeeze %dma_wait3A_1139 : memref<1x!tpu.dma_semaphore, #tpu.memory_space<semaphore_mem>> -> memref<!tpu.dma_semaphore, #tpu.memory_space<semaphore_mem>>
      tpu.wait_indirect_dma semaphore(%dma_wait3A_1140 : memref<!tpu.dma_semaphore, #tpu.memory_space<semaphore_mem>>) src(%dma_wait3A_1132 : memref<128x16xf32, #tpu.memory_space<vmem>>) dst(%dma_wait3A_1138 : memref<10112x16xf32, #tpu.memory_space<vmem_shared>>)
      %add3A_1141 = arith.constant 10 : i32
      %add3A_1142 = arith.addi %add3A_617, %add3A_1141 : i32
      %add3A_1143 = arith.constant 6 : i32
      %add3A_1144 = arith.addi %add3A_1142, %add3A_1143 : i32
      %dma_start3A_1145 = arith.constant 6 : i32
      %dma_start3A_1146 = arith.constant 6 : i32
      %dma_start3A_1147 = arith.constant 0 : i32
      %dma_start3A_1148 = arith.constant 0 : i32
      %dma_start3A_1149 = tpu.memref_slice %arg8[%dma_start3A_1145, %dma_start3A_1147, %dma_start3A_1148] : memref<10x128x16xf32, #tpu.memory_space<vmem>> -> memref<1x128x16xf32, #tpu.memory_space<vmem>>
      %dma_start3A_1150 = tpu.memref_squeeze %dma_start3A_1149 : memref<1x128x16xf32, #tpu.memory_space<vmem>> -> memref<128x16xf32, #tpu.memory_space<vmem>>
      %dma_start3A_1151 = arith.constant 0 : i32
      %dma_start3A_1152 = tpu.memref_slice %arg6[%add3A_1144, %dma_start3A_1151] : memref<80x128xi32, #tpu.memory_space<vmem>> -> memref<1x128xi32, #tpu.memory_space<vmem>>
      %dma_start3A_1153 = tpu.memref_squeeze %dma_start3A_1152 : memref<1x128xi32, #tpu.memory_space<vmem>> -> memref<128xi32, #tpu.memory_space<vmem>>
      %dma_start3A_1154 = arith.constant 0 : i32
      %dma_start3A_1155 = arith.constant 0 : i32
      %dma_start3A_1156 = tpu.memref_slice %arg2[%dma_start3A_1154, %dma_start3A_1155] : memref<10112x16xf32, #tpu.memory_space<hbm>> -> memref<10112x16xf32, #tpu.memory_space<hbm>>
      %dma_start3A_1157 = tpu.memref_slice %arg11[%dma_start3A_1146] : memref<10x!tpu.dma_semaphore, #tpu.memory_space<semaphore_mem>> -> memref<1x!tpu.dma_semaphore, #tpu.memory_space<semaphore_mem>>
      %dma_start3A_1158 = tpu.memref_squeeze %dma_start3A_1157 : memref<1x!tpu.dma_semaphore, #tpu.memory_space<semaphore_mem>> -> memref<!tpu.dma_semaphore, #tpu.memory_space<semaphore_mem>>
      tpu.enqueue_indirect_dma source(%dma_start3A_1156 : memref<10112x16xf32, #tpu.memory_space<hbm>>) target(%dma_start3A_1150 : memref<128x16xf32, #tpu.memory_space<vmem>>) offsets(%dma_start3A_1153 : memref<128xi32, #tpu.memory_space<vmem>>) semaphore(%dma_start3A_1158 : memref<!tpu.dma_semaphore, #tpu.memory_space<semaphore_mem>>)
      %dma_wait3A_1159 = arith.constant 7 : i32
      %dma_wait3A_1160 = arith.constant 0 : i32
      %dma_wait3A_1161 = arith.constant 7 : i32
      %dma_wait3A_1162 = arith.constant 0 : i32
      %dma_wait3A_1163 = arith.constant 0 : i32
      %dma_wait3A_1164 = tpu.memref_slice %arg8[%dma_wait3A_1159, %dma_wait3A_1162, %dma_wait3A_1163] : memref<10x128x16xf32, #tpu.memory_space<vmem>> -> memref<1x128x16xf32, #tpu.memory_space<vmem>>
      %dma_wait3A_1165 = tpu.memref_squeeze %dma_wait3A_1164 : memref<1x128x16xf32, #tpu.memory_space<vmem>> -> memref<128x16xf32, #tpu.memory_space<vmem>>
      %dma_wait3A_1166 = arith.constant 0 : i32
      %dma_wait3A_1167 = tpu.memref_slice %arg7[%dma_wait3A_1160, %dma_wait3A_1166] : memref<80x128xi32, #tpu.memory_space<vmem>> -> memref<1x128xi32, #tpu.memory_space<vmem>>
      %dma_wait3A_1168 = tpu.memref_squeeze %dma_wait3A_1167 : memref<1x128xi32, #tpu.memory_space<vmem>> -> memref<128xi32, #tpu.memory_space<vmem>>
      %dma_wait3A_1169 = arith.constant 0 : i32
      %dma_wait3A_1170 = arith.constant 0 : i32
      %dma_wait3A_1171 = tpu.memref_slice %arg10[%dma_wait3A_1169, %dma_wait3A_1170] : memref<10112x16xf32, #tpu.memory_space<vmem_shared>> -> memref<10112x16xf32, #tpu.memory_space<vmem_shared>>
      %dma_wait3A_1172 = tpu.memref_slice %arg12[%dma_wait3A_1161] : memref<10x!tpu.dma_semaphore, #tpu.memory_space<semaphore_mem>> -> memref<1x!tpu.dma_semaphore, #tpu.memory_space<semaphore_mem>>
      %dma_wait3A_1173 = tpu.memref_squeeze %dma_wait3A_1172 : memref<1x!tpu.dma_semaphore, #tpu.memory_space<semaphore_mem>> -> memref<!tpu.dma_semaphore, #tpu.memory_space<semaphore_mem>>
      tpu.wait_indirect_dma semaphore(%dma_wait3A_1173 : memref<!tpu.dma_semaphore, #tpu.memory_space<semaphore_mem>>) src(%dma_wait3A_1165 : memref<128x16xf32, #tpu.memory_space<vmem>>) dst(%dma_wait3A_1171 : memref<10112x16xf32, #tpu.memory_space<vmem_shared>>)
      %add3A_1174 = arith.constant 10 : i32
      %add3A_1175 = arith.addi %add3A_617, %add3A_1174 : i32
      %add3A_1176 = arith.constant 7 : i32
      %add3A_1177 = arith.addi %add3A_1175, %add3A_1176 : i32
      %dma_start3A_1178 = arith.constant 7 : i32
      %dma_start3A_1179 = arith.constant 7 : i32
      %dma_start3A_1180 = arith.constant 0 : i32
      %dma_start3A_1181 = arith.constant 0 : i32
      %dma_start3A_1182 = tpu.memref_slice %arg8[%dma_start3A_1178, %dma_start3A_1180, %dma_start3A_1181] : memref<10x128x16xf32, #tpu.memory_space<vmem>> -> memref<1x128x16xf32, #tpu.memory_space<vmem>>
      %dma_start3A_1183 = tpu.memref_squeeze %dma_start3A_1182 : memref<1x128x16xf32, #tpu.memory_space<vmem>> -> memref<128x16xf32, #tpu.memory_space<vmem>>
      %dma_start3A_1184 = arith.constant 0 : i32
      %dma_start3A_1185 = tpu.memref_slice %arg6[%add3A_1177, %dma_start3A_1184] : memref<80x128xi32, #tpu.memory_space<vmem>> -> memref<1x128xi32, #tpu.memory_space<vmem>>
      %dma_start3A_1186 = tpu.memref_squeeze %dma_start3A_1185 : memref<1x128xi32, #tpu.memory_space<vmem>> -> memref<128xi32, #tpu.memory_space<vmem>>
      %dma_start3A_1187 = arith.constant 0 : i32
      %dma_start3A_1188 = arith.constant 0 : i32
      %dma_start3A_1189 = tpu.memref_slice %arg2[%dma_start3A_1187, %dma_start3A_1188] : memref<10112x16xf32, #tpu.memory_space<hbm>> -> memref<10112x16xf32, #tpu.memory_space<hbm>>
      %dma_start3A_1190 = tpu.memref_slice %arg11[%dma_start3A_1179] : memref<10x!tpu.dma_semaphore, #tpu.memory_space<semaphore_mem>> -> memref<1x!tpu.dma_semaphore, #tpu.memory_space<semaphore_mem>>
      %dma_start3A_1191 = tpu.memref_squeeze %dma_start3A_1190 : memref<1x!tpu.dma_semaphore, #tpu.memory_space<semaphore_mem>> -> memref<!tpu.dma_semaphore, #tpu.memory_space<semaphore_mem>>
      tpu.enqueue_indirect_dma source(%dma_start3A_1189 : memref<10112x16xf32, #tpu.memory_space<hbm>>) target(%dma_start3A_1183 : memref<128x16xf32, #tpu.memory_space<vmem>>) offsets(%dma_start3A_1186 : memref<128xi32, #tpu.memory_space<vmem>>) semaphore(%dma_start3A_1191 : memref<!tpu.dma_semaphore, #tpu.memory_space<semaphore_mem>>)
      %dma_wait3A_1192 = arith.constant 8 : i32
      %dma_wait3A_1193 = arith.constant 0 : i32
      %dma_wait3A_1194 = arith.constant 8 : i32
      %dma_wait3A_1195 = arith.constant 0 : i32
      %dma_wait3A_1196 = arith.constant 0 : i32
      %dma_wait3A_1197 = tpu.memref_slice %arg8[%dma_wait3A_1192, %dma_wait3A_1195, %dma_wait3A_1196] : memref<10x128x16xf32, #tpu.memory_space<vmem>> -> memref<1x128x16xf32, #tpu.memory_space<vmem>>
      %dma_wait3A_1198 = tpu.memref_squeeze %dma_wait3A_1197 : memref<1x128x16xf32, #tpu.memory_space<vmem>> -> memref<128x16xf32, #tpu.memory_space<vmem>>
      %dma_wait3A_1199 = arith.constant 0 : i32
      %dma_wait3A_1200 = tpu.memref_slice %arg7[%dma_wait3A_1193, %dma_wait3A_1199] : memref<80x128xi32, #tpu.memory_space<vmem>> -> memref<1x128xi32, #tpu.memory_space<vmem>>
      %dma_wait3A_1201 = tpu.memref_squeeze %dma_wait3A_1200 : memref<1x128xi32, #tpu.memory_space<vmem>> -> memref<128xi32, #tpu.memory_space<vmem>>
      %dma_wait3A_1202 = arith.constant 0 : i32
      %dma_wait3A_1203 = arith.constant 0 : i32
      %dma_wait3A_1204 = tpu.memref_slice %arg10[%dma_wait3A_1202, %dma_wait3A_1203] : memref<10112x16xf32, #tpu.memory_space<vmem_shared>> -> memref<10112x16xf32, #tpu.memory_space<vmem_shared>>
      %dma_wait3A_1205 = tpu.memref_slice %arg12[%dma_wait3A_1194] : memref<10x!tpu.dma_semaphore, #tpu.memory_space<semaphore_mem>> -> memref<1x!tpu.dma_semaphore, #tpu.memory_space<semaphore_mem>>
      %dma_wait3A_1206 = tpu.memref_squeeze %dma_wait3A_1205 : memref<1x!tpu.dma_semaphore, #tpu.memory_space<semaphore_mem>> -> memref<!tpu.dma_semaphore, #tpu.memory_space<semaphore_mem>>
      tpu.wait_indirect_dma semaphore(%dma_wait3A_1206 : memref<!tpu.dma_semaphore, #tpu.memory_space<semaphore_mem>>) src(%dma_wait3A_1198 : memref<128x16xf32, #tpu.memory_space<vmem>>) dst(%dma_wait3A_1204 : memref<10112x16xf32, #tpu.memory_space<vmem_shared>>)
      %add3A_1207 = arith.constant 10 : i32
      %add3A_1208 = arith.addi %add3A_617, %add3A_1207 : i32
      %add3A_1209 = arith.constant 8 : i32
      %add3A_1210 = arith.addi %add3A_1208, %add3A_1209 : i32
      %dma_start3A_1211 = arith.constant 8 : i32
      %dma_start3A_1212 = arith.constant 8 : i32
      %dma_start3A_1213 = arith.constant 0 : i32
      %dma_start3A_1214 = arith.constant 0 : i32
      %dma_start3A_1215 = tpu.memref_slice %arg8[%dma_start3A_1211, %dma_start3A_1213, %dma_start3A_1214] : memref<10x128x16xf32, #tpu.memory_space<vmem>> -> memref<1x128x16xf32, #tpu.memory_space<vmem>>
      %dma_start3A_1216 = tpu.memref_squeeze %dma_start3A_1215 : memref<1x128x16xf32, #tpu.memory_space<vmem>> -> memref<128x16xf32, #tpu.memory_space<vmem>>
      %dma_start3A_1217 = arith.constant 0 : i32
      %dma_start3A_1218 = tpu.memref_slice %arg6[%add3A_1210, %dma_start3A_1217] : memref<80x128xi32, #tpu.memory_space<vmem>> -> memref<1x128xi32, #tpu.memory_space<vmem>>
      %dma_start3A_1219 = tpu.memref_squeeze %dma_start3A_1218 : memref<1x128xi32, #tpu.memory_space<vmem>> -> memref<128xi32, #tpu.memory_space<vmem>>
      %dma_start3A_1220 = arith.constant 0 : i32
      %dma_start3A_1221 = arith.constant 0 : i32
      %dma_start3A_1222 = tpu.memref_slice %arg2[%dma_start3A_1220, %dma_start3A_1221] : memref<10112x16xf32, #tpu.memory_space<hbm>> -> memref<10112x16xf32, #tpu.memory_space<hbm>>
      %dma_start3A_1223 = tpu.memref_slice %arg11[%dma_start3A_1212] : memref<10x!tpu.dma_semaphore, #tpu.memory_space<semaphore_mem>> -> memref<1x!tpu.dma_semaphore, #tpu.memory_space<semaphore_mem>>
      %dma_start3A_1224 = tpu.memref_squeeze %dma_start3A_1223 : memref<1x!tpu.dma_semaphore, #tpu.memory_space<semaphore_mem>> -> memref<!tpu.dma_semaphore, #tpu.memory_space<semaphore_mem>>
      tpu.enqueue_indirect_dma source(%dma_start3A_1222 : memref<10112x16xf32, #tpu.memory_space<hbm>>) target(%dma_start3A_1216 : memref<128x16xf32, #tpu.memory_space<vmem>>) offsets(%dma_start3A_1219 : memref<128xi32, #tpu.memory_space<vmem>>) semaphore(%dma_start3A_1224 : memref<!tpu.dma_semaphore, #tpu.memory_space<semaphore_mem>>)
      %dma_wait3A_1225 = arith.constant 9 : i32
      %dma_wait3A_1226 = arith.constant 0 : i32
      %dma_wait3A_1227 = arith.constant 9 : i32
      %dma_wait3A_1228 = arith.constant 0 : i32
      %dma_wait3A_1229 = arith.constant 0 : i32
      %dma_wait3A_1230 = tpu.memref_slice %arg8[%dma_wait3A_1225, %dma_wait3A_1228, %dma_wait3A_1229] : memref<10x128x16xf32, #tpu.memory_space<vmem>> -> memref<1x128x16xf32, #tpu.memory_space<vmem>>
      %dma_wait3A_1231 = tpu.memref_squeeze %dma_wait3A_1230 : memref<1x128x16xf32, #tpu.memory_space<vmem>> -> memref<128x16xf32, #tpu.memory_space<vmem>>
      %dma_wait3A_1232 = arith.constant 0 : i32
      %dma_wait3A_1233 = tpu.memref_slice %arg7[%dma_wait3A_1226, %dma_wait3A_1232] : memref<80x128xi32, #tpu.memory_space<vmem>> -> memref<1x128xi32, #tpu.memory_space<vmem>>
      %dma_wait3A_1234 = tpu.memref_squeeze %dma_wait3A_1233 : memref<1x128xi32, #tpu.memory_space<vmem>> -> memref<128xi32, #tpu.memory_space<vmem>>
      %dma_wait3A_1235 = arith.constant 0 : i32
      %dma_wait3A_1236 = arith.constant 0 : i32
      %dma_wait3A_1237 = tpu.memref_slice %arg10[%dma_wait3A_1235, %dma_wait3A_1236] : memref<10112x16xf32, #tpu.memory_space<vmem_shared>> -> memref<10112x16xf32, #tpu.memory_space<vmem_shared>>
      %dma_wait3A_1238 = tpu.memref_slice %arg12[%dma_wait3A_1227] : memref<10x!tpu.dma_semaphore, #tpu.memory_space<semaphore_mem>> -> memref<1x!tpu.dma_semaphore, #tpu.memory_space<semaphore_mem>>
      %dma_wait3A_1239 = tpu.memref_squeeze %dma_wait3A_1238 : memref<1x!tpu.dma_semaphore, #tpu.memory_space<semaphore_mem>> -> memref<!tpu.dma_semaphore, #tpu.memory_space<semaphore_mem>>
      tpu.wait_indirect_dma semaphore(%dma_wait3A_1239 : memref<!tpu.dma_semaphore, #tpu.memory_space<semaphore_mem>>) src(%dma_wait3A_1231 : memref<128x16xf32, #tpu.memory_space<vmem>>) dst(%dma_wait3A_1237 : memref<10112x16xf32, #tpu.memory_space<vmem_shared>>)
      %add3A_1240 = arith.constant 10 : i32
      %add3A_1241 = arith.addi %add3A_617, %add3A_1240 : i32
      %add3A_1242 = arith.constant 9 : i32
      %add3A_1243 = arith.addi %add3A_1241, %add3A_1242 : i32
      %dma_start3A_1244 = arith.constant 9 : i32
      %dma_start3A_1245 = arith.constant 9 : i32
      %dma_start3A_1246 = arith.constant 0 : i32
      %dma_start3A_1247 = arith.constant 0 : i32
      %dma_start3A_1248 = tpu.memref_slice %arg8[%dma_start3A_1244, %dma_start3A_1246, %dma_start3A_1247] : memref<10x128x16xf32, #tpu.memory_space<vmem>> -> memref<1x128x16xf32, #tpu.memory_space<vmem>>
      %dma_start3A_1249 = tpu.memref_squeeze %dma_start3A_1248 : memref<1x128x16xf32, #tpu.memory_space<vmem>> -> memref<128x16xf32, #tpu.memory_space<vmem>>
      %dma_start3A_1250 = arith.constant 0 : i32
      %dma_start3A_1251 = tpu.memref_slice %arg6[%add3A_1243, %dma_start3A_1250] : memref<80x128xi32, #tpu.memory_space<vmem>> -> memref<1x128xi32, #tpu.memory_space<vmem>>
      %dma_start3A_1252 = tpu.memref_squeeze %dma_start3A_1251 : memref<1x128xi32, #tpu.memory_space<vmem>> -> memref<128xi32, #tpu.memory_space<vmem>>
      %dma_start3A_1253 = arith.constant 0 : i32
      %dma_start3A_1254 = arith.constant 0 : i32
      %dma_start3A_1255 = tpu.memref_slice %arg2[%dma_start3A_1253, %dma_start3A_1254] : memref<10112x16xf32, #tpu.memory_space<hbm>> -> memref<10112x16xf32, #tpu.memory_space<hbm>>
      %dma_start3A_1256 = tpu.memref_slice %arg11[%dma_start3A_1245] : memref<10x!tpu.dma_semaphore, #tpu.memory_space<semaphore_mem>> -> memref<1x!tpu.dma_semaphore, #tpu.memory_space<semaphore_mem>>
      %dma_start3A_1257 = tpu.memref_squeeze %dma_start3A_1256 : memref<1x!tpu.dma_semaphore, #tpu.memory_space<semaphore_mem>> -> memref<!tpu.dma_semaphore, #tpu.memory_space<semaphore_mem>>
      tpu.enqueue_indirect_dma source(%dma_start3A_1255 : memref<10112x16xf32, #tpu.memory_space<hbm>>) target(%dma_start3A_1249 : memref<128x16xf32, #tpu.memory_space<vmem>>) offsets(%dma_start3A_1252 : memref<128xi32, #tpu.memory_space<vmem>>) semaphore(%dma_start3A_1257 : memref<!tpu.dma_semaphore, #tpu.memory_space<semaphore_mem>>)
    }
    %scan3A_158 = arith.constant 7 : i32
    %dma_wait3A = arith.constant 0 : i32
    %dma_wait3A_159 = arith.constant 0 : i32
    %dma_wait3A_160 = arith.constant 0 : i32
    %dma_wait3A_161 = arith.constant 0 : i32
    %dma_wait3A_162 = arith.constant 0 : i32
    %dma_wait3A_163 = tpu.memref_slice %arg8[%dma_wait3A_159, %dma_wait3A_161, %dma_wait3A_162] : memref<10x128x16xf32, #tpu.memory_space<vmem>> -> memref<1x128x16xf32, #tpu.memory_space<vmem>>
    %dma_wait3A_164 = tpu.memref_squeeze %dma_wait3A_163 : memref<1x128x16xf32, #tpu.memory_space<vmem>> -> memref<128x16xf32, #tpu.memory_space<vmem>>
    %dma_wait3A_165 = arith.constant 0 : i32
    %dma_wait3A_166 = tpu.memref_slice %arg6[%dma_wait3A, %dma_wait3A_165] : memref<80x128xi32, #tpu.memory_space<vmem>> -> memref<1x128xi32, #tpu.memory_space<vmem>>
    %dma_wait3A_167 = tpu.memref_squeeze %dma_wait3A_166 : memref<1x128xi32, #tpu.memory_space<vmem>> -> memref<128xi32, #tpu.memory_space<vmem>>
    %dma_wait3A_168 = arith.constant 0 : i32
    %dma_wait3A_169 = arith.constant 0 : i32
    %dma_wait3A_170 = tpu.memref_slice %arg2[%dma_wait3A_168, %dma_wait3A_169] : memref<10112x16xf32, #tpu.memory_space<hbm>> -> memref<10112x16xf32, #tpu.memory_space<hbm>>
    %dma_wait3A_171 = tpu.memref_slice %arg11[%dma_wait3A_160] : memref<10x!tpu.dma_semaphore, #tpu.memory_space<semaphore_mem>> -> memref<1x!tpu.dma_semaphore, #tpu.memory_space<semaphore_mem>>
    %dma_wait3A_172 = tpu.memref_squeeze %dma_wait3A_171 : memref<1x!tpu.dma_semaphore, #tpu.memory_space<semaphore_mem>> -> memref<!tpu.dma_semaphore, #tpu.memory_space<semaphore_mem>>
    tpu.wait_indirect_dma semaphore(%dma_wait3A_172 : memref<!tpu.dma_semaphore, #tpu.memory_space<semaphore_mem>>) src(%dma_wait3A_170 : memref<10112x16xf32, #tpu.memory_space<hbm>>) dst(%dma_wait3A_164 : memref<128x16xf32, #tpu.memory_space<vmem>>)
    %dma_start3A_173 = arith.constant 0 : i32
    %dma_start3A_174 = arith.constant 70 : i32
    %dma_start3A_175 = arith.constant 0 : i32
    %dma_start3A_176 = arith.constant 0 : i32
    %dma_start3A_177 = arith.constant 0 : i32
    %dma_start3A_178 = tpu.memref_slice %arg8[%dma_start3A_173, %dma_start3A_176, %dma_start3A_177] : memref<10x128x16xf32, #tpu.memory_space<vmem>> -> memref<1x128x16xf32, #tpu.memory_space<vmem>>
    %dma_start3A_179 = tpu.memref_squeeze %dma_start3A_178 : memref<1x128x16xf32, #tpu.memory_space<vmem>> -> memref<128x16xf32, #tpu.memory_space<vmem>>
    %dma_start3A_180 = arith.constant 0 : i32
    %dma_start3A_181 = tpu.memref_slice %arg7[%dma_start3A_174, %dma_start3A_180] : memref<80x128xi32, #tpu.memory_space<vmem>> -> memref<1x128xi32, #tpu.memory_space<vmem>>
    %dma_start3A_182 = tpu.memref_squeeze %dma_start3A_181 : memref<1x128xi32, #tpu.memory_space<vmem>> -> memref<128xi32, #tpu.memory_space<vmem>>
    %dma_start3A_183 = arith.constant 0 : i32
    %dma_start3A_184 = arith.constant 0 : i32
    %dma_start3A_185 = tpu.memref_slice %arg10[%dma_start3A_183, %dma_start3A_184] : memref<10112x16xf32, #tpu.memory_space<vmem_shared>> -> memref<10112x16xf32, #tpu.memory_space<vmem_shared>>
    %dma_start3A_186 = tpu.memref_slice %arg12[%dma_start3A_175] : memref<10x!tpu.dma_semaphore, #tpu.memory_space<semaphore_mem>> -> memref<1x!tpu.dma_semaphore, #tpu.memory_space<semaphore_mem>>
    %dma_start3A_187 = tpu.memref_squeeze %dma_start3A_186 : memref<1x!tpu.dma_semaphore, #tpu.memory_space<semaphore_mem>> -> memref<!tpu.dma_semaphore, #tpu.memory_space<semaphore_mem>>
    tpu.enqueue_indirect_dma source(%dma_start3A_179 : memref<128x16xf32, #tpu.memory_space<vmem>>) target(%dma_start3A_185 : memref<10112x16xf32, #tpu.memory_space<vmem_shared>>) offsets(%dma_start3A_182 : memref<128xi32, #tpu.memory_space<vmem>>) semaphore(%dma_start3A_187 : memref<!tpu.dma_semaphore, #tpu.memory_space<semaphore_mem>>) {add = true}
    %dma_wait3A_188 = arith.constant 0 : i32
    %dma_wait3A_189 = arith.constant 1 : i32
    %dma_wait3A_190 = arith.constant 1 : i32
    %dma_wait3A_191 = arith.constant 0 : i32
    %dma_wait3A_192 = arith.constant 0 : i32
    %dma_wait3A_193 = tpu.memref_slice %arg8[%dma_wait3A_189, %dma_wait3A_191, %dma_wait3A_192] : memref<10x128x16xf32, #tpu.memory_space<vmem>> -> memref<1x128x16xf32, #tpu.memory_space<vmem>>
    %dma_wait3A_194 = tpu.memref_squeeze %dma_wait3A_193 : memref<1x128x16xf32, #tpu.memory_space<vmem>> -> memref<128x16xf32, #tpu.memory_space<vmem>>
    %dma_wait3A_195 = arith.constant 0 : i32
    %dma_wait3A_196 = tpu.memref_slice %arg6[%dma_wait3A_188, %dma_wait3A_195] : memref<80x128xi32, #tpu.memory_space<vmem>> -> memref<1x128xi32, #tpu.memory_space<vmem>>
    %dma_wait3A_197 = tpu.memref_squeeze %dma_wait3A_196 : memref<1x128xi32, #tpu.memory_space<vmem>> -> memref<128xi32, #tpu.memory_space<vmem>>
    %dma_wait3A_198 = arith.constant 0 : i32
    %dma_wait3A_199 = arith.constant 0 : i32
    %dma_wait3A_200 = tpu.memref_slice %arg2[%dma_wait3A_198, %dma_wait3A_199] : memref<10112x16xf32, #tpu.memory_space<hbm>> -> memref<10112x16xf32, #tpu.memory_space<hbm>>
    %dma_wait3A_201 = tpu.memref_slice %arg11[%dma_wait3A_190] : memref<10x!tpu.dma_semaphore, #tpu.memory_space<semaphore_mem>> -> memref<1x!tpu.dma_semaphore, #tpu.memory_space<semaphore_mem>>
    %dma_wait3A_202 = tpu.memref_squeeze %dma_wait3A_201 : memref<1x!tpu.dma_semaphore, #tpu.memory_space<semaphore_mem>> -> memref<!tpu.dma_semaphore, #tpu.memory_space<semaphore_mem>>
    tpu.wait_indirect_dma semaphore(%dma_wait3A_202 : memref<!tpu.dma_semaphore, #tpu.memory_space<semaphore_mem>>) src(%dma_wait3A_200 : memref<10112x16xf32, #tpu.memory_space<hbm>>) dst(%dma_wait3A_194 : memref<128x16xf32, #tpu.memory_space<vmem>>)
    %dma_start3A_203 = arith.constant 1 : i32
    %dma_start3A_204 = arith.constant 71 : i32
    %dma_start3A_205 = arith.constant 1 : i32
    %dma_start3A_206 = arith.constant 0 : i32
    %dma_start3A_207 = arith.constant 0 : i32
    %dma_start3A_208 = tpu.memref_slice %arg8[%dma_start3A_203, %dma_start3A_206, %dma_start3A_207] : memref<10x128x16xf32, #tpu.memory_space<vmem>> -> memref<1x128x16xf32, #tpu.memory_space<vmem>>
    %dma_start3A_209 = tpu.memref_squeeze %dma_start3A_208 : memref<1x128x16xf32, #tpu.memory_space<vmem>> -> memref<128x16xf32, #tpu.memory_space<vmem>>
    %dma_start3A_210 = arith.constant 0 : i32
    %dma_start3A_211 = tpu.memref_slice %arg7[%dma_start3A_204, %dma_start3A_210] : memref<80x128xi32, #tpu.memory_space<vmem>> -> memref<1x128xi32, #tpu.memory_space<vmem>>
    %dma_start3A_212 = tpu.memref_squeeze %dma_start3A_211 : memref<1x128xi32, #tpu.memory_space<vmem>> -> memref<128xi32, #tpu.memory_space<vmem>>
    %dma_start3A_213 = arith.constant 0 : i32
    %dma_start3A_214 = arith.constant 0 : i32
    %dma_start3A_215 = tpu.memref_slice %arg10[%dma_start3A_213, %dma_start3A_214] : memref<10112x16xf32, #tpu.memory_space<vmem_shared>> -> memref<10112x16xf32, #tpu.memory_space<vmem_shared>>
    %dma_start3A_216 = tpu.memref_slice %arg12[%dma_start3A_205] : memref<10x!tpu.dma_semaphore, #tpu.memory_space<semaphore_mem>> -> memref<1x!tpu.dma_semaphore, #tpu.memory_space<semaphore_mem>>
    %dma_start3A_217 = tpu.memref_squeeze %dma_start3A_216 : memref<1x!tpu.dma_semaphore, #tpu.memory_space<semaphore_mem>> -> memref<!tpu.dma_semaphore, #tpu.memory_space<semaphore_mem>>
    tpu.enqueue_indirect_dma source(%dma_start3A_209 : memref<128x16xf32, #tpu.memory_space<vmem>>) target(%dma_start3A_215 : memref<10112x16xf32, #tpu.memory_space<vmem_shared>>) offsets(%dma_start3A_212 : memref<128xi32, #tpu.memory_space<vmem>>) semaphore(%dma_start3A_217 : memref<!tpu.dma_semaphore, #tpu.memory_space<semaphore_mem>>) {add = true}
    %dma_wait3A_218 = arith.constant 0 : i32
    %dma_wait3A_219 = arith.constant 2 : i32
    %dma_wait3A_220 = arith.constant 2 : i32
    %dma_wait3A_221 = arith.constant 0 : i32
    %dma_wait3A_222 = arith.constant 0 : i32
    %dma_wait3A_223 = tpu.memref_slice %arg8[%dma_wait3A_219, %dma_wait3A_221, %dma_wait3A_222] : memref<10x128x16xf32, #tpu.memory_space<vmem>> -> memref<1x128x16xf32, #tpu.memory_space<vmem>>
    %dma_wait3A_224 = tpu.memref_squeeze %dma_wait3A_223 : memref<1x128x16xf32, #tpu.memory_space<vmem>> -> memref<128x16xf32, #tpu.memory_space<vmem>>
    %dma_wait3A_225 = arith.constant 0 : i32
    %dma_wait3A_226 = tpu.memref_slice %arg6[%dma_wait3A_218, %dma_wait3A_225] : memref<80x128xi32, #tpu.memory_space<vmem>> -> memref<1x128xi32, #tpu.memory_space<vmem>>
    %dma_wait3A_227 = tpu.memref_squeeze %dma_wait3A_226 : memref<1x128xi32, #tpu.memory_space<vmem>> -> memref<128xi32, #tpu.memory_space<vmem>>
    %dma_wait3A_228 = arith.constant 0 : i32
    %dma_wait3A_229 = arith.constant 0 : i32
    %dma_wait3A_230 = tpu.memref_slice %arg2[%dma_wait3A_228, %dma_wait3A_229] : memref<10112x16xf32, #tpu.memory_space<hbm>> -> memref<10112x16xf32, #tpu.memory_space<hbm>>
    %dma_wait3A_231 = tpu.memref_slice %arg11[%dma_wait3A_220] : memref<10x!tpu.dma_semaphore, #tpu.memory_space<semaphore_mem>> -> memref<1x!tpu.dma_semaphore, #tpu.memory_space<semaphore_mem>>
    %dma_wait3A_232 = tpu.memref_squeeze %dma_wait3A_231 : memref<1x!tpu.dma_semaphore, #tpu.memory_space<semaphore_mem>> -> memref<!tpu.dma_semaphore, #tpu.memory_space<semaphore_mem>>
    tpu.wait_indirect_dma semaphore(%dma_wait3A_232 : memref<!tpu.dma_semaphore, #tpu.memory_space<semaphore_mem>>) src(%dma_wait3A_230 : memref<10112x16xf32, #tpu.memory_space<hbm>>) dst(%dma_wait3A_224 : memref<128x16xf32, #tpu.memory_space<vmem>>)
    %dma_start3A_233 = arith.constant 2 : i32
    %dma_start3A_234 = arith.constant 72 : i32
    %dma_start3A_235 = arith.constant 2 : i32
    %dma_start3A_236 = arith.constant 0 : i32
    %dma_start3A_237 = arith.constant 0 : i32
    %dma_start3A_238 = tpu.memref_slice %arg8[%dma_start3A_233, %dma_start3A_236, %dma_start3A_237] : memref<10x128x16xf32, #tpu.memory_space<vmem>> -> memref<1x128x16xf32, #tpu.memory_space<vmem>>
    %dma_start3A_239 = tpu.memref_squeeze %dma_start3A_238 : memref<1x128x16xf32, #tpu.memory_space<vmem>> -> memref<128x16xf32, #tpu.memory_space<vmem>>
    %dma_start3A_240 = arith.constant 0 : i32
    %dma_start3A_241 = tpu.memref_slice %arg7[%dma_start3A_234, %dma_start3A_240] : memref<80x128xi32, #tpu.memory_space<vmem>> -> memref<1x128xi32, #tpu.memory_space<vmem>>
    %dma_start3A_242 = tpu.memref_squeeze %dma_start3A_241 : memref<1x128xi32, #tpu.memory_space<vmem>> -> memref<128xi32, #tpu.memory_space<vmem>>
    %dma_start3A_243 = arith.constant 0 : i32
    %dma_start3A_244 = arith.constant 0 : i32
    %dma_start3A_245 = tpu.memref_slice %arg10[%dma_start3A_243, %dma_start3A_244] : memref<10112x16xf32, #tpu.memory_space<vmem_shared>> -> memref<10112x16xf32, #tpu.memory_space<vmem_shared>>
    %dma_start3A_246 = tpu.memref_slice %arg12[%dma_start3A_235] : memref<10x!tpu.dma_semaphore, #tpu.memory_space<semaphore_mem>> -> memref<1x!tpu.dma_semaphore, #tpu.memory_space<semaphore_mem>>
    %dma_start3A_247 = tpu.memref_squeeze %dma_start3A_246 : memref<1x!tpu.dma_semaphore, #tpu.memory_space<semaphore_mem>> -> memref<!tpu.dma_semaphore, #tpu.memory_space<semaphore_mem>>
    tpu.enqueue_indirect_dma source(%dma_start3A_239 : memref<128x16xf32, #tpu.memory_space<vmem>>) target(%dma_start3A_245 : memref<10112x16xf32, #tpu.memory_space<vmem_shared>>) offsets(%dma_start3A_242 : memref<128xi32, #tpu.memory_space<vmem>>) semaphore(%dma_start3A_247 : memref<!tpu.dma_semaphore, #tpu.memory_space<semaphore_mem>>) {add = true}
    %dma_wait3A_248 = arith.constant 0 : i32
    %dma_wait3A_249 = arith.constant 3 : i32
    %dma_wait3A_250 = arith.constant 3 : i32
    %dma_wait3A_251 = arith.constant 0 : i32
    %dma_wait3A_252 = arith.constant 0 : i32
    %dma_wait3A_253 = tpu.memref_slice %arg8[%dma_wait3A_249, %dma_wait3A_251, %dma_wait3A_252] : memref<10x128x16xf32, #tpu.memory_space<vmem>> -> memref<1x128x16xf32, #tpu.memory_space<vmem>>
    %dma_wait3A_254 = tpu.memref_squeeze %dma_wait3A_253 : memref<1x128x16xf32, #tpu.memory_space<vmem>> -> memref<128x16xf32, #tpu.memory_space<vmem>>
    %dma_wait3A_255 = arith.constant 0 : i32
    %dma_wait3A_256 = tpu.memref_slice %arg6[%dma_wait3A_248, %dma_wait3A_255] : memref<80x128xi32, #tpu.memory_space<vmem>> -> memref<1x128xi32, #tpu.memory_space<vmem>>
    %dma_wait3A_257 = tpu.memref_squeeze %dma_wait3A_256 : memref<1x128xi32, #tpu.memory_space<vmem>> -> memref<128xi32, #tpu.memory_space<vmem>>
    %dma_wait3A_258 = arith.constant 0 : i32
    %dma_wait3A_259 = arith.constant 0 : i32
    %dma_wait3A_260 = tpu.memref_slice %arg2[%dma_wait3A_258, %dma_wait3A_259] : memref<10112x16xf32, #tpu.memory_space<hbm>> -> memref<10112x16xf32, #tpu.memory_space<hbm>>
    %dma_wait3A_261 = tpu.memref_slice %arg11[%dma_wait3A_250] : memref<10x!tpu.dma_semaphore, #tpu.memory_space<semaphore_mem>> -> memref<1x!tpu.dma_semaphore, #tpu.memory_space<semaphore_mem>>
    %dma_wait3A_262 = tpu.memref_squeeze %dma_wait3A_261 : memref<1x!tpu.dma_semaphore, #tpu.memory_space<semaphore_mem>> -> memref<!tpu.dma_semaphore, #tpu.memory_space<semaphore_mem>>
    tpu.wait_indirect_dma semaphore(%dma_wait3A_262 : memref<!tpu.dma_semaphore, #tpu.memory_space<semaphore_mem>>) src(%dma_wait3A_260 : memref<10112x16xf32, #tpu.memory_space<hbm>>) dst(%dma_wait3A_254 : memref<128x16xf32, #tpu.memory_space<vmem>>)
    %dma_start3A_263 = arith.constant 3 : i32
    %dma_start3A_264 = arith.constant 73 : i32
    %dma_start3A_265 = arith.constant 3 : i32
    %dma_start3A_266 = arith.constant 0 : i32
    %dma_start3A_267 = arith.constant 0 : i32
    %dma_start3A_268 = tpu.memref_slice %arg8[%dma_start3A_263, %dma_start3A_266, %dma_start3A_267] : memref<10x128x16xf32, #tpu.memory_space<vmem>> -> memref<1x128x16xf32, #tpu.memory_space<vmem>>
    %dma_start3A_269 = tpu.memref_squeeze %dma_start3A_268 : memref<1x128x16xf32, #tpu.memory_space<vmem>> -> memref<128x16xf32, #tpu.memory_space<vmem>>
    %dma_start3A_270 = arith.constant 0 : i32
    %dma_start3A_271 = tpu.memref_slice %arg7[%dma_start3A_264, %dma_start3A_270] : memref<80x128xi32, #tpu.memory_space<vmem>> -> memref<1x128xi32, #tpu.memory_space<vmem>>
    %dma_start3A_272 = tpu.memref_squeeze %dma_start3A_271 : memref<1x128xi32, #tpu.memory_space<vmem>> -> memref<128xi32, #tpu.memory_space<vmem>>
    %dma_start3A_273 = arith.constant 0 : i32
    %dma_start3A_274 = arith.constant 0 : i32
    %dma_start3A_275 = tpu.memref_slice %arg10[%dma_start3A_273, %dma_start3A_274] : memref<10112x16xf32, #tpu.memory_space<vmem_shared>> -> memref<10112x16xf32, #tpu.memory_space<vmem_shared>>
    %dma_start3A_276 = tpu.memref_slice %arg12[%dma_start3A_265] : memref<10x!tpu.dma_semaphore, #tpu.memory_space<semaphore_mem>> -> memref<1x!tpu.dma_semaphore, #tpu.memory_space<semaphore_mem>>
    %dma_start3A_277 = tpu.memref_squeeze %dma_start3A_276 : memref<1x!tpu.dma_semaphore, #tpu.memory_space<semaphore_mem>> -> memref<!tpu.dma_semaphore, #tpu.memory_space<semaphore_mem>>
    tpu.enqueue_indirect_dma source(%dma_start3A_269 : memref<128x16xf32, #tpu.memory_space<vmem>>) target(%dma_start3A_275 : memref<10112x16xf32, #tpu.memory_space<vmem_shared>>) offsets(%dma_start3A_272 : memref<128xi32, #tpu.memory_space<vmem>>) semaphore(%dma_start3A_277 : memref<!tpu.dma_semaphore, #tpu.memory_space<semaphore_mem>>) {add = true}
    %dma_wait3A_278 = arith.constant 0 : i32
    %dma_wait3A_279 = arith.constant 4 : i32
    %dma_wait3A_280 = arith.constant 4 : i32
    %dma_wait3A_281 = arith.constant 0 : i32
    %dma_wait3A_282 = arith.constant 0 : i32
    %dma_wait3A_283 = tpu.memref_slice %arg8[%dma_wait3A_279, %dma_wait3A_281, %dma_wait3A_282] : memref<10x128x16xf32, #tpu.memory_space<vmem>> -> memref<1x128x16xf32, #tpu.memory_space<vmem>>
    %dma_wait3A_284 = tpu.memref_squeeze %dma_wait3A_283 : memref<1x128x16xf32, #tpu.memory_space<vmem>> -> memref<128x16xf32, #tpu.memory_space<vmem>>
    %dma_wait3A_285 = arith.constant 0 : i32
    %dma_wait3A_286 = tpu.memref_slice %arg6[%dma_wait3A_278, %dma_wait3A_285] : memref<80x128xi32, #tpu.memory_space<vmem>> -> memref<1x128xi32, #tpu.memory_space<vmem>>
    %dma_wait3A_287 = tpu.memref_squeeze %dma_wait3A_286 : memref<1x128xi32, #tpu.memory_space<vmem>> -> memref<128xi32, #tpu.memory_space<vmem>>
    %dma_wait3A_288 = arith.constant 0 : i32
    %dma_wait3A_289 = arith.constant 0 : i32
    %dma_wait3A_290 = tpu.memref_slice %arg2[%dma_wait3A_288, %dma_wait3A_289] : memref<10112x16xf32, #tpu.memory_space<hbm>> -> memref<10112x16xf32, #tpu.memory_space<hbm>>
    %dma_wait3A_291 = tpu.memref_slice %arg11[%dma_wait3A_280] : memref<10x!tpu.dma_semaphore, #tpu.memory_space<semaphore_mem>> -> memref<1x!tpu.dma_semaphore, #tpu.memory_space<semaphore_mem>>
    %dma_wait3A_292 = tpu.memref_squeeze %dma_wait3A_291 : memref<1x!tpu.dma_semaphore, #tpu.memory_space<semaphore_mem>> -> memref<!tpu.dma_semaphore, #tpu.memory_space<semaphore_mem>>
    tpu.wait_indirect_dma semaphore(%dma_wait3A_292 : memref<!tpu.dma_semaphore, #tpu.memory_space<semaphore_mem>>) src(%dma_wait3A_290 : memref<10112x16xf32, #tpu.memory_space<hbm>>) dst(%dma_wait3A_284 : memref<128x16xf32, #tpu.memory_space<vmem>>)
    %dma_start3A_293 = arith.constant 4 : i32
    %dma_start3A_294 = arith.constant 74 : i32
    %dma_start3A_295 = arith.constant 4 : i32
    %dma_start3A_296 = arith.constant 0 : i32
    %dma_start3A_297 = arith.constant 0 : i32
    %dma_start3A_298 = tpu.memref_slice %arg8[%dma_start3A_293, %dma_start3A_296, %dma_start3A_297] : memref<10x128x16xf32, #tpu.memory_space<vmem>> -> memref<1x128x16xf32, #tpu.memory_space<vmem>>
    %dma_start3A_299 = tpu.memref_squeeze %dma_start3A_298 : memref<1x128x16xf32, #tpu.memory_space<vmem>> -> memref<128x16xf32, #tpu.memory_space<vmem>>
    %dma_start3A_300 = arith.constant 0 : i32
    %dma_start3A_301 = tpu.memref_slice %arg7[%dma_start3A_294, %dma_start3A_300] : memref<80x128xi32, #tpu.memory_space<vmem>> -> memref<1x128xi32, #tpu.memory_space<vmem>>
    %dma_start3A_302 = tpu.memref_squeeze %dma_start3A_301 : memref<1x128xi32, #tpu.memory_space<vmem>> -> memref<128xi32, #tpu.memory_space<vmem>>
    %dma_start3A_303 = arith.constant 0 : i32
    %dma_start3A_304 = arith.constant 0 : i32
    %dma_start3A_305 = tpu.memref_slice %arg10[%dma_start3A_303, %dma_start3A_304] : memref<10112x16xf32, #tpu.memory_space<vmem_shared>> -> memref<10112x16xf32, #tpu.memory_space<vmem_shared>>
    %dma_start3A_306 = tpu.memref_slice %arg12[%dma_start3A_295] : memref<10x!tpu.dma_semaphore, #tpu.memory_space<semaphore_mem>> -> memref<1x!tpu.dma_semaphore, #tpu.memory_space<semaphore_mem>>
    %dma_start3A_307 = tpu.memref_squeeze %dma_start3A_306 : memref<1x!tpu.dma_semaphore, #tpu.memory_space<semaphore_mem>> -> memref<!tpu.dma_semaphore, #tpu.memory_space<semaphore_mem>>
    tpu.enqueue_indirect_dma source(%dma_start3A_299 : memref<128x16xf32, #tpu.memory_space<vmem>>) target(%dma_start3A_305 : memref<10112x16xf32, #tpu.memory_space<vmem_shared>>) offsets(%dma_start3A_302 : memref<128xi32, #tpu.memory_space<vmem>>) semaphore(%dma_start3A_307 : memref<!tpu.dma_semaphore, #tpu.memory_space<semaphore_mem>>) {add = true}
    %dma_wait3A_308 = arith.constant 0 : i32
    %dma_wait3A_309 = arith.constant 5 : i32
    %dma_wait3A_310 = arith.constant 5 : i32
    %dma_wait3A_311 = arith.constant 0 : i32
    %dma_wait3A_312 = arith.constant 0 : i32
    %dma_wait3A_313 = tpu.memref_slice %arg8[%dma_wait3A_309, %dma_wait3A_311, %dma_wait3A_312] : memref<10x128x16xf32, #tpu.memory_space<vmem>> -> memref<1x128x16xf32, #tpu.memory_space<vmem>>
    %dma_wait3A_314 = tpu.memref_squeeze %dma_wait3A_313 : memref<1x128x16xf32, #tpu.memory_space<vmem>> -> memref<128x16xf32, #tpu.memory_space<vmem>>
    %dma_wait3A_315 = arith.constant 0 : i32
    %dma_wait3A_316 = tpu.memref_slice %arg6[%dma_wait3A_308, %dma_wait3A_315] : memref<80x128xi32, #tpu.memory_space<vmem>> -> memref<1x128xi32, #tpu.memory_space<vmem>>
    %dma_wait3A_317 = tpu.memref_squeeze %dma_wait3A_316 : memref<1x128xi32, #tpu.memory_space<vmem>> -> memref<128xi32, #tpu.memory_space<vmem>>
    %dma_wait3A_318 = arith.constant 0 : i32
    %dma_wait3A_319 = arith.constant 0 : i32
    %dma_wait3A_320 = tpu.memref_slice %arg2[%dma_wait3A_318, %dma_wait3A_319] : memref<10112x16xf32, #tpu.memory_space<hbm>> -> memref<10112x16xf32, #tpu.memory_space<hbm>>
    %dma_wait3A_321 = tpu.memref_slice %arg11[%dma_wait3A_310] : memref<10x!tpu.dma_semaphore, #tpu.memory_space<semaphore_mem>> -> memref<1x!tpu.dma_semaphore, #tpu.memory_space<semaphore_mem>>
    %dma_wait3A_322 = tpu.memref_squeeze %dma_wait3A_321 : memref<1x!tpu.dma_semaphore, #tpu.memory_space<semaphore_mem>> -> memref<!tpu.dma_semaphore, #tpu.memory_space<semaphore_mem>>
    tpu.wait_indirect_dma semaphore(%dma_wait3A_322 : memref<!tpu.dma_semaphore, #tpu.memory_space<semaphore_mem>>) src(%dma_wait3A_320 : memref<10112x16xf32, #tpu.memory_space<hbm>>) dst(%dma_wait3A_314 : memref<128x16xf32, #tpu.memory_space<vmem>>)
    %dma_start3A_323 = arith.constant 5 : i32
    %dma_start3A_324 = arith.constant 75 : i32
    %dma_start3A_325 = arith.constant 5 : i32
    %dma_start3A_326 = arith.constant 0 : i32
    %dma_start3A_327 = arith.constant 0 : i32
    %dma_start3A_328 = tpu.memref_slice %arg8[%dma_start3A_323, %dma_start3A_326, %dma_start3A_327] : memref<10x128x16xf32, #tpu.memory_space<vmem>> -> memref<1x128x16xf32, #tpu.memory_space<vmem>>
    %dma_start3A_329 = tpu.memref_squeeze %dma_start3A_328 : memref<1x128x16xf32, #tpu.memory_space<vmem>> -> memref<128x16xf32, #tpu.memory_space<vmem>>
    %dma_start3A_330 = arith.constant 0 : i32
    %dma_start3A_331 = tpu.memref_slice %arg7[%dma_start3A_324, %dma_start3A_330] : memref<80x128xi32, #tpu.memory_space<vmem>> -> memref<1x128xi32, #tpu.memory_space<vmem>>
    %dma_start3A_332 = tpu.memref_squeeze %dma_start3A_331 : memref<1x128xi32, #tpu.memory_space<vmem>> -> memref<128xi32, #tpu.memory_space<vmem>>
    %dma_start3A_333 = arith.constant 0 : i32
    %dma_start3A_334 = arith.constant 0 : i32
    %dma_start3A_335 = tpu.memref_slice %arg10[%dma_start3A_333, %dma_start3A_334] : memref<10112x16xf32, #tpu.memory_space<vmem_shared>> -> memref<10112x16xf32, #tpu.memory_space<vmem_shared>>
    %dma_start3A_336 = tpu.memref_slice %arg12[%dma_start3A_325] : memref<10x!tpu.dma_semaphore, #tpu.memory_space<semaphore_mem>> -> memref<1x!tpu.dma_semaphore, #tpu.memory_space<semaphore_mem>>
    %dma_start3A_337 = tpu.memref_squeeze %dma_start3A_336 : memref<1x!tpu.dma_semaphore, #tpu.memory_space<semaphore_mem>> -> memref<!tpu.dma_semaphore, #tpu.memory_space<semaphore_mem>>
    tpu.enqueue_indirect_dma source(%dma_start3A_329 : memref<128x16xf32, #tpu.memory_space<vmem>>) target(%dma_start3A_335 : memref<10112x16xf32, #tpu.memory_space<vmem_shared>>) offsets(%dma_start3A_332 : memref<128xi32, #tpu.memory_space<vmem>>) semaphore(%dma_start3A_337 : memref<!tpu.dma_semaphore, #tpu.memory_space<semaphore_mem>>) {add = true}
    %dma_wait3A_338 = arith.constant 0 : i32
    %dma_wait3A_339 = arith.constant 6 : i32
    %dma_wait3A_340 = arith.constant 6 : i32
    %dma_wait3A_341 = arith.constant 0 : i32
    %dma_wait3A_342 = arith.constant 0 : i32
    %dma_wait3A_343 = tpu.memref_slice %arg8[%dma_wait3A_339, %dma_wait3A_341, %dma_wait3A_342] : memref<10x128x16xf32, #tpu.memory_space<vmem>> -> memref<1x128x16xf32, #tpu.memory_space<vmem>>
    %dma_wait3A_344 = tpu.memref_squeeze %dma_wait3A_343 : memref<1x128x16xf32, #tpu.memory_space<vmem>> -> memref<128x16xf32, #tpu.memory_space<vmem>>
    %dma_wait3A_345 = arith.constant 0 : i32
    %dma_wait3A_346 = tpu.memref_slice %arg6[%dma_wait3A_338, %dma_wait3A_345] : memref<80x128xi32, #tpu.memory_space<vmem>> -> memref<1x128xi32, #tpu.memory_space<vmem>>
    %dma_wait3A_347 = tpu.memref_squeeze %dma_wait3A_346 : memref<1x128xi32, #tpu.memory_space<vmem>> -> memref<128xi32, #tpu.memory_space<vmem>>
    %dma_wait3A_348 = arith.constant 0 : i32
    %dma_wait3A_349 = arith.constant 0 : i32
    %dma_wait3A_350 = tpu.memref_slice %arg2[%dma_wait3A_348, %dma_wait3A_349] : memref<10112x16xf32, #tpu.memory_space<hbm>> -> memref<10112x16xf32, #tpu.memory_space<hbm>>
    %dma_wait3A_351 = tpu.memref_slice %arg11[%dma_wait3A_340] : memref<10x!tpu.dma_semaphore, #tpu.memory_space<semaphore_mem>> -> memref<1x!tpu.dma_semaphore, #tpu.memory_space<semaphore_mem>>
    %dma_wait3A_352 = tpu.memref_squeeze %dma_wait3A_351 : memref<1x!tpu.dma_semaphore, #tpu.memory_space<semaphore_mem>> -> memref<!tpu.dma_semaphore, #tpu.memory_space<semaphore_mem>>
    tpu.wait_indirect_dma semaphore(%dma_wait3A_352 : memref<!tpu.dma_semaphore, #tpu.memory_space<semaphore_mem>>) src(%dma_wait3A_350 : memref<10112x16xf32, #tpu.memory_space<hbm>>) dst(%dma_wait3A_344 : memref<128x16xf32, #tpu.memory_space<vmem>>)
    %dma_start3A_353 = arith.constant 6 : i32
    %dma_start3A_354 = arith.constant 76 : i32
    %dma_start3A_355 = arith.constant 6 : i32
    %dma_start3A_356 = arith.constant 0 : i32
    %dma_start3A_357 = arith.constant 0 : i32
    %dma_start3A_358 = tpu.memref_slice %arg8[%dma_start3A_353, %dma_start3A_356, %dma_start3A_357] : memref<10x128x16xf32, #tpu.memory_space<vmem>> -> memref<1x128x16xf32, #tpu.memory_space<vmem>>
    %dma_start3A_359 = tpu.memref_squeeze %dma_start3A_358 : memref<1x128x16xf32, #tpu.memory_space<vmem>> -> memref<128x16xf32, #tpu.memory_space<vmem>>
    %dma_start3A_360 = arith.constant 0 : i32
    %dma_start3A_361 = tpu.memref_slice %arg7[%dma_start3A_354, %dma_start3A_360] : memref<80x128xi32, #tpu.memory_space<vmem>> -> memref<1x128xi32, #tpu.memory_space<vmem>>
    %dma_start3A_362 = tpu.memref_squeeze %dma_start3A_361 : memref<1x128xi32, #tpu.memory_space<vmem>> -> memref<128xi32, #tpu.memory_space<vmem>>
    %dma_start3A_363 = arith.constant 0 : i32
    %dma_start3A_364 = arith.constant 0 : i32
    %dma_start3A_365 = tpu.memref_slice %arg10[%dma_start3A_363, %dma_start3A_364] : memref<10112x16xf32, #tpu.memory_space<vmem_shared>> -> memref<10112x16xf32, #tpu.memory_space<vmem_shared>>
    %dma_start3A_366 = tpu.memref_slice %arg12[%dma_start3A_355] : memref<10x!tpu.dma_semaphore, #tpu.memory_space<semaphore_mem>> -> memref<1x!tpu.dma_semaphore, #tpu.memory_space<semaphore_mem>>
    %dma_start3A_367 = tpu.memref_squeeze %dma_start3A_366 : memref<1x!tpu.dma_semaphore, #tpu.memory_space<semaphore_mem>> -> memref<!tpu.dma_semaphore, #tpu.memory_space<semaphore_mem>>
    tpu.enqueue_indirect_dma source(%dma_start3A_359 : memref<128x16xf32, #tpu.memory_space<vmem>>) target(%dma_start3A_365 : memref<10112x16xf32, #tpu.memory_space<vmem_shared>>) offsets(%dma_start3A_362 : memref<128xi32, #tpu.memory_space<vmem>>) semaphore(%dma_start3A_367 : memref<!tpu.dma_semaphore, #tpu.memory_space<semaphore_mem>>) {add = true}
    %dma_wait3A_368 = arith.constant 0 : i32
    %dma_wait3A_369 = arith.constant 7 : i32
    %dma_wait3A_370 = arith.constant 7 : i32
    %dma_wait3A_371 = arith.constant 0 : i32
    %dma_wait3A_372 = arith.constant 0 : i32
    %dma_wait3A_373 = tpu.memref_slice %arg8[%dma_wait3A_369, %dma_wait3A_371, %dma_wait3A_372] : memref<10x128x16xf32, #tpu.memory_space<vmem>> -> memref<1x128x16xf32, #tpu.memory_space<vmem>>
    %dma_wait3A_374 = tpu.memref_squeeze %dma_wait3A_373 : memref<1x128x16xf32, #tpu.memory_space<vmem>> -> memref<128x16xf32, #tpu.memory_space<vmem>>
    %dma_wait3A_375 = arith.constant 0 : i32
    %dma_wait3A_376 = tpu.memref_slice %arg6[%dma_wait3A_368, %dma_wait3A_375] : memref<80x128xi32, #tpu.memory_space<vmem>> -> memref<1x128xi32, #tpu.memory_space<vmem>>
    %dma_wait3A_377 = tpu.memref_squeeze %dma_wait3A_376 : memref<1x128xi32, #tpu.memory_space<vmem>> -> memref<128xi32, #tpu.memory_space<vmem>>
    %dma_wait3A_378 = arith.constant 0 : i32
    %dma_wait3A_379 = arith.constant 0 : i32
    %dma_wait3A_380 = tpu.memref_slice %arg2[%dma_wait3A_378, %dma_wait3A_379] : memref<10112x16xf32, #tpu.memory_space<hbm>> -> memref<10112x16xf32, #tpu.memory_space<hbm>>
    %dma_wait3A_381 = tpu.memref_slice %arg11[%dma_wait3A_370] : memref<10x!tpu.dma_semaphore, #tpu.memory_space<semaphore_mem>> -> memref<1x!tpu.dma_semaphore, #tpu.memory_space<semaphore_mem>>
    %dma_wait3A_382 = tpu.memref_squeeze %dma_wait3A_381 : memref<1x!tpu.dma_semaphore, #tpu.memory_space<semaphore_mem>> -> memref<!tpu.dma_semaphore, #tpu.memory_space<semaphore_mem>>
    tpu.wait_indirect_dma semaphore(%dma_wait3A_382 : memref<!tpu.dma_semaphore, #tpu.memory_space<semaphore_mem>>) src(%dma_wait3A_380 : memref<10112x16xf32, #tpu.memory_space<hbm>>) dst(%dma_wait3A_374 : memref<128x16xf32, #tpu.memory_space<vmem>>)
    %dma_start3A_383 = arith.constant 7 : i32
    %dma_start3A_384 = arith.constant 77 : i32
    %dma_start3A_385 = arith.constant 7 : i32
    %dma_start3A_386 = arith.constant 0 : i32
    %dma_start3A_387 = arith.constant 0 : i32
    %dma_start3A_388 = tpu.memref_slice %arg8[%dma_start3A_383, %dma_start3A_386, %dma_start3A_387] : memref<10x128x16xf32, #tpu.memory_space<vmem>> -> memref<1x128x16xf32, #tpu.memory_space<vmem>>
    %dma_start3A_389 = tpu.memref_squeeze %dma_start3A_388 : memref<1x128x16xf32, #tpu.memory_space<vmem>> -> memref<128x16xf32, #tpu.memory_space<vmem>>
    %dma_start3A_390 = arith.constant 0 : i32
    %dma_start3A_391 = tpu.memref_slice %arg7[%dma_start3A_384, %dma_start3A_390] : memref<80x128xi32, #tpu.memory_space<vmem>> -> memref<1x128xi32, #tpu.memory_space<vmem>>
    %dma_start3A_392 = tpu.memref_squeeze %dma_start3A_391 : memref<1x128xi32, #tpu.memory_space<vmem>> -> memref<128xi32, #tpu.memory_space<vmem>>
    %dma_start3A_393 = arith.constant 0 : i32
    %dma_start3A_394 = arith.constant 0 : i32
    %dma_start3A_395 = tpu.memref_slice %arg10[%dma_start3A_393, %dma_start3A_394] : memref<10112x16xf32, #tpu.memory_space<vmem_shared>> -> memref<10112x16xf32, #tpu.memory_space<vmem_shared>>
    %dma_start3A_396 = tpu.memref_slice %arg12[%dma_start3A_385] : memref<10x!tpu.dma_semaphore, #tpu.memory_space<semaphore_mem>> -> memref<1x!tpu.dma_semaphore, #tpu.memory_space<semaphore_mem>>
    %dma_start3A_397 = tpu.memref_squeeze %dma_start3A_396 : memref<1x!tpu.dma_semaphore, #tpu.memory_space<semaphore_mem>> -> memref<!tpu.dma_semaphore, #tpu.memory_space<semaphore_mem>>
    tpu.enqueue_indirect_dma source(%dma_start3A_389 : memref<128x16xf32, #tpu.memory_space<vmem>>) target(%dma_start3A_395 : memref<10112x16xf32, #tpu.memory_space<vmem_shared>>) offsets(%dma_start3A_392 : memref<128xi32, #tpu.memory_space<vmem>>) semaphore(%dma_start3A_397 : memref<!tpu.dma_semaphore, #tpu.memory_space<semaphore_mem>>) {add = true}
    %dma_wait3A_398 = arith.constant 0 : i32
    %dma_wait3A_399 = arith.constant 8 : i32
    %dma_wait3A_400 = arith.constant 8 : i32
    %dma_wait3A_401 = arith.constant 0 : i32
    %dma_wait3A_402 = arith.constant 0 : i32
    %dma_wait3A_403 = tpu.memref_slice %arg8[%dma_wait3A_399, %dma_wait3A_401, %dma_wait3A_402] : memref<10x128x16xf32, #tpu.memory_space<vmem>> -> memref<1x128x16xf32, #tpu.memory_space<vmem>>
    %dma_wait3A_404 = tpu.memref_squeeze %dma_wait3A_403 : memref<1x128x16xf32, #tpu.memory_space<vmem>> -> memref<128x16xf32, #tpu.memory_space<vmem>>
    %dma_wait3A_405 = arith.constant 0 : i32
    %dma_wait3A_406 = tpu.memref_slice %arg6[%dma_wait3A_398, %dma_wait3A_405] : memref<80x128xi32, #tpu.memory_space<vmem>> -> memref<1x128xi32, #tpu.memory_space<vmem>>
    %dma_wait3A_407 = tpu.memref_squeeze %dma_wait3A_406 : memref<1x128xi32, #tpu.memory_space<vmem>> -> memref<128xi32, #tpu.memory_space<vmem>>
    %dma_wait3A_408 = arith.constant 0 : i32
    %dma_wait3A_409 = arith.constant 0 : i32
    %dma_wait3A_410 = tpu.memref_slice %arg2[%dma_wait3A_408, %dma_wait3A_409] : memref<10112x16xf32, #tpu.memory_space<hbm>> -> memref<10112x16xf32, #tpu.memory_space<hbm>>
    %dma_wait3A_411 = tpu.memref_slice %arg11[%dma_wait3A_400] : memref<10x!tpu.dma_semaphore, #tpu.memory_space<semaphore_mem>> -> memref<1x!tpu.dma_semaphore, #tpu.memory_space<semaphore_mem>>
    %dma_wait3A_412 = tpu.memref_squeeze %dma_wait3A_411 : memref<1x!tpu.dma_semaphore, #tpu.memory_space<semaphore_mem>> -> memref<!tpu.dma_semaphore, #tpu.memory_space<semaphore_mem>>
    tpu.wait_indirect_dma semaphore(%dma_wait3A_412 : memref<!tpu.dma_semaphore, #tpu.memory_space<semaphore_mem>>) src(%dma_wait3A_410 : memref<10112x16xf32, #tpu.memory_space<hbm>>) dst(%dma_wait3A_404 : memref<128x16xf32, #tpu.memory_space<vmem>>)
    %dma_start3A_413 = arith.constant 8 : i32
    %dma_start3A_414 = arith.constant 78 : i32
    %dma_start3A_415 = arith.constant 8 : i32
    %dma_start3A_416 = arith.constant 0 : i32
    %dma_start3A_417 = arith.constant 0 : i32
    %dma_start3A_418 = tpu.memref_slice %arg8[%dma_start3A_413, %dma_start3A_416, %dma_start3A_417] : memref<10x128x16xf32, #tpu.memory_space<vmem>> -> memref<1x128x16xf32, #tpu.memory_space<vmem>>
    %dma_start3A_419 = tpu.memref_squeeze %dma_start3A_418 : memref<1x128x16xf32, #tpu.memory_space<vmem>> -> memref<128x16xf32, #tpu.memory_space<vmem>>
    %dma_start3A_420 = arith.constant 0 : i32
    %dma_start3A_421 = tpu.memref_slice %arg7[%dma_start3A_414, %dma_start3A_420] : memref<80x128xi32, #tpu.memory_space<vmem>> -> memref<1x128xi32, #tpu.memory_space<vmem>>
    %dma_start3A_422 = tpu.memref_squeeze %dma_start3A_421 : memref<1x128xi32, #tpu.memory_space<vmem>> -> memref<128xi32, #tpu.memory_space<vmem>>
    %dma_start3A_423 = arith.constant 0 : i32
    %dma_start3A_424 = arith.constant 0 : i32
    %dma_start3A_425 = tpu.memref_slice %arg10[%dma_start3A_423, %dma_start3A_424] : memref<10112x16xf32, #tpu.memory_space<vmem_shared>> -> memref<10112x16xf32, #tpu.memory_space<vmem_shared>>
    %dma_start3A_426 = tpu.memref_slice %arg12[%dma_start3A_415] : memref<10x!tpu.dma_semaphore, #tpu.memory_space<semaphore_mem>> -> memref<1x!tpu.dma_semaphore, #tpu.memory_space<semaphore_mem>>
    %dma_start3A_427 = tpu.memref_squeeze %dma_start3A_426 : memref<1x!tpu.dma_semaphore, #tpu.memory_space<semaphore_mem>> -> memref<!tpu.dma_semaphore, #tpu.memory_space<semaphore_mem>>
    tpu.enqueue_indirect_dma source(%dma_start3A_419 : memref<128x16xf32, #tpu.memory_space<vmem>>) target(%dma_start3A_425 : memref<10112x16xf32, #tpu.memory_space<vmem_shared>>) offsets(%dma_start3A_422 : memref<128xi32, #tpu.memory_space<vmem>>) semaphore(%dma_start3A_427 : memref<!tpu.dma_semaphore, #tpu.memory_space<semaphore_mem>>) {add = true}
    %dma_wait3A_428 = arith.constant 0 : i32
    %dma_wait3A_429 = arith.constant 9 : i32
    %dma_wait3A_430 = arith.constant 9 : i32
    %dma_wait3A_431 = arith.constant 0 : i32
    %dma_wait3A_432 = arith.constant 0 : i32
    %dma_wait3A_433 = tpu.memref_slice %arg8[%dma_wait3A_429, %dma_wait3A_431, %dma_wait3A_432] : memref<10x128x16xf32, #tpu.memory_space<vmem>> -> memref<1x128x16xf32, #tpu.memory_space<vmem>>
    %dma_wait3A_434 = tpu.memref_squeeze %dma_wait3A_433 : memref<1x128x16xf32, #tpu.memory_space<vmem>> -> memref<128x16xf32, #tpu.memory_space<vmem>>
    %dma_wait3A_435 = arith.constant 0 : i32
    %dma_wait3A_436 = tpu.memref_slice %arg6[%dma_wait3A_428, %dma_wait3A_435] : memref<80x128xi32, #tpu.memory_space<vmem>> -> memref<1x128xi32, #tpu.memory_space<vmem>>
    %dma_wait3A_437 = tpu.memref_squeeze %dma_wait3A_436 : memref<1x128xi32, #tpu.memory_space<vmem>> -> memref<128xi32, #tpu.memory_space<vmem>>
    %dma_wait3A_438 = arith.constant 0 : i32
    %dma_wait3A_439 = arith.constant 0 : i32
    %dma_wait3A_440 = tpu.memref_slice %arg2[%dma_wait3A_438, %dma_wait3A_439] : memref<10112x16xf32, #tpu.memory_space<hbm>> -> memref<10112x16xf32, #tpu.memory_space<hbm>>
    %dma_wait3A_441 = tpu.memref_slice %arg11[%dma_wait3A_430] : memref<10x!tpu.dma_semaphore, #tpu.memory_space<semaphore_mem>> -> memref<1x!tpu.dma_semaphore, #tpu.memory_space<semaphore_mem>>
    %dma_wait3A_442 = tpu.memref_squeeze %dma_wait3A_441 : memref<1x!tpu.dma_semaphore, #tpu.memory_space<semaphore_mem>> -> memref<!tpu.dma_semaphore, #tpu.memory_space<semaphore_mem>>
    tpu.wait_indirect_dma semaphore(%dma_wait3A_442 : memref<!tpu.dma_semaphore, #tpu.memory_space<semaphore_mem>>) src(%dma_wait3A_440 : memref<10112x16xf32, #tpu.memory_space<hbm>>) dst(%dma_wait3A_434 : memref<128x16xf32, #tpu.memory_space<vmem>>)
    %dma_start3A_443 = arith.constant 9 : i32
    %dma_start3A_444 = arith.constant 79 : i32
    %dma_start3A_445 = arith.constant 9 : i32
    %dma_start3A_446 = arith.constant 0 : i32
    %dma_start3A_447 = arith.constant 0 : i32
    %dma_start3A_448 = tpu.memref_slice %arg8[%dma_start3A_443, %dma_start3A_446, %dma_start3A_447] : memref<10x128x16xf32, #tpu.memory_space<vmem>> -> memref<1x128x16xf32, #tpu.memory_space<vmem>>
    %dma_start3A_449 = tpu.memref_squeeze %dma_start3A_448 : memref<1x128x16xf32, #tpu.memory_space<vmem>> -> memref<128x16xf32, #tpu.memory_space<vmem>>
    %dma_start3A_450 = arith.constant 0 : i32
    %dma_start3A_451 = tpu.memref_slice %arg7[%dma_start3A_444, %dma_start3A_450] : memref<80x128xi32, #tpu.memory_space<vmem>> -> memref<1x128xi32, #tpu.memory_space<vmem>>
    %dma_start3A_452 = tpu.memref_squeeze %dma_start3A_451 : memref<1x128xi32, #tpu.memory_space<vmem>> -> memref<128xi32, #tpu.memory_space<vmem>>
    %dma_start3A_453 = arith.constant 0 : i32
    %dma_start3A_454 = arith.constant 0 : i32
    %dma_start3A_455 = tpu.memref_slice %arg10[%dma_start3A_453, %dma_start3A_454] : memref<10112x16xf32, #tpu.memory_space<vmem_shared>> -> memref<10112x16xf32, #tpu.memory_space<vmem_shared>>
    %dma_start3A_456 = tpu.memref_slice %arg12[%dma_start3A_445] : memref<10x!tpu.dma_semaphore, #tpu.memory_space<semaphore_mem>> -> memref<1x!tpu.dma_semaphore, #tpu.memory_space<semaphore_mem>>
    %dma_start3A_457 = tpu.memref_squeeze %dma_start3A_456 : memref<1x!tpu.dma_semaphore, #tpu.memory_space<semaphore_mem>> -> memref<!tpu.dma_semaphore, #tpu.memory_space<semaphore_mem>>
    tpu.enqueue_indirect_dma source(%dma_start3A_449 : memref<128x16xf32, #tpu.memory_space<vmem>>) target(%dma_start3A_455 : memref<10112x16xf32, #tpu.memory_space<vmem_shared>>) offsets(%dma_start3A_452 : memref<128xi32, #tpu.memory_space<vmem>>) semaphore(%dma_start3A_457 : memref<!tpu.dma_semaphore, #tpu.memory_space<semaphore_mem>>) {add = true}
    %dma_wait3A_458 = arith.constant 0 : i32
    %dma_wait3A_459 = arith.constant 0 : i32
    %dma_wait3A_460 = arith.constant 0 : i32
    %dma_wait3A_461 = arith.constant 0 : i32
    %dma_wait3A_462 = arith.constant 0 : i32
    %dma_wait3A_463 = tpu.memref_slice %arg8[%dma_wait3A_458, %dma_wait3A_461, %dma_wait3A_462] : memref<10x128x16xf32, #tpu.memory_space<vmem>> -> memref<1x128x16xf32, #tpu.memory_space<vmem>>
    %dma_wait3A_464 = tpu.memref_squeeze %dma_wait3A_463 : memref<1x128x16xf32, #tpu.memory_space<vmem>> -> memref<128x16xf32, #tpu.memory_space<vmem>>
    %dma_wait3A_465 = arith.constant 0 : i32
    %dma_wait3A_466 = tpu.memref_slice %arg7[%dma_wait3A_459, %dma_wait3A_465] : memref<80x128xi32, #tpu.memory_space<vmem>> -> memref<1x128xi32, #tpu.memory_space<vmem>>
    %dma_wait3A_467 = tpu.memref_squeeze %dma_wait3A_466 : memref<1x128xi32, #tpu.memory_space<vmem>> -> memref<128xi32, #tpu.memory_space<vmem>>
    %dma_wait3A_468 = arith.constant 0 : i32
    %dma_wait3A_469 = arith.constant 0 : i32
    %dma_wait3A_470 = tpu.memref_slice %arg10[%dma_wait3A_468, %dma_wait3A_469] : memref<10112x16xf32, #tpu.memory_space<vmem_shared>> -> memref<10112x16xf32, #tpu.memory_space<vmem_shared>>
    %dma_wait3A_471 = tpu.memref_slice %arg12[%dma_wait3A_460] : memref<10x!tpu.dma_semaphore, #tpu.memory_space<semaphore_mem>> -> memref<1x!tpu.dma_semaphore, #tpu.memory_space<semaphore_mem>>
    %dma_wait3A_472 = tpu.memref_squeeze %dma_wait3A_471 : memref<1x!tpu.dma_semaphore, #tpu.memory_space<semaphore_mem>> -> memref<!tpu.dma_semaphore, #tpu.memory_space<semaphore_mem>>
    tpu.wait_indirect_dma semaphore(%dma_wait3A_472 : memref<!tpu.dma_semaphore, #tpu.memory_space<semaphore_mem>>) src(%dma_wait3A_464 : memref<128x16xf32, #tpu.memory_space<vmem>>) dst(%dma_wait3A_470 : memref<10112x16xf32, #tpu.memory_space<vmem_shared>>)
    %dma_wait3A_473 = arith.constant 1 : i32
    %dma_wait3A_474 = arith.constant 0 : i32
    %dma_wait3A_475 = arith.constant 1 : i32
    %dma_wait3A_476 = arith.constant 0 : i32
    %dma_wait3A_477 = arith.constant 0 : i32
    %dma_wait3A_478 = tpu.memref_slice %arg8[%dma_wait3A_473, %dma_wait3A_476, %dma_wait3A_477] : memref<10x128x16xf32, #tpu.memory_space<vmem>> -> memref<1x128x16xf32, #tpu.memory_space<vmem>>
    %dma_wait3A_479 = tpu.memref_squeeze %dma_wait3A_478 : memref<1x128x16xf32, #tpu.memory_space<vmem>> -> memref<128x16xf32, #tpu.memory_space<vmem>>
    %dma_wait3A_480 = arith.constant 0 : i32
    %dma_wait3A_481 = tpu.memref_slice %arg7[%dma_wait3A_474, %dma_wait3A_480] : memref<80x128xi32, #tpu.memory_space<vmem>> -> memref<1x128xi32, #tpu.memory_space<vmem>>
    %dma_wait3A_482 = tpu.memref_squeeze %dma_wait3A_481 : memref<1x128xi32, #tpu.memory_space<vmem>> -> memref<128xi32, #tpu.memory_space<vmem>>
    %dma_wait3A_483 = arith.constant 0 : i32
    %dma_wait3A_484 = arith.constant 0 : i32
    %dma_wait3A_485 = tpu.memref_slice %arg10[%dma_wait3A_483, %dma_wait3A_484] : memref<10112x16xf32, #tpu.memory_space<vmem_shared>> -> memref<10112x16xf32, #tpu.memory_space<vmem_shared>>
    %dma_wait3A_486 = tpu.memref_slice %arg12[%dma_wait3A_475] : memref<10x!tpu.dma_semaphore, #tpu.memory_space<semaphore_mem>> -> memref<1x!tpu.dma_semaphore, #tpu.memory_space<semaphore_mem>>
    %dma_wait3A_487 = tpu.memref_squeeze %dma_wait3A_486 : memref<1x!tpu.dma_semaphore, #tpu.memory_space<semaphore_mem>> -> memref<!tpu.dma_semaphore, #tpu.memory_space<semaphore_mem>>
    tpu.wait_indirect_dma semaphore(%dma_wait3A_487 : memref<!tpu.dma_semaphore, #tpu.memory_space<semaphore_mem>>) src(%dma_wait3A_479 : memref<128x16xf32, #tpu.memory_space<vmem>>) dst(%dma_wait3A_485 : memref<10112x16xf32, #tpu.memory_space<vmem_shared>>)
    %dma_wait3A_488 = arith.constant 2 : i32
    %dma_wait3A_489 = arith.constant 0 : i32
    %dma_wait3A_490 = arith.constant 2 : i32
    %dma_wait3A_491 = arith.constant 0 : i32
    %dma_wait3A_492 = arith.constant 0 : i32
    %dma_wait3A_493 = tpu.memref_slice %arg8[%dma_wait3A_488, %dma_wait3A_491, %dma_wait3A_492] : memref<10x128x16xf32, #tpu.memory_space<vmem>> -> memref<1x128x16xf32, #tpu.memory_space<vmem>>
    %dma_wait3A_494 = tpu.memref_squeeze %dma_wait3A_493 : memref<1x128x16xf32, #tpu.memory_space<vmem>> -> memref<128x16xf32, #tpu.memory_space<vmem>>
    %dma_wait3A_495 = arith.constant 0 : i32
    %dma_wait3A_496 = tpu.memref_slice %arg7[%dma_wait3A_489, %dma_wait3A_495] : memref<80x128xi32, #tpu.memory_space<vmem>> -> memref<1x128xi32, #tpu.memory_space<vmem>>
    %dma_wait3A_497 = tpu.memref_squeeze %dma_wait3A_496 : memref<1x128xi32, #tpu.memory_space<vmem>> -> memref<128xi32, #tpu.memory_space<vmem>>
    %dma_wait3A_498 = arith.constant 0 : i32
    %dma_wait3A_499 = arith.constant 0 : i32
    %dma_wait3A_500 = tpu.memref_slice %arg10[%dma_wait3A_498, %dma_wait3A_499] : memref<10112x16xf32, #tpu.memory_space<vmem_shared>> -> memref<10112x16xf32, #tpu.memory_space<vmem_shared>>
    %dma_wait3A_501 = tpu.memref_slice %arg12[%dma_wait3A_490] : memref<10x!tpu.dma_semaphore, #tpu.memory_space<semaphore_mem>> -> memref<1x!tpu.dma_semaphore, #tpu.memory_space<semaphore_mem>>
    %dma_wait3A_502 = tpu.memref_squeeze %dma_wait3A_501 : memref<1x!tpu.dma_semaphore, #tpu.memory_space<semaphore_mem>> -> memref<!tpu.dma_semaphore, #tpu.memory_space<semaphore_mem>>
    tpu.wait_indirect_dma semaphore(%dma_wait3A_502 : memref<!tpu.dma_semaphore, #tpu.memory_space<semaphore_mem>>) src(%dma_wait3A_494 : memref<128x16xf32, #tpu.memory_space<vmem>>) dst(%dma_wait3A_500 : memref<10112x16xf32, #tpu.memory_space<vmem_shared>>)
    %dma_wait3A_503 = arith.constant 3 : i32
    %dma_wait3A_504 = arith.constant 0 : i32
    %dma_wait3A_505 = arith.constant 3 : i32
    %dma_wait3A_506 = arith.constant 0 : i32
    %dma_wait3A_507 = arith.constant 0 : i32
    %dma_wait3A_508 = tpu.memref_slice %arg8[%dma_wait3A_503, %dma_wait3A_506, %dma_wait3A_507] : memref<10x128x16xf32, #tpu.memory_space<vmem>> -> memref<1x128x16xf32, #tpu.memory_space<vmem>>
    %dma_wait3A_509 = tpu.memref_squeeze %dma_wait3A_508 : memref<1x128x16xf32, #tpu.memory_space<vmem>> -> memref<128x16xf32, #tpu.memory_space<vmem>>
    %dma_wait3A_510 = arith.constant 0 : i32
    %dma_wait3A_511 = tpu.memref_slice %arg7[%dma_wait3A_504, %dma_wait3A_510] : memref<80x128xi32, #tpu.memory_space<vmem>> -> memref<1x128xi32, #tpu.memory_space<vmem>>
    %dma_wait3A_512 = tpu.memref_squeeze %dma_wait3A_511 : memref<1x128xi32, #tpu.memory_space<vmem>> -> memref<128xi32, #tpu.memory_space<vmem>>
    %dma_wait3A_513 = arith.constant 0 : i32
    %dma_wait3A_514 = arith.constant 0 : i32
    %dma_wait3A_515 = tpu.memref_slice %arg10[%dma_wait3A_513, %dma_wait3A_514] : memref<10112x16xf32, #tpu.memory_space<vmem_shared>> -> memref<10112x16xf32, #tpu.memory_space<vmem_shared>>
    %dma_wait3A_516 = tpu.memref_slice %arg12[%dma_wait3A_505] : memref<10x!tpu.dma_semaphore, #tpu.memory_space<semaphore_mem>> -> memref<1x!tpu.dma_semaphore, #tpu.memory_space<semaphore_mem>>
    %dma_wait3A_517 = tpu.memref_squeeze %dma_wait3A_516 : memref<1x!tpu.dma_semaphore, #tpu.memory_space<semaphore_mem>> -> memref<!tpu.dma_semaphore, #tpu.memory_space<semaphore_mem>>
    tpu.wait_indirect_dma semaphore(%dma_wait3A_517 : memref<!tpu.dma_semaphore, #tpu.memory_space<semaphore_mem>>) src(%dma_wait3A_509 : memref<128x16xf32, #tpu.memory_space<vmem>>) dst(%dma_wait3A_515 : memref<10112x16xf32, #tpu.memory_space<vmem_shared>>)
    %dma_wait3A_518 = arith.constant 4 : i32
    %dma_wait3A_519 = arith.constant 0 : i32
    %dma_wait3A_520 = arith.constant 4 : i32
    %dma_wait3A_521 = arith.constant 0 : i32
    %dma_wait3A_522 = arith.constant 0 : i32
    %dma_wait3A_523 = tpu.memref_slice %arg8[%dma_wait3A_518, %dma_wait3A_521, %dma_wait3A_522] : memref<10x128x16xf32, #tpu.memory_space<vmem>> -> memref<1x128x16xf32, #tpu.memory_space<vmem>>
    %dma_wait3A_524 = tpu.memref_squeeze %dma_wait3A_523 : memref<1x128x16xf32, #tpu.memory_space<vmem>> -> memref<128x16xf32, #tpu.memory_space<vmem>>
    %dma_wait3A_525 = arith.constant 0 : i32
    %dma_wait3A_526 = tpu.memref_slice %arg7[%dma_wait3A_519, %dma_wait3A_525] : memref<80x128xi32, #tpu.memory_space<vmem>> -> memref<1x128xi32, #tpu.memory_space<vmem>>
    %dma_wait3A_527 = tpu.memref_squeeze %dma_wait3A_526 : memref<1x128xi32, #tpu.memory_space<vmem>> -> memref<128xi32, #tpu.memory_space<vmem>>
    %dma_wait3A_528 = arith.constant 0 : i32
    %dma_wait3A_529 = arith.constant 0 : i32
    %dma_wait3A_530 = tpu.memref_slice %arg10[%dma_wait3A_528, %dma_wait3A_529] : memref<10112x16xf32, #tpu.memory_space<vmem_shared>> -> memref<10112x16xf32, #tpu.memory_space<vmem_shared>>
    %dma_wait3A_531 = tpu.memref_slice %arg12[%dma_wait3A_520] : memref<10x!tpu.dma_semaphore, #tpu.memory_space<semaphore_mem>> -> memref<1x!tpu.dma_semaphore, #tpu.memory_space<semaphore_mem>>
    %dma_wait3A_532 = tpu.memref_squeeze %dma_wait3A_531 : memref<1x!tpu.dma_semaphore, #tpu.memory_space<semaphore_mem>> -> memref<!tpu.dma_semaphore, #tpu.memory_space<semaphore_mem>>
    tpu.wait_indirect_dma semaphore(%dma_wait3A_532 : memref<!tpu.dma_semaphore, #tpu.memory_space<semaphore_mem>>) src(%dma_wait3A_524 : memref<128x16xf32, #tpu.memory_space<vmem>>) dst(%dma_wait3A_530 : memref<10112x16xf32, #tpu.memory_space<vmem_shared>>)
    %dma_wait3A_533 = arith.constant 5 : i32
    %dma_wait3A_534 = arith.constant 0 : i32
    %dma_wait3A_535 = arith.constant 5 : i32
    %dma_wait3A_536 = arith.constant 0 : i32
    %dma_wait3A_537 = arith.constant 0 : i32
    %dma_wait3A_538 = tpu.memref_slice %arg8[%dma_wait3A_533, %dma_wait3A_536, %dma_wait3A_537] : memref<10x128x16xf32, #tpu.memory_space<vmem>> -> memref<1x128x16xf32, #tpu.memory_space<vmem>>
    %dma_wait3A_539 = tpu.memref_squeeze %dma_wait3A_538 : memref<1x128x16xf32, #tpu.memory_space<vmem>> -> memref<128x16xf32, #tpu.memory_space<vmem>>
    %dma_wait3A_540 = arith.constant 0 : i32
    %dma_wait3A_541 = tpu.memref_slice %arg7[%dma_wait3A_534, %dma_wait3A_540] : memref<80x128xi32, #tpu.memory_space<vmem>> -> memref<1x128xi32, #tpu.memory_space<vmem>>
    %dma_wait3A_542 = tpu.memref_squeeze %dma_wait3A_541 : memref<1x128xi32, #tpu.memory_space<vmem>> -> memref<128xi32, #tpu.memory_space<vmem>>
    %dma_wait3A_543 = arith.constant 0 : i32
    %dma_wait3A_544 = arith.constant 0 : i32
    %dma_wait3A_545 = tpu.memref_slice %arg10[%dma_wait3A_543, %dma_wait3A_544] : memref<10112x16xf32, #tpu.memory_space<vmem_shared>> -> memref<10112x16xf32, #tpu.memory_space<vmem_shared>>
    %dma_wait3A_546 = tpu.memref_slice %arg12[%dma_wait3A_535] : memref<10x!tpu.dma_semaphore, #tpu.memory_space<semaphore_mem>> -> memref<1x!tpu.dma_semaphore, #tpu.memory_space<semaphore_mem>>
    %dma_wait3A_547 = tpu.memref_squeeze %dma_wait3A_546 : memref<1x!tpu.dma_semaphore, #tpu.memory_space<semaphore_mem>> -> memref<!tpu.dma_semaphore, #tpu.memory_space<semaphore_mem>>
    tpu.wait_indirect_dma semaphore(%dma_wait3A_547 : memref<!tpu.dma_semaphore, #tpu.memory_space<semaphore_mem>>) src(%dma_wait3A_539 : memref<128x16xf32, #tpu.memory_space<vmem>>) dst(%dma_wait3A_545 : memref<10112x16xf32, #tpu.memory_space<vmem_shared>>)
    %dma_wait3A_548 = arith.constant 6 : i32
    %dma_wait3A_549 = arith.constant 0 : i32
    %dma_wait3A_550 = arith.constant 6 : i32
    %dma_wait3A_551 = arith.constant 0 : i32
    %dma_wait3A_552 = arith.constant 0 : i32
    %dma_wait3A_553 = tpu.memref_slice %arg8[%dma_wait3A_548, %dma_wait3A_551, %dma_wait3A_552] : memref<10x128x16xf32, #tpu.memory_space<vmem>> -> memref<1x128x16xf32, #tpu.memory_space<vmem>>
    %dma_wait3A_554 = tpu.memref_squeeze %dma_wait3A_553 : memref<1x128x16xf32, #tpu.memory_space<vmem>> -> memref<128x16xf32, #tpu.memory_space<vmem>>
    %dma_wait3A_555 = arith.constant 0 : i32
    %dma_wait3A_556 = tpu.memref_slice %arg7[%dma_wait3A_549, %dma_wait3A_555] : memref<80x128xi32, #tpu.memory_space<vmem>> -> memref<1x128xi32, #tpu.memory_space<vmem>>
    %dma_wait3A_557 = tpu.memref_squeeze %dma_wait3A_556 : memref<1x128xi32, #tpu.memory_space<vmem>> -> memref<128xi32, #tpu.memory_space<vmem>>
    %dma_wait3A_558 = arith.constant 0 : i32
    %dma_wait3A_559 = arith.constant 0 : i32
    %dma_wait3A_560 = tpu.memref_slice %arg10[%dma_wait3A_558, %dma_wait3A_559] : memref<10112x16xf32, #tpu.memory_space<vmem_shared>> -> memref<10112x16xf32, #tpu.memory_space<vmem_shared>>
    %dma_wait3A_561 = tpu.memref_slice %arg12[%dma_wait3A_550] : memref<10x!tpu.dma_semaphore, #tpu.memory_space<semaphore_mem>> -> memref<1x!tpu.dma_semaphore, #tpu.memory_space<semaphore_mem>>
    %dma_wait3A_562 = tpu.memref_squeeze %dma_wait3A_561 : memref<1x!tpu.dma_semaphore, #tpu.memory_space<semaphore_mem>> -> memref<!tpu.dma_semaphore, #tpu.memory_space<semaphore_mem>>
    tpu.wait_indirect_dma semaphore(%dma_wait3A_562 : memref<!tpu.dma_semaphore, #tpu.memory_space<semaphore_mem>>) src(%dma_wait3A_554 : memref<128x16xf32, #tpu.memory_space<vmem>>) dst(%dma_wait3A_560 : memref<10112x16xf32, #tpu.memory_space<vmem_shared>>)
    %dma_wait3A_563 = arith.constant 7 : i32
    %dma_wait3A_564 = arith.constant 0 : i32
    %dma_wait3A_565 = arith.constant 7 : i32
    %dma_wait3A_566 = arith.constant 0 : i32
    %dma_wait3A_567 = arith.constant 0 : i32
    %dma_wait3A_568 = tpu.memref_slice %arg8[%dma_wait3A_563, %dma_wait3A_566, %dma_wait3A_567] : memref<10x128x16xf32, #tpu.memory_space<vmem>> -> memref<1x128x16xf32, #tpu.memory_space<vmem>>
    %dma_wait3A_569 = tpu.memref_squeeze %dma_wait3A_568 : memref<1x128x16xf32, #tpu.memory_space<vmem>> -> memref<128x16xf32, #tpu.memory_space<vmem>>
    %dma_wait3A_570 = arith.constant 0 : i32
    %dma_wait3A_571 = tpu.memref_slice %arg7[%dma_wait3A_564, %dma_wait3A_570] : memref<80x128xi32, #tpu.memory_space<vmem>> -> memref<1x128xi32, #tpu.memory_space<vmem>>
    %dma_wait3A_572 = tpu.memref_squeeze %dma_wait3A_571 : memref<1x128xi32, #tpu.memory_space<vmem>> -> memref<128xi32, #tpu.memory_space<vmem>>
    %dma_wait3A_573 = arith.constant 0 : i32
    %dma_wait3A_574 = arith.constant 0 : i32
    %dma_wait3A_575 = tpu.memref_slice %arg10[%dma_wait3A_573, %dma_wait3A_574] : memref<10112x16xf32, #tpu.memory_space<vmem_shared>> -> memref<10112x16xf32, #tpu.memory_space<vmem_shared>>
    %dma_wait3A_576 = tpu.memref_slice %arg12[%dma_wait3A_565] : memref<10x!tpu.dma_semaphore, #tpu.memory_space<semaphore_mem>> -> memref<1x!tpu.dma_semaphore, #tpu.memory_space<semaphore_mem>>
    %dma_wait3A_577 = tpu.memref_squeeze %dma_wait3A_576 : memref<1x!tpu.dma_semaphore, #tpu.memory_space<semaphore_mem>> -> memref<!tpu.dma_semaphore, #tpu.memory_space<semaphore_mem>>
    tpu.wait_indirect_dma semaphore(%dma_wait3A_577 : memref<!tpu.dma_semaphore, #tpu.memory_space<semaphore_mem>>) src(%dma_wait3A_569 : memref<128x16xf32, #tpu.memory_space<vmem>>) dst(%dma_wait3A_575 : memref<10112x16xf32, #tpu.memory_space<vmem_shared>>)
    %dma_wait3A_578 = arith.constant 8 : i32
    %dma_wait3A_579 = arith.constant 0 : i32
    %dma_wait3A_580 = arith.constant 8 : i32
    %dma_wait3A_581 = arith.constant 0 : i32
    %dma_wait3A_582 = arith.constant 0 : i32
    %dma_wait3A_583 = tpu.memref_slice %arg8[%dma_wait3A_578, %dma_wait3A_581, %dma_wait3A_582] : memref<10x128x16xf32, #tpu.memory_space<vmem>> -> memref<1x128x16xf32, #tpu.memory_space<vmem>>
    %dma_wait3A_584 = tpu.memref_squeeze %dma_wait3A_583 : memref<1x128x16xf32, #tpu.memory_space<vmem>> -> memref<128x16xf32, #tpu.memory_space<vmem>>
    %dma_wait3A_585 = arith.constant 0 : i32
    %dma_wait3A_586 = tpu.memref_slice %arg7[%dma_wait3A_579, %dma_wait3A_585] : memref<80x128xi32, #tpu.memory_space<vmem>> -> memref<1x128xi32, #tpu.memory_space<vmem>>
    %dma_wait3A_587 = tpu.memref_squeeze %dma_wait3A_586 : memref<1x128xi32, #tpu.memory_space<vmem>> -> memref<128xi32, #tpu.memory_space<vmem>>
    %dma_wait3A_588 = arith.constant 0 : i32
    %dma_wait3A_589 = arith.constant 0 : i32
    %dma_wait3A_590 = tpu.memref_slice %arg10[%dma_wait3A_588, %dma_wait3A_589] : memref<10112x16xf32, #tpu.memory_space<vmem_shared>> -> memref<10112x16xf32, #tpu.memory_space<vmem_shared>>
    %dma_wait3A_591 = tpu.memref_slice %arg12[%dma_wait3A_580] : memref<10x!tpu.dma_semaphore, #tpu.memory_space<semaphore_mem>> -> memref<1x!tpu.dma_semaphore, #tpu.memory_space<semaphore_mem>>
    %dma_wait3A_592 = tpu.memref_squeeze %dma_wait3A_591 : memref<1x!tpu.dma_semaphore, #tpu.memory_space<semaphore_mem>> -> memref<!tpu.dma_semaphore, #tpu.memory_space<semaphore_mem>>
    tpu.wait_indirect_dma semaphore(%dma_wait3A_592 : memref<!tpu.dma_semaphore, #tpu.memory_space<semaphore_mem>>) src(%dma_wait3A_584 : memref<128x16xf32, #tpu.memory_space<vmem>>) dst(%dma_wait3A_590 : memref<10112x16xf32, #tpu.memory_space<vmem_shared>>)
    %dma_wait3A_593 = arith.constant 9 : i32
    %dma_wait3A_594 = arith.constant 0 : i32
    %dma_wait3A_595 = arith.constant 9 : i32
    %dma_wait3A_596 = arith.constant 0 : i32
    %dma_wait3A_597 = arith.constant 0 : i32
    %dma_wait3A_598 = tpu.memref_slice %arg8[%dma_wait3A_593, %dma_wait3A_596, %dma_wait3A_597] : memref<10x128x16xf32, #tpu.memory_space<vmem>> -> memref<1x128x16xf32, #tpu.memory_space<vmem>>
    %dma_wait3A_599 = tpu.memref_squeeze %dma_wait3A_598 : memref<1x128x16xf32, #tpu.memory_space<vmem>> -> memref<128x16xf32, #tpu.memory_space<vmem>>
    %dma_wait3A_600 = arith.constant 0 : i32
    %dma_wait3A_601 = tpu.memref_slice %arg7[%dma_wait3A_594, %dma_wait3A_600] : memref<80x128xi32, #tpu.memory_space<vmem>> -> memref<1x128xi32, #tpu.memory_space<vmem>>
    %dma_wait3A_602 = tpu.memref_squeeze %dma_wait3A_601 : memref<1x128xi32, #tpu.memory_space<vmem>> -> memref<128xi32, #tpu.memory_space<vmem>>
    %dma_wait3A_603 = arith.constant 0 : i32
    %dma_wait3A_604 = arith.constant 0 : i32
    %dma_wait3A_605 = tpu.memref_slice %arg10[%dma_wait3A_603, %dma_wait3A_604] : memref<10112x16xf32, #tpu.memory_space<vmem_shared>> -> memref<10112x16xf32, #tpu.memory_space<vmem_shared>>
    %dma_wait3A_606 = tpu.memref_slice %arg12[%dma_wait3A_595] : memref<10x!tpu.dma_semaphore, #tpu.memory_space<semaphore_mem>> -> memref<1x!tpu.dma_semaphore, #tpu.memory_space<semaphore_mem>>
    %dma_wait3A_607 = tpu.memref_squeeze %dma_wait3A_606 : memref<1x!tpu.dma_semaphore, #tpu.memory_space<semaphore_mem>> -> memref<!tpu.dma_semaphore, #tpu.memory_space<semaphore_mem>>
    tpu.wait_indirect_dma semaphore(%dma_wait3A_607 : memref<!tpu.dma_semaphore, #tpu.memory_space<semaphore_mem>>) src(%dma_wait3A_599 : memref<128x16xf32, #tpu.memory_space<vmem>>) dst(%dma_wait3A_605 : memref<10112x16xf32, #tpu.memory_space<vmem_shared>>)
    %barrier3A_608 = arith.constant 0 : index
    tpu.barrier barrier_id(%barrier3A_608)
    %mul3A_609 = arith.constant 632 : i32
    %mul3A_610 = arith.muli %arg1, %mul3A_609 : i32
    "tpu.region"() ({
      %run_scoped3A_613 = tpu.sem_alloc : memref<!tpu.dma_semaphore, #tpu.memory_space<semaphore_mem>>
      %dma_start3A_614 = arith.constant 0 : i32
      %dma_start3A_615 = tpu.memref_slice %arg10[%mul3A_610, %dma_start3A_614] : memref<10112x16xf32, #tpu.memory_space<vmem_shared>> -> memref<632x16xf32, #tpu.memory_space<vmem_shared>>
      %dma_start3A_616 = arith.constant 0 : i32
      %dma_start3A_617 = tpu.memref_slice %arg10[%mul3A_610, %dma_start3A_616] : memref<10112x16xf32, #tpu.memory_space<vmem_shared>> -> memref<632x16xf32, #tpu.memory_space<vmem_shared>>
      tpu.enqueue_dma source(%dma_start3A_617 : memref<632x16xf32, #tpu.memory_space<vmem_shared>>) target(%arg9 : memref<632x16xf32, #tpu.memory_space<vmem>>) target_semaphore(%run_scoped3A_613 : memref<!tpu.dma_semaphore, #tpu.memory_space<semaphore_mem>>)
      %dma_wait3A_618 = arith.constant 0 : i32
      %dma_wait3A_619 = tpu.memref_slice %arg10[%mul3A_610, %dma_wait3A_618] : memref<10112x16xf32, #tpu.memory_space<vmem_shared>> -> memref<632x16xf32, #tpu.memory_space<vmem_shared>>
      %dma_wait3A_620 = arith.constant 0 : i32
      %dma_wait3A_621 = tpu.memref_slice %arg10[%mul3A_610, %dma_wait3A_620] : memref<10112x16xf32, #tpu.memory_space<vmem_shared>> -> memref<632x16xf32, #tpu.memory_space<vmem_shared>>
      tpu.wait_dma2 semaphore(%run_scoped3A_613 : memref<!tpu.dma_semaphore, #tpu.memory_space<semaphore_mem>>) src(%dma_wait3A_621 : memref<632x16xf32, #tpu.memory_space<vmem_shared>>) dst(%arg9 : memref<632x16xf32, #tpu.memory_space<vmem>>)
      tpu.yield
    }) : () -> ()
    %mul3A_611 = arith.constant 632 : i32
    %mul3A_612 = arith.muli %arg1, %mul3A_611 : i32
    "tpu.region"() ({
      %run_scoped3A_613 = tpu.sem_alloc : memref<!tpu.dma_semaphore, #tpu.memory_space<semaphore_mem>>
      %dma_start3A_614 = arith.constant 0 : i32
      %dma_start3A_615 = arith.constant 0 : i32
      %dma_start3A_616 = tpu.memref_slice %arg5[%arg0, %dma_start3A_614, %dma_start3A_615] : memref<2x10112x16xf32, #tpu.memory_space<hbm>> -> memref<1x10112x16xf32, #tpu.memory_space<hbm>>
      %dma_start3A_617 = tpu.memref_squeeze %dma_start3A_616 : memref<1x10112x16xf32, #tpu.memory_space<hbm>> -> memref<10112x16xf32, #tpu.memory_space<hbm>>
      %dma_start3A_618 = arith.constant 0 : i32
      %dma_start3A_619 = tpu.memref_slice %dma_start3A_617[%mul3A_612, %dma_start3A_618] : memref<10112x16xf32, #tpu.memory_space<hbm>> -> memref<632x16xf32, #tpu.memory_space<hbm>>
      %dma_start3A_620 = arith.constant 0 : i32
      %dma_start3A_621 = arith.constant 0 : i32
      %dma_start3A_622 = tpu.memref_slice %arg5[%arg0, %dma_start3A_620, %dma_start3A_621] : memref<2x10112x16xf32, #tpu.memory_space<hbm>> -> memref<1x10112x16xf32, #tpu.memory_space<hbm>>
      %dma_start3A_623 = tpu.memref_squeeze %dma_start3A_622 : memref<1x10112x16xf32, #tpu.memory_space<hbm>> -> memref<10112x16xf32, #tpu.memory_space<hbm>>
      %dma_start3A_624 = arith.constant 0 : i32
      %dma_start3A_625 = tpu.memref_slice %dma_start3A_623[%mul3A_612, %dma_start3A_624] : memref<10112x16xf32, #tpu.memory_space<hbm>> -> memref<632x16xf32, #tpu.memory_space<hbm>>
      tpu.enqueue_dma source(%arg9 : memref<632x16xf32, #tpu.memory_space<vmem>>) target(%dma_start3A_625 : memref<632x16xf32, #tpu.memory_space<hbm>>) target_semaphore(%run_scoped3A_613 : memref<!tpu.dma_semaphore, #tpu.memory_space<semaphore_mem>>)
      %dma_wait3A_626 = arith.constant 0 : i32
      %dma_wait3A_627 = arith.constant 0 : i32
      %dma_wait3A_628 = tpu.memref_slice %arg5[%arg0, %dma_wait3A_626, %dma_wait3A_627] : memref<2x10112x16xf32, #tpu.memory_space<hbm>> -> memref<1x10112x16xf32, #tpu.memory_space<hbm>>
      %dma_wait3A_629 = tpu.memref_squeeze %dma_wait3A_628 : memref<1x10112x16xf32, #tpu.memory_space<hbm>> -> memref<10112x16xf32, #tpu.memory_space<hbm>>
      %dma_wait3A_630 = arith.constant 0 : i32
      %dma_wait3A_631 = tpu.memref_slice %dma_wait3A_629[%mul3A_612, %dma_wait3A_630] : memref<10112x16xf32, #tpu.memory_space<hbm>> -> memref<632x16xf32, #tpu.memory_space<hbm>>
      %dma_wait3A_632 = arith.constant 0 : i32
      %dma_wait3A_633 = arith.constant 0 : i32
      %dma_wait3A_634 = tpu.memref_slice %arg5[%arg0, %dma_wait3A_632, %dma_wait3A_633] : memref<2x10112x16xf32, #tpu.memory_space<hbm>> -> memref<1x10112x16xf32, #tpu.memory_space<hbm>>
      %dma_wait3A_635 = tpu.memref_squeeze %dma_wait3A_634 : memref<1x10112x16xf32, #tpu.memory_space<hbm>> -> memref<10112x16xf32, #tpu.memory_space<hbm>>
      %dma_wait3A_636 = arith.constant 0 : i32
      %dma_wait3A_637 = tpu.memref_slice %dma_wait3A_635[%mul3A_612, %dma_wait3A_636] : memref<10112x16xf32, #tpu.memory_space<hbm>> -> memref<632x16xf32, #tpu.memory_space<hbm>>
      tpu.wait_dma2 semaphore(%run_scoped3A_613 : memref<!tpu.dma_semaphore, #tpu.memory_space<semaphore_mem>>) src(%arg9 : memref<632x16xf32, #tpu.memory_space<vmem>>) dst(%dma_wait3A_637 : memref<632x16xf32, #tpu.memory_space<hbm>>)
      tpu.yield
    }) : () -> ()
    return
  }
}

module attributes {stable_mosaic.version = 14 : i64} {
  func.func @_proj_body(%arg0: i32, %arg1: memref<632x1024xf32, #tpu.memory_space<vmem>>, %arg2: memref<128x16xf32, #tpu.memory_space<vmem>>, %arg3: memref<632x128xf32, #tpu.memory_space<vmem>>) attributes {dimension_semantics = [#tpu.dimension_semantics<arbitrary>], iteration_bounds = array<i64: 2>, scalar_prefetch = 0 : i64, scratch_operands = 0 : i64, tpu.core_type = #tpu.core_type<tc>, window_params = [{transform_indices = @transform_0, window_bounds = array<i64: 632, 1024>}, {pipeline_mode = #tpu.pipeline_mode<synchronous>, transform_indices = @transform_1, window_bounds = array<i64: 128, 16>}, {transform_indices = @transform_2, window_bounds = array<i64: 632, 128>}]} {
    %get3A = arith.constant 0 : index
    %get3A_0 = arith.constant 0 : index
    %get3A_1 = vector.load %arg1[%get3A, %get3A_0] : memref<632x1024xf32, #tpu.memory_space<vmem>>, vector<632x1024xf32>
    %get3A_2 = arith.constant 0 : index
    %get3A_3 = arith.constant 0 : index
    %get3A_4 = vector.load %arg2[%get3A_2, %get3A_3] : memref<128x16xf32, #tpu.memory_space<vmem>>, vector<128x16xf32>
    %tile3A = tpu.concatenate %get3A_4, %get3A_4, %get3A_4, %get3A_4, %get3A_4, %get3A_4, %get3A_4, %get3A_4 in 0 : vector<128x16xf32>, vector<128x16xf32>, vector<128x16xf32>, vector<128x16xf32>, vector<128x16xf32>, vector<128x16xf32>, vector<128x16xf32>, vector<128x16xf32> -> vector<1024x16xf32>
    %tile3A_5 = tpu.concatenate %tile3A, %tile3A, %tile3A, %tile3A, %tile3A, %tile3A, %tile3A, %tile3A in 1 : vector<1024x16xf32>, vector<1024x16xf32>, vector<1024x16xf32>, vector<1024x16xf32>, vector<1024x16xf32>, vector<1024x16xf32>, vector<1024x16xf32>, vector<1024x16xf32> -> vector<1024x128xf32>
    %iota3A = tpu.iota {dimensions = array<i32: 0>} : vector<1024x128xi32>
    %jit3A = arith.constant 128 : i32
    %div3A = vector.broadcast %jit3A : i32 to vector<1024x128xi32>
    %div3A_6 = arith.divsi %iota3A, %div3A : vector<1024x128xi32>
    %sign3A = arith.constant 0 : i32
    %sign3A_7 = vector.broadcast %sign3A : i32 to vector<1024x128xi32>
    %sign3A_8 = arith.cmpi sgt, %iota3A, %sign3A_7 : vector<1024x128xi32>
    %sign3A_9 = arith.extui %sign3A_8 : vector<1024x128xi1> to vector<1024x128xi32>
    %sign3A_10 = arith.constant 0 : i32
    %sign3A_11 = vector.broadcast %sign3A_10 : i32 to vector<1024x128xi32>
    %sign3A_12 = arith.cmpi slt, %iota3A, %sign3A_11 : vector<1024x128xi32>
    %sign3A_13 = arith.extui %sign3A_12 : vector<1024x128xi1> to vector<1024x128xi32>
    %sign3A_14 = arith.subi %sign3A_9, %sign3A_13 : vector<1024x128xi32>
    %sign3A_15 = arith.constant 0 : i32
    %sign3A_16 = arith.cmpi sgt, %jit3A, %sign3A_15 : i32
    %sign3A_17 = arith.extui %sign3A_16 : i1 to i32
    %sign3A_18 = arith.constant 0 : i32
    %sign3A_19 = arith.cmpi slt, %jit3A, %sign3A_18 : i32
    %sign3A_20 = arith.extui %sign3A_19 : i1 to i32
    %sign3A_21 = arith.subi %sign3A_17, %sign3A_20 : i32
    %ne3A = vector.broadcast %sign3A_21 : i32 to vector<1024x128xi32>
    %ne3A_22 = arith.cmpi ne, %sign3A_14, %ne3A : vector<1024x128xi32>
    %rem3A = vector.broadcast %jit3A : i32 to vector<1024x128xi32>
    %rem3A_23 = arith.remsi %iota3A, %rem3A : vector<1024x128xi32>
    %ne3A_24 = arith.constant 0 : i32
    %ne3A_25 = vector.broadcast %ne3A_24 : i32 to vector<1024x128xi32>
    %ne3A_26 = arith.cmpi ne, %rem3A_23, %ne3A_25 : vector<1024x128xi32>
    %and3A = arith.andi %ne3A_22, %ne3A_26 : vector<1024x128xi1>
    %sub3A = arith.constant 1 : i32
    %sub3A_27 = vector.broadcast %sub3A : i32 to vector<1024x128xi32>
    %sub3A_28 = arith.subi %div3A_6, %sub3A_27 : vector<1024x128xi32>
    %select_n3A = arith.select %and3A, %sub3A_28, %div3A_6 : vector<1024x128xi1>, vector<1024x128xi32>
    %iota3A_29 = tpu.iota {dimensions = array<i32: 1>} : vector<1024x128xi32>
    %jit3A_30 = arith.constant 16 : i32
    %div3A_31 = vector.broadcast %jit3A_30 : i32 to vector<1024x128xi32>
    %div3A_32 = arith.divsi %iota3A_29, %div3A_31 : vector<1024x128xi32>
    %sign3A_33 = arith.constant 0 : i32
    %sign3A_34 = vector.broadcast %sign3A_33 : i32 to vector<1024x128xi32>
    %sign3A_35 = arith.cmpi sgt, %iota3A_29, %sign3A_34 : vector<1024x128xi32>
    %sign3A_36 = arith.extui %sign3A_35 : vector<1024x128xi1> to vector<1024x128xi32>
    %sign3A_37 = arith.constant 0 : i32
    %sign3A_38 = vector.broadcast %sign3A_37 : i32 to vector<1024x128xi32>
    %sign3A_39 = arith.cmpi slt, %iota3A_29, %sign3A_38 : vector<1024x128xi32>
    %sign3A_40 = arith.extui %sign3A_39 : vector<1024x128xi1> to vector<1024x128xi32>
    %sign3A_41 = arith.subi %sign3A_36, %sign3A_40 : vector<1024x128xi32>
    %sign3A_42 = arith.constant 0 : i32
    %sign3A_43 = arith.cmpi sgt, %jit3A_30, %sign3A_42 : i32
    %sign3A_44 = arith.extui %sign3A_43 : i1 to i32
    %sign3A_45 = arith.constant 0 : i32
    %sign3A_46 = arith.cmpi slt, %jit3A_30, %sign3A_45 : i32
    %sign3A_47 = arith.extui %sign3A_46 : i1 to i32
    %sign3A_48 = arith.subi %sign3A_44, %sign3A_47 : i32
    %ne3A_49 = vector.broadcast %sign3A_48 : i32 to vector<1024x128xi32>
    %ne3A_50 = arith.cmpi ne, %sign3A_41, %ne3A_49 : vector<1024x128xi32>
    %rem3A_51 = vector.broadcast %jit3A_30 : i32 to vector<1024x128xi32>
    %rem3A_52 = arith.remsi %iota3A_29, %rem3A_51 : vector<1024x128xi32>
    %ne3A_53 = arith.constant 0 : i32
    %ne3A_54 = vector.broadcast %ne3A_53 : i32 to vector<1024x128xi32>
    %ne3A_55 = arith.cmpi ne, %rem3A_52, %ne3A_54 : vector<1024x128xi32>
    %and3A_56 = arith.andi %ne3A_50, %ne3A_55 : vector<1024x128xi1>
    %sub3A_57 = arith.constant 1 : i32
    %sub3A_58 = vector.broadcast %sub3A_57 : i32 to vector<1024x128xi32>
    %sub3A_59 = arith.subi %div3A_32, %sub3A_58 : vector<1024x128xi32>
    %select_n3A_60 = arith.select %and3A_56, %sub3A_59, %div3A_32 : vector<1024x128xi1>, vector<1024x128xi32>
    %eq3A = arith.cmpi eq, %select_n3A, %select_n3A_60 : vector<1024x128xi32>
    %jit3A_61 = arith.constant 0.000000e+00 : f32
    %broadcast_in_dim3A = vector.broadcast %jit3A_61 : f32 to vector<1024x128xf32>
    %select_n3A_62 = arith.select %eq3A, %tile3A_5, %broadcast_in_dim3A : vector<1024x128xi1>, vector<1024x128xf32>
    %dot_general3A = arith.constant dense<0.000000e+00> : vector<632x128xf32>
    %dot_general3A_63 = tpu.matmul %get3A_1, %select_n3A_62, %dot_general3A {dimension_numbers = #tpu.dot_dimension_numbers<[1], [0], [0], [1], [0, 0, 1, 1], [], []>, transpose_lhs_hint = false} : vector<632x1024xf32>, vector<1024x128xf32>, vector<632x128xf32> -> vector<632x128xf32>
    %swap3A = arith.constant 0 : index
    %swap3A_64 = arith.constant 0 : index
    %swap3A_65 = vector.load %arg3[%swap3A, %swap3A_64] : memref<632x128xf32, #tpu.memory_space<vmem>>, vector<632x128xf32>
    tpu.vector_store %arg3[%swap3A, %swap3A_64], %dot_general3A_63 {strides = array<i32>} : memref<632x128xf32, #tpu.memory_space<vmem>>, vector<632x128xf32>,
    return
  }
  func.func @transform_0(%arg0: i32) -> (i32, i32) {
    %c0_i32 = arith.constant 0 : i32
    %c0_i32_0 = arith.constant 0 : i32
    return %arg0, %c0_i32 : i32, i32
  }
  func.func @transform_1(%arg0: i32) -> (i32, i32) {
    %c0_i32 = arith.constant 0 : i32
    %c0_i32_0 = arith.constant 0 : i32
    %c0_i32_1 = arith.constant 0 : i32
    return %c0_i32, %c0_i32_0 : i32, i32
  }
  func.func @transform_2(%arg0: i32) -> (i32, i32) {
    %c0_i32 = arith.constant 0 : i32
    %c0_i32_0 = arith.constant 0 : i32
    return %arg0, %c0_i32 : i32, i32
  }
}

module attributes {stable_mosaic.version = 14 : i64} {
  func.func @_out_body(%arg0: i32, %arg1: memref<1x128xf32, #tpu.memory_space<vmem>>, %arg2: memref<632x128xf32, #tpu.memory_space<vmem>>, %arg3: memref<2x632x128xf32, #tpu.memory_space<vmem>>, %arg4: memref<1x128xf32, #tpu.memory_space<vmem>>, %arg5: memref<16x16xf32, #tpu.memory_space<vmem>>, %arg6: memref<1x128xf32, #tpu.memory_space<vmem>>, %arg7: memref<632x128xf32, #tpu.memory_space<vmem>>) attributes {dimension_semantics = [#tpu.dimension_semantics<arbitrary>], iteration_bounds = array<i64: 2>, scalar_prefetch = 0 : i64, scratch_operands = 0 : i64, tpu.core_type = #tpu.core_type<tc>, window_params = [{pipeline_mode = #tpu.pipeline_mode<synchronous>, transform_indices = @transform_0, window_bounds = array<i64: 1, 128>}, {transform_indices = @transform_1, window_bounds = array<i64: 632, 128>}, {transform_indices = @transform_2, window_bounds = array<i64: 2, 632, 128>}, {pipeline_mode = #tpu.pipeline_mode<synchronous>, transform_indices = @transform_3, window_bounds = array<i64: 1, 128>}, {pipeline_mode = #tpu.pipeline_mode<synchronous>, transform_indices = @transform_4, window_bounds = array<i64: 16, 16>}, {pipeline_mode = #tpu.pipeline_mode<synchronous>, transform_indices = @transform_5, window_bounds = array<i64: 1, 128>}, {transform_indices = @transform_6, window_bounds = array<i64: 632, 128>}]} {
    %get3A = arith.constant 0 : index
    %get3A_0 = arith.constant 0 : index
    %get3A_1 = arith.constant 0 : index
    %get3A_2 = vector.load %arg3[%get3A, %get3A_0, %get3A_1] : memref<2x632x128xf32, #tpu.memory_space<vmem>>, vector<1x632x128xf32>
    %get3A_3 = vector.shape_cast %get3A_2 : vector<1x632x128xf32> to vector<632x128xf32>
    %get3A_4 = arith.constant 1 : index
    %get3A_5 = arith.constant 0 : index
    %get3A_6 = arith.constant 0 : index
    %get3A_7 = vector.load %arg3[%get3A_4, %get3A_5, %get3A_6] : memref<2x632x128xf32, #tpu.memory_space<vmem>>, vector<1x632x128xf32>
    %get3A_8 = vector.shape_cast %get3A_7 : vector<1x632x128xf32> to vector<632x128xf32>
    %add3A = arith.addf %get3A_3, %get3A_8 : vector<632x128xf32>
    %get3A_9 = arith.constant 0 : index
    %get3A_10 = arith.constant 0 : index
    %get3A_11 = vector.load %arg1[%get3A_9, %get3A_10] : memref<1x128xf32, #tpu.memory_space<vmem>>, vector<1x128xf32>
    %add3A_12 = arith.constant 1.000000e+00 : f32
    %add3A_13 = vector.broadcast %add3A_12 : f32 to vector<1x128xf32>
    %add3A_14 = arith.addf %add3A_13, %get3A_11 : vector<1x128xf32>
    %get3A_15 = arith.constant 0 : index
    %get3A_16 = arith.constant 0 : index
    %get3A_17 = vector.load %arg2[%get3A_15, %get3A_16] : memref<632x128xf32, #tpu.memory_space<vmem>>, vector<632x128xf32>
    %mul3A = vector.broadcast %add3A_14 : vector<1x128xf32> to vector<632x128xf32>
    %mul3A_18 = arith.mulf %mul3A, %get3A_17 : vector<632x128xf32>
    %add3A_19 = arith.addf %mul3A_18, %add3A : vector<632x128xf32>
    %get3A_20 = arith.constant 0 : index
    %get3A_21 = arith.constant 0 : index
    %get3A_22 = vector.load %arg4[%get3A_20, %get3A_21] : memref<1x128xf32, #tpu.memory_space<vmem>>, vector<1x128xf32>
    %add3A_23 = vector.broadcast %get3A_22 : vector<1x128xf32> to vector<632x128xf32>
    %add3A_24 = arith.addf %add3A_19, %add3A_23 : vector<632x128xf32>
    %max3A = arith.constant 0.000000e+00 : f32
    %max3A_25 = vector.broadcast %max3A : f32 to vector<632x128xf32>
    %max3A_26 = arith.maximumf %add3A_24, %max3A_25 : vector<632x128xf32>
    %get3A_27 = arith.constant 0 : index
    %get3A_28 = arith.constant 0 : index
    %get3A_29 = vector.load %arg5[%get3A_27, %get3A_28] : memref<16x16xf32, #tpu.memory_space<vmem>>, vector<16x16xf32>
    %tile3A = tpu.concatenate %get3A_29, %get3A_29, %get3A_29, %get3A_29, %get3A_29, %get3A_29, %get3A_29, %get3A_29 in 0 : vector<16x16xf32>, vector<16x16xf32>, vector<16x16xf32>, vector<16x16xf32>, vector<16x16xf32>, vector<16x16xf32>, vector<16x16xf32>, vector<16x16xf32> -> vector<128x16xf32>
    %tile3A_30 = tpu.concatenate %tile3A, %tile3A, %tile3A, %tile3A, %tile3A, %tile3A, %tile3A, %tile3A in 1 : vector<128x16xf32>, vector<128x16xf32>, vector<128x16xf32>, vector<128x16xf32>, vector<128x16xf32>, vector<128x16xf32>, vector<128x16xf32>, vector<128x16xf32> -> vector<128x128xf32>
    %iota3A = tpu.iota {dimensions = array<i32: 0>} : vector<128x128xi32>
    %jit3A = arith.constant 16 : i32
    %div3A = vector.broadcast %jit3A : i32 to vector<128x128xi32>
    %div3A_31 = arith.divsi %iota3A, %div3A : vector<128x128xi32>
    %sign3A = arith.constant 0 : i32
    %sign3A_32 = vector.broadcast %sign3A : i32 to vector<128x128xi32>
    %sign3A_33 = arith.cmpi sgt, %iota3A, %sign3A_32 : vector<128x128xi32>
    %sign3A_34 = arith.extui %sign3A_33 : vector<128x128xi1> to vector<128x128xi32>
    %sign3A_35 = arith.constant 0 : i32
    %sign3A_36 = vector.broadcast %sign3A_35 : i32 to vector<128x128xi32>
    %sign3A_37 = arith.cmpi slt, %iota3A, %sign3A_36 : vector<128x128xi32>
    %sign3A_38 = arith.extui %sign3A_37 : vector<128x128xi1> to vector<128x128xi32>
    %sign3A_39 = arith.subi %sign3A_34, %sign3A_38 : vector<128x128xi32>
    %sign3A_40 = arith.constant 0 : i32
    %sign3A_41 = arith.cmpi sgt, %jit3A, %sign3A_40 : i32
    %sign3A_42 = arith.extui %sign3A_41 : i1 to i32
    %sign3A_43 = arith.constant 0 : i32
    %sign3A_44 = arith.cmpi slt, %jit3A, %sign3A_43 : i32
    %sign3A_45 = arith.extui %sign3A_44 : i1 to i32
    %sign3A_46 = arith.subi %sign3A_42, %sign3A_45 : i32
    %ne3A = vector.broadcast %sign3A_46 : i32 to vector<128x128xi32>
    %ne3A_47 = arith.cmpi ne, %sign3A_39, %ne3A : vector<128x128xi32>
    %rem3A = vector.broadcast %jit3A : i32 to vector<128x128xi32>
    %rem3A_48 = arith.remsi %iota3A, %rem3A : vector<128x128xi32>
    %ne3A_49 = arith.constant 0 : i32
    %ne3A_50 = vector.broadcast %ne3A_49 : i32 to vector<128x128xi32>
    %ne3A_51 = arith.cmpi ne, %rem3A_48, %ne3A_50 : vector<128x128xi32>
    %and3A = arith.andi %ne3A_47, %ne3A_51 : vector<128x128xi1>
    %sub3A = arith.constant 1 : i32
    %sub3A_52 = vector.broadcast %sub3A : i32 to vector<128x128xi32>
    %sub3A_53 = arith.subi %div3A_31, %sub3A_52 : vector<128x128xi32>
    %select_n3A = arith.select %and3A, %sub3A_53, %div3A_31 : vector<128x128xi1>, vector<128x128xi32>
    %iota3A_54 = tpu.iota {dimensions = array<i32: 1>} : vector<128x128xi32>
    %jit3A_55 = arith.constant 16 : i32
    %div3A_56 = vector.broadcast %jit3A_55 : i32 to vector<128x128xi32>
    %div3A_57 = arith.divsi %iota3A_54, %div3A_56 : vector<128x128xi32>
    %sign3A_58 = arith.constant 0 : i32
    %sign3A_59 = vector.broadcast %sign3A_58 : i32 to vector<128x128xi32>
    %sign3A_60 = arith.cmpi sgt, %iota3A_54, %sign3A_59 : vector<128x128xi32>
    %sign3A_61 = arith.extui %sign3A_60 : vector<128x128xi1> to vector<128x128xi32>
    %sign3A_62 = arith.constant 0 : i32
    %sign3A_63 = vector.broadcast %sign3A_62 : i32 to vector<128x128xi32>
    %sign3A_64 = arith.cmpi slt, %iota3A_54, %sign3A_63 : vector<128x128xi32>
    %sign3A_65 = arith.extui %sign3A_64 : vector<128x128xi1> to vector<128x128xi32>
    %sign3A_66 = arith.subi %sign3A_61, %sign3A_65 : vector<128x128xi32>
    %sign3A_67 = arith.constant 0 : i32
    %sign3A_68 = arith.cmpi sgt, %jit3A_55, %sign3A_67 : i32
    %sign3A_69 = arith.extui %sign3A_68 : i1 to i32
    %sign3A_70 = arith.constant 0 : i32
    %sign3A_71 = arith.cmpi slt, %jit3A_55, %sign3A_70 : i32
    %sign3A_72 = arith.extui %sign3A_71 : i1 to i32
    %sign3A_73 = arith.subi %sign3A_69, %sign3A_72 : i32
    %ne3A_74 = vector.broadcast %sign3A_73 : i32 to vector<128x128xi32>
    %ne3A_75 = arith.cmpi ne, %sign3A_66, %ne3A_74 : vector<128x128xi32>
    %rem3A_76 = vector.broadcast %jit3A_55 : i32 to vector<128x128xi32>
    %rem3A_77 = arith.remsi %iota3A_54, %rem3A_76 : vector<128x128xi32>
    %ne3A_78 = arith.constant 0 : i32
    %ne3A_79 = vector.broadcast %ne3A_78 : i32 to vector<128x128xi32>
    %ne3A_80 = arith.cmpi ne, %rem3A_77, %ne3A_79 : vector<128x128xi32>
    %and3A_81 = arith.andi %ne3A_75, %ne3A_80 : vector<128x128xi1>
    %sub3A_82 = arith.constant 1 : i32
    %sub3A_83 = vector.broadcast %sub3A_82 : i32 to vector<128x128xi32>
    %sub3A_84 = arith.subi %div3A_57, %sub3A_83 : vector<128x128xi32>
    %select_n3A_85 = arith.select %and3A_81, %sub3A_84, %div3A_57 : vector<128x128xi1>, vector<128x128xi32>
    %eq3A = arith.cmpi eq, %select_n3A, %select_n3A_85 : vector<128x128xi32>
    %jit3A_86 = arith.constant 0.000000e+00 : f32
    %broadcast_in_dim3A = vector.broadcast %jit3A_86 : f32 to vector<128x128xf32>
    %select_n3A_87 = arith.select %eq3A, %tile3A_30, %broadcast_in_dim3A : vector<128x128xi1>, vector<128x128xf32>
    %dot_general3A = arith.constant dense<0.000000e+00> : vector<632x128xf32>
    %dot_general3A_88 = tpu.matmul %max3A_26, %select_n3A_87, %dot_general3A {dimension_numbers = #tpu.dot_dimension_numbers<[1], [0], [0], [1], [0, 0, 1, 1], [], []>, transpose_lhs_hint = false} : vector<632x128xf32>, vector<128x128xf32>, vector<632x128xf32> -> vector<632x128xf32>
    %get3A_89 = arith.constant 0 : index
    %get3A_90 = arith.constant 0 : index
    %get3A_91 = vector.load %arg6[%get3A_89, %get3A_90] : memref<1x128xf32, #tpu.memory_space<vmem>>, vector<1x128xf32>
    %add3A_92 = vector.broadcast %get3A_91 : vector<1x128xf32> to vector<632x128xf32>
    %add3A_93 = arith.addf %dot_general3A_88, %add3A_92 : vector<632x128xf32>
    %iota3A_94 = tpu.iota {dimensions = array<i32: 1>} : vector<632x128xi32>
    %jit3A_95 = arith.constant 16 : i32
    %eq3A_96 = arith.constant 0 : i32
    %eq3A_97 = arith.cmpi eq, %jit3A_95, %eq3A_96 : i32
    %jit3A_98 = arith.constant 1 : i32
    %select_n3A_99 = arith.select %eq3A_97, %jit3A_98, %jit3A_95 : i32
    %rem3A_100 = vector.broadcast %select_n3A_99 : i32 to vector<632x128xi32>
    %rem3A_101 = arith.remsi %iota3A_94, %rem3A_100 : vector<632x128xi32>
    %ne3A_102 = arith.constant 0 : i32
    %ne3A_103 = vector.broadcast %ne3A_102 : i32 to vector<632x128xi32>
    %ne3A_104 = arith.cmpi ne, %rem3A_101, %ne3A_103 : vector<632x128xi32>
    %lt3A = arith.constant 0 : i32
    %lt3A_105 = vector.broadcast %lt3A : i32 to vector<632x128xi32>
    %lt3A_106 = arith.cmpi slt, %rem3A_101, %lt3A_105 : vector<632x128xi32>
    %lt3A_107 = arith.constant 0 : i32
    %lt3A_108 = arith.cmpi slt, %select_n3A_99, %lt3A_107 : i32
    %ne3A_109 = vector.broadcast %lt3A_108 : i1 to vector<632x128xi1>
    %ne3A_110 = vector.broadcast %ne3A_109 : vector<632x128xi1> to vector<632x128xi1>
    %ne3A_111 = arith.xori %lt3A_106, %ne3A_110 : vector<632x128xi1>
    %and3A_112 = arith.andi %ne3A_111, %ne3A_104 : vector<632x128xi1>
    %add3A_113 = vector.broadcast %select_n3A_99 : i32 to vector<632x128xi32>
    %add3A_114 = arith.addi %rem3A_101, %add3A_113 : vector<632x128xi32>
    %select_n3A_115 = arith.select %and3A_112, %add3A_114, %rem3A_101 : vector<632x128xi1>, vector<632x128xi32>
    %broadcast_in_dim3A_116 = arith.constant -1.000000e+30 : f32
    %broadcast_in_dim3A_117 = vector.broadcast %broadcast_in_dim3A_116 : f32 to vector<632x128xf32>
    %le3A = arith.constant 14 : i32
    %le3A_118 = vector.broadcast %le3A : i32 to vector<632x128xi32>
    %le3A_119 = arith.cmpi sle, %select_n3A_115, %le3A_118 : vector<632x128xi32>
    %roll3A = arith.constant 127 : i32
    %roll3A_120 = tpu.dynamic_rotate %add3A_93 by %roll3A dim 1 : vector<632x128xf32>, i32 -> vector<632x128xf32>
    %select_n3A_121 = arith.select %le3A_119, %roll3A_120, %broadcast_in_dim3A_117 : vector<632x128xi1>, vector<632x128xf32>
    %ge3A = arith.constant 1 : i32
    %ge3A_122 = vector.broadcast %ge3A : i32 to vector<632x128xi32>
    %ge3A_123 = arith.cmpi sge, %select_n3A_115, %ge3A_122 : vector<632x128xi32>
    %roll3A_124 = arith.constant 1 : i32
    %roll3A_125 = tpu.dynamic_rotate %add3A_93 by %roll3A_124 dim 1 : vector<632x128xf32>, i32 -> vector<632x128xf32>
    %select_n3A_126 = arith.select %ge3A_123, %roll3A_125, %broadcast_in_dim3A_117 : vector<632x128xi1>, vector<632x128xf32>
    %max3A_127 = arith.maximumf %select_n3A_121, %select_n3A_126 : vector<632x128xf32>
    %max3A_128 = arith.maximumf %add3A_93, %max3A_127 : vector<632x128xf32>
    %le3A_129 = arith.constant 13 : i32
    %le3A_130 = vector.broadcast %le3A_129 : i32 to vector<632x128xi32>
    %le3A_131 = arith.cmpi sle, %select_n3A_115, %le3A_130 : vector<632x128xi32>
    %roll3A_132 = arith.constant 126 : i32
    %roll3A_133 = tpu.dynamic_rotate %max3A_128 by %roll3A_132 dim 1 : vector<632x128xf32>, i32 -> vector<632x128xf32>
    %select_n3A_134 = arith.select %le3A_131, %roll3A_133, %broadcast_in_dim3A_117 : vector<632x128xi1>, vector<632x128xf32>
    %ge3A_135 = arith.constant 2 : i32
    %ge3A_136 = vector.broadcast %ge3A_135 : i32 to vector<632x128xi32>
    %ge3A_137 = arith.cmpi sge, %select_n3A_115, %ge3A_136 : vector<632x128xi32>
    %roll3A_138 = arith.constant 2 : i32
    %roll3A_139 = tpu.dynamic_rotate %max3A_128 by %roll3A_138 dim 1 : vector<632x128xf32>, i32 -> vector<632x128xf32>
    %select_n3A_140 = arith.select %ge3A_137, %roll3A_139, %broadcast_in_dim3A_117 : vector<632x128xi1>, vector<632x128xf32>
    %max3A_141 = arith.maximumf %select_n3A_134, %select_n3A_140 : vector<632x128xf32>
    %max3A_142 = arith.maximumf %max3A_128, %max3A_141 : vector<632x128xf32>
    %le3A_143 = arith.constant 11 : i32
    %le3A_144 = vector.broadcast %le3A_143 : i32 to vector<632x128xi32>
    %le3A_145 = arith.cmpi sle, %select_n3A_115, %le3A_144 : vector<632x128xi32>
    %roll3A_146 = arith.constant 124 : i32
    %roll3A_147 = tpu.dynamic_rotate %max3A_142 by %roll3A_146 dim 1 : vector<632x128xf32>, i32 -> vector<632x128xf32>
    %select_n3A_148 = arith.select %le3A_145, %roll3A_147, %broadcast_in_dim3A_117 : vector<632x128xi1>, vector<632x128xf32>
    %ge3A_149 = arith.constant 4 : i32
    %ge3A_150 = vector.broadcast %ge3A_149 : i32 to vector<632x128xi32>
    %ge3A_151 = arith.cmpi sge, %select_n3A_115, %ge3A_150 : vector<632x128xi32>
    %roll3A_152 = arith.constant 4 : i32
    %roll3A_153 = tpu.dynamic_rotate %max3A_142 by %roll3A_152 dim 1 : vector<632x128xf32>, i32 -> vector<632x128xf32>
    %select_n3A_154 = arith.select %ge3A_151, %roll3A_153, %broadcast_in_dim3A_117 : vector<632x128xi1>, vector<632x128xf32>
    %max3A_155 = arith.maximumf %select_n3A_148, %select_n3A_154 : vector<632x128xf32>
    %max3A_156 = arith.maximumf %max3A_142, %max3A_155 : vector<632x128xf32>
    %le3A_157 = arith.constant 7 : i32
    %le3A_158 = vector.broadcast %le3A_157 : i32 to vector<632x128xi32>
    %le3A_159 = arith.cmpi sle, %select_n3A_115, %le3A_158 : vector<632x128xi32>
    %roll3A_160 = arith.constant 120 : i32
    %roll3A_161 = tpu.dynamic_rotate %max3A_156 by %roll3A_160 dim 1 : vector<632x128xf32>, i32 -> vector<632x128xf32>
    %select_n3A_162 = arith.select %le3A_159, %roll3A_161, %broadcast_in_dim3A_117 : vector<632x128xi1>, vector<632x128xf32>
    %ge3A_163 = arith.constant 8 : i32
    %ge3A_164 = vector.broadcast %ge3A_163 : i32 to vector<632x128xi32>
    %ge3A_165 = arith.cmpi sge, %select_n3A_115, %ge3A_164 : vector<632x128xi32>
    %roll3A_166 = arith.constant 8 : i32
    %roll3A_167 = tpu.dynamic_rotate %max3A_156 by %roll3A_166 dim 1 : vector<632x128xf32>, i32 -> vector<632x128xf32>
    %select_n3A_168 = arith.select %ge3A_165, %roll3A_167, %broadcast_in_dim3A_117 : vector<632x128xi1>, vector<632x128xf32>
    %max3A_169 = arith.maximumf %select_n3A_162, %select_n3A_168 : vector<632x128xf32>
    %max3A_170 = arith.maximumf %max3A_156, %max3A_169 : vector<632x128xf32>
    %sub3A_171 = arith.subf %add3A_93, %max3A_170 : vector<632x128xf32>
    %exp3A = math.exp %sub3A_171 : vector<632x128xf32>
    %broadcast_in_dim3A_172 = arith.constant 1.000000e+00 : f32
    %broadcast_in_dim3A_173 = vector.broadcast %broadcast_in_dim3A_172 : f32 to vector<16x16xf32>
    %tile3A_174 = tpu.concatenate %broadcast_in_dim3A_173, %broadcast_in_dim3A_173, %broadcast_in_dim3A_173, %broadcast_in_dim3A_173, %broadcast_in_dim3A_173, %broadcast_in_dim3A_173, %broadcast_in_dim3A_173, %broadcast_in_dim3A_173 in 0 : vector<16x16xf32>, vector<16x16xf32>, vector<16x16xf32>, vector<16x16xf32>, vector<16x16xf32>, vector<16x16xf32>, vector<16x16xf32>, vector<16x16xf32> -> vector<128x16xf32>
    %tile3A_175 = tpu.concatenate %tile3A_174, %tile3A_174, %tile3A_174, %tile3A_174, %tile3A_174, %tile3A_174, %tile3A_174, %tile3A_174 in 1 : vector<128x16xf32>, vector<128x16xf32>, vector<128x16xf32>, vector<128x16xf32>, vector<128x16xf32>, vector<128x16xf32>, vector<128x16xf32>, vector<128x16xf32> -> vector<128x128xf32>
    %iota3A_176 = tpu.iota {dimensions = array<i32: 0>} : vector<128x128xi32>
    %jit3A_177 = arith.constant 16 : i32
    %div3A_178 = vector.broadcast %jit3A_177 : i32 to vector<128x128xi32>
    %div3A_179 = arith.divsi %iota3A_176, %div3A_178 : vector<128x128xi32>
    %sign3A_180 = arith.constant 0 : i32
    %sign3A_181 = vector.broadcast %sign3A_180 : i32 to vector<128x128xi32>
    %sign3A_182 = arith.cmpi sgt, %iota3A_176, %sign3A_181 : vector<128x128xi32>
    %sign3A_183 = arith.extui %sign3A_182 : vector<128x128xi1> to vector<128x128xi32>
    %sign3A_184 = arith.constant 0 : i32
    %sign3A_185 = vector.broadcast %sign3A_184 : i32 to vector<128x128xi32>
    %sign3A_186 = arith.cmpi slt, %iota3A_176, %sign3A_185 : vector<128x128xi32>
    %sign3A_187 = arith.extui %sign3A_186 : vector<128x128xi1> to vector<128x128xi32>
    %sign3A_188 = arith.subi %sign3A_183, %sign3A_187 : vector<128x128xi32>
    %sign3A_189 = arith.constant 0 : i32
    %sign3A_190 = arith.cmpi sgt, %jit3A_177, %sign3A_189 : i32
    %sign3A_191 = arith.extui %sign3A_190 : i1 to i32
    %sign3A_192 = arith.constant 0 : i32
    %sign3A_193 = arith.cmpi slt, %jit3A_177, %sign3A_192 : i32
    %sign3A_194 = arith.extui %sign3A_193 : i1 to i32
    %sign3A_195 = arith.subi %sign3A_191, %sign3A_194 : i32
    %ne3A_196 = vector.broadcast %sign3A_195 : i32 to vector<128x128xi32>
    %ne3A_197 = arith.cmpi ne, %sign3A_188, %ne3A_196 : vector<128x128xi32>
    %rem3A_198 = vector.broadcast %jit3A_177 : i32 to vector<128x128xi32>
    %rem3A_199 = arith.remsi %iota3A_176, %rem3A_198 : vector<128x128xi32>
    %ne3A_200 = arith.constant 0 : i32
    %ne3A_201 = vector.broadcast %ne3A_200 : i32 to vector<128x128xi32>
    %ne3A_202 = arith.cmpi ne, %rem3A_199, %ne3A_201 : vector<128x128xi32>
    %and3A_203 = arith.andi %ne3A_197, %ne3A_202 : vector<128x128xi1>
    %sub3A_204 = arith.constant 1 : i32
    %sub3A_205 = vector.broadcast %sub3A_204 : i32 to vector<128x128xi32>
    %sub3A_206 = arith.subi %div3A_179, %sub3A_205 : vector<128x128xi32>
    %select_n3A_207 = arith.select %and3A_203, %sub3A_206, %div3A_179 : vector<128x128xi1>, vector<128x128xi32>
    %iota3A_208 = tpu.iota {dimensions = array<i32: 1>} : vector<128x128xi32>
    %jit3A_209 = arith.constant 16 : i32
    %div3A_210 = vector.broadcast %jit3A_209 : i32 to vector<128x128xi32>
    %div3A_211 = arith.divsi %iota3A_208, %div3A_210 : vector<128x128xi32>
    %sign3A_212 = arith.constant 0 : i32
    %sign3A_213 = vector.broadcast %sign3A_212 : i32 to vector<128x128xi32>
    %sign3A_214 = arith.cmpi sgt, %iota3A_208, %sign3A_213 : vector<128x128xi32>
    %sign3A_215 = arith.extui %sign3A_214 : vector<128x128xi1> to vector<128x128xi32>
    %sign3A_216 = arith.constant 0 : i32
    %sign3A_217 = vector.broadcast %sign3A_216 : i32 to vector<128x128xi32>
    %sign3A_218 = arith.cmpi slt, %iota3A_208, %sign3A_217 : vector<128x128xi32>
    %sign3A_219 = arith.extui %sign3A_218 : vector<128x128xi1> to vector<128x128xi32>
    %sign3A_220 = arith.subi %sign3A_215, %sign3A_219 : vector<128x128xi32>
    %sign3A_221 = arith.constant 0 : i32
    %sign3A_222 = arith.cmpi sgt, %jit3A_209, %sign3A_221 : i32
    %sign3A_223 = arith.extui %sign3A_222 : i1 to i32
    %sign3A_224 = arith.constant 0 : i32
    %sign3A_225 = arith.cmpi slt, %jit3A_209, %sign3A_224 : i32
    %sign3A_226 = arith.extui %sign3A_225 : i1 to i32
    %sign3A_227 = arith.subi %sign3A_223, %sign3A_226 : i32
    %ne3A_228 = vector.broadcast %sign3A_227 : i32 to vector<128x128xi32>
    %ne3A_229 = arith.cmpi ne, %sign3A_220, %ne3A_228 : vector<128x128xi32>
    %rem3A_230 = vector.broadcast %jit3A_209 : i32 to vector<128x128xi32>
    %rem3A_231 = arith.remsi %iota3A_208, %rem3A_230 : vector<128x128xi32>
    %ne3A_232 = arith.constant 0 : i32
    %ne3A_233 = vector.broadcast %ne3A_232 : i32 to vector<128x128xi32>
    %ne3A_234 = arith.cmpi ne, %rem3A_231, %ne3A_233 : vector<128x128xi32>
    %and3A_235 = arith.andi %ne3A_229, %ne3A_234 : vector<128x128xi1>
    %sub3A_236 = arith.constant 1 : i32
    %sub3A_237 = vector.broadcast %sub3A_236 : i32 to vector<128x128xi32>
    %sub3A_238 = arith.subi %div3A_211, %sub3A_237 : vector<128x128xi32>
    %select_n3A_239 = arith.select %and3A_235, %sub3A_238, %div3A_211 : vector<128x128xi1>, vector<128x128xi32>
    %eq3A_240 = arith.cmpi eq, %select_n3A_207, %select_n3A_239 : vector<128x128xi32>
    %jit3A_241 = arith.constant 0.000000e+00 : f32
    %broadcast_in_dim3A_242 = vector.broadcast %jit3A_241 : f32 to vector<128x128xf32>
    %select_n3A_243 = arith.select %eq3A_240, %tile3A_175, %broadcast_in_dim3A_242 : vector<128x128xi1>, vector<128x128xf32>
    %dot_general3A_244 = arith.constant dense<0.000000e+00> : vector<632x128xf32>
    %dot_general3A_245 = tpu.matmul %exp3A, %select_n3A_243, %dot_general3A_244 {dimension_numbers = #tpu.dot_dimension_numbers<[1], [0], [0], [1], [0, 0, 1, 1], [], []>, transpose_lhs_hint = false} : vector<632x128xf32>, vector<128x128xf32>, vector<632x128xf32> -> vector<632x128xf32>
    %sub3A_246 = arith.subf %add3A_93, %max3A_170 : vector<632x128xf32>
    %log3A = math.log %dot_general3A_245 : vector<632x128xf32>
    %sub3A_247 = arith.subf %sub3A_246, %log3A : vector<632x128xf32>
    %swap3A = arith.constant 0 : index
    %swap3A_248 = arith.constant 0 : index
    %swap3A_249 = vector.load %arg7[%swap3A, %swap3A_248] : memref<632x128xf32, #tpu.memory_space<vmem>>, vector<632x128xf32>
    tpu.vector_store %arg7[%swap3A, %swap3A_248], %sub3A_247 {strides = array<i32>} : memref<632x128xf32, #tpu.memory_space<vmem>>, vector<632x128xf32>,
    return
  }
  func.func @transform_0(%arg0: i32) -> (i32, i32) {
    %c0_i32 = arith.constant 0 : i32
    %c0_i32_0 = arith.constant 0 : i32
    %c0_i32_1 = arith.constant 0 : i32
    return %c0_i32, %c0_i32_0 : i32, i32
  }
  func.func @transform_1(%arg0: i32) -> (i32, i32) {
    %c0_i32 = arith.constant 0 : i32
    %c0_i32_0 = arith.constant 0 : i32
    return %arg0, %c0_i32 : i32, i32
  }
  func.func @transform_2(%arg0: i32) -> (i32, i32, i32) {
    %c0_i32 = arith.constant 0 : i32
    %c0_i32_0 = arith.constant 0 : i32
    %c0_i32_1 = arith.constant 0 : i32
    return %c0_i32, %arg0, %c0_i32_0 : i32, i32, i32
  }
  func.func @transform_3(%arg0: i32) -> (i32, i32) {
    %c0_i32 = arith.constant 0 : i32
    %c0_i32_0 = arith.constant 0 : i32
    %c0_i32_1 = arith.constant 0 : i32
    return %c0_i32, %c0_i32_0 : i32, i32
  }
  func.func @transform_4(%arg0: i32) -> (i32, i32) {
    %c0_i32 = arith.constant 0 : i32
    %c0_i32_0 = arith.constant 0 : i32
    %c0_i32_1 = arith.constant 0 : i32
    return %c0_i32, %c0_i32_0 : i32, i32
  }
  func.func @transform_5(%arg0: i32) -> (i32, i32) {
    %c0_i32 = arith.constant 0 : i32
    %c0_i32_0 = arith.constant 0 : i32
    %c0_i32_1 = arith.constant 0 : i32
    return %c0_i32, %c0_i32_0 : i32, i32
  }
  func.func @transform_6(%arg0: i32) -> (i32, i32) {
    %c0_i32 = arith.constant 0 : i32
    %c0_i32_0 = arith.constant 0 : i32
    return %arg0, %c0_i32 : i32, i32
  }
}

module attributes {stable_mosaic.version = 14 : i64} {
  func.func @_mid_body(%arg0: i32, %arg1: memref<1x128xf32, #tpu.memory_space<vmem>>, %arg2: memref<632x128xf32, #tpu.memory_space<vmem>>, %arg3: memref<2x632x128xf32, #tpu.memory_space<vmem>>, %arg4: memref<1x128xf32, #tpu.memory_space<vmem>>, %arg5: memref<16x16xf32, #tpu.memory_space<vmem>>, %arg6: memref<1x128xf32, #tpu.memory_space<vmem>>, %arg7: memref<16x16xf32, #tpu.memory_space<vmem>>, %arg8: memref<632x128xf32, #tpu.memory_space<vmem>>) attributes {dimension_semantics = [#tpu.dimension_semantics<arbitrary>], iteration_bounds = array<i64: 2>, scalar_prefetch = 0 : i64, scratch_operands = 0 : i64, tpu.core_type = #tpu.core_type<tc>, window_params = [{pipeline_mode = #tpu.pipeline_mode<synchronous>, transform_indices = @transform_0, window_bounds = array<i64: 1, 128>}, {transform_indices = @transform_1, window_bounds = array<i64: 632, 128>}, {transform_indices = @transform_2, window_bounds = array<i64: 2, 632, 128>}, {pipeline_mode = #tpu.pipeline_mode<synchronous>, transform_indices = @transform_3, window_bounds = array<i64: 1, 128>}, {pipeline_mode = #tpu.pipeline_mode<synchronous>, transform_indices = @transform_4, window_bounds = array<i64: 16, 16>}, {pipeline_mode = #tpu.pipeline_mode<synchronous>, transform_indices = @transform_5, window_bounds = array<i64: 1, 128>}, {pipeline_mode = #tpu.pipeline_mode<synchronous>, transform_indices = @transform_6, window_bounds = array<i64: 16, 16>}, {transform_indices = @transform_7, window_bounds = array<i64: 632, 128>}]} {
    %get3A = arith.constant 0 : index
    %get3A_0 = arith.constant 0 : index
    %get3A_1 = arith.constant 0 : index
    %get3A_2 = vector.load %arg3[%get3A, %get3A_0, %get3A_1] : memref<2x632x128xf32, #tpu.memory_space<vmem>>, vector<1x632x128xf32>
    %get3A_3 = vector.shape_cast %get3A_2 : vector<1x632x128xf32> to vector<632x128xf32>
    %get3A_4 = arith.constant 1 : index
    %get3A_5 = arith.constant 0 : index
    %get3A_6 = arith.constant 0 : index
    %get3A_7 = vector.load %arg3[%get3A_4, %get3A_5, %get3A_6] : memref<2x632x128xf32, #tpu.memory_space<vmem>>, vector<1x632x128xf32>
    %get3A_8 = vector.shape_cast %get3A_7 : vector<1x632x128xf32> to vector<632x128xf32>
    %add3A = arith.addf %get3A_3, %get3A_8 : vector<632x128xf32>
    %get3A_9 = arith.constant 0 : index
    %get3A_10 = arith.constant 0 : index
    %get3A_11 = vector.load %arg1[%get3A_9, %get3A_10] : memref<1x128xf32, #tpu.memory_space<vmem>>, vector<1x128xf32>
    %add3A_12 = arith.constant 1.000000e+00 : f32
    %add3A_13 = vector.broadcast %add3A_12 : f32 to vector<1x128xf32>
    %add3A_14 = arith.addf %add3A_13, %get3A_11 : vector<1x128xf32>
    %get3A_15 = arith.constant 0 : index
    %get3A_16 = arith.constant 0 : index
    %get3A_17 = vector.load %arg2[%get3A_15, %get3A_16] : memref<632x128xf32, #tpu.memory_space<vmem>>, vector<632x128xf32>
    %mul3A = vector.broadcast %add3A_14 : vector<1x128xf32> to vector<632x128xf32>
    %mul3A_18 = arith.mulf %mul3A, %get3A_17 : vector<632x128xf32>
    %add3A_19 = arith.addf %mul3A_18, %add3A : vector<632x128xf32>
    %get3A_20 = arith.constant 0 : index
    %get3A_21 = arith.constant 0 : index
    %get3A_22 = vector.load %arg4[%get3A_20, %get3A_21] : memref<1x128xf32, #tpu.memory_space<vmem>>, vector<1x128xf32>
    %add3A_23 = vector.broadcast %get3A_22 : vector<1x128xf32> to vector<632x128xf32>
    %add3A_24 = arith.addf %add3A_19, %add3A_23 : vector<632x128xf32>
    %max3A = arith.constant 0.000000e+00 : f32
    %max3A_25 = vector.broadcast %max3A : f32 to vector<632x128xf32>
    %max3A_26 = arith.maximumf %add3A_24, %max3A_25 : vector<632x128xf32>
    %get3A_27 = arith.constant 0 : index
    %get3A_28 = arith.constant 0 : index
    %get3A_29 = vector.load %arg5[%get3A_27, %get3A_28] : memref<16x16xf32, #tpu.memory_space<vmem>>, vector<16x16xf32>
    %tile3A = tpu.concatenate %get3A_29, %get3A_29, %get3A_29, %get3A_29, %get3A_29, %get3A_29, %get3A_29, %get3A_29 in 0 : vector<16x16xf32>, vector<16x16xf32>, vector<16x16xf32>, vector<16x16xf32>, vector<16x16xf32>, vector<16x16xf32>, vector<16x16xf32>, vector<16x16xf32> -> vector<128x16xf32>
    %tile3A_30 = tpu.concatenate %tile3A, %tile3A, %tile3A, %tile3A, %tile3A, %tile3A, %tile3A, %tile3A in 1 : vector<128x16xf32>, vector<128x16xf32>, vector<128x16xf32>, vector<128x16xf32>, vector<128x16xf32>, vector<128x16xf32>, vector<128x16xf32>, vector<128x16xf32> -> vector<128x128xf32>
    %iota3A = tpu.iota {dimensions = array<i32: 0>} : vector<128x128xi32>
    %jit3A = arith.constant 16 : i32
    %div3A = vector.broadcast %jit3A : i32 to vector<128x128xi32>
    %div3A_31 = arith.divsi %iota3A, %div3A : vector<128x128xi32>
    %sign3A = arith.constant 0 : i32
    %sign3A_32 = vector.broadcast %sign3A : i32 to vector<128x128xi32>
    %sign3A_33 = arith.cmpi sgt, %iota3A, %sign3A_32 : vector<128x128xi32>
    %sign3A_34 = arith.extui %sign3A_33 : vector<128x128xi1> to vector<128x128xi32>
    %sign3A_35 = arith.constant 0 : i32
    %sign3A_36 = vector.broadcast %sign3A_35 : i32 to vector<128x128xi32>
    %sign3A_37 = arith.cmpi slt, %iota3A, %sign3A_36 : vector<128x128xi32>
    %sign3A_38 = arith.extui %sign3A_37 : vector<128x128xi1> to vector<128x128xi32>
    %sign3A_39 = arith.subi %sign3A_34, %sign3A_38 : vector<128x128xi32>
    %sign3A_40 = arith.constant 0 : i32
    %sign3A_41 = arith.cmpi sgt, %jit3A, %sign3A_40 : i32
    %sign3A_42 = arith.extui %sign3A_41 : i1 to i32
    %sign3A_43 = arith.constant 0 : i32
    %sign3A_44 = arith.cmpi slt, %jit3A, %sign3A_43 : i32
    %sign3A_45 = arith.extui %sign3A_44 : i1 to i32
    %sign3A_46 = arith.subi %sign3A_42, %sign3A_45 : i32
    %ne3A = vector.broadcast %sign3A_46 : i32 to vector<128x128xi32>
    %ne3A_47 = arith.cmpi ne, %sign3A_39, %ne3A : vector<128x128xi32>
    %rem3A = vector.broadcast %jit3A : i32 to vector<128x128xi32>
    %rem3A_48 = arith.remsi %iota3A, %rem3A : vector<128x128xi32>
    %ne3A_49 = arith.constant 0 : i32
    %ne3A_50 = vector.broadcast %ne3A_49 : i32 to vector<128x128xi32>
    %ne3A_51 = arith.cmpi ne, %rem3A_48, %ne3A_50 : vector<128x128xi32>
    %and3A = arith.andi %ne3A_47, %ne3A_51 : vector<128x128xi1>
    %sub3A = arith.constant 1 : i32
    %sub3A_52 = vector.broadcast %sub3A : i32 to vector<128x128xi32>
    %sub3A_53 = arith.subi %div3A_31, %sub3A_52 : vector<128x128xi32>
    %select_n3A = arith.select %and3A, %sub3A_53, %div3A_31 : vector<128x128xi1>, vector<128x128xi32>
    %iota3A_54 = tpu.iota {dimensions = array<i32: 1>} : vector<128x128xi32>
    %jit3A_55 = arith.constant 16 : i32
    %div3A_56 = vector.broadcast %jit3A_55 : i32 to vector<128x128xi32>
    %div3A_57 = arith.divsi %iota3A_54, %div3A_56 : vector<128x128xi32>
    %sign3A_58 = arith.constant 0 : i32
    %sign3A_59 = vector.broadcast %sign3A_58 : i32 to vector<128x128xi32>
    %sign3A_60 = arith.cmpi sgt, %iota3A_54, %sign3A_59 : vector<128x128xi32>
    %sign3A_61 = arith.extui %sign3A_60 : vector<128x128xi1> to vector<128x128xi32>
    %sign3A_62 = arith.constant 0 : i32
    %sign3A_63 = vector.broadcast %sign3A_62 : i32 to vector<128x128xi32>
    %sign3A_64 = arith.cmpi slt, %iota3A_54, %sign3A_63 : vector<128x128xi32>
    %sign3A_65 = arith.extui %sign3A_64 : vector<128x128xi1> to vector<128x128xi32>
    %sign3A_66 = arith.subi %sign3A_61, %sign3A_65 : vector<128x128xi32>
    %sign3A_67 = arith.constant 0 : i32
    %sign3A_68 = arith.cmpi sgt, %jit3A_55, %sign3A_67 : i32
    %sign3A_69 = arith.extui %sign3A_68 : i1 to i32
    %sign3A_70 = arith.constant 0 : i32
    %sign3A_71 = arith.cmpi slt, %jit3A_55, %sign3A_70 : i32
    %sign3A_72 = arith.extui %sign3A_71 : i1 to i32
    %sign3A_73 = arith.subi %sign3A_69, %sign3A_72 : i32
    %ne3A_74 = vector.broadcast %sign3A_73 : i32 to vector<128x128xi32>
    %ne3A_75 = arith.cmpi ne, %sign3A_66, %ne3A_74 : vector<128x128xi32>
    %rem3A_76 = vector.broadcast %jit3A_55 : i32 to vector<128x128xi32>
    %rem3A_77 = arith.remsi %iota3A_54, %rem3A_76 : vector<128x128xi32>
    %ne3A_78 = arith.constant 0 : i32
    %ne3A_79 = vector.broadcast %ne3A_78 : i32 to vector<128x128xi32>
    %ne3A_80 = arith.cmpi ne, %rem3A_77, %ne3A_79 : vector<128x128xi32>
    %and3A_81 = arith.andi %ne3A_75, %ne3A_80 : vector<128x128xi1>
    %sub3A_82 = arith.constant 1 : i32
    %sub3A_83 = vector.broadcast %sub3A_82 : i32 to vector<128x128xi32>
    %sub3A_84 = arith.subi %div3A_57, %sub3A_83 : vector<128x128xi32>
    %select_n3A_85 = arith.select %and3A_81, %sub3A_84, %div3A_57 : vector<128x128xi1>, vector<128x128xi32>
    %eq3A = arith.cmpi eq, %select_n3A, %select_n3A_85 : vector<128x128xi32>
    %jit3A_86 = arith.constant 0.000000e+00 : f32
    %broadcast_in_dim3A = vector.broadcast %jit3A_86 : f32 to vector<128x128xf32>
    %select_n3A_87 = arith.select %eq3A, %tile3A_30, %broadcast_in_dim3A : vector<128x128xi1>, vector<128x128xf32>
    %dot_general3A = arith.constant dense<0.000000e+00> : vector<632x128xf32>
    %dot_general3A_88 = tpu.matmul %max3A_26, %select_n3A_87, %dot_general3A {dimension_numbers = #tpu.dot_dimension_numbers<[1], [0], [0], [1], [0, 0, 1, 1], [], []>, transpose_lhs_hint = false} : vector<632x128xf32>, vector<128x128xf32>, vector<632x128xf32> -> vector<632x128xf32>
    %get3A_89 = arith.constant 0 : index
    %get3A_90 = arith.constant 0 : index
    %get3A_91 = vector.load %arg6[%get3A_89, %get3A_90] : memref<1x128xf32, #tpu.memory_space<vmem>>, vector<1x128xf32>
    %add3A_92 = vector.broadcast %get3A_91 : vector<1x128xf32> to vector<632x128xf32>
    %add3A_93 = arith.addf %dot_general3A_88, %add3A_92 : vector<632x128xf32>
    %max3A_94 = arith.constant 0.000000e+00 : f32
    %max3A_95 = vector.broadcast %max3A_94 : f32 to vector<632x128xf32>
    %max3A_96 = arith.maximumf %add3A_93, %max3A_95 : vector<632x128xf32>
    %get3A_97 = arith.constant 0 : index
    %get3A_98 = arith.constant 0 : index
    %get3A_99 = vector.load %arg7[%get3A_97, %get3A_98] : memref<16x16xf32, #tpu.memory_space<vmem>>, vector<16x16xf32>
    %tile3A_100 = tpu.concatenate %get3A_99, %get3A_99, %get3A_99, %get3A_99, %get3A_99, %get3A_99, %get3A_99, %get3A_99 in 0 : vector<16x16xf32>, vector<16x16xf32>, vector<16x16xf32>, vector<16x16xf32>, vector<16x16xf32>, vector<16x16xf32>, vector<16x16xf32>, vector<16x16xf32> -> vector<128x16xf32>
    %tile3A_101 = tpu.concatenate %tile3A_100, %tile3A_100, %tile3A_100, %tile3A_100, %tile3A_100, %tile3A_100, %tile3A_100, %tile3A_100 in 1 : vector<128x16xf32>, vector<128x16xf32>, vector<128x16xf32>, vector<128x16xf32>, vector<128x16xf32>, vector<128x16xf32>, vector<128x16xf32>, vector<128x16xf32> -> vector<128x128xf32>
    %iota3A_102 = tpu.iota {dimensions = array<i32: 0>} : vector<128x128xi32>
    %jit3A_103 = arith.constant 16 : i32
    %div3A_104 = vector.broadcast %jit3A_103 : i32 to vector<128x128xi32>
    %div3A_105 = arith.divsi %iota3A_102, %div3A_104 : vector<128x128xi32>
    %sign3A_106 = arith.constant 0 : i32
    %sign3A_107 = vector.broadcast %sign3A_106 : i32 to vector<128x128xi32>
    %sign3A_108 = arith.cmpi sgt, %iota3A_102, %sign3A_107 : vector<128x128xi32>
    %sign3A_109 = arith.extui %sign3A_108 : vector<128x128xi1> to vector<128x128xi32>
    %sign3A_110 = arith.constant 0 : i32
    %sign3A_111 = vector.broadcast %sign3A_110 : i32 to vector<128x128xi32>
    %sign3A_112 = arith.cmpi slt, %iota3A_102, %sign3A_111 : vector<128x128xi32>
    %sign3A_113 = arith.extui %sign3A_112 : vector<128x128xi1> to vector<128x128xi32>
    %sign3A_114 = arith.subi %sign3A_109, %sign3A_113 : vector<128x128xi32>
    %sign3A_115 = arith.constant 0 : i32
    %sign3A_116 = arith.cmpi sgt, %jit3A_103, %sign3A_115 : i32
    %sign3A_117 = arith.extui %sign3A_116 : i1 to i32
    %sign3A_118 = arith.constant 0 : i32
    %sign3A_119 = arith.cmpi slt, %jit3A_103, %sign3A_118 : i32
    %sign3A_120 = arith.extui %sign3A_119 : i1 to i32
    %sign3A_121 = arith.subi %sign3A_117, %sign3A_120 : i32
    %ne3A_122 = vector.broadcast %sign3A_121 : i32 to vector<128x128xi32>
    %ne3A_123 = arith.cmpi ne, %sign3A_114, %ne3A_122 : vector<128x128xi32>
    %rem3A_124 = vector.broadcast %jit3A_103 : i32 to vector<128x128xi32>
    %rem3A_125 = arith.remsi %iota3A_102, %rem3A_124 : vector<128x128xi32>
    %ne3A_126 = arith.constant 0 : i32
    %ne3A_127 = vector.broadcast %ne3A_126 : i32 to vector<128x128xi32>
    %ne3A_128 = arith.cmpi ne, %rem3A_125, %ne3A_127 : vector<128x128xi32>
    %and3A_129 = arith.andi %ne3A_123, %ne3A_128 : vector<128x128xi1>
    %sub3A_130 = arith.constant 1 : i32
    %sub3A_131 = vector.broadcast %sub3A_130 : i32 to vector<128x128xi32>
    %sub3A_132 = arith.subi %div3A_105, %sub3A_131 : vector<128x128xi32>
    %select_n3A_133 = arith.select %and3A_129, %sub3A_132, %div3A_105 : vector<128x128xi1>, vector<128x128xi32>
    %iota3A_134 = tpu.iota {dimensions = array<i32: 1>} : vector<128x128xi32>
    %jit3A_135 = arith.constant 16 : i32
    %div3A_136 = vector.broadcast %jit3A_135 : i32 to vector<128x128xi32>
    %div3A_137 = arith.divsi %iota3A_134, %div3A_136 : vector<128x128xi32>
    %sign3A_138 = arith.constant 0 : i32
    %sign3A_139 = vector.broadcast %sign3A_138 : i32 to vector<128x128xi32>
    %sign3A_140 = arith.cmpi sgt, %iota3A_134, %sign3A_139 : vector<128x128xi32>
    %sign3A_141 = arith.extui %sign3A_140 : vector<128x128xi1> to vector<128x128xi32>
    %sign3A_142 = arith.constant 0 : i32
    %sign3A_143 = vector.broadcast %sign3A_142 : i32 to vector<128x128xi32>
    %sign3A_144 = arith.cmpi slt, %iota3A_134, %sign3A_143 : vector<128x128xi32>
    %sign3A_145 = arith.extui %sign3A_144 : vector<128x128xi1> to vector<128x128xi32>
    %sign3A_146 = arith.subi %sign3A_141, %sign3A_145 : vector<128x128xi32>
    %sign3A_147 = arith.constant 0 : i32
    %sign3A_148 = arith.cmpi sgt, %jit3A_135, %sign3A_147 : i32
    %sign3A_149 = arith.extui %sign3A_148 : i1 to i32
    %sign3A_150 = arith.constant 0 : i32
    %sign3A_151 = arith.cmpi slt, %jit3A_135, %sign3A_150 : i32
    %sign3A_152 = arith.extui %sign3A_151 : i1 to i32
    %sign3A_153 = arith.subi %sign3A_149, %sign3A_152 : i32
    %ne3A_154 = vector.broadcast %sign3A_153 : i32 to vector<128x128xi32>
    %ne3A_155 = arith.cmpi ne, %sign3A_146, %ne3A_154 : vector<128x128xi32>
    %rem3A_156 = vector.broadcast %jit3A_135 : i32 to vector<128x128xi32>
    %rem3A_157 = arith.remsi %iota3A_134, %rem3A_156 : vector<128x128xi32>
    %ne3A_158 = arith.constant 0 : i32
    %ne3A_159 = vector.broadcast %ne3A_158 : i32 to vector<128x128xi32>
    %ne3A_160 = arith.cmpi ne, %rem3A_157, %ne3A_159 : vector<128x128xi32>
    %and3A_161 = arith.andi %ne3A_155, %ne3A_160 : vector<128x128xi1>
    %sub3A_162 = arith.constant 1 : i32
    %sub3A_163 = vector.broadcast %sub3A_162 : i32 to vector<128x128xi32>
    %sub3A_164 = arith.subi %div3A_137, %sub3A_163 : vector<128x128xi32>
    %select_n3A_165 = arith.select %and3A_161, %sub3A_164, %div3A_137 : vector<128x128xi1>, vector<128x128xi32>
    %eq3A_166 = arith.cmpi eq, %select_n3A_133, %select_n3A_165 : vector<128x128xi32>
    %jit3A_167 = arith.constant 0.000000e+00 : f32
    %broadcast_in_dim3A_168 = vector.broadcast %jit3A_167 : f32 to vector<128x128xf32>
    %select_n3A_169 = arith.select %eq3A_166, %tile3A_101, %broadcast_in_dim3A_168 : vector<128x128xi1>, vector<128x128xf32>
    %dot_general3A_170 = arith.constant dense<0.000000e+00> : vector<632x128xf32>
    %dot_general3A_171 = tpu.matmul %max3A_96, %select_n3A_169, %dot_general3A_170 {dimension_numbers = #tpu.dot_dimension_numbers<[1], [0], [0], [1], [0, 0, 1, 1], [], []>, transpose_lhs_hint = false} : vector<632x128xf32>, vector<128x128xf32>, vector<632x128xf32> -> vector<632x128xf32>
    %swap3A = arith.constant 0 : index
    %swap3A_172 = arith.constant 0 : index
    %swap3A_173 = vector.load %arg8[%swap3A, %swap3A_172] : memref<632x128xf32, #tpu.memory_space<vmem>>, vector<632x128xf32>
    tpu.vector_store %arg8[%swap3A, %swap3A_172], %dot_general3A_171 {strides = array<i32>} : memref<632x128xf32, #tpu.memory_space<vmem>>, vector<632x128xf32>,
    return
  }
  func.func @transform_0(%arg0: i32) -> (i32, i32) {
    %c0_i32 = arith.constant 0 : i32
    %c0_i32_0 = arith.constant 0 : i32
    %c0_i32_1 = arith.constant 0 : i32
    return %c0_i32, %c0_i32_0 : i32, i32
  }
  func.func @transform_1(%arg0: i32) -> (i32, i32) {
    %c0_i32 = arith.constant 0 : i32
    %c0_i32_0 = arith.constant 0 : i32
    return %arg0, %c0_i32 : i32, i32
  }
  func.func @transform_2(%arg0: i32) -> (i32, i32, i32) {
    %c0_i32 = arith.constant 0 : i32
    %c0_i32_0 = arith.constant 0 : i32
    %c0_i32_1 = arith.constant 0 : i32
    return %c0_i32, %arg0, %c0_i32_0 : i32, i32, i32
  }
  func.func @transform_3(%arg0: i32) -> (i32, i32) {
    %c0_i32 = arith.constant 0 : i32
    %c0_i32_0 = arith.constant 0 : i32
    %c0_i32_1 = arith.constant 0 : i32
    return %c0_i32, %c0_i32_0 : i32, i32
  }
  func.func @transform_4(%arg0: i32) -> (i32, i32) {
    %c0_i32 = arith.constant 0 : i32
    %c0_i32_0 = arith.constant 0 : i32
    %c0_i32_1 = arith.constant 0 : i32
    return %c0_i32, %c0_i32_0 : i32, i32
  }
  func.func @transform_5(%arg0: i32) -> (i32, i32) {
    %c0_i32 = arith.constant 0 : i32
    %c0_i32_0 = arith.constant 0 : i32
    %c0_i32_1 = arith.constant 0 : i32
    return %c0_i32, %c0_i32_0 : i32, i32
  }
  func.func @transform_6(%arg0: i32) -> (i32, i32) {
    %c0_i32 = arith.constant 0 : i32
    %c0_i32_0 = arith.constant 0 : i32
    %c0_i32_1 = arith.constant 0 : i32
    return %c0_i32, %c0_i32_0 : i32, i32
  }
  func.func @transform_7(%arg0: i32) -> (i32, i32) {
    %c0_i32 = arith.constant 0 : i32
    %c0_i32_0 = arith.constant 0 : i32
    return %arg0, %c0_i32 : i32, i32
  }
}

</mosaic_0001>

<sc_bundles>
// kernel: kernel.10.cloned.1.call-start
scs
__scs_entry_jumppad:
0x0: {  	(pc) =	sbr.rel $0x88, $3  }
0x1: {  	(tag) =	ssettag $0x0;
	lr =	simm.s32 $0x1  }
0x2: {  	[smem:$0x3F95] =	sst lr;
	_ =	strace $0xD0000000  }
0x3: {  	_ = 	snop  }
0x4: {  	_ = 	snop  }
0x5: {  	_ = 	snop  }
0x6: {  	_ = 	snop  }
0x7: {  	_ = 	snop  }
__scs_overlays_trampoline_lowered:
0x8: {  	[smem:$0x3FA4] =	sst s0  }
0x9: {  	[smem:$0x3FA5] =	sst s1  }
0xa: {  	[smem:$0x3FA6] =	sst s2  }
0xb: {  	[smem:$0x3FA7] =	sst s3  }
0xc: {  	[smem:$0x3FA8] =	sst s4  }
0xd: {  	[smem:$0x3FA9] =	sst s5  }
0xe: {  	[smem:$0x3FAA] =	sst s6  }
0xf: {  	[smem:$0x3FAB] =	sst s7  }
0x10: {  	[smem:$0x3FAC] =	sst s8  }
0x11: {  	[smem:$0x3FAD] =	sst s9;
	s0 =	simm.s32 @!p0 $0x0  }
0x12: {  	s1 =	sld [smem:$0x3F93];
	s0 =	simm.s32 @p0 $0x1  }
0x13: {  	[smem:$0x3FAE] =	sst s0;
	s0 =	simm.s32 @!p1 $0x0  }
0x14: {  	s2 =	sld [smem:$0x3F92];
	s0 =	simm.s32 @p1 $0x1  }
0x15: {  	[smem:$0x3FAF] =	sst s0;
	s0 =	simm.s32 @!p2 $0x0  }
0x16: {  	s3 =	sld [smem:$0x3FDB];
	s0 =	simm.s32 @p2 $0x1  }
0x17: {  	s4 =	simm.s32 $0x1BF5;
	[smem:$0x3FB1] =	sst s0  }
0x18: {  	s0 =	sld [smem:$0x3F94];
	_ =	swait.ge [sflag:s4], $0x0  }
0x19: {  	s7 =	sld [smem:$0x3F95]  }
0x1a: {  	s8 =	sadd.s32 $0xFFFFE003, lr  }
0x1b: {  	s9 =	sadd.s32 $0xFFFFFEF7, lr;
	s5 =	simm.s32 $0xFFFFFFFF;
	p2 =	slt.u32 s8, $0xFFFFF086  }
0x1c: {  	p1 =	slt.u32 s9, $0xF7A;
	s5 =	simm.s32 @!p2 $0x0  }
0x1d: {  	s5 =	simm.s32 @p1 $0x1;
	p0 =	seq.s32 s7, s2  }
0x1e: {  	s7 =	smul.u32 @!p0 $0xF7A, s2;
	p2 =	seq.s32 @!p0 s5, $0x0  }
0x1f: {  	s9 =	smul.u32 $0xF7A, s1;
	s8 =	simm.s32 @!p0 $0x1BF5;
	p2 =	por !p2, p0  }
0x20: {  	[sflag:s8] =	ssyncset.s32 @!p0 $0xFFFFF086;
	s6 =	sadd.s32 @!p0 s3, s7;
	s7 =	simm.s32 @!p0 $0x108  }
0x21: {  	s3 =	sadd.s32 s3, s9;
	s6 =	sadd.s32 @!p0 $0x88, s6;
	s7 =	simm.s32 @p2 $0x1082  }
0x22: {  	[simem:s7], [sflag:s8] =	dma.local @!p0 [hbm:s6], $0xF7A  }
0x23: {  	s9 =	sor.u32 $0xD0000000, s2;
	s6 =	simm.s32 $0x108;
	_ =	swait.ge @!p0 [sflag:s8], $0x0  }
0x24: {  	s3 =	sadd.s32 $0x88, s3;
	s6 =	simm.s32 @!p1 $0x1082;
	[sflag:s4] =	ssyncset.s32 $0xFFFFF086  }
0x25: {  	[simem:s6], [sflag:s4] =	dma.local [hbm:s3], $0xF7A  }
0x26: {  	[smem:$0x3F95] =	sst s1;
	(tag) =	ssettag s2;
	_ =	strace s9  }
0x27: {  	s1 =	sld [smem:$0x3FA5]  }
0x28: {  	s2 =	sld [smem:$0x3FA6]  }
0x29: {  	s4 =	sld [smem:$0x3FA8]  }
0x2a: {  	p0 =	seq.s32 s5, $0x0;
	s5 =	sld [smem:$0x3FA9]  }
0x2b: {  	s6 =	sld [smem:$0x3FAA]  }
0x2c: {  	s7 =	sld [smem:$0x3FAB]  }
0x2d: {  	s3 =	simm.s32 $0x108;
	s8 =	sld [smem:$0x3FAC]  }
0x2e: {  	s3 =	simm.s32 @!p0 $0x1082;
	s9 =	sld [smem:$0x3FAD]  }
0x2f: {  	lr =	sadd.s32 s0, s3;
	s0 =	sld [smem:$0x3FA4]  }
0x30: {  	s3 =	sld [smem:$0x3FA7]  }
0x31: {  	[smem:$0x3FB0] =	sst s10  }
0x32: {  	s10 =	sld [smem:$0x3FAE];
	_ =	sdelay $0x3  }
0x33: {  	p0 =	seq.s32 s10, $0x1;
	s10 =	sld [smem:$0x3FB0];
	_ =	sdelay $0x3  }
0x34: {  	[smem:$0x3FB0] =	sst s10  }
0x35: {  	s10 =	sld [smem:$0x3FAF];
	_ =	sdelay $0x3  }
0x36: {  	p1 =	seq.s32 s10, $0x1;
	s10 =	sld [smem:$0x3FB0];
	_ =	sdelay $0x3  }
0x37: {  	[smem:$0x3FB0] =	sst s10  }
0x38: {  	s10 =	sld [smem:$0x3FB1]  }
0x39: {  	_ = 	snop;
	(pc) =	sbr.ind lr, $3  }
0x3a: {  	_ = 	snop  }
0x3b: {  	_ = 	snop  }
0x3c: {  	p2 =	seq.s32 s10, $0x1;
	s10 =	sld [smem:$0x3FB0]  }
0x3d: {  	_ =	shalt  }
0x3e: {  	_ =	shalt  }
0x3f: {  	_ =	shalt  }
0x40: {  	_ =	shalt  }
0x41: {  	_ =	shalt  }
0x42: {  	_ =	shalt  }
0x43: {  	_ =	shalt  }
0x44: {  	_ =	shalt  }
0x45: {  	_ =	shalt  }
0x46: {  	_ =	shalt  }
0x47: {  	_ =	shalt  }
0x48: {  	_ =	shalt  }
0x49: {  	_ =	shalt  }
0x4a: {  	_ =	shalt  }
0x4b: {  	_ =	shalt  }
0x4c: {  	_ =	shalt  }
0x4d: {  	_ =	shalt  }
0x4e: {  	_ =	shalt  }
0x4f: {  	_ =	shalt  }
0x50: {  	_ =	shalt  }
0x51: {  	_ =	shalt  }
0x52: {  	_ =	shalt  }
0x53: {  	_ =	shalt  }
0x54: {  	_ =	shalt  }
0x55: {  	_ =	shalt  }
0x56: {  	_ =	shalt  }
0x57: {  	_ =	shalt  }
0x58: {  	_ =	shalt  }
0x59: {  	_ =	shalt  }
0x5a: {  	_ =	shalt  }
0x5b: {  	_ =	shalt  }
0x5c: {  	_ =	shalt  }
0x5d: {  	_ =	shalt  }
0x5e: {  	_ =	shalt  }
0x5f: {  	_ =	shalt  }
0x60: {  	_ =	shalt  }
0x61: {  	_ =	shalt  }
0x62: {  	_ =	shalt  }
0x63: {  	_ =	shalt  }
0x64: {  	_ =	shalt  }
0x65: {  	_ =	shalt  }
0x66: {  	_ =	shalt  }
0x67: {  	_ =	shalt  }
0x68: {  	_ =	shalt  }
0x69: {  	_ =	shalt  }
0x6a: {  	_ =	shalt  }
0x6b: {  	_ =	shalt  }
0x6c: {  	_ =	shalt  }
0x6d: {  	_ =	shalt  }
0x6e: {  	_ =	shalt  }
0x6f: {  	_ =	shalt  }
0x70: {  	_ =	shalt  }
0x71: {  	_ =	shalt  }
0x72: {  	_ =	shalt  }
0x73: {  	_ =	shalt  }
0x74: {  	_ =	shalt  }
0x75: {  	_ =	shalt  }
0x76: {  	_ =	shalt  }
0x77: {  	_ =	shalt  }
0x78: {  	_ =	shalt  }
0x79: {  	_ =	shalt  }
0x7a: {  	_ =	shalt  }
0x7b: {  	_ =	shalt  }
0x7c: {  	_ =	shalt  }
0x7d: {  	_ =	shalt  }
0x7e: {  	_ =	shalt  }
0x7f: {  	_ =	shalt  }
0x80: {  	_ =	shalt  }
0x81: {  	_ =	shalt  }
0x82: {  	_ =	shalt  }
0x83: {  	_ =	shalt  }
0x84: {  	_ =	shalt  }
0x85: {  	_ =	shalt  }
0x86: {  	_ =	shalt  }
0x87: {  	_ =	shalt  }
.Lfunc_end0:
.L_simem_size_0:
called_computation.1_lowered:
.L_overlay_start_0:
0x88: {  	s2 =	sld [smem:$0x3FD9]  }
0x89: {  	s3 =	sld [smem:$0x3FFE];
	_ =	sdelay $0x1  }
0x8a: {  	s1 =	srdreg.scid  }
0x8b: {  	s0 =	sand.u32 $0x1, s1  }
0x8c: {  	s17 =	sshll.u32 s0, $0xA;
	s2 =	sadd.s32 s3, s2  }
0x8d: {  	s2 =	sadd.s32 s2, s17  }
0x8e: {  	[smem:$0x3FBC] =	sst s2  }
0x8f: {  	_ = 	snop  }
0x90: {  	s2 =	sld [smem:$0x3FD0];
	(tm) =	ssettm $0x1  }
0x91: {  	s18 =	sld [smem:$0x3FFB];
	_ =	sdelay $0x3  }
0x92: {  	_ =	strace s18  }
0x93: {  	s3 =	sld [smem:$0x3FFC];
	_ =	sdelay $0x3  }
0x94: {  	_ =	strace s3  }
0x95: {  	s3 =	sld [smem:$0x3FFD];
	_ =	sdelay $0x3  }
0x96: {  	_ =	strace s3  }
0x97: {  	_ =	strace $0x8FFFFFFF  }
0x98: {  	s19 =	sld [smem:$0x3FDB];
	_ =	sdelay $0x1  }
0x99: {  	s4 =	simm.s32 $_scs_section_size  }
0x9a: {  	s5 =	simm.s32 $_size__tile_overlayer_lowered;
	s6 =	simm.s32 $_tile_overlayer_lowered  }
0x9b: {  	s22 =	simm.s32 $0x1BFF;
	s21 =	sshll.u32 s6, $0x1;
	s3 =	sadd.s32 s4, s19  }
0x9c: {  	s7 =	simm.s32 $0x0;
	s20 =	sshll.u32 s5, $0x1;
	s5 =	sadd.s32 s21, s3  }
0x9d: {  	[timem:s7], [sflag:s22] =	dma.local [hbm:s5], s20  }
0x9e: {  	_ =	swait.ge [sflag:s22], s20  }
0x9f: {  	s4 =	ssub.s32 $0x0, s20;
	[sflag:s22] =	ssyncset.done $0x0  }
0xa0: {  	[sflag:s22] =	ssyncadd.s32 s4;
	_ =	sdelay $0x1  }
0xa1: {  	s23 =	simm.s32 $0x1B8B  }
0xa2: {  	_ =	swait.ge [sflag:s23], $0x1  }
0xa3: {  	[sflag:s23] =	ssyncset.done $0x0  }
0xa4: {  	s25 =	simm.s32 $0x1B8E;
	s24 =	sld [smem:$0x3FFE];
	[sflag:s23] =	ssyncadd.s32 $0xFFFFFFFF  }
0xa5: {  	s26 =	simm.s32 $execute0_lowered;
	[smem:$0x3FD2] =	sst s25  }
0xa6: {  	s5 =	sshll.u32 s26, $0x1;
	_ =	strace $0x80000049;
	[dreg:$0x1] =	wrdreg $0xFFFFFFFF  }
0xa7: {  	s28 =	simm.s32 $_size_execute0_lowered;
	s3 =	sadd.s32 s3, s5;
	[dreg:$0x0] =	wrdreg $0x0  }
0xa8: {  	s5 =	sshll.u32 s28, $0x1;
	[dreg:$0x2] =	wrdreg s3  }
0xa9: {  	[dreg:$0x3] =	wrdreg s5  }
0xaa: {  	[dreg:$0x4] =	wrdreg $0xC0  }
0xab: {  	_ =	task [dreg:s7], $0x5FFFF  }
0xac: {  	[dreg:$0x1] =	wrdreg $0xFFFFFFFF  }
0xad: {  	[dreg:$0x0] =	wrdreg $0x60  }
0xae: {  	[dreg:$0x2] =	wrdreg s2  }
0xaf: {  	[dreg:$0x3] =	wrdreg s24  }
0xb0: {  	[dreg:$0x4] =	wrdreg $0xC7800  }
0xb1: {  	[dreg:$0x5] =	wrdreg $0x9  }
0xb2: {  	_ =	task.clear_ibuf [dreg:s7], $0x6FFFF;
	_ =	strace $0x90000049  }
0xb3: {  	s29 =	simm.s32 $0x9;
	_ =	strace $0x8000004B  }
0xb4: {  	_ =	swait.ge [sflag:s29], $0x1  }
0xb5: {  	[sflag:s29] =	ssyncadd.s32 $0xFFFFFFFF  }
0xb6: {  	_ =	strace $0x9000004B  }
0xb7: {  	_ =	sfence  }
0xb8: {  	s30 =	sld [smem:$0x0];
	_ =	sdelay $0x2  }
0xb9: {  	s31 =	sshll.u32 s1, $0xD;
	s1 =	sshrl.u32 s1, $0x2  }
0xba: {  	s3 =	sand.u32 $0x4000, s31;
	s1 =	sadd.s32 s1, s30  }
0xbb: {  	s0 =	sor.u32 s3, s0;
	s1 =	sshll.u32 s1, $0x11  }
0xbc: {  	s0 =	sor.u32 s1, s0  }
0xbd: {  	s0 =	sadd.s32 $0x8F2B, s0  }
0xbe: {  	[sflag:s0] =	ssyncadd.remote.s32 $0x1  }
0xbf: {  	_ =	sfence.sel $0xFFFF  }
0xc0: {  	[dreg:$0x0] =	wrdreg $0xFFFFFFFF;
	(pc) =	sbr.abs _section_cstart, $3  }
0xc1: {  	[dreg:$0x1] =	wrdreg $0xFFFFFFFF  }
0xc2: {  	_ =	task.clear_ibuf [dreg:s7], $0x2FFFF;
	_ =	strace $0x9FFFFFFF  }
0xc3: {  	(tm) =	ssettm $0x7FFFFFFF  }
tec
execute0_lowered:
.L_overlay_start_1:
0x0: {  	(tag) =	ssettag $0x1  }
0x1: {  	s1 =	rddreg [dreg:$0x0]  }
0x2: {  	s0 =	rddreg [dreg:$0x1]  }
0x3: {  	s2 =	rddreg [dreg:$0x2];
	s3 =	srdreg.scid;
	s12 =	simm.s32 $0x0  }
0x4: {  	s5 =	stileid.u32;
	s21 =	simm.s32 $0xA000;
	s13 =	simm.s32 $0x80  }
0x5: {  	s25 =	simm.s32 $0x6;
	s28 =	simm.s32 $0x7;
	s30 =	simm.s32 $0x8  }
0x6: {  	s11 =	simm.s32 $0xD;
	s24 =	simm.s32 $0xE;
	s14 =	simm.s32 $0x13  }
0x7: {  	s15 =	simm.s32 $0x14;
	s3 =	sand.u32 $0x1, s3;
	[smem:$0x7FF] =	sst s12  }
0x8: {  	s4 =	sshll.u32 s3, $0x4;
	_ =	strace $0x8000004A;
	s7 =	smul.u32 $0x4F00, s3  }
0x9: {  	s3 =	ssub.s32 $0x2, s3;
	s4 =	sor.u32 s5, s4;
	s5 =	smul.u32 $0x2780, s5  }
0xa: {  	s10 =	sshrl.u32 s3, $0x1;
	s4 =	smul.u32 $0x500, s4;
	s7 =	sadd.s32 s7, s0  }
0xb: {  	s3 =	ssub.s32 s3, s10;
	s10 =	simm.s32 $0x12;
	s6 =	sshrl.u32 s5, $0x3  }
0xc: {  	s16 =	sadd.s32 s5, s2;
	s29 =	sadd.s32 $0x1B600, s7;
	s3 =	smax.u32 s3, $0x1  }
0xd: {  	s5 =	simm.s32 $0xA;
	s7 =	simm.s32 $0xB;
	s8 =	sadd.s32 s4, s0  }
0xe: {  	s9 =	sadd.s32 s6, s0;
	s0 =	sadd.s32 $0xC600, s0;
	[dreg:$0x7] =	wrdreg s3  }
0xf: {  	s31 =	sadd.s32 s6, s29;
	s6 =	simm.s32 $0xF;
	[dreg:$0x5] =	wrdreg s16  }
0x10: {  	s3 =	simm.s32 $0x0;
	s9 =	sadd.s32 $0x16600, s9;
	[dreg:$0x9] =	wrdreg s31  }
0x11: {  	s26 =	sadd.s32 $0x2600, s8;
	s0 =	sadd.s32 s4, s0;
	[dreg:$0x4] =	wrdreg s9  }
0x12: {  	s8 =	simm.s32 $0xC;
	s4 =	simm.s32 $0x11;
	[dreg:$0x6] =	wrdreg s26  }
0x13: {  	[dreg:$0x8] =	wrdreg s0;
	s0 =	simm.s32 $0x9;
	s9 =	simm.s32 $0x10  }
.LBB2_1:
0x14: {  	[dreg:$0xa] =	wrdreg s3  }
0x15: {  	s17 =	simm.s32 $0x15;
	s19 =	rddreg [dreg:$0x4]  }
0x16: {  	[tilespmem:s21], [sflag:$0x15] =	stream.linear.gather [hbm4b:s19+s12], $0x2780, $0x38;
	[tilespmem:$0xEF00] =	vst v63  }
0x17: {  	_ =	swait.ge [sflag:s17], $0x2780  }
0x18: {  	[sflag:s17] =	ssyncset.done $0x0  }
0x19: {  	[sflag:s17] =	ssyncadd.s32 $0xFFFFD880  }
0x1a: {  	[spmem:s16] =	stream.linear.scatter [tilespmem:s21], [sflag:$0x15], $0x2780, $0x38;
	[tilespmem:$0xEF00] =	vst v63  }
0x1b: {  	_ =	swait.ge [sflag:s17], $0x2780  }
0x1c: {  	[sflag:s17] =	ssyncset.done $0x0  }
0x1d: {  	s3 =	rddreg [dreg:$0x6];
	[sflag:s17] =	ssyncadd.s32 $0xFFFFD880  }
0x1e: {  	[tilespmem:s12], [sflag:$0x15] =	stream.linear.gather [hbm4b:s3+s12], $0x2800, $0x38;
	[tilespmem:$0xEF00] =	vst v63  }
0x1f: {  	_ =	swait.ge [sflag:s17], $0x2800  }
0x20: {  	[sflag:s17] =	ssyncset.done $0x0  }
0x21: {  	s18 =	simm.s32 $0x2800;
	s16 =	rddreg [dreg:$0x8];
	[sflag:s17] =	ssyncadd.s32 $0xFFFFD800  }
0x22: {  	[tilespmem:s18], [sflag:$0x15] =	stream.linear.gather [hbm4b:s16+s12], $0x2800, $0x38;
	[tilespmem:$0xEF00] =	vst v63  }
0x23: {  	_ =	swait.ge [sflag:s17], $0x2800  }
0x24: {  	[sflag:s17] =	ssyncset.done $0x0  }
0x25: {  	[sflag:s17] =	ssyncadd.s32 $0xFFFFD800  }
0x26: {  	s19 =	simm.s32 $0x5000;
	[bflag:$0x0] =	sbarrier.arrive $0xFFFF  }
0x27: {  	[tilespmem:s19], [sflag:$0x1] =	stream.indirect.gather [hbm4b:s1+s13], $0x10, s12, s13, $0xb8;
	[tilespmem:$0xEF00] =	vst v63  }
0x28: {  	s21 =	simm.s32 $0x5800  }
0x29: {  	[tilespmem:s21], [sflag:$0x2] =	stream.indirect.gather [hbm4b:s1+s13], $0x10, s13, s13, $0xb8;
	[tilespmem:$0xEF00] =	vst v63  }
0x2a: {  	s20 =	simm.s32 $0x100;
	s23 =	simm.s32 $0x6000  }
0x2b: {  	[tilespmem:s23], [sflag:$0x3] =	stream.indirect.gather [hbm4b:s1+s13], $0x10, s20, s13, $0xb8;
	[tilespmem:$0xEF00] =	vst v63  }
0x2c: {  	s22 =	simm.s32 $0x180;
	s3 =	simm.s32 $0x6800  }
0x2d: {  	[tilespmem:s3], [sflag:$0x4] =	stream.indirect.gather [hbm4b:s1+s13], $0x10, s22, s13, $0xb8;
	[tilespmem:$0xEF00] =	vst v63  }
0x2e: {  	s26 =	simm.s32 $0x200;
	s12 =	simm.s32 $0x7000  }
0x2f: {  	[tilespmem:s12], [sflag:$0x5] =	stream.indirect.gather [hbm4b:s1+s13], $0x10, s26, s13, $0xb8;
	[tilespmem:$0xEF00] =	vst v63  }
0x30: {  	s29 =	simm.s32 $0x280;
	s16 =	simm.s32 $0x7800  }
0x31: {  	[tilespmem:s16], [sflag:$0x6] =	stream.indirect.gather [hbm4b:s1+s13], $0x10, s29, s13, $0xb8;
	[tilespmem:$0xEF00] =	vst v63  }
0x32: {  	s31 =	simm.s32 $0x300;
	s18 =	simm.s32 $0x8000  }
0x33: {  	[tilespmem:s18], [sflag:$0x7] =	stream.indirect.gather [hbm4b:s1+s13], $0x10, s31, s13, $0xb8;
	[tilespmem:$0xEF00] =	vst v63  }
0x34: {  	s20 =	simm.s32 $0x380;
	s26 =	simm.s32 $0x8800  }
0x35: {  	[tilespmem:s26], [sflag:$0x8] =	stream.indirect.gather [hbm4b:s1+s13], $0x10, s20, s13, $0xb8;
	[tilespmem:$0xEF00] =	vst v63  }
0x36: {  	s22 =	simm.s32 $0x400;
	s20 =	simm.s32 $0x9000  }
0x37: {  	[tilespmem:s20], [sflag:$0x9] =	stream.indirect.gather [hbm4b:s1+s13], $0x10, s22, s13, $0xb8;
	[tilespmem:$0xEF00] =	vst v63  }
0x38: {  	s29 =	simm.s32 $0x480;
	s31 =	simm.s32 $0x1;
	s22 =	simm.s32 $0x9800  }
0x39: {  	[tilespmem:s22], [sflag:$0xA] =	stream.indirect.gather [hbm4b:s1+s13], $0x10, s29, s13, $0xb8;
	[tilespmem:$0xEF00] =	vst v63  }
0x3a: {  	_ =	swait.ge [sflag:s31], $0x800  }
0x3b: {  	[sflag:s31] =	ssyncset.done $0x0  }
0x3c: {  	s29 =	simm.s32 $0x2800;
	[sflag:s31] =	ssyncadd.s32 $0xFFFFF800;
	s31 =	simm.s32 $0x2  }
0x3d: {  	[spmem:s2] =	stream.indirect.scatter.add.f32 [tilespmem:s19], [sflag:$0xB], $0x10, s29, s13, $0xb8;
	[tilespmem:$0xEF00] =	vst v63  }
0x3e: {  	_ =	swait.ge [sflag:s31], $0x800  }
0x3f: {  	[sflag:s31] =	ssyncset.done $0x0  }
0x40: {  	s29 =	simm.s32 $0x2880;
	[sflag:s31] =	ssyncadd.s32 $0xFFFFF800;
	s31 =	simm.s32 $0x3  }
0x41: {  	[spmem:s2] =	stream.indirect.scatter.add.f32 [tilespmem:s21], [sflag:$0xC], $0x10, s29, s13, $0xb8;
	[tilespmem:$0xEF00] =	vst v63  }
0x42: {  	_ =	swait.ge [sflag:s31], $0x800  }
0x43: {  	[sflag:s31] =	ssyncset.done $0x0  }
0x44: {  	s29 =	simm.s32 $0x2900;
	[sflag:s31] =	ssyncadd.s32 $0xFFFFF800;
	s31 =	simm.s32 $0x4  }
0x45: {  	[spmem:s2] =	stream.indirect.scatter.add.f32 [tilespmem:s23], [sflag:$0xD], $0x10, s29, s13, $0xb8;
	[tilespmem:$0xEF00] =	vst v63  }
0x46: {  	_ =	swait.ge [sflag:s31], $0x800  }
0x47: {  	[sflag:s31] =	ssyncset.done $0x0  }
0x48: {  	s29 =	simm.s32 $0x2980;
	[sflag:s31] =	ssyncadd.s32 $0xFFFFF800;
	s31 =	simm.s32 $0x5  }
0x49: {  	[spmem:s2] =	stream.indirect.scatter.add.f32 [tilespmem:s3], [sflag:$0xE], $0x10, s29, s13, $0xb8;
	[tilespmem:$0xEF00] =	vst v63  }
0x4a: {  	_ =	swait.ge [sflag:s31], $0x800  }
0x4b: {  	[sflag:s31] =	ssyncset.done $0x0  }
0x4c: {  	s29 =	simm.s32 $0x2A00;
	[sflag:s31] =	ssyncadd.s32 $0xFFFFF800  }
0x4d: {  	[spmem:s2] =	stream.indirect.scatter.add.f32 [tilespmem:s12], [sflag:$0xF], $0x10, s29, s13, $0xb8;
	[tilespmem:$0xEF00] =	vst v63  }
0x4e: {  	_ =	swait.ge [sflag:s25], $0x800  }
0x4f: {  	[sflag:s25] =	ssyncset.done $0x0  }
0x50: {  	s31 =	simm.s32 $0x2A80;
	[sflag:s25] =	ssyncadd.s32 $0xFFFFF800  }
0x51: {  	[spmem:s2] =	stream.indirect.scatter.add.f32 [tilespmem:s16], [sflag:$0x10], $0x10, s31, s13, $0xb8;
	[tilespmem:$0xEF00] =	vst v63  }
0x52: {  	_ =	swait.ge [sflag:s28], $0x800  }
0x53: {  	[sflag:s28] =	ssyncset.done $0x0  }
0x54: {  	s29 =	simm.s32 $0x2B00;
	[sflag:s28] =	ssyncadd.s32 $0xFFFFF800  }
0x55: {  	[spmem:s2] =	stream.indirect.scatter.add.f32 [tilespmem:s18], [sflag:$0x11], $0x10, s29, s13, $0xb8;
	[tilespmem:$0xEF00] =	vst v63  }
0x56: {  	_ =	swait.ge [sflag:s30], $0x800  }
0x57: {  	[sflag:s30] =	ssyncset.done $0x0  }
0x58: {  	s31 =	simm.s32 $0x2B80;
	[sflag:s30] =	ssyncadd.s32 $0xFFFFF800  }
0x59: {  	[spmem:s2] =	stream.indirect.scatter.add.f32 [tilespmem:s26], [sflag:$0x12], $0x10, s31, s13, $0xb8;
	[tilespmem:$0xEF00] =	vst v63  }
0x5a: {  	_ =	swait.ge [sflag:s0], $0x800  }
0x5b: {  	[sflag:s0] =	ssyncset.done $0x0  }
0x5c: {  	s29 =	simm.s32 $0x2C00;
	[sflag:s0] =	ssyncadd.s32 $0xFFFFF800  }
0x5d: {  	[spmem:s2] =	stream.indirect.scatter.add.f32 [tilespmem:s20], [sflag:$0x13], $0x10, s29, s13, $0xb8;
	[tilespmem:$0xEF00] =	vst v63  }
0x5e: {  	_ =	swait.ge [sflag:s5], $0x800  }
0x5f: {  	[sflag:s5] =	ssyncset.done $0x0  }
0x60: {  	s31 =	simm.s32 $0x2C80;
	[sflag:s5] =	ssyncadd.s32 $0xFFFFF800  }
0x61: {  	[spmem:s2] =	stream.indirect.scatter.add.f32 [tilespmem:s22], [sflag:$0x14], $0x10, s31, s13, $0xb8;
	[tilespmem:$0xEF00] =	vst v63  }
0x62: {  	_ =	swait.ge [sflag:s7], $0x800  }
0x63: {  	[sflag:s7] =	ssyncset.done $0x0  }
0x64: {  	s22 =	simm.s32 $0x500;
	[sflag:s7] =	ssyncadd.s32 $0xFFFFF800  }
0x65: {  	[tilespmem:s19], [sflag:$0x1] =	stream.indirect.gather [hbm4b:s1+s13], $0x10, s22, s13, $0xb8;
	[tilespmem:$0xEF00] =	vst v63  }
0x66: {  	_ =	swait.ge [sflag:s8], $0x800  }
0x67: {  	[sflag:s8] =	ssyncset.done $0x0  }
0x68: {  	s29 =	simm.s32 $0x580;
	[sflag:s8] =	ssyncadd.s32 $0xFFFFF800  }
0x69: {  	[tilespmem:s21], [sflag:$0x2] =	stream.indirect.gather [hbm4b:s1+s13], $0x10, s29, s13, $0xb8;
	[tilespmem:$0xEF00] =	vst v63  }
0x6a: {  	_ =	swait.ge [sflag:s11], $0x800  }
0x6b: {  	[sflag:s11] =	ssyncset.done $0x0  }
0x6c: {  	s31 =	simm.s32 $0x600;
	[sflag:s11] =	ssyncadd.s32 $0xFFFFF800  }
0x6d: {  	[tilespmem:s23], [sflag:$0x3] =	stream.indirect.gather [hbm4b:s1+s13], $0x10, s31, s13, $0xb8;
	[tilespmem:$0xEF00] =	vst v63  }
0x6e: {  	_ =	swait.ge [sflag:s24], $0x800  }
0x6f: {  	[sflag:s24] =	ssyncset.done $0x0  }
0x70: {  	s19 =	simm.s32 $0x680;
	[sflag:s24] =	ssyncadd.s32 $0xFFFFF800  }
0x71: {  	[tilespmem:s3], [sflag:$0x4] =	stream.indirect.gather [hbm4b:s1+s13], $0x10, s19, s13, $0xb8;
	[tilespmem:$0xEF00] =	vst v63  }
0x72: {  	_ =	swait.ge [sflag:s6], $0x800  }
0x73: {  	[sflag:s6] =	ssyncset.done $0x0  }
0x74: {  	s21 =	simm.s32 $0x700;
	[sflag:s6] =	ssyncadd.s32 $0xFFFFF800  }
0x75: {  	[tilespmem:s12], [sflag:$0x5] =	stream.indirect.gather [hbm4b:s1+s13], $0x10, s21, s13, $0xb8;
	[tilespmem:$0xEF00] =	vst v63  }
0x76: {  	_ =	swait.ge [sflag:s9], $0x800  }
0x77: {  	[sflag:s9] =	ssyncset.done $0x0  }
0x78: {  	s22 =	simm.s32 $0x780;
	[sflag:s9] =	ssyncadd.s32 $0xFFFFF800  }
0x79: {  	[tilespmem:s16], [sflag:$0x6] =	stream.indirect.gather [hbm4b:s1+s13], $0x10, s22, s13, $0xb8;
	[tilespmem:$0xEF00] =	vst v63  }
0x7a: {  	_ =	swait.ge [sflag:s4], $0x800  }
0x7b: {  	[sflag:s4] =	ssyncset.done $0x0  }
0x7c: {  	s23 =	simm.s32 $0x800;
	[sflag:s4] =	ssyncadd.s32 $0xFFFFF800  }
0x7d: {  	[tilespmem:s18], [sflag:$0x7] =	stream.indirect.gather [hbm4b:s1+s13], $0x10, s23, s13, $0xb8;
	[tilespmem:$0xEF00] =	vst v63  }
0x7e: {  	_ =	swait.ge [sflag:s10], $0x800  }
0x7f: {  	[sflag:s10] =	ssyncset.done $0x0  }
0x80: {  	s29 =	simm.s32 $0x880;
	[sflag:s10] =	ssyncadd.s32 $0xFFFFF800  }
0x81: {  	[tilespmem:s26], [sflag:$0x8] =	stream.indirect.gather [hbm4b:s1+s13], $0x10, s29, s13, $0xb8;
	[tilespmem:$0xEF00] =	vst v63  }
0x82: {  	_ =	swait.ge [sflag:s14], $0x800  }
0x83: {  	[sflag:s14] =	ssyncset.done $0x0  }
0x84: {  	s31 =	simm.s32 $0x900;
	[sflag:s14] =	ssyncadd.s32 $0xFFFFF800  }
0x85: {  	[tilespmem:s20], [sflag:$0x9] =	stream.indirect.gather [hbm4b:s1+s13], $0x10, s31, s13, $0xb8;
	[tilespmem:$0xEF00] =	vst v63  }
0x86: {  	_ =	swait.ge [sflag:s15], $0x800  }
0x87: {  	[sflag:s15] =	ssyncset.done $0x0  }
0x88: {  	s17 =	simm.s32 $0x1400;
	s19 =	simm.s32 $0x980;
	[sflag:s15] =	ssyncadd.s32 $0xFFFFF800  }
.LBB2_2:
0x89: {  	s26 =	simm.s32 $0x9800  }
0x8a: {  	[tilespmem:s26], [sflag:$0xA] =	stream.indirect.gather [hbm4b:s1+s13], $0x10, s19, s13, $0xb8;
	[tilespmem:$0xEF00] =	vst v63  }
0x8b: {  	s3 =	simm.s32 $0x1;
	s19 =	smov.u32 s17  }
0x8c: {  	p0 =	sne.s32 s17, $0x7800;
	s17 =	sadd.s32 $0x1400, s17;
	_ =	swait.ge [sflag:s3], $0x800  }
0x8d: {  	s23 =	simm.s32 $0x5000;
	s19 =	sshra.s32 s19, $0x2;
	[sflag:s3] =	ssyncset.done $0x0  }
0x8e: {  	s21 =	sadd.s32 $0x2800, s19;
	[sflag:s3] =	ssyncadd.s32 $0xFFFFF800;
	s3 =	simm.s32 $0x2  }
0x8f: {  	[spmem:s2] =	stream.indirect.scatter.add.f32 [tilespmem:s23], [sflag:$0xB], $0x10, s21, s13, $0xb8;
	[tilespmem:$0xEF00] =	vst v63  }
0x90: {  	_ =	swait.ge [sflag:s3], $0x800  }
0x91: {  	s29 =	simm.s32 $0x5800;
	[sflag:s3] =	ssyncset.done $0x0  }
0x92: {  	s21 =	sadd.s32 $0x2880, s19;
	[sflag:s3] =	ssyncadd.s32 $0xFFFFF800;
	s3 =	simm.s32 $0x3  }
0x93: {  	[spmem:s2] =	stream.indirect.scatter.add.f32 [tilespmem:s29], [sflag:$0xC], $0x10, s21, s13, $0xb8;
	[tilespmem:$0xEF00] =	vst v63  }
0x94: {  	_ =	swait.ge [sflag:s3], $0x800  }
0x95: {  	s31 =	simm.s32 $0x6000;
	[sflag:s3] =	ssyncset.done $0x0  }
0x96: {  	s21 =	sadd.s32 $0x2900, s19;
	[sflag:s3] =	ssyncadd.s32 $0xFFFFF800;
	s3 =	simm.s32 $0x4  }
0x97: {  	[spmem:s2] =	stream.indirect.scatter.add.f32 [tilespmem:s31], [sflag:$0xD], $0x10, s21, s13, $0xb8;
	[tilespmem:$0xEF00] =	vst v63  }
0x98: {  	_ =	swait.ge [sflag:s3], $0x800  }
0x99: {  	s12 =	simm.s32 $0x5;
	[sflag:s3] =	ssyncset.done $0x0  }
0x9a: {  	s21 =	sadd.s32 $0x2980, s19;
	[sflag:s3] =	ssyncadd.s32 $0xFFFFF800;
	s3 =	simm.s32 $0x6800  }
0x9b: {  	[spmem:s2] =	stream.indirect.scatter.add.f32 [tilespmem:s3], [sflag:$0xE], $0x10, s21, s13, $0xb8;
	[tilespmem:$0xEF00] =	vst v63  }
0x9c: {  	_ =	swait.ge [sflag:s12], $0x800  }
0x9d: {  	[sflag:s12] =	ssyncset.done $0x0  }
0x9e: {  	s21 =	sadd.s32 $0x2A00, s19;
	[sflag:s12] =	ssyncadd.s32 $0xFFFFF800;
	s12 =	simm.s32 $0x7000  }
0x9f: {  	[spmem:s2] =	stream.indirect.scatter.add.f32 [tilespmem:s12], [sflag:$0xF], $0x10, s21, s13, $0xb8;
	[tilespmem:$0xEF00] =	vst v63  }
0xa0: {  	_ =	swait.ge [sflag:s25], $0x800  }
0xa1: {  	[sflag:s25] =	ssyncset.done $0x0  }
0xa2: {  	s16 =	simm.s32 $0x7800;
	s21 =	sadd.s32 $0x2A80, s19;
	[sflag:s25] =	ssyncadd.s32 $0xFFFFF800  }
0xa3: {  	[spmem:s2] =	stream.indirect.scatter.add.f32 [tilespmem:s16], [sflag:$0x10], $0x10, s21, s13, $0xb8;
	[tilespmem:$0xEF00] =	vst v63  }
0xa4: {  	_ =	swait.ge [sflag:s28], $0x800  }
0xa5: {  	[sflag:s28] =	ssyncset.done $0x0  }
0xa6: {  	s18 =	simm.s32 $0x8000;
	s21 =	sadd.s32 $0x2B00, s19;
	[sflag:s28] =	ssyncadd.s32 $0xFFFFF800  }
0xa7: {  	[spmem:s2] =	stream.indirect.scatter.add.f32 [tilespmem:s18], [sflag:$0x11], $0x10, s21, s13, $0xb8;
	[tilespmem:$0xEF00] =	vst v63  }
0xa8: {  	_ =	swait.ge [sflag:s30], $0x800  }
0xa9: {  	[sflag:s30] =	ssyncset.done $0x0  }
0xaa: {  	s20 =	simm.s32 $0x8800;
	s21 =	sadd.s32 $0x2B80, s19;
	[sflag:s30] =	ssyncadd.s32 $0xFFFFF800  }
0xab: {  	[spmem:s2] =	stream.indirect.scatter.add.f32 [tilespmem:s20], [sflag:$0x12], $0x10, s21, s13, $0xb8;
	[tilespmem:$0xEF00] =	vst v63  }
0xac: {  	_ =	swait.ge [sflag:s0], $0x800  }
0xad: {  	[sflag:s0] =	ssyncset.done $0x0  }
0xae: {  	s22 =	simm.s32 $0x9000;
	s21 =	sadd.s32 $0x2C00, s19;
	[sflag:s0] =	ssyncadd.s32 $0xFFFFF800  }
0xaf: {  	[spmem:s2] =	stream.indirect.scatter.add.f32 [tilespmem:s22], [sflag:$0x13], $0x10, s21, s13, $0xb8;
	[tilespmem:$0xEF00] =	vst v63  }
0xb0: {  	_ =	swait.ge [sflag:s5], $0x800  }
0xb1: {  	[sflag:s5] =	ssyncset.done $0x0  }
0xb2: {  	s21 =	sadd.s32 $0x2C80, s19;
	[sflag:s5] =	ssyncadd.s32 $0xFFFFF800  }
0xb3: {  	[spmem:s2] =	stream.indirect.scatter.add.f32 [tilespmem:s26], [sflag:$0x14], $0x10, s21, s13, $0xb8;
	[tilespmem:$0xEF00] =	vst v63  }
0xb4: {  	_ =	swait.ge [sflag:s7], $0x800  }
0xb5: {  	[sflag:s7] =	ssyncset.done $0x0  }
0xb6: {  	s21 =	sadd.s32 $0x500, s19;
	s26 =	simm.s32 $0x5000;
	[sflag:s7] =	ssyncadd.s32 $0xFFFFF800  }
0xb7: {  	[tilespmem:s23], [sflag:$0x1] =	stream.indirect.gather [hbm4b:s1+s13], $0x10, s21, s13, $0xb8;
	[tilespmem:$0xEF00] =	vst v63  }
0xb8: {  	_ =	swait.ge [sflag:s8], $0x800  }
0xb9: {  	[sflag:s8] =	ssyncset.done $0x0  }
0xba: {  	s21 =	sadd.s32 $0x580, s19;
	s23 =	simm.s32 $0x5800;
	[sflag:s8] =	ssyncadd.s32 $0xFFFFF800  }
0xbb: {  	[tilespmem:s29], [sflag:$0x2] =	stream.indirect.gather [hbm4b:s1+s13], $0x10, s21, s13, $0xb8;
	[tilespmem:$0xEF00] =	vst v63  }
0xbc: {  	_ =	swait.ge [sflag:s11], $0x800  }
0xbd: {  	[sflag:s11] =	ssyncset.done $0x0  }
0xbe: {  	s21 =	sadd.s32 $0x600, s19;
	s29 =	simm.s32 $0x6000;
	[sflag:s11] =	ssyncadd.s32 $0xFFFFF800  }
0xbf: {  	[tilespmem:s31], [sflag:$0x3] =	stream.indirect.gather [hbm4b:s1+s13], $0x10, s21, s13, $0xb8;
	[tilespmem:$0xEF00] =	vst v63  }
0xc0: {  	_ =	swait.ge [sflag:s24], $0x800  }
0xc1: {  	[sflag:s24] =	ssyncset.done $0x0  }
0xc2: {  	s21 =	sadd.s32 $0x680, s19;
	s31 =	simm.s32 $0x6800;
	[sflag:s24] =	ssyncadd.s32 $0xFFFFF800  }
0xc3: {  	[tilespmem:s3], [sflag:$0x4] =	stream.indirect.gather [hbm4b:s1+s13], $0x10, s21, s13, $0xb8;
	[tilespmem:$0xEF00] =	vst v63  }
0xc4: {  	_ =	swait.ge [sflag:s6], $0x800  }
0xc5: {  	[sflag:s6] =	ssyncset.done $0x0  }
0xc6: {  	s21 =	sadd.s32 $0x700, s19;
	s3 =	simm.s32 $0x7000;
	[sflag:s6] =	ssyncadd.s32 $0xFFFFF800  }
0xc7: {  	[tilespmem:s12], [sflag:$0x5] =	stream.indirect.gather [hbm4b:s1+s13], $0x10, s21, s13, $0xb8;
	[tilespmem:$0xEF00] =	vst v63  }
0xc8: {  	_ =	swait.ge [sflag:s9], $0x800  }
0xc9: {  	[sflag:s9] =	ssyncset.done $0x0  }
0xca: {  	s21 =	sadd.s32 $0x780, s19;
	s12 =	simm.s32 $0x7800;
	[sflag:s9] =	ssyncadd.s32 $0xFFFFF800  }
0xcb: {  	[tilespmem:s16], [sflag:$0x6] =	stream.indirect.gather [hbm4b:s1+s13], $0x10, s21, s13, $0xb8;
	[tilespmem:$0xEF00] =	vst v63  }
0xcc: {  	_ =	swait.ge [sflag:s4], $0x800  }
0xcd: {  	[sflag:s4] =	ssyncset.done $0x0  }
0xce: {  	s21 =	sadd.s32 $0x800, s19;
	s16 =	simm.s32 $0x8000;
	[sflag:s4] =	ssyncadd.s32 $0xFFFFF800  }
0xcf: {  	[tilespmem:s18], [sflag:$0x7] =	stream.indirect.gather [hbm4b:s1+s13], $0x10, s21, s13, $0xb8;
	[tilespmem:$0xEF00] =	vst v63  }
0xd0: {  	_ =	swait.ge [sflag:s10], $0x800  }
0xd1: {  	[sflag:s10] =	ssyncset.done $0x0  }
0xd2: {  	s21 =	sadd.s32 $0x880, s19;
	s18 =	simm.s32 $0x8800;
	[sflag:s10] =	ssyncadd.s32 $0xFFFFF800  }
0xd3: {  	[tilespmem:s20], [sflag:$0x8] =	stream.indirect.gather [hbm4b:s1+s13], $0x10, s21, s13, $0xb8;
	[tilespmem:$0xEF00] =	vst v63  }
0xd4: {  	_ =	swait.ge [sflag:s14], $0x800  }
0xd5: {  	s21 =	sadd.s32 $0x900, s19;
	[sflag:s14] =	ssyncset.done $0x0  }
.Ltmp0:
0xd6: {  	s20 =	simm.s32 $0x9000;
	[sflag:s14] =	ssyncadd.s32 $0xFFFFF800;
	(pc) =	sbr.rel @p0 .LBB2_2-.Ltmp0, $4  }
0xd7: {  	[tilespmem:s22], [sflag:$0x9] =	stream.indirect.gather [hbm4b:s1+s13], $0x10, s21, s13, $0xb8;
	[tilespmem:$0xEF00] =	vst v63  }
0xd8: {  	_ =	swait.ge [sflag:s15], $0x800  }
0xd9: {  	[sflag:s15] =	ssyncset.done $0x0  }
0xda: {  	s19 =	sadd.s32 $0x980, s19;
	[sflag:s15] =	ssyncadd.s32 $0xFFFFF800  }
0xdb: {  	s17 =	simm.s32 $0x9800;
	s21 =	simm.s32 $0x1  }
0xdc: {  	[tilespmem:s17], [sflag:$0xA] =	stream.indirect.gather [hbm4b:s1+s13], $0x10, s19, s13, $0xb8;
	[tilespmem:$0xEF00] =	vst v63  }
0xdd: {  	_ =	swait.ge [sflag:s21], $0x800  }
0xde: {  	[sflag:s21] =	ssyncset.done $0x0  }
0xdf: {  	s22 =	simm.s32 $0x4B00;
	[sflag:s21] =	ssyncadd.s32 $0xFFFFF800;
	s21 =	simm.s32 $0x2  }
0xe0: {  	[spmem:s2] =	stream.indirect.scatter.add.f32 [tilespmem:s26], [sflag:$0xB], $0x10, s22, s13, $0xb8;
	[tilespmem:$0xEF00] =	vst v63  }
0xe1: {  	_ =	swait.ge [sflag:s21], $0x800  }
0xe2: {  	[sflag:s21] =	ssyncset.done $0x0  }
0xe3: {  	s22 =	simm.s32 $0x4B80;
	s26 =	simm.s32 $0x3;
	[sflag:s21] =	ssyncadd.s32 $0xFFFFF800  }
0xe4: {  	[spmem:s2] =	stream.indirect.scatter.add.f32 [tilespmem:s23], [sflag:$0xC], $0x10, s22, s13, $0xb8;
	[tilespmem:$0xEF00] =	vst v63  }
0xe5: {  	_ =	swait.ge [sflag:s26], $0x800  }
0xe6: {  	[sflag:s26] =	ssyncset.done $0x0  }
0xe7: {  	s21 =	simm.s32 $0x4C00;
	s22 =	simm.s32 $0x4;
	[sflag:s26] =	ssyncadd.s32 $0xFFFFF800  }
0xe8: {  	[spmem:s2] =	stream.indirect.scatter.add.f32 [tilespmem:s29], [sflag:$0xD], $0x10, s21, s13, $0xb8;
	[tilespmem:$0xEF00] =	vst v63  }
0xe9: {  	_ =	swait.ge [sflag:s22], $0x800  }
0xea: {  	[sflag:s22] =	ssyncset.done $0x0  }
0xeb: {  	s23 =	simm.s32 $0x4C80;
	s26 =	simm.s32 $0x5;
	[sflag:s22] =	ssyncadd.s32 $0xFFFFF800  }
0xec: {  	[spmem:s2] =	stream.indirect.scatter.add.f32 [tilespmem:s31], [sflag:$0xE], $0x10, s23, s13, $0xb8;
	[tilespmem:$0xEF00] =	vst v63  }
0xed: {  	_ =	swait.ge [sflag:s26], $0x800  }
0xee: {  	[sflag:s26] =	ssyncset.done $0x0  }
0xef: {  	s29 =	simm.s32 $0x4D00;
	[sflag:s26] =	ssyncadd.s32 $0xFFFFF800  }
0xf0: {  	[spmem:s2] =	stream.indirect.scatter.add.f32 [tilespmem:s3], [sflag:$0xF], $0x10, s29, s13, $0xb8;
	[tilespmem:$0xEF00] =	vst v63  }
0xf1: {  	_ =	swait.ge [sflag:s25], $0x800  }
0xf2: {  	[sflag:s25] =	ssyncset.done $0x0  }
0xf3: {  	s31 =	simm.s32 $0x4D80;
	[sflag:s25] =	ssyncadd.s32 $0xFFFFF800  }
0xf4: {  	[spmem:s2] =	stream.indirect.scatter.add.f32 [tilespmem:s12], [sflag:$0x10], $0x10, s31, s13, $0xb8;
	[tilespmem:$0xEF00] =	vst v63  }
0xf5: {  	_ =	swait.ge [sflag:s28], $0x800  }
0xf6: {  	[sflag:s28] =	ssyncset.done $0x0  }
0xf7: {  	s12 =	simm.s32 $0x4E00;
	[sflag:s28] =	ssyncadd.s32 $0xFFFFF800  }
0xf8: {  	[spmem:s2] =	stream.indirect.scatter.add.f32 [tilespmem:s16], [sflag:$0x11], $0x10, s12, s13, $0xb8;
	[tilespmem:$0xEF00] =	vst v63  }
0xf9: {  	_ =	swait.ge [sflag:s30], $0x800  }
0xfa: {  	[sflag:s30] =	ssyncset.done $0x0  }
0xfb: {  	s16 =	simm.s32 $0x4E80;
	[sflag:s30] =	ssyncadd.s32 $0xFFFFF800  }
0xfc: {  	[spmem:s2] =	stream.indirect.scatter.add.f32 [tilespmem:s18], [sflag:$0x12], $0x10, s16, s13, $0xb8;
	[tilespmem:$0xEF00] =	vst v63  }
0xfd: {  	_ =	swait.ge [sflag:s0], $0x800  }
0xfe: {  	[sflag:s0] =	ssyncset.done $0x0  }
0xff: {  	s19 =	simm.s32 $0x4F00;
	[sflag:s0] =	ssyncadd.s32 $0xFFFFF800  }
0x100: {  	[spmem:s2] =	stream.indirect.scatter.add.f32 [tilespmem:s20], [sflag:$0x13], $0x10, s19, s13, $0xb8;
	[tilespmem:$0xEF00] =	vst v63  }
0x101: {  	_ =	swait.ge [sflag:s5], $0x800  }
0x102: {  	[sflag:s5] =	ssyncset.done $0x0  }
0x103: {  	s21 =	simm.s32 $0x4F80;
	[sflag:s5] =	ssyncadd.s32 $0xFFFFF800  }
0x104: {  	[spmem:s2] =	stream.indirect.scatter.add.f32 [tilespmem:s17], [sflag:$0x14], $0x10, s21, s13, $0xb8;
	[tilespmem:$0xEF00] =	vst v63  }
0x105: {  	_ =	swait.ge [sflag:s7], $0x800  }
0x106: {  	[sflag:s7] =	ssyncset.done $0x0  }
0x107: {  	[sflag:s7] =	ssyncadd.s32 $0xFFFFF800  }
0x108: {  	_ =	swait.ge [sflag:s8], $0x800  }
0x109: {  	[sflag:s8] =	ssyncset.done $0x0  }
0x10a: {  	[sflag:s8] =	ssyncadd.s32 $0xFFFFF800  }
0x10b: {  	_ =	swait.ge [sflag:s11], $0x800  }
0x10c: {  	[sflag:s11] =	ssyncset.done $0x0  }
0x10d: {  	[sflag:s11] =	ssyncadd.s32 $0xFFFFF800  }
0x10e: {  	_ =	swait.ge [sflag:s24], $0x800  }
0x10f: {  	[sflag:s24] =	ssyncset.done $0x0  }
0x110: {  	[sflag:s24] =	ssyncadd.s32 $0xFFFFF800  }
0x111: {  	_ =	swait.ge [sflag:s6], $0x800  }
0x112: {  	[sflag:s6] =	ssyncset.done $0x0  }
0x113: {  	[sflag:s6] =	ssyncadd.s32 $0xFFFFF800  }
0x114: {  	_ =	swait.ge [sflag:s9], $0x800  }
0x115: {  	[sflag:s9] =	ssyncset.done $0x0  }
0x116: {  	[sflag:s9] =	ssyncadd.s32 $0xFFFFF800  }
0x117: {  	_ =	swait.ge [sflag:s4], $0x800  }
0x118: {  	[sflag:s4] =	ssyncset.done $0x0  }
0x119: {  	[sflag:s4] =	ssyncadd.s32 $0xFFFFF800  }
0x11a: {  	_ =	swait.ge [sflag:s10], $0x800  }
0x11b: {  	[sflag:s10] =	ssyncset.done $0x0  }
0x11c: {  	[sflag:s10] =	ssyncadd.s32 $0xFFFFF800  }
0x11d: {  	_ =	swait.ge [sflag:s14], $0x800  }
0x11e: {  	[sflag:s14] =	ssyncset.done $0x0  }
0x11f: {  	[sflag:s14] =	ssyncadd.s32 $0xFFFFF800  }
0x120: {  	_ =	swait.ge [sflag:s15], $0x800  }
0x121: {  	[sflag:s15] =	ssyncset.done $0x0  }
0x122: {  	[sflag:s15] =	ssyncadd.s32 $0xFFFFF800  }
0x123: {  	[bflag:$0x0] =	sbarrier.arrive $0xFFFF  }
0x124: {  	s22 =	simm.s32 $0x15;
	s21 =	simm.s32 $0xA000;
	s16 =	rddreg [dreg:$0x5]  }
0x125: {  	[tilespmem:s21], [sflag:$0x15] =	stream.linear.gather [spmem:s16], $0x2780, $0x38;
	[tilespmem:$0xEF00] =	vst v63  }
0x126: {  	_ =	swait.ge [sflag:s22], $0x2780  }
0x127: {  	[sflag:s22] =	ssyncset.done $0x0  }
0x128: {  	s12 =	simm.s32 $0x0;
	s23 =	rddreg [dreg:$0x9];
	[sflag:s22] =	ssyncadd.s32 $0xFFFFD880  }
0x129: {  	[hbm4b:s23+s12] =	stream.linear.scatter [tilespmem:s21], [sflag:$0x15], $0x2780, $0x38;
	[tilespmem:$0xEF00] =	vst v63  }
0x12a: {  	_ =	swait.ge [sflag:s22], $0x2780  }
0x12b: {  	s26 =	rddreg [dreg:$0xa]  }
0x12c: {  	s29 =	rddreg [dreg:$0x7];
	s3 =	sadd.s32 $0x1, s26  }
0x12d: {  	p0 =	sne.s32 s3, s29  }
.Ltmp1:
0x12e: {  	_ = 	snop;
	(pc) =	sbr.rel @p0 .LBB2_1-.Ltmp1, $3  }
0x12f: {  	_ =	sdelay $0x1  }
0x130: {  	s31 =	simm.s32 $0x15;
	[sflag:s22] =	ssyncset.done $0x0  }
0x131: {  	[sflag:s31] =	ssyncadd.s32 $0xFFFFD880  }
0x132: {  	_ =	sfence.sel $0x180000  }
0x133: {  	[bflag:$0x0] =	sbarrier.arrive $0xFFFF  }
0x134: {  	_ =	strace $0x9000004A  }
0x135: {  	s0 =	stileid.u32;
	[bflag:$0x2] =	sbarrier.arrive $0xFFFF  }
0x136: {  	p0 =	sne.s32 s0, $0x0;
	s0 =	rddreg [dreg:$0x3]  }
0x137: {  	s0 =	sadd.s32 @!p0 $0x100000, s0  }
0x138: {  	[sflag:s0] =	ssyncadd.tile.s32 @!p0 $0x1;
	_ =	shalt  }
.Lfunc_end2:
_tile_overlayer_lowered:
.L_overlay_start_2:
0x139: {  	(tag) =	ssettag $0x2  }
0x13a: {  	s0 =	rddreg [dreg:$0x0];
	s2 =	stileid.u32  }
0x13b: {  	s1 =	rddreg [dreg:$0x1];
	p0 =	sne.s32 s2, $0x0  }
0x13c: {  	s3 =	rddreg [dreg:$0x2];
	[bflag:$0x3] =	sbarrier.arrive $0xFFFF;
	s2 =	simm.s32 @!p0 $0x1C15  }
0x13d: {  	[timem:s3], [sflag:s2] =	dma.local @!p0 [hbm:s0], s1  }
0x13e: {  	s0 =	simm.s32 @!p0 $0x15  }
0x13f: {  	_ =	swait.ge @!p0 [sflag:s0], s1  }
0x140: {  	s1 =	ssub.s32 @!p0 $0x0, s1;
	[sflag:s0] =	ssyncset.done @!p0 $0x0  }
0x141: {  	[sflag:s0] =	ssyncadd.s32 @!p0 s1  }
0x142: {  	[bflag:$0x3] =	sbarrier.arrive $0xFFFF  }
0x143: {  	_ =	shalt  }

// kernel: kernel.7.cloned.1.call-start
scs
__scs_entry_jumppad:
0x0: {  	(pc) =	sbr.rel $0x88, $3  }
0x1: {  	(tag) =	ssettag $0x0;
	lr =	simm.s32 $0x1  }
0x2: {  	[smem:$0x3F95] =	sst lr;
	_ =	strace $0xD0000000  }
0x3: {  	_ = 	snop  }
0x4: {  	_ = 	snop  }
0x5: {  	_ = 	snop  }
0x6: {  	_ = 	snop  }
0x7: {  	_ = 	snop  }
__scs_overlays_trampoline_lowered:
0x8: {  	[smem:$0x3FA4] =	sst s0  }
0x9: {  	[smem:$0x3FA5] =	sst s1  }
0xa: {  	[smem:$0x3FA6] =	sst s2  }
0xb: {  	[smem:$0x3FA7] =	sst s3  }
0xc: {  	[smem:$0x3FA8] =	sst s4  }
0xd: {  	[smem:$0x3FA9] =	sst s5  }
0xe: {  	[smem:$0x3FAA] =	sst s6  }
0xf: {  	[smem:$0x3FAB] =	sst s7  }
0x10: {  	[smem:$0x3FAC] =	sst s8  }
0x11: {  	[smem:$0x3FAD] =	sst s9;
	s0 =	simm.s32 @!p0 $0x0  }
0x12: {  	s1 =	sld [smem:$0x3F93];
	s0 =	simm.s32 @p0 $0x1  }
0x13: {  	[smem:$0x3FAE] =	sst s0;
	s0 =	simm.s32 @!p1 $0x0  }
0x14: {  	s2 =	sld [smem:$0x3F92];
	s0 =	simm.s32 @p1 $0x1  }
0x15: {  	[smem:$0x3FAF] =	sst s0;
	s0 =	simm.s32 @!p2 $0x0  }
0x16: {  	s3 =	sld [smem:$0x3FDB];
	s0 =	simm.s32 @p2 $0x1  }
0x17: {  	s4 =	simm.s32 $0x1BF5;
	[smem:$0x3FB1] =	sst s0  }
0x18: {  	s0 =	sld [smem:$0x3F94];
	_ =	swait.ge [sflag:s4], $0x0  }
0x19: {  	s7 =	sld [smem:$0x3F95]  }
0x1a: {  	s8 =	sadd.s32 $0xFFFFE003, lr  }
0x1b: {  	s9 =	sadd.s32 $0xFFFFFEF7, lr;
	s5 =	simm.s32 $0xFFFFFFFF;
	p2 =	slt.u32 s8, $0xFFFFF086  }
0x1c: {  	p1 =	slt.u32 s9, $0xF7A;
	s5 =	simm.s32 @!p2 $0x0  }
0x1d: {  	s5 =	simm.s32 @p1 $0x1;
	p0 =	seq.s32 s7, s2  }
0x1e: {  	s7 =	smul.u32 @!p0 $0xF7A, s2;
	p2 =	seq.s32 @!p0 s5, $0x0  }
0x1f: {  	s9 =	smul.u32 $0xF7A, s1;
	s8 =	simm.s32 @!p0 $0x1BF5;
	p2 =	por !p2, p0  }
0x20: {  	[sflag:s8] =	ssyncset.s32 @!p0 $0xFFFFF086;
	s6 =	sadd.s32 @!p0 s3, s7;
	s7 =	simm.s32 @!p0 $0x108  }
0x21: {  	s3 =	sadd.s32 s3, s9;
	s6 =	sadd.s32 @!p0 $0x88, s6;
	s7 =	simm.s32 @p2 $0x1082  }
0x22: {  	[simem:s7], [sflag:s8] =	dma.local @!p0 [hbm:s6], $0xF7A  }
0x23: {  	s9 =	sor.u32 $0xD0000000, s2;
	s6 =	simm.s32 $0x108;
	_ =	swait.ge @!p0 [sflag:s8], $0x0  }
0x24: {  	s3 =	sadd.s32 $0x88, s3;
	s6 =	simm.s32 @!p1 $0x1082;
	[sflag:s4] =	ssyncset.s32 $0xFFFFF086  }
0x25: {  	[simem:s6], [sflag:s4] =	dma.local [hbm:s3], $0xF7A  }
0x26: {  	[smem:$0x3F95] =	sst s1;
	(tag) =	ssettag s2;
	_ =	strace s9  }
0x27: {  	s1 =	sld [smem:$0x3FA5]  }
0x28: {  	s2 =	sld [smem:$0x3FA6]  }
0x29: {  	s4 =	sld [smem:$0x3FA8]  }
0x2a: {  	p0 =	seq.s32 s5, $0x0;
	s5 =	sld [smem:$0x3FA9]  }
0x2b: {  	s6 =	sld [smem:$0x3FAA]  }
0x2c: {  	s7 =	sld [smem:$0x3FAB]  }
0x2d: {  	s3 =	simm.s32 $0x108;
	s8 =	sld [smem:$0x3FAC]  }
0x2e: {  	s3 =	simm.s32 @!p0 $0x1082;
	s9 =	sld [smem:$0x3FAD]  }
0x2f: {  	lr =	sadd.s32 s0, s3;
	s0 =	sld [smem:$0x3FA4]  }
0x30: {  	s3 =	sld [smem:$0x3FA7]  }
0x31: {  	[smem:$0x3FB0] =	sst s10  }
0x32: {  	s10 =	sld [smem:$0x3FAE];
	_ =	sdelay $0x3  }
0x33: {  	p0 =	seq.s32 s10, $0x1;
	s10 =	sld [smem:$0x3FB0];
	_ =	sdelay $0x3  }
0x34: {  	[smem:$0x3FB0] =	sst s10  }
0x35: {  	s10 =	sld [smem:$0x3FAF];
	_ =	sdelay $0x3  }
0x36: {  	p1 =	seq.s32 s10, $0x1;
	s10 =	sld [smem:$0x3FB0];
	_ =	sdelay $0x3  }
0x37: {  	[smem:$0x3FB0] =	sst s10  }
0x38: {  	s10 =	sld [smem:$0x3FB1]  }
0x39: {  	_ = 	snop;
	(pc) =	sbr.ind lr, $3  }
0x3a: {  	_ = 	snop  }
0x3b: {  	_ = 	snop  }
0x3c: {  	p2 =	seq.s32 s10, $0x1;
	s10 =	sld [smem:$0x3FB0]  }
0x3d: {  	_ =	shalt  }
0x3e: {  	_ =	shalt  }
0x3f: {  	_ =	shalt  }
0x40: {  	_ =	shalt  }
0x41: {  	_ =	shalt  }
0x42: {  	_ =	shalt  }
0x43: {  	_ =	shalt  }
0x44: {  	_ =	shalt  }
0x45: {  	_ =	shalt  }
0x46: {  	_ =	shalt  }
0x47: {  	_ =	shalt  }
0x48: {  	_ =	shalt  }
0x49: {  	_ =	shalt  }
0x4a: {  	_ =	shalt  }
0x4b: {  	_ =	shalt  }
0x4c: {  	_ =	shalt  }
0x4d: {  	_ =	shalt  }
0x4e: {  	_ =	shalt  }
0x4f: {  	_ =	shalt  }
0x50: {  	_ =	shalt  }
0x51: {  	_ =	shalt  }
0x52: {  	_ =	shalt  }
0x53: {  	_ =	shalt  }
0x54: {  	_ =	shalt  }
0x55: {  	_ =	shalt  }
0x56: {  	_ =	shalt  }
0x57: {  	_ =	shalt  }
0x58: {  	_ =	shalt  }
0x59: {  	_ =	shalt  }
0x5a: {  	_ =	shalt  }
0x5b: {  	_ =	shalt  }
0x5c: {  	_ =	shalt  }
0x5d: {  	_ =	shalt  }
0x5e: {  	_ =	shalt  }
0x5f: {  	_ =	shalt  }
0x60: {  	_ =	shalt  }
0x61: {  	_ =	shalt  }
0x62: {  	_ =	shalt  }
0x63: {  	_ =	shalt  }
0x64: {  	_ =	shalt  }
0x65: {  	_ =	shalt  }
0x66: {  	_ =	shalt  }
0x67: {  	_ =	shalt  }
0x68: {  	_ =	shalt  }
0x69: {  	_ =	shalt  }
0x6a: {  	_ =	shalt  }
0x6b: {  	_ =	shalt  }
0x6c: {  	_ =	shalt  }
0x6d: {  	_ =	shalt  }
0x6e: {  	_ =	shalt  }
0x6f: {  	_ =	shalt  }
0x70: {  	_ =	shalt  }
0x71: {  	_ =	shalt  }
0x72: {  	_ =	shalt  }
0x73: {  	_ =	shalt  }
0x74: {  	_ =	shalt  }
0x75: {  	_ =	shalt  }
0x76: {  	_ =	shalt  }
0x77: {  	_ =	shalt  }
0x78: {  	_ =	shalt  }
0x79: {  	_ =	shalt  }
0x7a: {  	_ =	shalt  }
0x7b: {  	_ =	shalt  }
0x7c: {  	_ =	shalt  }
0x7d: {  	_ =	shalt  }
0x7e: {  	_ =	shalt  }
0x7f: {  	_ =	shalt  }
0x80: {  	_ =	shalt  }
0x81: {  	_ =	shalt  }
0x82: {  	_ =	shalt  }
0x83: {  	_ =	shalt  }
0x84: {  	_ =	shalt  }
0x85: {  	_ =	shalt  }
0x86: {  	_ =	shalt  }
0x87: {  	_ =	shalt  }
.Lfunc_end0:
.L_simem_size_0:
called_computation_lowered:
.L_overlay_start_0:
0x88: {  	s2 =	sld [smem:$0x3FD9]  }
0x89: {  	s3 =	sld [smem:$0x3FFE];
	_ =	sdelay $0x1  }
0x8a: {  	s1 =	srdreg.scid  }
0x8b: {  	s0 =	sand.u32 $0x1, s1  }
0x8c: {  	s17 =	sshll.u32 s0, $0xA;
	s2 =	sadd.s32 s3, s2  }
0x8d: {  	s2 =	sadd.s32 s2, s17  }
0x8e: {  	[smem:$0x3FBC] =	sst s2  }
0x8f: {  	_ = 	snop  }
0x90: {  	s2 =	sld [smem:$0x3FD0];
	(tm) =	ssettm $0x1  }
0x91: {  	s18 =	sld [smem:$0x3FFB];
	_ =	sdelay $0x3  }
0x92: {  	_ =	strace s18  }
0x93: {  	s3 =	sld [smem:$0x3FFC];
	_ =	sdelay $0x3  }
0x94: {  	_ =	strace s3  }
0x95: {  	s3 =	sld [smem:$0x3FFD];
	_ =	sdelay $0x3  }
0x96: {  	_ =	strace s3  }
0x97: {  	_ =	strace $0x8FFFFFFF  }
0x98: {  	s19 =	sld [smem:$0x3FDB];
	_ =	sdelay $0x1  }
0x99: {  	s4 =	simm.s32 $_scs_section_size  }
0x9a: {  	s5 =	simm.s32 $_size__tile_overlayer_lowered;
	s6 =	simm.s32 $_tile_overlayer_lowered  }
0x9b: {  	s22 =	simm.s32 $0x1BFF;
	s21 =	sshll.u32 s6, $0x1;
	s3 =	sadd.s32 s4, s19  }
0x9c: {  	s7 =	simm.s32 $0x0;
	s20 =	sshll.u32 s5, $0x1;
	s5 =	sadd.s32 s21, s3  }
0x9d: {  	[timem:s7], [sflag:s22] =	dma.local [hbm:s5], s20  }
0x9e: {  	_ =	swait.ge [sflag:s22], s20  }
0x9f: {  	s4 =	ssub.s32 $0x0, s20;
	[sflag:s22] =	ssyncset.done $0x0  }
0xa0: {  	[sflag:s22] =	ssyncadd.s32 s4;
	_ =	sdelay $0x1  }
0xa1: {  	s23 =	simm.s32 $0x1B8B  }
0xa2: {  	_ =	swait.ge [sflag:s23], $0x1  }
0xa3: {  	[sflag:s23] =	ssyncset.done $0x0  }
0xa4: {  	s25 =	simm.s32 $0x1B8E;
	s24 =	sld [smem:$0x3FFE];
	[sflag:s23] =	ssyncadd.s32 $0xFFFFFFFF  }
0xa5: {  	s26 =	simm.s32 $execute0_lowered;
	[smem:$0x3FD2] =	sst s25  }
0xa6: {  	s5 =	sshll.u32 s26, $0x1;
	_ =	strace $0x80000046;
	[dreg:$0x1] =	wrdreg $0xFFFFFFFF  }
0xa7: {  	s28 =	simm.s32 $_size_execute0_lowered;
	s3 =	sadd.s32 s3, s5;
	[dreg:$0x0] =	wrdreg $0x0  }
0xa8: {  	s5 =	sshll.u32 s28, $0x1;
	[dreg:$0x2] =	wrdreg s3  }
0xa9: {  	[dreg:$0x3] =	wrdreg s5  }
0xaa: {  	[dreg:$0x4] =	wrdreg $0xC0  }
0xab: {  	_ =	task [dreg:s7], $0x5FFFF  }
0xac: {  	[dreg:$0x1] =	wrdreg $0xFFFFFFFF  }
0xad: {  	[dreg:$0x0] =	wrdreg $0x60  }
0xae: {  	[dreg:$0x2] =	wrdreg s2  }
0xaf: {  	[dreg:$0x3] =	wrdreg s24  }
0xb0: {  	[dreg:$0x4] =	wrdreg $0xC7800  }
0xb1: {  	[dreg:$0x5] =	wrdreg $0x9  }
0xb2: {  	_ =	task.clear_ibuf [dreg:s7], $0x6FFFF;
	_ =	strace $0x90000046  }
0xb3: {  	s29 =	simm.s32 $0x9;
	_ =	strace $0x80000048  }
0xb4: {  	_ =	swait.ge [sflag:s29], $0x1  }
0xb5: {  	[sflag:s29] =	ssyncadd.s32 $0xFFFFFFFF  }
0xb6: {  	_ =	strace $0x90000048  }
0xb7: {  	_ =	sfence  }
0xb8: {  	s30 =	sld [smem:$0x0];
	_ =	sdelay $0x2  }
0xb9: {  	s31 =	sshll.u32 s1, $0xD;
	s1 =	sshrl.u32 s1, $0x2  }
0xba: {  	s3 =	sand.u32 $0x4000, s31;
	s1 =	sadd.s32 s1, s30  }
0xbb: {  	s0 =	sor.u32 s3, s0;
	s1 =	sshll.u32 s1, $0x11  }
0xbc: {  	s0 =	sor.u32 s1, s0  }
0xbd: {  	s0 =	sadd.s32 $0x8F2B, s0  }
0xbe: {  	[sflag:s0] =	ssyncadd.remote.s32 $0x1  }
0xbf: {  	_ =	sfence.sel $0xFFFF  }
0xc0: {  	[dreg:$0x0] =	wrdreg $0xFFFFFFFF;
	(pc) =	sbr.abs _section_cstart, $3  }
0xc1: {  	[dreg:$0x1] =	wrdreg $0xFFFFFFFF  }
0xc2: {  	_ =	task.clear_ibuf [dreg:s7], $0x2FFFF;
	_ =	strace $0x9FFFFFFF  }
0xc3: {  	(tm) =	ssettm $0x7FFFFFFF  }
tec
execute0_lowered:
.L_overlay_start_1:
0x0: {  	(tag) =	ssettag $0x1  }
0x1: {  	s1 =	rddreg [dreg:$0x0]  }
0x2: {  	s0 =	rddreg [dreg:$0x1]  }
0x3: {  	s2 =	rddreg [dreg:$0x2];
	s3 =	srdreg.scid;
	s12 =	simm.s32 $0x0  }
0x4: {  	s5 =	stileid.u32;
	s21 =	simm.s32 $0xA000;
	s13 =	simm.s32 $0x80  }
0x5: {  	s25 =	simm.s32 $0x6;
	s28 =	simm.s32 $0x7;
	s30 =	simm.s32 $0x8  }
0x6: {  	s11 =	simm.s32 $0xD;
	s24 =	simm.s32 $0xE;
	s14 =	simm.s32 $0x13  }
0x7: {  	s15 =	simm.s32 $0x14;
	s3 =	sand.u32 $0x1, s3;
	[smem:$0x7FF] =	sst s12  }
0x8: {  	s4 =	sshll.u32 s3, $0x4;
	_ =	strace $0x80000047;
	s7 =	smul.u32 $0x4F00, s3  }
0x9: {  	s3 =	ssub.s32 $0x2, s3;
	s4 =	sor.u32 s5, s4;
	s5 =	smul.u32 $0x2780, s5  }
0xa: {  	s10 =	sshrl.u32 s3, $0x1;
	s4 =	smul.u32 $0x500, s4;
	s7 =	sadd.s32 s7, s0  }
0xb: {  	s3 =	ssub.s32 s3, s10;
	s10 =	simm.s32 $0x12;
	s6 =	sshrl.u32 s5, $0x3  }
0xc: {  	s16 =	sadd.s32 s5, s2;
	s29 =	sadd.s32 $0x1B600, s7;
	s3 =	smax.u32 s3, $0x1  }
0xd: {  	s5 =	simm.s32 $0xA;
	s7 =	simm.s32 $0xB;
	s8 =	sadd.s32 s4, s0  }
0xe: {  	s9 =	sadd.s32 s6, s0;
	s0 =	sadd.s32 $0xC600, s0;
	[dreg:$0x7] =	wrdreg s3  }
0xf: {  	s31 =	sadd.s32 s6, s29;
	s6 =	simm.s32 $0xF;
	[dreg:$0x5] =	wrdreg s16  }
0x10: {  	s3 =	simm.s32 $0x0;
	s9 =	sadd.s32 $0x16600, s9;
	[dreg:$0x9] =	wrdreg s31  }
0x11: {  	s26 =	sadd.s32 $0x2600, s8;
	s0 =	sadd.s32 s4, s0;
	[dreg:$0x4] =	wrdreg s9  }
0x12: {  	s8 =	simm.s32 $0xC;
	s4 =	simm.s32 $0x11;
	[dreg:$0x6] =	wrdreg s26  }
0x13: {  	[dreg:$0x8] =	wrdreg s0;
	s0 =	simm.s32 $0x9;
	s9 =	simm.s32 $0x10  }
.LBB2_1:
0x14: {  	[dreg:$0xa] =	wrdreg s3  }
0x15: {  	s17 =	simm.s32 $0x15;
	s19 =	rddreg [dreg:$0x4]  }
0x16: {  	[tilespmem:s21], [sflag:$0x15] =	stream.linear.gather [hbm4b:s19+s12], $0x2780, $0x38;
	[tilespmem:$0xEF00] =	vst v63  }
0x17: {  	_ =	swait.ge [sflag:s17], $0x2780  }
0x18: {  	[sflag:s17] =	ssyncset.done $0x0  }
0x19: {  	[sflag:s17] =	ssyncadd.s32 $0xFFFFD880  }
0x1a: {  	[spmem:s16] =	stream.linear.scatter [tilespmem:s21], [sflag:$0x15], $0x2780, $0x38;
	[tilespmem:$0xEF00] =	vst v63  }
0x1b: {  	_ =	swait.ge [sflag:s17], $0x2780  }
0x1c: {  	[sflag:s17] =	ssyncset.done $0x0  }
0x1d: {  	s3 =	rddreg [dreg:$0x6];
	[sflag:s17] =	ssyncadd.s32 $0xFFFFD880  }
0x1e: {  	[tilespmem:s12], [sflag:$0x15] =	stream.linear.gather [hbm4b:s3+s12], $0x2800, $0x38;
	[tilespmem:$0xEF00] =	vst v63  }
0x1f: {  	_ =	swait.ge [sflag:s17], $0x2800  }
0x20: {  	[sflag:s17] =	ssyncset.done $0x0  }
0x21: {  	s18 =	simm.s32 $0x2800;
	s16 =	rddreg [dreg:$0x8];
	[sflag:s17] =	ssyncadd.s32 $0xFFFFD800  }
0x22: {  	[tilespmem:s18], [sflag:$0x15] =	stream.linear.gather [hbm4b:s16+s12], $0x2800, $0x38;
	[tilespmem:$0xEF00] =	vst v63  }
0x23: {  	_ =	swait.ge [sflag:s17], $0x2800  }
0x24: {  	[sflag:s17] =	ssyncset.done $0x0  }
0x25: {  	[sflag:s17] =	ssyncadd.s32 $0xFFFFD800  }
0x26: {  	s19 =	simm.s32 $0x5000;
	[bflag:$0x0] =	sbarrier.arrive $0xFFFF  }
0x27: {  	[tilespmem:s19], [sflag:$0x1] =	stream.indirect.gather [hbm4b:s1+s13], $0x10, s12, s13, $0xb8;
	[tilespmem:$0xEF00] =	vst v63  }
0x28: {  	s21 =	simm.s32 $0x5800  }
0x29: {  	[tilespmem:s21], [sflag:$0x2] =	stream.indirect.gather [hbm4b:s1+s13], $0x10, s13, s13, $0xb8;
	[tilespmem:$0xEF00] =	vst v63  }
0x2a: {  	s20 =	simm.s32 $0x100;
	s23 =	simm.s32 $0x6000  }
0x2b: {  	[tilespmem:s23], [sflag:$0x3] =	stream.indirect.gather [hbm4b:s1+s13], $0x10, s20, s13, $0xb8;
	[tilespmem:$0xEF00] =	vst v63  }
0x2c: {  	s22 =	simm.s32 $0x180;
	s3 =	simm.s32 $0x6800  }
0x2d: {  	[tilespmem:s3], [sflag:$0x4] =	stream.indirect.gather [hbm4b:s1+s13], $0x10, s22, s13, $0xb8;
	[tilespmem:$0xEF00] =	vst v63  }
0x2e: {  	s26 =	simm.s32 $0x200;
	s12 =	simm.s32 $0x7000  }
0x2f: {  	[tilespmem:s12], [sflag:$0x5] =	stream.indirect.gather [hbm4b:s1+s13], $0x10, s26, s13, $0xb8;
	[tilespmem:$0xEF00] =	vst v63  }
0x30: {  	s29 =	simm.s32 $0x280;
	s16 =	simm.s32 $0x7800  }
0x31: {  	[tilespmem:s16], [sflag:$0x6] =	stream.indirect.gather [hbm4b:s1+s13], $0x10, s29, s13, $0xb8;
	[tilespmem:$0xEF00] =	vst v63  }
0x32: {  	s31 =	simm.s32 $0x300;
	s18 =	simm.s32 $0x8000  }
0x33: {  	[tilespmem:s18], [sflag:$0x7] =	stream.indirect.gather [hbm4b:s1+s13], $0x10, s31, s13, $0xb8;
	[tilespmem:$0xEF00] =	vst v63  }
0x34: {  	s20 =	simm.s32 $0x380;
	s26 =	simm.s32 $0x8800  }
0x35: {  	[tilespmem:s26], [sflag:$0x8] =	stream.indirect.gather [hbm4b:s1+s13], $0x10, s20, s13, $0xb8;
	[tilespmem:$0xEF00] =	vst v63  }
0x36: {  	s22 =	simm.s32 $0x400;
	s20 =	simm.s32 $0x9000  }
0x37: {  	[tilespmem:s20], [sflag:$0x9] =	stream.indirect.gather [hbm4b:s1+s13], $0x10, s22, s13, $0xb8;
	[tilespmem:$0xEF00] =	vst v63  }
0x38: {  	s29 =	simm.s32 $0x480;
	s31 =	simm.s32 $0x1;
	s22 =	simm.s32 $0x9800  }
0x39: {  	[tilespmem:s22], [sflag:$0xA] =	stream.indirect.gather [hbm4b:s1+s13], $0x10, s29, s13, $0xb8;
	[tilespmem:$0xEF00] =	vst v63  }
0x3a: {  	_ =	swait.ge [sflag:s31], $0x800  }
0x3b: {  	[sflag:s31] =	ssyncset.done $0x0  }
0x3c: {  	s29 =	simm.s32 $0x2800;
	[sflag:s31] =	ssyncadd.s32 $0xFFFFF800;
	s31 =	simm.s32 $0x2  }
0x3d: {  	[spmem:s2] =	stream.indirect.scatter.add.f32 [tilespmem:s19], [sflag:$0xB], $0x10, s29, s13, $0xb8;
	[tilespmem:$0xEF00] =	vst v63  }
0x3e: {  	_ =	swait.ge [sflag:s31], $0x800  }
0x3f: {  	[sflag:s31] =	ssyncset.done $0x0  }
0x40: {  	s29 =	simm.s32 $0x2880;
	[sflag:s31] =	ssyncadd.s32 $0xFFFFF800;
	s31 =	simm.s32 $0x3  }
0x41: {  	[spmem:s2] =	stream.indirect.scatter.add.f32 [tilespmem:s21], [sflag:$0xC], $0x10, s29, s13, $0xb8;
	[tilespmem:$0xEF00] =	vst v63  }
0x42: {  	_ =	swait.ge [sflag:s31], $0x800  }
0x43: {  	[sflag:s31] =	ssyncset.done $0x0  }
0x44: {  	s29 =	simm.s32 $0x2900;
	[sflag:s31] =	ssyncadd.s32 $0xFFFFF800;
	s31 =	simm.s32 $0x4  }
0x45: {  	[spmem:s2] =	stream.indirect.scatter.add.f32 [tilespmem:s23], [sflag:$0xD], $0x10, s29, s13, $0xb8;
	[tilespmem:$0xEF00] =	vst v63  }
0x46: {  	_ =	swait.ge [sflag:s31], $0x800  }
0x47: {  	[sflag:s31] =	ssyncset.done $0x0  }
0x48: {  	s29 =	simm.s32 $0x2980;
	[sflag:s31] =	ssyncadd.s32 $0xFFFFF800;
	s31 =	simm.s32 $0x5  }
0x49: {  	[spmem:s2] =	stream.indirect.scatter.add.f32 [tilespmem:s3], [sflag:$0xE], $0x10, s29, s13, $0xb8;
	[tilespmem:$0xEF00] =	vst v63  }
0x4a: {  	_ =	swait.ge [sflag:s31], $0x800  }
0x4b: {  	[sflag:s31] =	ssyncset.done $0x0  }
0x4c: {  	s29 =	simm.s32 $0x2A00;
	[sflag:s31] =	ssyncadd.s32 $0xFFFFF800  }
0x4d: {  	[spmem:s2] =	stream.indirect.scatter.add.f32 [tilespmem:s12], [sflag:$0xF], $0x10, s29, s13, $0xb8;
	[tilespmem:$0xEF00] =	vst v63  }
0x4e: {  	_ =	swait.ge [sflag:s25], $0x800  }
0x4f: {  	[sflag:s25] =	ssyncset.done $0x0  }
0x50: {  	s31 =	simm.s32 $0x2A80;
	[sflag:s25] =	ssyncadd.s32 $0xFFFFF800  }
0x51: {  	[spmem:s2] =	stream.indirect.scatter.add.f32 [tilespmem:s16], [sflag:$0x10], $0x10, s31, s13, $0xb8;
	[tilespmem:$0xEF00] =	vst v63  }
0x52: {  	_ =	swait.ge [sflag:s28], $0x800  }
0x53: {  	[sflag:s28] =	ssyncset.done $0x0  }
0x54: {  	s29 =	simm.s32 $0x2B00;
	[sflag:s28] =	ssyncadd.s32 $0xFFFFF800  }
0x55: {  	[spmem:s2] =	stream.indirect.scatter.add.f32 [tilespmem:s18], [sflag:$0x11], $0x10, s29, s13, $0xb8;
	[tilespmem:$0xEF00] =	vst v63  }
0x56: {  	_ =	swait.ge [sflag:s30], $0x800  }
0x57: {  	[sflag:s30] =	ssyncset.done $0x0  }
0x58: {  	s31 =	simm.s32 $0x2B80;
	[sflag:s30] =	ssyncadd.s32 $0xFFFFF800  }
0x59: {  	[spmem:s2] =	stream.indirect.scatter.add.f32 [tilespmem:s26], [sflag:$0x12], $0x10, s31, s13, $0xb8;
	[tilespmem:$0xEF00] =	vst v63  }
0x5a: {  	_ =	swait.ge [sflag:s0], $0x800  }
0x5b: {  	[sflag:s0] =	ssyncset.done $0x0  }
0x5c: {  	s29 =	simm.s32 $0x2C00;
	[sflag:s0] =	ssyncadd.s32 $0xFFFFF800  }
0x5d: {  	[spmem:s2] =	stream.indirect.scatter.add.f32 [tilespmem:s20], [sflag:$0x13], $0x10, s29, s13, $0xb8;
	[tilespmem:$0xEF00] =	vst v63  }
0x5e: {  	_ =	swait.ge [sflag:s5], $0x800  }
0x5f: {  	[sflag:s5] =	ssyncset.done $0x0  }
0x60: {  	s31 =	simm.s32 $0x2C80;
	[sflag:s5] =	ssyncadd.s32 $0xFFFFF800  }
0x61: {  	[spmem:s2] =	stream.indirect.scatter.add.f32 [tilespmem:s22], [sflag:$0x14], $0x10, s31, s13, $0xb8;
	[tilespmem:$0xEF00] =	vst v63  }
0x62: {  	_ =	swait.ge [sflag:s7], $0x800  }
0x63: {  	[sflag:s7] =	ssyncset.done $0x0  }
0x64: {  	s22 =	simm.s32 $0x500;
	[sflag:s7] =	ssyncadd.s32 $0xFFFFF800  }
0x65: {  	[tilespmem:s19], [sflag:$0x1] =	stream.indirect.gather [hbm4b:s1+s13], $0x10, s22, s13, $0xb8;
	[tilespmem:$0xEF00] =	vst v63  }
0x66: {  	_ =	swait.ge [sflag:s8], $0x800  }
0x67: {  	[sflag:s8] =	ssyncset.done $0x0  }
0x68: {  	s29 =	simm.s32 $0x580;
	[sflag:s8] =	ssyncadd.s32 $0xFFFFF800  }
0x69: {  	[tilespmem:s21], [sflag:$0x2] =	stream.indirect.gather [hbm4b:s1+s13], $0x10, s29, s13, $0xb8;
	[tilespmem:$0xEF00] =	vst v63  }
0x6a: {  	_ =	swait.ge [sflag:s11], $0x800  }
0x6b: {  	[sflag:s11] =	ssyncset.done $0x0  }
0x6c: {  	s31 =	simm.s32 $0x600;
	[sflag:s11] =	ssyncadd.s32 $0xFFFFF800  }
0x6d: {  	[tilespmem:s23], [sflag:$0x3] =	stream.indirect.gather [hbm4b:s1+s13], $0x10, s31, s13, $0xb8;
	[tilespmem:$0xEF00] =	vst v63  }
0x6e: {  	_ =	swait.ge [sflag:s24], $0x800  }
0x6f: {  	[sflag:s24] =	ssyncset.done $0x0  }
0x70: {  	s19 =	simm.s32 $0x680;
	[sflag:s24] =	ssyncadd.s32 $0xFFFFF800  }
0x71: {  	[tilespmem:s3], [sflag:$0x4] =	stream.indirect.gather [hbm4b:s1+s13], $0x10, s19, s13, $0xb8;
	[tilespmem:$0xEF00] =	vst v63  }
0x72: {  	_ =	swait.ge [sflag:s6], $0x800  }
0x73: {  	[sflag:s6] =	ssyncset.done $0x0  }
0x74: {  	s21 =	simm.s32 $0x700;
	[sflag:s6] =	ssyncadd.s32 $0xFFFFF800  }
0x75: {  	[tilespmem:s12], [sflag:$0x5] =	stream.indirect.gather [hbm4b:s1+s13], $0x10, s21, s13, $0xb8;
	[tilespmem:$0xEF00] =	vst v63  }
0x76: {  	_ =	swait.ge [sflag:s9], $0x800  }
0x77: {  	[sflag:s9] =	ssyncset.done $0x0  }
0x78: {  	s22 =	simm.s32 $0x780;
	[sflag:s9] =	ssyncadd.s32 $0xFFFFF800  }
0x79: {  	[tilespmem:s16], [sflag:$0x6] =	stream.indirect.gather [hbm4b:s1+s13], $0x10, s22, s13, $0xb8;
	[tilespmem:$0xEF00] =	vst v63  }
0x7a: {  	_ =	swait.ge [sflag:s4], $0x800  }
0x7b: {  	[sflag:s4] =	ssyncset.done $0x0  }
0x7c: {  	s23 =	simm.s32 $0x800;
	[sflag:s4] =	ssyncadd.s32 $0xFFFFF800  }
0x7d: {  	[tilespmem:s18], [sflag:$0x7] =	stream.indirect.gather [hbm4b:s1+s13], $0x10, s23, s13, $0xb8;
	[tilespmem:$0xEF00] =	vst v63  }
0x7e: {  	_ =	swait.ge [sflag:s10], $0x800  }
0x7f: {  	[sflag:s10] =	ssyncset.done $0x0  }
0x80: {  	s29 =	simm.s32 $0x880;
	[sflag:s10] =	ssyncadd.s32 $0xFFFFF800  }
0x81: {  	[tilespmem:s26], [sflag:$0x8] =	stream.indirect.gather [hbm4b:s1+s13], $0x10, s29, s13, $0xb8;
	[tilespmem:$0xEF00] =	vst v63  }
0x82: {  	_ =	swait.ge [sflag:s14], $0x800  }
0x83: {  	[sflag:s14] =	ssyncset.done $0x0  }
0x84: {  	s31 =	simm.s32 $0x900;
	[sflag:s14] =	ssyncadd.s32 $0xFFFFF800  }
0x85: {  	[tilespmem:s20], [sflag:$0x9] =	stream.indirect.gather [hbm4b:s1+s13], $0x10, s31, s13, $0xb8;
	[tilespmem:$0xEF00] =	vst v63  }
0x86: {  	_ =	swait.ge [sflag:s15], $0x800  }
0x87: {  	[sflag:s15] =	ssyncset.done $0x0  }
0x88: {  	s17 =	simm.s32 $0x1400;
	s19 =	simm.s32 $0x980;
	[sflag:s15] =	ssyncadd.s32 $0xFFFFF800  }
.LBB2_2:
0x89: {  	s26 =	simm.s32 $0x9800  }
0x8a: {  	[tilespmem:s26], [sflag:$0xA] =	stream.indirect.gather [hbm4b:s1+s13], $0x10, s19, s13, $0xb8;
	[tilespmem:$0xEF00] =	vst v63  }
0x8b: {  	s3 =	simm.s32 $0x1;
	s19 =	smov.u32 s17  }
0x8c: {  	p0 =	sne.s32 s17, $0x7800;
	s17 =	sadd.s32 $0x1400, s17;
	_ =	swait.ge [sflag:s3], $0x800  }
0x8d: {  	s23 =	simm.s32 $0x5000;
	s19 =	sshra.s32 s19, $0x2;
	[sflag:s3] =	ssyncset.done $0x0  }
0x8e: {  	s21 =	sadd.s32 $0x2800, s19;
	[sflag:s3] =	ssyncadd.s32 $0xFFFFF800;
	s3 =	simm.s32 $0x2  }
0x8f: {  	[spmem:s2] =	stream.indirect.scatter.add.f32 [tilespmem:s23], [sflag:$0xB], $0x10, s21, s13, $0xb8;
	[tilespmem:$0xEF00] =	vst v63  }
0x90: {  	_ =	swait.ge [sflag:s3], $0x800  }
0x91: {  	s29 =	simm.s32 $0x5800;
	[sflag:s3] =	ssyncset.done $0x0  }
0x92: {  	s21 =	sadd.s32 $0x2880, s19;
	[sflag:s3] =	ssyncadd.s32 $0xFFFFF800;
	s3 =	simm.s32 $0x3  }
0x93: {  	[spmem:s2] =	stream.indirect.scatter.add.f32 [tilespmem:s29], [sflag:$0xC], $0x10, s21, s13, $0xb8;
	[tilespmem:$0xEF00] =	vst v63  }
0x94: {  	_ =	swait.ge [sflag:s3], $0x800  }
0x95: {  	s31 =	simm.s32 $0x6000;
	[sflag:s3] =	ssyncset.done $0x0  }
0x96: {  	s21 =	sadd.s32 $0x2900, s19;
	[sflag:s3] =	ssyncadd.s32 $0xFFFFF800;
	s3 =	simm.s32 $0x4  }
0x97: {  	[spmem:s2] =	stream.indirect.scatter.add.f32 [tilespmem:s31], [sflag:$0xD], $0x10, s21, s13, $0xb8;
	[tilespmem:$0xEF00] =	vst v63  }
0x98: {  	_ =	swait.ge [sflag:s3], $0x800  }
0x99: {  	s12 =	simm.s32 $0x5;
	[sflag:s3] =	ssyncset.done $0x0  }
0x9a: {  	s21 =	sadd.s32 $0x2980, s19;
	[sflag:s3] =	ssyncadd.s32 $0xFFFFF800;
	s3 =	simm.s32 $0x6800  }
0x9b: {  	[spmem:s2] =	stream.indirect.scatter.add.f32 [tilespmem:s3], [sflag:$0xE], $0x10, s21, s13, $0xb8;
	[tilespmem:$0xEF00] =	vst v63  }
0x9c: {  	_ =	swait.ge [sflag:s12], $0x800  }
0x9d: {  	[sflag:s12] =	ssyncset.done $0x0  }
0x9e: {  	s21 =	sadd.s32 $0x2A00, s19;
	[sflag:s12] =	ssyncadd.s32 $0xFFFFF800;
	s12 =	simm.s32 $0x7000  }
0x9f: {  	[spmem:s2] =	stream.indirect.scatter.add.f32 [tilespmem:s12], [sflag:$0xF], $0x10, s21, s13, $0xb8;
	[tilespmem:$0xEF00] =	vst v63  }
0xa0: {  	_ =	swait.ge [sflag:s25], $0x800  }
0xa1: {  	[sflag:s25] =	ssyncset.done $0x0  }
0xa2: {  	s16 =	simm.s32 $0x7800;
	s21 =	sadd.s32 $0x2A80, s19;
	[sflag:s25] =	ssyncadd.s32 $0xFFFFF800  }
0xa3: {  	[spmem:s2] =	stream.indirect.scatter.add.f32 [tilespmem:s16], [sflag:$0x10], $0x10, s21, s13, $0xb8;
	[tilespmem:$0xEF00] =	vst v63  }
0xa4: {  	_ =	swait.ge [sflag:s28], $0x800  }
0xa5: {  	[sflag:s28] =	ssyncset.done $0x0  }
0xa6: {  	s18 =	simm.s32 $0x8000;
	s21 =	sadd.s32 $0x2B00, s19;
	[sflag:s28] =	ssyncadd.s32 $0xFFFFF800  }
0xa7: {  	[spmem:s2] =	stream.indirect.scatter.add.f32 [tilespmem:s18], [sflag:$0x11], $0x10, s21, s13, $0xb8;
	[tilespmem:$0xEF00] =	vst v63  }
0xa8: {  	_ =	swait.ge [sflag:s30], $0x800  }
0xa9: {  	[sflag:s30] =	ssyncset.done $0x0  }
0xaa: {  	s20 =	simm.s32 $0x8800;
	s21 =	sadd.s32 $0x2B80, s19;
	[sflag:s30] =	ssyncadd.s32 $0xFFFFF800  }
0xab: {  	[spmem:s2] =	stream.indirect.scatter.add.f32 [tilespmem:s20], [sflag:$0x12], $0x10, s21, s13, $0xb8;
	[tilespmem:$0xEF00] =	vst v63  }
0xac: {  	_ =	swait.ge [sflag:s0], $0x800  }
0xad: {  	[sflag:s0] =	ssyncset.done $0x0  }
0xae: {  	s22 =	simm.s32 $0x9000;
	s21 =	sadd.s32 $0x2C00, s19;
	[sflag:s0] =	ssyncadd.s32 $0xFFFFF800  }
0xaf: {  	[spmem:s2] =	stream.indirect.scatter.add.f32 [tilespmem:s22], [sflag:$0x13], $0x10, s21, s13, $0xb8;
	[tilespmem:$0xEF00] =	vst v63  }
0xb0: {  	_ =	swait.ge [sflag:s5], $0x800  }
0xb1: {  	[sflag:s5] =	ssyncset.done $0x0  }
0xb2: {  	s21 =	sadd.s32 $0x2C80, s19;
	[sflag:s5] =	ssyncadd.s32 $0xFFFFF800  }
0xb3: {  	[spmem:s2] =	stream.indirect.scatter.add.f32 [tilespmem:s26], [sflag:$0x14], $0x10, s21, s13, $0xb8;
	[tilespmem:$0xEF00] =	vst v63  }
0xb4: {  	_ =	swait.ge [sflag:s7], $0x800  }
0xb5: {  	[sflag:s7] =	ssyncset.done $0x0  }
0xb6: {  	s21 =	sadd.s32 $0x500, s19;
	s26 =	simm.s32 $0x5000;
	[sflag:s7] =	ssyncadd.s32 $0xFFFFF800  }
0xb7: {  	[tilespmem:s23], [sflag:$0x1] =	stream.indirect.gather [hbm4b:s1+s13], $0x10, s21, s13, $0xb8;
	[tilespmem:$0xEF00] =	vst v63  }
0xb8: {  	_ =	swait.ge [sflag:s8], $0x800  }
0xb9: {  	[sflag:s8] =	ssyncset.done $0x0  }
0xba: {  	s21 =	sadd.s32 $0x580, s19;
	s23 =	simm.s32 $0x5800;
	[sflag:s8] =	ssyncadd.s32 $0xFFFFF800  }
0xbb: {  	[tilespmem:s29], [sflag:$0x2] =	stream.indirect.gather [hbm4b:s1+s13], $0x10, s21, s13, $0xb8;
	[tilespmem:$0xEF00] =	vst v63  }
0xbc: {  	_ =	swait.ge [sflag:s11], $0x800  }
0xbd: {  	[sflag:s11] =	ssyncset.done $0x0  }
0xbe: {  	s21 =	sadd.s32 $0x600, s19;
	s29 =	simm.s32 $0x6000;
	[sflag:s11] =	ssyncadd.s32 $0xFFFFF800  }
0xbf: {  	[tilespmem:s31], [sflag:$0x3] =	stream.indirect.gather [hbm4b:s1+s13], $0x10, s21, s13, $0xb8;
	[tilespmem:$0xEF00] =	vst v63  }
0xc0: {  	_ =	swait.ge [sflag:s24], $0x800  }
0xc1: {  	[sflag:s24] =	ssyncset.done $0x0  }
0xc2: {  	s21 =	sadd.s32 $0x680, s19;
	s31 =	simm.s32 $0x6800;
	[sflag:s24] =	ssyncadd.s32 $0xFFFFF800  }
0xc3: {  	[tilespmem:s3], [sflag:$0x4] =	stream.indirect.gather [hbm4b:s1+s13], $0x10, s21, s13, $0xb8;
	[tilespmem:$0xEF00] =	vst v63  }
0xc4: {  	_ =	swait.ge [sflag:s6], $0x800  }
0xc5: {  	[sflag:s6] =	ssyncset.done $0x0  }
0xc6: {  	s21 =	sadd.s32 $0x700, s19;
	s3 =	simm.s32 $0x7000;
	[sflag:s6] =	ssyncadd.s32 $0xFFFFF800  }
0xc7: {  	[tilespmem:s12], [sflag:$0x5] =	stream.indirect.gather [hbm4b:s1+s13], $0x10, s21, s13, $0xb8;
	[tilespmem:$0xEF00] =	vst v63  }
0xc8: {  	_ =	swait.ge [sflag:s9], $0x800  }
0xc9: {  	[sflag:s9] =	ssyncset.done $0x0  }
0xca: {  	s21 =	sadd.s32 $0x780, s19;
	s12 =	simm.s32 $0x7800;
	[sflag:s9] =	ssyncadd.s32 $0xFFFFF800  }
0xcb: {  	[tilespmem:s16], [sflag:$0x6] =	stream.indirect.gather [hbm4b:s1+s13], $0x10, s21, s13, $0xb8;
	[tilespmem:$0xEF00] =	vst v63  }
0xcc: {  	_ =	swait.ge [sflag:s4], $0x800  }
0xcd: {  	[sflag:s4] =	ssyncset.done $0x0  }
0xce: {  	s21 =	sadd.s32 $0x800, s19;
	s16 =	simm.s32 $0x8000;
	[sflag:s4] =	ssyncadd.s32 $0xFFFFF800  }
0xcf: {  	[tilespmem:s18], [sflag:$0x7] =	stream.indirect.gather [hbm4b:s1+s13], $0x10, s21, s13, $0xb8;
	[tilespmem:$0xEF00] =	vst v63  }
0xd0: {  	_ =	swait.ge [sflag:s10], $0x800  }
0xd1: {  	[sflag:s10] =	ssyncset.done $0x0  }
0xd2: {  	s21 =	sadd.s32 $0x880, s19;
	s18 =	simm.s32 $0x8800;
	[sflag:s10] =	ssyncadd.s32 $0xFFFFF800  }
0xd3: {  	[tilespmem:s20], [sflag:$0x8] =	stream.indirect.gather [hbm4b:s1+s13], $0x10, s21, s13, $0xb8;
	[tilespmem:$0xEF00] =	vst v63  }
0xd4: {  	_ =	swait.ge [sflag:s14], $0x800  }
0xd5: {  	s21 =	sadd.s32 $0x900, s19;
	[sflag:s14] =	ssyncset.done $0x0  }
.Ltmp0:
0xd6: {  	s20 =	simm.s32 $0x9000;
	[sflag:s14] =	ssyncadd.s32 $0xFFFFF800;
	(pc) =	sbr.rel @p0 .LBB2_2-.Ltmp0, $4  }
0xd7: {  	[tilespmem:s22], [sflag:$0x9] =	stream.indirect.gather [hbm4b:s1+s13], $0x10, s21, s13, $0xb8;
	[tilespmem:$0xEF00] =	vst v63  }
0xd8: {  	_ =	swait.ge [sflag:s15], $0x800  }
0xd9: {  	[sflag:s15] =	ssyncset.done $0x0  }
0xda: {  	s19 =	sadd.s32 $0x980, s19;
	[sflag:s15] =	ssyncadd.s32 $0xFFFFF800  }
0xdb: {  	s17 =	simm.s32 $0x9800;
	s21 =	simm.s32 $0x1  }
0xdc: {  	[tilespmem:s17], [sflag:$0xA] =	stream.indirect.gather [hbm4b:s1+s13], $0x10, s19, s13, $0xb8;
	[tilespmem:$0xEF00] =	vst v63  }
0xdd: {  	_ =	swait.ge [sflag:s21], $0x800  }
0xde: {  	[sflag:s21] =	ssyncset.done $0x0  }
0xdf: {  	s22 =	simm.s32 $0x4B00;
	[sflag:s21] =	ssyncadd.s32 $0xFFFFF800;
	s21 =	simm.s32 $0x2  }
0xe0: {  	[spmem:s2] =	stream.indirect.scatter.add.f32 [tilespmem:s26], [sflag:$0xB], $0x10, s22, s13, $0xb8;
	[tilespmem:$0xEF00] =	vst v63  }
0xe1: {  	_ =	swait.ge [sflag:s21], $0x800  }
0xe2: {  	[sflag:s21] =	ssyncset.done $0x0  }
0xe3: {  	s22 =	simm.s32 $0x4B80;
	s26 =	simm.s32 $0x3;
	[sflag:s21] =	ssyncadd.s32 $0xFFFFF800  }
0xe4: {  	[spmem:s2] =	stream.indirect.scatter.add.f32 [tilespmem:s23], [sflag:$0xC], $0x10, s22, s13, $0xb8;
	[tilespmem:$0xEF00] =	vst v63  }
0xe5: {  	_ =	swait.ge [sflag:s26], $0x800  }
0xe6: {  	[sflag:s26] =	ssyncset.done $0x0  }
0xe7: {  	s21 =	simm.s32 $0x4C00;
	s22 =	simm.s32 $0x4;
	[sflag:s26] =	ssyncadd.s32 $0xFFFFF800  }
0xe8: {  	[spmem:s2] =	stream.indirect.scatter.add.f32 [tilespmem:s29], [sflag:$0xD], $0x10, s21, s13, $0xb8;
	[tilespmem:$0xEF00] =	vst v63  }
0xe9: {  	_ =	swait.ge [sflag:s22], $0x800  }
0xea: {  	[sflag:s22] =	ssyncset.done $0x0  }
0xeb: {  	s23 =	simm.s32 $0x4C80;
	s26 =	simm.s32 $0x5;
	[sflag:s22] =	ssyncadd.s32 $0xFFFFF800  }
0xec: {  	[spmem:s2] =	stream.indirect.scatter.add.f32 [tilespmem:s31], [sflag:$0xE], $0x10, s23, s13, $0xb8;
	[tilespmem:$0xEF00] =	vst v63  }
0xed: {  	_ =	swait.ge [sflag:s26], $0x800  }
0xee: {  	[sflag:s26] =	ssyncset.done $0x0  }
0xef: {  	s29 =	simm.s32 $0x4D00;
	[sflag:s26] =	ssyncadd.s32 $0xFFFFF800  }
0xf0: {  	[spmem:s2] =	stream.indirect.scatter.add.f32 [tilespmem:s3], [sflag:$0xF], $0x10, s29, s13, $0xb8;
	[tilespmem:$0xEF00] =	vst v63  }
0xf1: {  	_ =	swait.ge [sflag:s25], $0x800  }
0xf2: {  	[sflag:s25] =	ssyncset.done $0x0  }
0xf3: {  	s31 =	simm.s32 $0x4D80;
	[sflag:s25] =	ssyncadd.s32 $0xFFFFF800  }
0xf4: {  	[spmem:s2] =	stream.indirect.scatter.add.f32 [tilespmem:s12], [sflag:$0x10], $0x10, s31, s13, $0xb8;
	[tilespmem:$0xEF00] =	vst v63  }
0xf5: {  	_ =	swait.ge [sflag:s28], $0x800  }
0xf6: {  	[sflag:s28] =	ssyncset.done $0x0  }
0xf7: {  	s12 =	simm.s32 $0x4E00;
	[sflag:s28] =	ssyncadd.s32 $0xFFFFF800  }
0xf8: {  	[spmem:s2] =	stream.indirect.scatter.add.f32 [tilespmem:s16], [sflag:$0x11], $0x10, s12, s13, $0xb8;
	[tilespmem:$0xEF00] =	vst v63  }
0xf9: {  	_ =	swait.ge [sflag:s30], $0x800  }
0xfa: {  	[sflag:s30] =	ssyncset.done $0x0  }
0xfb: {  	s16 =	simm.s32 $0x4E80;
	[sflag:s30] =	ssyncadd.s32 $0xFFFFF800  }
0xfc: {  	[spmem:s2] =	stream.indirect.scatter.add.f32 [tilespmem:s18], [sflag:$0x12], $0x10, s16, s13, $0xb8;
	[tilespmem:$0xEF00] =	vst v63  }
0xfd: {  	_ =	swait.ge [sflag:s0], $0x800  }
0xfe: {  	[sflag:s0] =	ssyncset.done $0x0  }
0xff: {  	s19 =	simm.s32 $0x4F00;
	[sflag:s0] =	ssyncadd.s32 $0xFFFFF800  }
0x100: {  	[spmem:s2] =	stream.indirect.scatter.add.f32 [tilespmem:s20], [sflag:$0x13], $0x10, s19, s13, $0xb8;
	[tilespmem:$0xEF00] =	vst v63  }
0x101: {  	_ =	swait.ge [sflag:s5], $0x800  }
0x102: {  	[sflag:s5] =	ssyncset.done $0x0  }
0x103: {  	s21 =	simm.s32 $0x4F80;
	[sflag:s5] =	ssyncadd.s32 $0xFFFFF800  }
0x104: {  	[spmem:s2] =	stream.indirect.scatter.add.f32 [tilespmem:s17], [sflag:$0x14], $0x10, s21, s13, $0xb8;
	[tilespmem:$0xEF00] =	vst v63  }
0x105: {  	_ =	swait.ge [sflag:s7], $0x800  }
0x106: {  	[sflag:s7] =	ssyncset.done $0x0  }
0x107: {  	[sflag:s7] =	ssyncadd.s32 $0xFFFFF800  }
0x108: {  	_ =	swait.ge [sflag:s8], $0x800  }
0x109: {  	[sflag:s8] =	ssyncset.done $0x0  }
0x10a: {  	[sflag:s8] =	ssyncadd.s32 $0xFFFFF800  }
0x10b: {  	_ =	swait.ge [sflag:s11], $0x800  }
0x10c: {  	[sflag:s11] =	ssyncset.done $0x0  }
0x10d: {  	[sflag:s11] =	ssyncadd.s32 $0xFFFFF800  }
0x10e: {  	_ =	swait.ge [sflag:s24], $0x800  }
0x10f: {  	[sflag:s24] =	ssyncset.done $0x0  }
0x110: {  	[sflag:s24] =	ssyncadd.s32 $0xFFFFF800  }
0x111: {  	_ =	swait.ge [sflag:s6], $0x800  }
0x112: {  	[sflag:s6] =	ssyncset.done $0x0  }
0x113: {  	[sflag:s6] =	ssyncadd.s32 $0xFFFFF800  }
0x114: {  	_ =	swait.ge [sflag:s9], $0x800  }
0x115: {  	[sflag:s9] =	ssyncset.done $0x0  }
0x116: {  	[sflag:s9] =	ssyncadd.s32 $0xFFFFF800  }
0x117: {  	_ =	swait.ge [sflag:s4], $0x800  }
0x118: {  	[sflag:s4] =	ssyncset.done $0x0  }
0x119: {  	[sflag:s4] =	ssyncadd.s32 $0xFFFFF800  }
0x11a: {  	_ =	swait.ge [sflag:s10], $0x800  }
0x11b: {  	[sflag:s10] =	ssyncset.done $0x0  }
0x11c: {  	[sflag:s10] =	ssyncadd.s32 $0xFFFFF800  }
0x11d: {  	_ =	swait.ge [sflag:s14], $0x800  }
0x11e: {  	[sflag:s14] =	ssyncset.done $0x0  }
0x11f: {  	[sflag:s14] =	ssyncadd.s32 $0xFFFFF800  }
0x120: {  	_ =	swait.ge [sflag:s15], $0x800  }
0x121: {  	[sflag:s15] =	ssyncset.done $0x0  }
0x122: {  	[sflag:s15] =	ssyncadd.s32 $0xFFFFF800  }
0x123: {  	[bflag:$0x0] =	sbarrier.arrive $0xFFFF  }
0x124: {  	s22 =	simm.s32 $0x15;
	s21 =	simm.s32 $0xA000;
	s16 =	rddreg [dreg:$0x5]  }
0x125: {  	[tilespmem:s21], [sflag:$0x15] =	stream.linear.gather [spmem:s16], $0x2780, $0x38;
	[tilespmem:$0xEF00] =	vst v63  }
0x126: {  	_ =	swait.ge [sflag:s22], $0x2780  }
0x127: {  	[sflag:s22] =	ssyncset.done $0x0  }
0x128: {  	s12 =	simm.s32 $0x0;
	s23 =	rddreg [dreg:$0x9];
	[sflag:s22] =	ssyncadd.s32 $0xFFFFD880  }
0x129: {  	[hbm4b:s23+s12] =	stream.linear.scatter [tilespmem:s21], [sflag:$0x15], $0x2780, $0x38;
	[tilespmem:$0xEF00] =	vst v63  }
0x12a: {  	_ =	swait.ge [sflag:s22], $0x2780  }
0x12b: {  	s26 =	rddreg [dreg:$0xa]  }
0x12c: {  	s29 =	rddreg [dreg:$0x7];
	s3 =	sadd.s32 $0x1, s26  }
0x12d: {  	p0 =	sne.s32 s3, s29  }
.Ltmp1:
0x12e: {  	_ = 	snop;
	(pc) =	sbr.rel @p0 .LBB2_1-.Ltmp1, $3  }
0x12f: {  	_ =	sdelay $0x1  }
0x130: {  	s31 =	simm.s32 $0x15;
	[sflag:s22] =	ssyncset.done $0x0  }
0x131: {  	[sflag:s31] =	ssyncadd.s32 $0xFFFFD880  }
0x132: {  	_ =	sfence.sel $0x180000  }
0x133: {  	[bflag:$0x0] =	sbarrier.arrive $0xFFFF  }
0x134: {  	_ =	strace $0x90000047  }
0x135: {  	s0 =	stileid.u32;
	[bflag:$0x2] =	sbarrier.arrive $0xFFFF  }
0x136: {  	p0 =	sne.s32 s0, $0x0;
	s0 =	rddreg [dreg:$0x3]  }
0x137: {  	s0 =	sadd.s32 @!p0 $0x100000, s0  }
0x138: {  	[sflag:s0] =	ssyncadd.tile.s32 @!p0 $0x1;
	_ =	shalt  }
.Lfunc_end2:
_tile_overlayer_lowered:
.L_overlay_start_2:
0x139: {  	(tag) =	ssettag $0x2  }
0x13a: {  	s0 =	rddreg [dreg:$0x0];
	s2 =	stileid.u32  }
0x13b: {  	s1 =	rddreg [dreg:$0x1];
	p0 =	sne.s32 s2, $0x0  }
0x13c: {  	s3 =	rddreg [dreg:$0x2];
	[bflag:$0x3] =	sbarrier.arrive $0xFFFF;
	s2 =	simm.s32 @!p0 $0x1C15  }
0x13d: {  	[timem:s3], [sflag:s2] =	dma.local @!p0 [hbm:s0], s1  }
0x13e: {  	s0 =	simm.s32 @!p0 $0x15  }
0x13f: {  	_ =	swait.ge @!p0 [sflag:s0], s1  }
0x140: {  	s1 =	ssub.s32 @!p0 $0x0, s1;
	[sflag:s0] =	ssyncset.done @!p0 $0x0  }
0x141: {  	[sflag:s0] =	ssyncadd.s32 @!p0 s1  }
0x142: {  	[bflag:$0x3] =	sbarrier.arrive $0xFFFF  }
0x143: {  	_ =	shalt  }

</sc_bundles>
